<compile_context>
chip_gen: v7x
topology: tpu7x:2x2x1
jax: 0.10.2.dev20260603
libtpu: 0.0.44.dev20260713+nightly
codegen_flags: <defaults>
</compile_context>

<pallas_src>
import jax
import jax.numpy as jnp
from jax import lax
from jax.experimental import pallas as pl
from jax.experimental.pallas import tpu as pltpu
from jax.experimental.pallas import tpu_sc as plsc

N = 10000
E = 320000
NC = 2
NS = 16
L = 16
NW = NC * NS
NP = 10240
BB = 128
EPT = 10240
EPTL = E - (NW - 1) * EPT
NB = EPT // BB
NBL = EPTL // BB
G = 40
NSL = NP // NS
MROWS = 2048


def _sc_mesh():
    return plsc.VectorSubcoreMesh(core_axis_name="c", subcore_axis_name="s")


_SC_PARAMS = pltpu.CompilerParams(needs_layout_passes=False)


def _zero_acc_slice(zero_v, acc_sh, sid):
    for i in range(NSL // L):
        zero_v[pl.ds(i * L, L)] = jnp.zeros((L,), jnp.float32)
    pltpu.sync_copy(zero_v, acc_sh.at[pl.ds(sid * NSL, NSL)])


def _stage_edges(ei_hbm, row, buf_v, wid):
    last = wid == NW - 1

    @pl.when(jnp.logical_not(last))
    def _():
        pltpu.sync_copy(ei_hbm.at[row, pl.ds(wid * EPT, EPT)], buf_v)

    @pl.when(last)
    def _():
        pltpu.sync_copy(ei_hbm.at[row, pl.ds(E - EPTL, EPTL)],
                        buf_v.at[pl.ds(0, EPTL)])

    return last


def _rolling_scatter(fire, last):

    @pl.when(jnp.logical_not(last))
    def _():
        def group(g, carry):
            cps = [fire(g * G + jj) for jj in range(G)]
            for cp in cps:
                cp.wait()
            return carry

        lax.fori_loop(0, NB // G, group, 0)

    @pl.when(last)
    def _():
        cps = [fire(jj) for jj in range(NBL)]
        for cp in cps:
            cp.wait()


def _fast_rsqrt(d):
    i = plsc.bitcast(d, jnp.int32)
    i = jnp.int32(0x5F3759DF) - lax.shift_right_arithmetic(i, 1)
    y = plsc.bitcast(i, jnp.float32)
    y = y * (1.5 - 0.5 * d * y * y)
    y = y * (1.5 - 0.5 * d * y * y)
    y = y * (1.5 - 0.5 * d * y * y)
    return y


def _deg_body(ei_hbm, out_hbm, didx_v, ones_v, zero_v, acc_sh, sem):
    cid = lax.axis_index("c")
    sid = lax.axis_index("s")
    wid = cid * NS + sid
    last = _stage_edges(ei_hbm, 1, didx_v, wid)
    for i in range(BB // L):
        ones_v[pl.ds(i * L, L)] = jnp.ones((L,), jnp.float32)
    _zero_acc_slice(zero_v, acc_sh, sid)
    plsc.subcore_barrier()

    def fire(j):
        return pltpu.async_copy(
            ones_v, acc_sh.at[didx_v.at[pl.ds(j * BB, BB)]], sem, add=True)

    _rolling_scatter(fire, last)
    plsc.subcore_barrier()
    pltpu.sync_copy(acc_sh.at[pl.ds(sid * NSL, NSL)],
                    out_hbm.at[cid, pl.ds(sid * NSL, NSL)])


def _degree_partials(edge_index):
    return pl.kernel(
        _deg_body,
        out_type=jax.ShapeDtypeStruct((NC, NP), jnp.float32),
        mesh=_sc_mesh(),
        compiler_params=_SC_PARAMS,
        scratch_types=[
            pltpu.VMEM((EPT,), jnp.int32),
            pltpu.VMEM((BB,), jnp.float32),
            pltpu.VMEM((NSL,), jnp.float32),
            pltpu.VMEM_SHARED((NP,), jnp.float32),
            pltpu.SemaphoreType.DMA,
        ],
    )(edge_index)


def _msg_body(ei_hbm, traw_hbm, degp_hbm, out_hbm,
              sidx_v, didx_v, vals_v, t_v, dg_v, zero_v, acc_sh, sem):
    cid = lax.axis_index("c")
    sid = lax.axis_index("s")
    wid = cid * NS + sid
    tcp = pltpu.async_copy(traw_hbm, t_v, sem)
    dcp = pltpu.async_copy(degp_hbm, dg_v, sem)
    last = _stage_edges(ei_hbm, 0, sidx_v, wid)
    _stage_edges(ei_hbm, 1, didx_v, wid)
    _zero_acc_slice(zero_v, acc_sh, sid)
    tcp.wait()
    dcp.wait()
    @plsc.parallel_loop(0, NP // L, 1, unroll=8)
    def _build(i):
        o = i * L
        d = dg_v[0, pl.ds(o, L)] + dg_v[1, pl.ds(o, L)] + 1.0
        t_v[pl.ds(o, L)] = t_v[pl.ds(o, L)] * _fast_rsqrt(d)
    nvec = jnp.where(last, EPTL // L, EPT // L)

    @plsc.parallel_loop(0, nvec, 1, unroll=8)
    def _gather(i):
        o = i * L
        si = sidx_v[pl.ds(o, L)]
        vals_v[pl.ds(o, L)] = plsc.load_gather(t_v, [si])

    plsc.subcore_barrier()

    def fire(j):
        return pltpu.async_copy(
            vals_v.at[pl.ds(j * BB, BB)],
            acc_sh.at[didx_v.at[pl.ds(j * BB, BB)]], sem, add=True)

    _rolling_scatter(fire, last)
    plsc.subcore_barrier()
    pltpu.sync_copy(acc_sh.at[pl.ds(sid * NSL, NSL)],
                    out_hbm.at[cid, pl.ds(sid * NSL, NSL)])


def _message_partials(edge_index, t_raw, degp):
    return pl.kernel(
        _msg_body,
        out_type=jax.ShapeDtypeStruct((NC, NP), jnp.float32),
        mesh=_sc_mesh(),
        compiler_params=_SC_PARAMS,
        scratch_types=[
            pltpu.VMEM((EPT,), jnp.int32),
            pltpu.VMEM((EPT,), jnp.int32),
            pltpu.VMEM((EPT,), jnp.float32),
            pltpu.VMEM((NP,), jnp.float32),
            pltpu.VMEM((NC, NP), jnp.float32),
            pltpu.VMEM((NSL,), jnp.float32),
            pltpu.VMEM_SHARED((NP,), jnp.float32),
            pltpu.SemaphoreType.DMA,
        ],
    )(edge_index, t_raw, degp)


def _mid_body(x_ref, wp_ref, bp_ref, wg_ref, wo_ref, traw_ref):
    u = jnp.dot(wo_ref[...][0, :], wg_ref[...])
    h = lax.dot_general(x_ref[...], wp_ref[...],
                        (((1,), (1,)), ((), ())),
                        preferred_element_type=jnp.float32)
    h = jnp.maximum(h + bp_ref[...][None, :], 0.0)
    traw_ref[...] = jnp.sum(h * u[None, :], axis=1)


def _tc_mid(x, W_proj, b_proj, W_gcn, W_out):
    return pl.pallas_call(
        _mid_body,
        grid=(NP // MROWS,),
        in_specs=[
            pl.BlockSpec((MROWS, 128), lambda i: (i, 0)),
            pl.BlockSpec((64, 128), lambda i: (0, 0)),
            pl.BlockSpec((64,), lambda i: (0,)),
            pl.BlockSpec((32, 64), lambda i: (0, 0)),
            pl.BlockSpec((1, 32), lambda i: (0, 0)),
        ],
        out_specs=pl.BlockSpec((MROWS,), lambda i: (i,)),
        out_shape=jax.ShapeDtypeStruct((NP,), jnp.float32),
    )(x, W_proj, b_proj, W_gcn, W_out)


def _final_body(traw_ref, degp_ref, sp_ref, wo_ref, bg_ref, bo_ref, out_ref):
    c = jnp.sum(wo_ref[...][0, :] * bg_ref[...]) + jnp.sum(bo_ref[...])
    deg = degp_ref[0, :] + degp_ref[1, :] + 1.0
    dinv = lax.rsqrt(deg)
    t = dinv * traw_ref[...]
    out_ref[...] = dinv * (sp_ref[0, :] + sp_ref[1, :] + t) + c


def _tc_final(t_raw, degp, sp, W_out, b_gcn, b_out):
    return pl.pallas_call(
        _final_body,
        out_shape=jax.ShapeDtypeStruct((NP,), jnp.float32),
    )(t_raw, degp, sp, W_out, b_gcn, b_out)


@jax.jit
def kernel(x, edge_index, W_proj, b_proj, W_gcn, b_gcn, W_out, b_out):
    degp = _degree_partials(edge_index)
    t_raw = _tc_mid(x, W_proj, b_proj, W_gcn, W_out)
    sp = _message_partials(edge_index, t_raw, degp)
    out_full = _tc_final(t_raw, degp, sp, W_out, b_gcn, b_out)
    return out_full[:N, None]

# --- scband reference (transcript-rebuilt; emitter-appended) ---
"""Pipeline reference for scband-traditional-gnn-6760278523984 (READ-ONLY COPY).

The authoritative reference and input builder live on the scoring server;
editing this copy changes nothing except your own understanding.
"""

import jax, jax.numpy as jnp
import numpy as np

N = 10000
E = 320000
D_IN = 128
H0 = 64
H1 = 32
D_OUT = 1


def setup_inputs(seed: int = 0) -> dict:
    key = jax.random.key(seed)
    ks = jax.random.split(key, 8)
    x = jax.random.normal(ks[0], (N, D_IN), dtype=jnp.float32)
    edge_index = jax.random.randint(ks[1], (2, E), 0, N, dtype=jnp.int32)
    W_proj = jax.random.normal(ks[2], (H0, D_IN), dtype=jnp.float32) * 0.05
    b_proj = jnp.zeros((H0,), dtype=jnp.float32)
    W_gcn = jax.random.normal(ks[3], (H1, H0), dtype=jnp.float32) * 0.05
    b_gcn = jnp.zeros((H1,), dtype=jnp.float32)
    W_out = jax.random.normal(ks[4], (D_OUT, H1), dtype=jnp.float32) * 0.05
    b_out = jnp.zeros((D_OUT,), dtype=jnp.float32)
    return {"x": x, "edge_index": edge_index, "W_proj": W_proj, "b_proj": b_proj,
            "W_gcn": W_gcn, "b_gcn": b_gcn, "W_out": W_out, "b_out": b_out}


def _gcn_conv(h, src, dst, W, b, num_nodes):
    # PyG GCNConv (normalize=True, add_self_loops=True):
    #   x' = lin(x); add self loops; deg from dst; norm = d^-1/2[src] * d^-1/2[dst];
    #   out = scatter_add(norm * x'[src], dst) + bias
    loop = jnp.arange(num_nodes, dtype=src.dtype)
    src_f = jnp.concatenate([src, loop])
    dst_f = jnp.concatenate([dst, loop])
    deg = jnp.zeros((num_nodes,), dtype=h.dtype).at[dst_f].add(1.0)
    dinv = jnp.where(deg > 0, 1.0 / jnp.sqrt(deg), 0.0)
    norm = dinv[src_f] * dinv[dst_f]
    m = h @ W.T
    msg = m[src_f] * norm[:, None]
    agg = jnp.zeros((num_nodes, W.shape[0]), dtype=h.dtype).at[dst_f].add(msg)
    return agg + b


def reference(x, edge_index, W_proj, b_proj, W_gcn, b_gcn, W_out, b_out):
    # input_proj + relu (dropout = identity in eval)
    h = jax.nn.relu(x @ W_proj.T + b_proj)
    # single GCN layer (hidden_dims=[64,32] -> one conv, no trailing relu)
    h = _gcn_conv(h, edge_index[0], edge_index[1], W_gcn, b_gcn, N)
    # output head
    out = h @ W_out.T + b_out
    return out

if __name__ == "__main__":
    import jax
    _d = setup_inputs()
    print(jax.jit(kernel)(*tuple(_d.values())))

</pallas_src>

<mosaic_0001>
#map = affine_map<(d0, d1) -> (0, 0)>
module attributes {stable_mosaic.version = 14 : i64} {
  func.func @_deg_body(%arg0: i32, %arg1: i32, %arg2: memref<2x320000xi32, #tpu.memory_space<hbm>>, %arg3: memref<2x10240xf32, #tpu.memory_space<hbm>>, %arg4: memref<10240xi32, #tpu.memory_space<vmem>>, %arg5: memref<128xf32, #tpu.memory_space<vmem>>, %arg6: memref<640xf32, #tpu.memory_space<vmem>>, %arg7: memref<10240xf32, #tpu.memory_space<vmem_shared>>, %arg8: memref<!tpu.dma_semaphore, #tpu.memory_space<semaphore_mem>>) attributes {dimension_semantics = [#tpu.dimension_semantics<core_parallel>, #tpu.dimension_semantics<subcore_parallel>], iteration_bounds = array<i64: 2, 16>, scalar_prefetch = 0 : i64, scratch_operands = 5 : i64, tpu.core_type = #tpu.core_type<sc_vector_subcore>, window_params = [{transform_indices = #map}, {transform_indices = #map}]} {
    %mul3A = arith.constant 16 : i32
    %mul3A_0 = arith.muli %arg0, %mul3A : i32
    %add3A = arith.addi %mul3A_0, %arg1 : i32
    %eq3A = arith.constant 31 : i32
    %eq3A_1 = arith.cmpi eq, %add3A, %eq3A : i32
    %not3A = arith.constant true
    %not3A_2 = arith.xori %eq3A_1, %not3A : i1
    %convert_element_type3A = arith.extui %not3A_2 : i1 to i32
    %cond3A = arith.constant 0 : i32
    %cond3A_3 = arith.cmpi ne, %convert_element_type3A, %cond3A : i32
    scf.if %cond3A_3 {
      %mul3A_212 = arith.constant 10240 : i32
      %mul3A_213 = arith.muli %add3A, %mul3A_212 : i32
      %run_scoped3A = arith.constant 1 : i32
      "tpu.region"() ({
        %run_scoped3A_214 = tpu.sem_alloc : memref<!tpu.dma_semaphore, #tpu.memory_space<semaphore_mem>>
        %dma_start3A = tpu.memref_slice %arg2[%run_scoped3A, %mul3A_213] : memref<2x320000xi32, #tpu.memory_space<hbm>> -> memref<1x10240xi32, #tpu.memory_space<hbm>>
        %dma_start3A_215 = tpu.memref_squeeze %dma_start3A : memref<1x10240xi32, #tpu.memory_space<hbm>> -> memref<10240xi32, #tpu.memory_space<hbm>>
        %dma_start3A_216 = tpu.memref_slice %arg2[%run_scoped3A, %mul3A_213] : memref<2x320000xi32, #tpu.memory_space<hbm>> -> memref<1x10240xi32, #tpu.memory_space<hbm>>
        %dma_start3A_217 = tpu.memref_squeeze %dma_start3A_216 : memref<1x10240xi32, #tpu.memory_space<hbm>> -> memref<10240xi32, #tpu.memory_space<hbm>>
        tpu.enqueue_dma source(%dma_start3A_217 : memref<10240xi32, #tpu.memory_space<hbm>>) target(%arg4 : memref<10240xi32, #tpu.memory_space<vmem>>) target_semaphore(%run_scoped3A_214 : memref<!tpu.dma_semaphore, #tpu.memory_space<semaphore_mem>>)
        %dma_wait3A = tpu.memref_slice %arg2[%run_scoped3A, %mul3A_213] : memref<2x320000xi32, #tpu.memory_space<hbm>> -> memref<1x10240xi32, #tpu.memory_space<hbm>>
        %dma_wait3A_218 = tpu.memref_squeeze %dma_wait3A : memref<1x10240xi32, #tpu.memory_space<hbm>> -> memref<10240xi32, #tpu.memory_space<hbm>>
        %dma_wait3A_219 = tpu.memref_slice %arg2[%run_scoped3A, %mul3A_213] : memref<2x320000xi32, #tpu.memory_space<hbm>> -> memref<1x10240xi32, #tpu.memory_space<hbm>>
        %dma_wait3A_220 = tpu.memref_squeeze %dma_wait3A_219 : memref<1x10240xi32, #tpu.memory_space<hbm>> -> memref<10240xi32, #tpu.memory_space<hbm>>
        tpu.wait_dma2 semaphore(%run_scoped3A_214 : memref<!tpu.dma_semaphore, #tpu.memory_space<semaphore_mem>>) src(%dma_wait3A_220 : memref<10240xi32, #tpu.memory_space<hbm>>) dst(%arg4 : memref<10240xi32, #tpu.memory_space<vmem>>)
        tpu.yield
      }) : () -> ()
    } else {
    }
    %convert_element_type3A_4 = arith.extui %eq3A_1 : i1 to i32
    %cond3A_5 = arith.constant 0 : i32
    %cond3A_6 = arith.cmpi ne, %convert_element_type3A_4, %cond3A_5 : i32
    scf.if %cond3A_6 {
      %run_scoped3A = arith.constant 1 : i32
      "tpu.region"() ({
        %run_scoped3A_212 = tpu.sem_alloc : memref<!tpu.dma_semaphore, #tpu.memory_space<semaphore_mem>>
        %dma_start3A = arith.constant 0 : i32
        %dma_start3A_213 = tpu.memref_slice %arg4[%dma_start3A] : memref<10240xi32, #tpu.memory_space<vmem>> -> memref<2560xi32, #tpu.memory_space<vmem>>
        %dma_start3A_214 = arith.constant 317440 : i32
        %dma_start3A_215 = tpu.memref_slice %arg2[%run_scoped3A, %dma_start3A_214] : memref<2x320000xi32, #tpu.memory_space<hbm>> -> memref<1x2560xi32, #tpu.memory_space<hbm>>
        %dma_start3A_216 = tpu.memref_squeeze %dma_start3A_215 : memref<1x2560xi32, #tpu.memory_space<hbm>> -> memref<2560xi32, #tpu.memory_space<hbm>>
        %dma_start3A_217 = arith.constant 0 : i32
        %dma_start3A_218 = tpu.memref_slice %arg4[%dma_start3A_217] : memref<10240xi32, #tpu.memory_space<vmem>> -> memref<2560xi32, #tpu.memory_space<vmem>>
        %dma_start3A_219 = arith.constant 317440 : i32
        %dma_start3A_220 = tpu.memref_slice %arg2[%run_scoped3A, %dma_start3A_219] : memref<2x320000xi32, #tpu.memory_space<hbm>> -> memref<1x2560xi32, #tpu.memory_space<hbm>>
        %dma_start3A_221 = tpu.memref_squeeze %dma_start3A_220 : memref<1x2560xi32, #tpu.memory_space<hbm>> -> memref<2560xi32, #tpu.memory_space<hbm>>
        tpu.enqueue_dma source(%dma_start3A_221 : memref<2560xi32, #tpu.memory_space<hbm>>) target(%dma_start3A_218 : memref<2560xi32, #tpu.memory_space<vmem>>) target_semaphore(%run_scoped3A_212 : memref<!tpu.dma_semaphore, #tpu.memory_space<semaphore_mem>>)
        %dma_wait3A = arith.constant 0 : i32
        %dma_wait3A_222 = tpu.memref_slice %arg4[%dma_wait3A] : memref<10240xi32, #tpu.memory_space<vmem>> -> memref<2560xi32, #tpu.memory_space<vmem>>
        %dma_wait3A_223 = arith.constant 317440 : i32
        %dma_wait3A_224 = tpu.memref_slice %arg2[%run_scoped3A, %dma_wait3A_223] : memref<2x320000xi32, #tpu.memory_space<hbm>> -> memref<1x2560xi32, #tpu.memory_space<hbm>>
        %dma_wait3A_225 = tpu.memref_squeeze %dma_wait3A_224 : memref<1x2560xi32, #tpu.memory_space<hbm>> -> memref<2560xi32, #tpu.memory_space<hbm>>
        %dma_wait3A_226 = arith.constant 0 : i32
        %dma_wait3A_227 = tpu.memref_slice %arg4[%dma_wait3A_226] : memref<10240xi32, #tpu.memory_space<vmem>> -> memref<2560xi32, #tpu.memory_space<vmem>>
        %dma_wait3A_228 = arith.constant 317440 : i32
        %dma_wait3A_229 = tpu.memref_slice %arg2[%run_scoped3A, %dma_wait3A_228] : memref<2x320000xi32, #tpu.memory_space<hbm>> -> memref<1x2560xi32, #tpu.memory_space<hbm>>
        %dma_wait3A_230 = tpu.memref_squeeze %dma_wait3A_229 : memref<1x2560xi32, #tpu.memory_space<hbm>> -> memref<2560xi32, #tpu.memory_space<hbm>>
        tpu.wait_dma2 semaphore(%run_scoped3A_212 : memref<!tpu.dma_semaphore, #tpu.memory_space<semaphore_mem>>) src(%dma_wait3A_230 : memref<2560xi32, #tpu.memory_space<hbm>>) dst(%dma_wait3A_227 : memref<2560xi32, #tpu.memory_space<vmem>>)
        tpu.yield
      }) : () -> ()
    } else {
    }
    %broadcast_in_dim3A = arith.constant 1.000000e+00 : f32
    %broadcast_in_dim3A_7 = vector.broadcast %broadcast_in_dim3A : f32 to vector<16xf32>
    %swap3A = arith.constant 0 : index
    %swap3A_8 = tpu.vector_load %arg5[%swap3A] {strides = array<i32>} : memref<128xf32, #tpu.memory_space<vmem>>, vector<16xf32>,
    tpu.vector_store %arg5[%swap3A], %broadcast_in_dim3A_7 {strides = array<i32>} : memref<128xf32, #tpu.memory_space<vmem>>, vector<16xf32>,
    %broadcast_in_dim3A_9 = arith.constant 1.000000e+00 : f32
    %broadcast_in_dim3A_10 = vector.broadcast %broadcast_in_dim3A_9 : f32 to vector<16xf32>
    %swap3A_11 = arith.constant 16 : index
    %swap3A_12 = tpu.vector_load %arg5[%swap3A_11] {strides = array<i32>} : memref<128xf32, #tpu.memory_space<vmem>>, vector<16xf32>,
    tpu.vector_store %arg5[%swap3A_11], %broadcast_in_dim3A_10 {strides = array<i32>} : memref<128xf32, #tpu.memory_space<vmem>>, vector<16xf32>,
    %broadcast_in_dim3A_13 = arith.constant 1.000000e+00 : f32
    %broadcast_in_dim3A_14 = vector.broadcast %broadcast_in_dim3A_13 : f32 to vector<16xf32>
    %swap3A_15 = arith.constant 32 : index
    %swap3A_16 = tpu.vector_load %arg5[%swap3A_15] {strides = array<i32>} : memref<128xf32, #tpu.memory_space<vmem>>, vector<16xf32>,
    tpu.vector_store %arg5[%swap3A_15], %broadcast_in_dim3A_14 {strides = array<i32>} : memref<128xf32, #tpu.memory_space<vmem>>, vector<16xf32>,
    %broadcast_in_dim3A_17 = arith.constant 1.000000e+00 : f32
    %broadcast_in_dim3A_18 = vector.broadcast %broadcast_in_dim3A_17 : f32 to vector<16xf32>
    %swap3A_19 = arith.constant 48 : index
    %swap3A_20 = tpu.vector_load %arg5[%swap3A_19] {strides = array<i32>} : memref<128xf32, #tpu.memory_space<vmem>>, vector<16xf32>,
    tpu.vector_store %arg5[%swap3A_19], %broadcast_in_dim3A_18 {strides = array<i32>} : memref<128xf32, #tpu.memory_space<vmem>>, vector<16xf32>,
    %broadcast_in_dim3A_21 = arith.constant 1.000000e+00 : f32
    %broadcast_in_dim3A_22 = vector.broadcast %broadcast_in_dim3A_21 : f32 to vector<16xf32>
    %swap3A_23 = arith.constant 64 : index
    %swap3A_24 = tpu.vector_load %arg5[%swap3A_23] {strides = array<i32>} : memref<128xf32, #tpu.memory_space<vmem>>, vector<16xf32>,
    tpu.vector_store %arg5[%swap3A_23], %broadcast_in_dim3A_22 {strides = array<i32>} : memref<128xf32, #tpu.memory_space<vmem>>, vector<16xf32>,
    %broadcast_in_dim3A_25 = arith.constant 1.000000e+00 : f32
    %broadcast_in_dim3A_26 = vector.broadcast %broadcast_in_dim3A_25 : f32 to vector<16xf32>
    %swap3A_27 = arith.constant 80 : index
    %swap3A_28 = tpu.vector_load %arg5[%swap3A_27] {strides = array<i32>} : memref<128xf32, #tpu.memory_space<vmem>>, vector<16xf32>,
    tpu.vector_store %arg5[%swap3A_27], %broadcast_in_dim3A_26 {strides = array<i32>} : memref<128xf32, #tpu.memory_space<vmem>>, vector<16xf32>,
    %broadcast_in_dim3A_29 = arith.constant 1.000000e+00 : f32
    %broadcast_in_dim3A_30 = vector.broadcast %broadcast_in_dim3A_29 : f32 to vector<16xf32>
    %swap3A_31 = arith.constant 96 : index
    %swap3A_32 = tpu.vector_load %arg5[%swap3A_31] {strides = array<i32>} : memref<128xf32, #tpu.memory_space<vmem>>, vector<16xf32>,
    tpu.vector_store %arg5[%swap3A_31], %broadcast_in_dim3A_30 {strides = array<i32>} : memref<128xf32, #tpu.memory_space<vmem>>, vector<16xf32>,
    %broadcast_in_dim3A_33 = arith.constant 1.000000e+00 : f32
    %broadcast_in_dim3A_34 = vector.broadcast %broadcast_in_dim3A_33 : f32 to vector<16xf32>
    %swap3A_35 = arith.constant 112 : index
    %swap3A_36 = tpu.vector_load %arg5[%swap3A_35] {strides = array<i32>} : memref<128xf32, #tpu.memory_space<vmem>>, vector<16xf32>,
    tpu.vector_store %arg5[%swap3A_35], %broadcast_in_dim3A_34 {strides = array<i32>} : memref<128xf32, #tpu.memory_space<vmem>>, vector<16xf32>,
    %broadcast_in_dim3A_37 = arith.constant 0.000000e+00 : f32
    %broadcast_in_dim3A_38 = vector.broadcast %broadcast_in_dim3A_37 : f32 to vector<16xf32>
    %swap3A_39 = arith.constant 0 : index
    %swap3A_40 = tpu.vector_load %arg6[%swap3A_39] {strides = array<i32>} : memref<640xf32, #tpu.memory_space<vmem>>, vector<16xf32>,
    tpu.vector_store %arg6[%swap3A_39], %broadcast_in_dim3A_38 {strides = array<i32>} : memref<640xf32, #tpu.memory_space<vmem>>, vector<16xf32>,
    %broadcast_in_dim3A_41 = arith.constant 0.000000e+00 : f32
    %broadcast_in_dim3A_42 = vector.broadcast %broadcast_in_dim3A_41 : f32 to vector<16xf32>
    %swap3A_43 = arith.constant 16 : index
    %swap3A_44 = tpu.vector_load %arg6[%swap3A_43] {strides = array<i32>} : memref<640xf32, #tpu.memory_space<vmem>>, vector<16xf32>,
    tpu.vector_store %arg6[%swap3A_43], %broadcast_in_dim3A_42 {strides = array<i32>} : memref<640xf32, #tpu.memory_space<vmem>>, vector<16xf32>,
    %broadcast_in_dim3A_45 = arith.constant 0.000000e+00 : f32
    %broadcast_in_dim3A_46 = vector.broadcast %broadcast_in_dim3A_45 : f32 to vector<16xf32>
    %swap3A_47 = arith.constant 32 : index
    %swap3A_48 = tpu.vector_load %arg6[%swap3A_47] {strides = array<i32>} : memref<640xf32, #tpu.memory_space<vmem>>, vector<16xf32>,
    tpu.vector_store %arg6[%swap3A_47], %broadcast_in_dim3A_46 {strides = array<i32>} : memref<640xf32, #tpu.memory_space<vmem>>, vector<16xf32>,
    %broadcast_in_dim3A_49 = arith.constant 0.000000e+00 : f32
    %broadcast_in_dim3A_50 = vector.broadcast %broadcast_in_dim3A_49 : f32 to vector<16xf32>
    %swap3A_51 = arith.constant 48 : index
    %swap3A_52 = tpu.vector_load %arg6[%swap3A_51] {strides = array<i32>} : memref<640xf32, #tpu.memory_space<vmem>>, vector<16xf32>,
    tpu.vector_store %arg6[%swap3A_51], %broadcast_in_dim3A_50 {strides = array<i32>} : memref<640xf32, #tpu.memory_space<vmem>>, vector<16xf32>,
    %broadcast_in_dim3A_53 = arith.constant 0.000000e+00 : f32
    %broadcast_in_dim3A_54 = vector.broadcast %broadcast_in_dim3A_53 : f32 to vector<16xf32>
    %swap3A_55 = arith.constant 64 : index
    %swap3A_56 = tpu.vector_load %arg6[%swap3A_55] {strides = array<i32>} : memref<640xf32, #tpu.memory_space<vmem>>, vector<16xf32>,
    tpu.vector_store %arg6[%swap3A_55], %broadcast_in_dim3A_54 {strides = array<i32>} : memref<640xf32, #tpu.memory_space<vmem>>, vector<16xf32>,
    %broadcast_in_dim3A_57 = arith.constant 0.000000e+00 : f32
    %broadcast_in_dim3A_58 = vector.broadcast %broadcast_in_dim3A_57 : f32 to vector<16xf32>
    %swap3A_59 = arith.constant 80 : index
    %swap3A_60 = tpu.vector_load %arg6[%swap3A_59] {strides = array<i32>} : memref<640xf32, #tpu.memory_space<vmem>>, vector<16xf32>,
    tpu.vector_store %arg6[%swap3A_59], %broadcast_in_dim3A_58 {strides = array<i32>} : memref<640xf32, #tpu.memory_space<vmem>>, vector<16xf32>,
    %broadcast_in_dim3A_61 = arith.constant 0.000000e+00 : f32
    %broadcast_in_dim3A_62 = vector.broadcast %broadcast_in_dim3A_61 : f32 to vector<16xf32>
    %swap3A_63 = arith.constant 96 : index
    %swap3A_64 = tpu.vector_load %arg6[%swap3A_63] {strides = array<i32>} : memref<640xf32, #tpu.memory_space<vmem>>, vector<16xf32>,
    tpu.vector_store %arg6[%swap3A_63], %broadcast_in_dim3A_62 {strides = array<i32>} : memref<640xf32, #tpu.memory_space<vmem>>, vector<16xf32>,
    %broadcast_in_dim3A_65 = arith.constant 0.000000e+00 : f32
    %broadcast_in_dim3A_66 = vector.broadcast %broadcast_in_dim3A_65 : f32 to vector<16xf32>
    %swap3A_67 = arith.constant 112 : index
    %swap3A_68 = tpu.vector_load %arg6[%swap3A_67] {strides = array<i32>} : memref<640xf32, #tpu.memory_space<vmem>>, vector<16xf32>,
    tpu.vector_store %arg6[%swap3A_67], %broadcast_in_dim3A_66 {strides = array<i32>} : memref<640xf32, #tpu.memory_space<vmem>>, vector<16xf32>,
    %broadcast_in_dim3A_69 = arith.constant 0.000000e+00 : f32
    %broadcast_in_dim3A_70 = vector.broadcast %broadcast_in_dim3A_69 : f32 to vector<16xf32>
    %swap3A_71 = arith.constant 128 : index
    %swap3A_72 = tpu.vector_load %arg6[%swap3A_71] {strides = array<i32>} : memref<640xf32, #tpu.memory_space<vmem>>, vector<16xf32>,
    tpu.vector_store %arg6[%swap3A_71], %broadcast_in_dim3A_70 {strides = array<i32>} : memref<640xf32, #tpu.memory_space<vmem>>, vector<16xf32>,
    %broadcast_in_dim3A_73 = arith.constant 0.000000e+00 : f32
    %broadcast_in_dim3A_74 = vector.broadcast %broadcast_in_dim3A_73 : f32 to vector<16xf32>
    %swap3A_75 = arith.constant 144 : index
    %swap3A_76 = tpu.vector_load %arg6[%swap3A_75] {strides = array<i32>} : memref<640xf32, #tpu.memory_space<vmem>>, vector<16xf32>,
    tpu.vector_store %arg6[%swap3A_75], %broadcast_in_dim3A_74 {strides = array<i32>} : memref<640xf32, #tpu.memory_space<vmem>>, vector<16xf32>,
    %broadcast_in_dim3A_77 = arith.constant 0.000000e+00 : f32
    %broadcast_in_dim3A_78 = vector.broadcast %broadcast_in_dim3A_77 : f32 to vector<16xf32>
    %swap3A_79 = arith.constant 160 : index
    %swap3A_80 = tpu.vector_load %arg6[%swap3A_79] {strides = array<i32>} : memref<640xf32, #tpu.memory_space<vmem>>, vector<16xf32>,
    tpu.vector_store %arg6[%swap3A_79], %broadcast_in_dim3A_78 {strides = array<i32>} : memref<640xf32, #tpu.memory_space<vmem>>, vector<16xf32>,
    %broadcast_in_dim3A_81 = arith.constant 0.000000e+00 : f32
    %broadcast_in_dim3A_82 = vector.broadcast %broadcast_in_dim3A_81 : f32 to vector<16xf32>
    %swap3A_83 = arith.constant 176 : index
    %swap3A_84 = tpu.vector_load %arg6[%swap3A_83] {strides = array<i32>} : memref<640xf32, #tpu.memory_space<vmem>>, vector<16xf32>,
    tpu.vector_store %arg6[%swap3A_83], %broadcast_in_dim3A_82 {strides = array<i32>} : memref<640xf32, #tpu.memory_space<vmem>>, vector<16xf32>,
    %broadcast_in_dim3A_85 = arith.constant 0.000000e+00 : f32
    %broadcast_in_dim3A_86 = vector.broadcast %broadcast_in_dim3A_85 : f32 to vector<16xf32>
    %swap3A_87 = arith.constant 192 : index
    %swap3A_88 = tpu.vector_load %arg6[%swap3A_87] {strides = array<i32>} : memref<640xf32, #tpu.memory_space<vmem>>, vector<16xf32>,
    tpu.vector_store %arg6[%swap3A_87], %broadcast_in_dim3A_86 {strides = array<i32>} : memref<640xf32, #tpu.memory_space<vmem>>, vector<16xf32>,
    %broadcast_in_dim3A_89 = arith.constant 0.000000e+00 : f32
    %broadcast_in_dim3A_90 = vector.broadcast %broadcast_in_dim3A_89 : f32 to vector<16xf32>
    %swap3A_91 = arith.constant 208 : index
    %swap3A_92 = tpu.vector_load %arg6[%swap3A_91] {strides = array<i32>} : memref<640xf32, #tpu.memory_space<vmem>>, vector<16xf32>,
    tpu.vector_store %arg6[%swap3A_91], %broadcast_in_dim3A_90 {strides = array<i32>} : memref<640xf32, #tpu.memory_space<vmem>>, vector<16xf32>,
    %broadcast_in_dim3A_93 = arith.constant 0.000000e+00 : f32
    %broadcast_in_dim3A_94 = vector.broadcast %broadcast_in_dim3A_93 : f32 to vector<16xf32>
    %swap3A_95 = arith.constant 224 : index
    %swap3A_96 = tpu.vector_load %arg6[%swap3A_95] {strides = array<i32>} : memref<640xf32, #tpu.memory_space<vmem>>, vector<16xf32>,
    tpu.vector_store %arg6[%swap3A_95], %broadcast_in_dim3A_94 {strides = array<i32>} : memref<640xf32, #tpu.memory_space<vmem>>, vector<16xf32>,
    %broadcast_in_dim3A_97 = arith.constant 0.000000e+00 : f32
    %broadcast_in_dim3A_98 = vector.broadcast %broadcast_in_dim3A_97 : f32 to vector<16xf32>
    %swap3A_99 = arith.constant 240 : index
    %swap3A_100 = tpu.vector_load %arg6[%swap3A_99] {strides = array<i32>} : memref<640xf32, #tpu.memory_space<vmem>>, vector<16xf32>,
    tpu.vector_store %arg6[%swap3A_99], %broadcast_in_dim3A_98 {strides = array<i32>} : memref<640xf32, #tpu.memory_space<vmem>>, vector<16xf32>,
    %broadcast_in_dim3A_101 = arith.constant 0.000000e+00 : f32
    %broadcast_in_dim3A_102 = vector.broadcast %broadcast_in_dim3A_101 : f32 to vector<16xf32>
    %swap3A_103 = arith.constant 256 : index
    %swap3A_104 = tpu.vector_load %arg6[%swap3A_103] {strides = array<i32>} : memref<640xf32, #tpu.memory_space<vmem>>, vector<16xf32>,
    tpu.vector_store %arg6[%swap3A_103], %broadcast_in_dim3A_102 {strides = array<i32>} : memref<640xf32, #tpu.memory_space<vmem>>, vector<16xf32>,
    %broadcast_in_dim3A_105 = arith.constant 0.000000e+00 : f32
    %broadcast_in_dim3A_106 = vector.broadcast %broadcast_in_dim3A_105 : f32 to vector<16xf32>
    %swap3A_107 = arith.constant 272 : index
    %swap3A_108 = tpu.vector_load %arg6[%swap3A_107] {strides = array<i32>} : memref<640xf32, #tpu.memory_space<vmem>>, vector<16xf32>,
    tpu.vector_store %arg6[%swap3A_107], %broadcast_in_dim3A_106 {strides = array<i32>} : memref<640xf32, #tpu.memory_space<vmem>>, vector<16xf32>,
    %broadcast_in_dim3A_109 = arith.constant 0.000000e+00 : f32
    %broadcast_in_dim3A_110 = vector.broadcast %broadcast_in_dim3A_109 : f32 to vector<16xf32>
    %swap3A_111 = arith.constant 288 : index
    %swap3A_112 = tpu.vector_load %arg6[%swap3A_111] {strides = array<i32>} : memref<640xf32, #tpu.memory_space<vmem>>, vector<16xf32>,
    tpu.vector_store %arg6[%swap3A_111], %broadcast_in_dim3A_110 {strides = array<i32>} : memref<640xf32, #tpu.memory_space<vmem>>, vector<16xf32>,
    %broadcast_in_dim3A_113 = arith.constant 0.000000e+00 : f32
    %broadcast_in_dim3A_114 = vector.broadcast %broadcast_in_dim3A_113 : f32 to vector<16xf32>
    %swap3A_115 = arith.constant 304 : index
    %swap3A_116 = tpu.vector_load %arg6[%swap3A_115] {strides = array<i32>} : memref<640xf32, #tpu.memory_space<vmem>>, vector<16xf32>,
    tpu.vector_store %arg6[%swap3A_115], %broadcast_in_dim3A_114 {strides = array<i32>} : memref<640xf32, #tpu.memory_space<vmem>>, vector<16xf32>,
    %broadcast_in_dim3A_117 = arith.constant 0.000000e+00 : f32
    %broadcast_in_dim3A_118 = vector.broadcast %broadcast_in_dim3A_117 : f32 to vector<16xf32>
    %swap3A_119 = arith.constant 320 : index
    %swap3A_120 = tpu.vector_load %arg6[%swap3A_119] {strides = array<i32>} : memref<640xf32, #tpu.memory_space<vmem>>, vector<16xf32>,
    tpu.vector_store %arg6[%swap3A_119], %broadcast_in_dim3A_118 {strides = array<i32>} : memref<640xf32, #tpu.memory_space<vmem>>, vector<16xf32>,
    %broadcast_in_dim3A_121 = arith.constant 0.000000e+00 : f32
    %broadcast_in_dim3A_122 = vector.broadcast %broadcast_in_dim3A_121 : f32 to vector<16xf32>
    %swap3A_123 = arith.constant 336 : index
    %swap3A_124 = tpu.vector_load %arg6[%swap3A_123] {strides = array<i32>} : memref<640xf32, #tpu.memory_space<vmem>>, vector<16xf32>,
    tpu.vector_store %arg6[%swap3A_123], %broadcast_in_dim3A_122 {strides = array<i32>} : memref<640xf32, #tpu.memory_space<vmem>>, vector<16xf32>,
    %broadcast_in_dim3A_125 = arith.constant 0.000000e+00 : f32
    %broadcast_in_dim3A_126 = vector.broadcast %broadcast_in_dim3A_125 : f32 to vector<16xf32>
    %swap3A_127 = arith.constant 352 : index
    %swap3A_128 = tpu.vector_load %arg6[%swap3A_127] {strides = array<i32>} : memref<640xf32, #tpu.memory_space<vmem>>, vector<16xf32>,
    tpu.vector_store %arg6[%swap3A_127], %broadcast_in_dim3A_126 {strides = array<i32>} : memref<640xf32, #tpu.memory_space<vmem>>, vector<16xf32>,
    %broadcast_in_dim3A_129 = arith.constant 0.000000e+00 : f32
    %broadcast_in_dim3A_130 = vector.broadcast %broadcast_in_dim3A_129 : f32 to vector<16xf32>
    %swap3A_131 = arith.constant 368 : index
    %swap3A_132 = tpu.vector_load %arg6[%swap3A_131] {strides = array<i32>} : memref<640xf32, #tpu.memory_space<vmem>>, vector<16xf32>,
    tpu.vector_store %arg6[%swap3A_131], %broadcast_in_dim3A_130 {strides = array<i32>} : memref<640xf32, #tpu.memory_space<vmem>>, vector<16xf32>,
    %broadcast_in_dim3A_133 = arith.constant 0.000000e+00 : f32
    %broadcast_in_dim3A_134 = vector.broadcast %broadcast_in_dim3A_133 : f32 to vector<16xf32>
    %swap3A_135 = arith.constant 384 : index
    %swap3A_136 = tpu.vector_load %arg6[%swap3A_135] {strides = array<i32>} : memref<640xf32, #tpu.memory_space<vmem>>, vector<16xf32>,
    tpu.vector_store %arg6[%swap3A_135], %broadcast_in_dim3A_134 {strides = array<i32>} : memref<640xf32, #tpu.memory_space<vmem>>, vector<16xf32>,
    %broadcast_in_dim3A_137 = arith.constant 0.000000e+00 : f32
    %broadcast_in_dim3A_138 = vector.broadcast %broadcast_in_dim3A_137 : f32 to vector<16xf32>
    %swap3A_139 = arith.constant 400 : index
    %swap3A_140 = tpu.vector_load %arg6[%swap3A_139] {strides = array<i32>} : memref<640xf32, #tpu.memory_space<vmem>>, vector<16xf32>,
    tpu.vector_store %arg6[%swap3A_139], %broadcast_in_dim3A_138 {strides = array<i32>} : memref<640xf32, #tpu.memory_space<vmem>>, vector<16xf32>,
    %broadcast_in_dim3A_141 = arith.constant 0.000000e+00 : f32
    %broadcast_in_dim3A_142 = vector.broadcast %broadcast_in_dim3A_141 : f32 to vector<16xf32>
    %swap3A_143 = arith.constant 416 : index
    %swap3A_144 = tpu.vector_load %arg6[%swap3A_143] {strides = array<i32>} : memref<640xf32, #tpu.memory_space<vmem>>, vector<16xf32>,
    tpu.vector_store %arg6[%swap3A_143], %broadcast_in_dim3A_142 {strides = array<i32>} : memref<640xf32, #tpu.memory_space<vmem>>, vector<16xf32>,
    %broadcast_in_dim3A_145 = arith.constant 0.000000e+00 : f32
    %broadcast_in_dim3A_146 = vector.broadcast %broadcast_in_dim3A_145 : f32 to vector<16xf32>
    %swap3A_147 = arith.constant 432 : index
    %swap3A_148 = tpu.vector_load %arg6[%swap3A_147] {strides = array<i32>} : memref<640xf32, #tpu.memory_space<vmem>>, vector<16xf32>,
    tpu.vector_store %arg6[%swap3A_147], %broadcast_in_dim3A_146 {strides = array<i32>} : memref<640xf32, #tpu.memory_space<vmem>>, vector<16xf32>,
    %broadcast_in_dim3A_149 = arith.constant 0.000000e+00 : f32
    %broadcast_in_dim3A_150 = vector.broadcast %broadcast_in_dim3A_149 : f32 to vector<16xf32>
    %swap3A_151 = arith.constant 448 : index
    %swap3A_152 = tpu.vector_load %arg6[%swap3A_151] {strides = array<i32>} : memref<640xf32, #tpu.memory_space<vmem>>, vector<16xf32>,
    tpu.vector_store %arg6[%swap3A_151], %broadcast_in_dim3A_150 {strides = array<i32>} : memref<640xf32, #tpu.memory_space<vmem>>, vector<16xf32>,
    %broadcast_in_dim3A_153 = arith.constant 0.000000e+00 : f32
    %broadcast_in_dim3A_154 = vector.broadcast %broadcast_in_dim3A_153 : f32 to vector<16xf32>
    %swap3A_155 = arith.constant 464 : index
    %swap3A_156 = tpu.vector_load %arg6[%swap3A_155] {strides = array<i32>} : memref<640xf32, #tpu.memory_space<vmem>>, vector<16xf32>,
    tpu.vector_store %arg6[%swap3A_155], %broadcast_in_dim3A_154 {strides = array<i32>} : memref<640xf32, #tpu.memory_space<vmem>>, vector<16xf32>,
    %broadcast_in_dim3A_157 = arith.constant 0.000000e+00 : f32
    %broadcast_in_dim3A_158 = vector.broadcast %broadcast_in_dim3A_157 : f32 to vector<16xf32>
    %swap3A_159 = arith.constant 480 : index
    %swap3A_160 = tpu.vector_load %arg6[%swap3A_159] {strides = array<i32>} : memref<640xf32, #tpu.memory_space<vmem>>, vector<16xf32>,
    tpu.vector_store %arg6[%swap3A_159], %broadcast_in_dim3A_158 {strides = array<i32>} : memref<640xf32, #tpu.memory_space<vmem>>, vector<16xf32>,
    %broadcast_in_dim3A_161 = arith.constant 0.000000e+00 : f32
    %broadcast_in_dim3A_162 = vector.broadcast %broadcast_in_dim3A_161 : f32 to vector<16xf32>
    %swap3A_163 = arith.constant 496 : index
    %swap3A_164 = tpu.vector_load %arg6[%swap3A_163] {strides = array<i32>} : memref<640xf32, #tpu.memory_space<vmem>>, vector<16xf32>,
    tpu.vector_store %arg6[%swap3A_163], %broadcast_in_dim3A_162 {strides = array<i32>} : memref<640xf32, #tpu.memory_space<vmem>>, vector<16xf32>,
    %broadcast_in_dim3A_165 = arith.constant 0.000000e+00 : f32
    %broadcast_in_dim3A_166 = vector.broadcast %broadcast_in_dim3A_165 : f32 to vector<16xf32>
    %swap3A_167 = arith.constant 512 : index
    %swap3A_168 = tpu.vector_load %arg6[%swap3A_167] {strides = array<i32>} : memref<640xf32, #tpu.memory_space<vmem>>, vector<16xf32>,
    tpu.vector_store %arg6[%swap3A_167], %broadcast_in_dim3A_166 {strides = array<i32>} : memref<640xf32, #tpu.memory_space<vmem>>, vector<16xf32>,
    %broadcast_in_dim3A_169 = arith.constant 0.000000e+00 : f32
    %broadcast_in_dim3A_170 = vector.broadcast %broadcast_in_dim3A_169 : f32 to vector<16xf32>
    %swap3A_171 = arith.constant 528 : index
    %swap3A_172 = tpu.vector_load %arg6[%swap3A_171] {strides = array<i32>} : memref<640xf32, #tpu.memory_space<vmem>>, vector<16xf32>,
    tpu.vector_store %arg6[%swap3A_171], %broadcast_in_dim3A_170 {strides = array<i32>} : memref<640xf32, #tpu.memory_space<vmem>>, vector<16xf32>,
    %broadcast_in_dim3A_173 = arith.constant 0.000000e+00 : f32
    %broadcast_in_dim3A_174 = vector.broadcast %broadcast_in_dim3A_173 : f32 to vector<16xf32>
    %swap3A_175 = arith.constant 544 : index
    %swap3A_176 = tpu.vector_load %arg6[%swap3A_175] {strides = array<i32>} : memref<640xf32, #tpu.memory_space<vmem>>, vector<16xf32>,
    tpu.vector_store %arg6[%swap3A_175], %broadcast_in_dim3A_174 {strides = array<i32>} : memref<640xf32, #tpu.memory_space<vmem>>, vector<16xf32>,
    %broadcast_in_dim3A_177 = arith.constant 0.000000e+00 : f32
    %broadcast_in_dim3A_178 = vector.broadcast %broadcast_in_dim3A_177 : f32 to vector<16xf32>
    %swap3A_179 = arith.constant 560 : index
    %swap3A_180 = tpu.vector_load %arg6[%swap3A_179] {strides = array<i32>} : memref<640xf32, #tpu.memory_space<vmem>>, vector<16xf32>,
    tpu.vector_store %arg6[%swap3A_179], %broadcast_in_dim3A_178 {strides = array<i32>} : memref<640xf32, #tpu.memory_space<vmem>>, vector<16xf32>,
    %broadcast_in_dim3A_181 = arith.constant 0.000000e+00 : f32
    %broadcast_in_dim3A_182 = vector.broadcast %broadcast_in_dim3A_181 : f32 to vector<16xf32>
    %swap3A_183 = arith.constant 576 : index
    %swap3A_184 = tpu.vector_load %arg6[%swap3A_183] {strides = array<i32>} : memref<640xf32, #tpu.memory_space<vmem>>, vector<16xf32>,
    tpu.vector_store %arg6[%swap3A_183], %broadcast_in_dim3A_182 {strides = array<i32>} : memref<640xf32, #tpu.memory_space<vmem>>, vector<16xf32>,
    %broadcast_in_dim3A_185 = arith.constant 0.000000e+00 : f32
    %broadcast_in_dim3A_186 = vector.broadcast %broadcast_in_dim3A_185 : f32 to vector<16xf32>
    %swap3A_187 = arith.constant 592 : index
    %swap3A_188 = tpu.vector_load %arg6[%swap3A_187] {strides = array<i32>} : memref<640xf32, #tpu.memory_space<vmem>>, vector<16xf32>,
    tpu.vector_store %arg6[%swap3A_187], %broadcast_in_dim3A_186 {strides = array<i32>} : memref<640xf32, #tpu.memory_space<vmem>>, vector<16xf32>,
    %broadcast_in_dim3A_189 = arith.constant 0.000000e+00 : f32
    %broadcast_in_dim3A_190 = vector.broadcast %broadcast_in_dim3A_189 : f32 to vector<16xf32>
    %swap3A_191 = arith.constant 608 : index
    %swap3A_192 = tpu.vector_load %arg6[%swap3A_191] {strides = array<i32>} : memref<640xf32, #tpu.memory_space<vmem>>, vector<16xf32>,
    tpu.vector_store %arg6[%swap3A_191], %broadcast_in_dim3A_190 {strides = array<i32>} : memref<640xf32, #tpu.memory_space<vmem>>, vector<16xf32>,
    %broadcast_in_dim3A_193 = arith.constant 0.000000e+00 : f32
    %broadcast_in_dim3A_194 = vector.broadcast %broadcast_in_dim3A_193 : f32 to vector<16xf32>
    %swap3A_195 = arith.constant 624 : index
    %swap3A_196 = tpu.vector_load %arg6[%swap3A_195] {strides = array<i32>} : memref<640xf32, #tpu.memory_space<vmem>>, vector<16xf32>,
    tpu.vector_store %arg6[%swap3A_195], %broadcast_in_dim3A_194 {strides = array<i32>} : memref<640xf32, #tpu.memory_space<vmem>>, vector<16xf32>,
    %mul3A_197 = arith.constant 640 : i32
    %mul3A_198 = arith.muli %arg1, %mul3A_197 : i32
    "tpu.region"() ({
      %run_scoped3A = tpu.sem_alloc : memref<!tpu.dma_semaphore, #tpu.memory_space<semaphore_mem>>
      %dma_start3A = tpu.memref_slice %arg7[%mul3A_198] : memref<10240xf32, #tpu.memory_space<vmem_shared>> -> memref<640xf32, #tpu.memory_space<vmem_shared>>
      %dma_start3A_212 = tpu.memref_slice %arg7[%mul3A_198] : memref<10240xf32, #tpu.memory_space<vmem_shared>> -> memref<640xf32, #tpu.memory_space<vmem_shared>>
      tpu.enqueue_dma source(%arg6 : memref<640xf32, #tpu.memory_space<vmem>>) target(%dma_start3A_212 : memref<640xf32, #tpu.memory_space<vmem_shared>>) target_semaphore(%run_scoped3A : memref<!tpu.dma_semaphore, #tpu.memory_space<semaphore_mem>>)
      %dma_wait3A = tpu.memref_slice %arg7[%mul3A_198] : memref<10240xf32, #tpu.memory_space<vmem_shared>> -> memref<640xf32, #tpu.memory_space<vmem_shared>>
      %dma_wait3A_213 = tpu.memref_slice %arg7[%mul3A_198] : memref<10240xf32, #tpu.memory_space<vmem_shared>> -> memref<640xf32, #tpu.memory_space<vmem_shared>>
      tpu.wait_dma2 semaphore(%run_scoped3A : memref<!tpu.dma_semaphore, #tpu.memory_space<semaphore_mem>>) src(%arg6 : memref<640xf32, #tpu.memory_space<vmem>>) dst(%dma_wait3A_213 : memref<640xf32, #tpu.memory_space<vmem_shared>>)
      tpu.yield
    }) : () -> ()
    %barrier3A = arith.constant 0 : index
    tpu.barrier barrier_id(%barrier3A)
    %not3A_199 = arith.constant true
    %not3A_200 = arith.xori %eq3A_1, %not3A_199 : i1
    %convert_element_type3A_201 = arith.extui %not3A_200 : i1 to i32
    %cond3A_202 = arith.constant 0 : i32
    %cond3A_203 = arith.cmpi ne, %convert_element_type3A_201, %cond3A_202 : i32
    scf.if %cond3A_203 {
      %scan3A = arith.constant 0 : i32
      %scan3A_212 = arith.constant 0 : i32
      %scan3A_213 = arith.constant 2 : i32
      %scan3A_214 = arith.addi %scan3A_212, %scan3A_213 : i32
      %scan3A_215 = arith.constant 1 : i32
      scf.for %scan3A_217 = %scan3A_212 to %scan3A_214 step %scan3A_215  : i32 {
        %mul3A_218 = arith.constant 40 : i32
        %mul3A_219 = arith.muli %scan3A_217, %mul3A_218 : i32
        %add3A_220 = arith.constant 0 : i32
        %add3A_221 = arith.addi %mul3A_219, %add3A_220 : i32
        %mul3A_222 = arith.constant 128 : i32
        %mul3A_223 = arith.muli %add3A_221, %mul3A_222 : i32
        %dma_start3A = tpu.memref_slice %arg4[%mul3A_223] : memref<10240xi32, #tpu.memory_space<vmem>> -> memref<128xi32, #tpu.memory_space<vmem>>
        %dma_start3A_224 = arith.constant 0 : i32
        %dma_start3A_225 = tpu.memref_slice %arg7[%dma_start3A_224] : memref<10240xf32, #tpu.memory_space<vmem_shared>> -> memref<10240xf32, #tpu.memory_space<vmem_shared>>
        tpu.enqueue_indirect_dma source(%arg5 : memref<128xf32, #tpu.memory_space<vmem>>) target(%dma_start3A_225 : memref<10240xf32, #tpu.memory_space<vmem_shared>>) offsets(%dma_start3A : memref<128xi32, #tpu.memory_space<vmem>>) semaphore(%arg8 : memref<!tpu.dma_semaphore, #tpu.memory_space<semaphore_mem>>) {add = true}
        %mul3A_226 = arith.constant 40 : i32
        %mul3A_227 = arith.muli %scan3A_217, %mul3A_226 : i32
        %add3A_228 = arith.constant 1 : i32
        %add3A_229 = arith.addi %mul3A_227, %add3A_228 : i32
        %mul3A_230 = arith.constant 128 : i32
        %mul3A_231 = arith.muli %add3A_229, %mul3A_230 : i32
        %dma_start3A_232 = tpu.memref_slice %arg4[%mul3A_231] : memref<10240xi32, #tpu.memory_space<vmem>> -> memref<128xi32, #tpu.memory_space<vmem>>
        %dma_start3A_233 = arith.constant 0 : i32
        %dma_start3A_234 = tpu.memref_slice %arg7[%dma_start3A_233] : memref<10240xf32, #tpu.memory_space<vmem_shared>> -> memref<10240xf32, #tpu.memory_space<vmem_shared>>
        tpu.enqueue_indirect_dma source(%arg5 : memref<128xf32, #tpu.memory_space<vmem>>) target(%dma_start3A_234 : memref<10240xf32, #tpu.memory_space<vmem_shared>>) offsets(%dma_start3A_232 : memref<128xi32, #tpu.memory_space<vmem>>) semaphore(%arg8 : memref<!tpu.dma_semaphore, #tpu.memory_space<semaphore_mem>>) {add = true}
        %mul3A_235 = arith.constant 40 : i32
        %mul3A_236 = arith.muli %scan3A_217, %mul3A_235 : i32
        %add3A_237 = arith.constant 2 : i32
        %add3A_238 = arith.addi %mul3A_236, %add3A_237 : i32
        %mul3A_239 = arith.constant 128 : i32
        %mul3A_240 = arith.muli %add3A_238, %mul3A_239 : i32
        %dma_start3A_241 = tpu.memref_slice %arg4[%mul3A_240] : memref<10240xi32, #tpu.memory_space<vmem>> -> memref<128xi32, #tpu.memory_space<vmem>>
        %dma_start3A_242 = arith.constant 0 : i32
        %dma_start3A_243 = tpu.memref_slice %arg7[%dma_start3A_242] : memref<10240xf32, #tpu.memory_space<vmem_shared>> -> memref<10240xf32, #tpu.memory_space<vmem_shared>>
        tpu.enqueue_indirect_dma source(%arg5 : memref<128xf32, #tpu.memory_space<vmem>>) target(%dma_start3A_243 : memref<10240xf32, #tpu.memory_space<vmem_shared>>) offsets(%dma_start3A_241 : memref<128xi32, #tpu.memory_space<vmem>>) semaphore(%arg8 : memref<!tpu.dma_semaphore, #tpu.memory_space<semaphore_mem>>) {add = true}
        %mul3A_244 = arith.constant 40 : i32
        %mul3A_245 = arith.muli %scan3A_217, %mul3A_244 : i32
        %add3A_246 = arith.constant 3 : i32
        %add3A_247 = arith.addi %mul3A_245, %add3A_246 : i32
        %mul3A_248 = arith.constant 128 : i32
        %mul3A_249 = arith.muli %add3A_247, %mul3A_248 : i32
        %dma_start3A_250 = tpu.memref_slice %arg4[%mul3A_249] : memref<10240xi32, #tpu.memory_space<vmem>> -> memref<128xi32, #tpu.memory_space<vmem>>
        %dma_start3A_251 = arith.constant 0 : i32
        %dma_start3A_252 = tpu.memref_slice %arg7[%dma_start3A_251] : memref<10240xf32, #tpu.memory_space<vmem_shared>> -> memref<10240xf32, #tpu.memory_space<vmem_shared>>
        tpu.enqueue_indirect_dma source(%arg5 : memref<128xf32, #tpu.memory_space<vmem>>) target(%dma_start3A_252 : memref<10240xf32, #tpu.memory_space<vmem_shared>>) offsets(%dma_start3A_250 : memref<128xi32, #tpu.memory_space<vmem>>) semaphore(%arg8 : memref<!tpu.dma_semaphore, #tpu.memory_space<semaphore_mem>>) {add = true}
        %mul3A_253 = arith.constant 40 : i32
        %mul3A_254 = arith.muli %scan3A_217, %mul3A_253 : i32
        %add3A_255 = arith.constant 4 : i32
        %add3A_256 = arith.addi %mul3A_254, %add3A_255 : i32
        %mul3A_257 = arith.constant 128 : i32
        %mul3A_258 = arith.muli %add3A_256, %mul3A_257 : i32
        %dma_start3A_259 = tpu.memref_slice %arg4[%mul3A_258] : memref<10240xi32, #tpu.memory_space<vmem>> -> memref<128xi32, #tpu.memory_space<vmem>>
        %dma_start3A_260 = arith.constant 0 : i32
        %dma_start3A_261 = tpu.memref_slice %arg7[%dma_start3A_260] : memref<10240xf32, #tpu.memory_space<vmem_shared>> -> memref<10240xf32, #tpu.memory_space<vmem_shared>>
        tpu.enqueue_indirect_dma source(%arg5 : memref<128xf32, #tpu.memory_space<vmem>>) target(%dma_start3A_261 : memref<10240xf32, #tpu.memory_space<vmem_shared>>) offsets(%dma_start3A_259 : memref<128xi32, #tpu.memory_space<vmem>>) semaphore(%arg8 : memref<!tpu.dma_semaphore, #tpu.memory_space<semaphore_mem>>) {add = true}
        %mul3A_262 = arith.constant 40 : i32
        %mul3A_263 = arith.muli %scan3A_217, %mul3A_262 : i32
        %add3A_264 = arith.constant 5 : i32
        %add3A_265 = arith.addi %mul3A_263, %add3A_264 : i32
        %mul3A_266 = arith.constant 128 : i32
        %mul3A_267 = arith.muli %add3A_265, %mul3A_266 : i32
        %dma_start3A_268 = tpu.memref_slice %arg4[%mul3A_267] : memref<10240xi32, #tpu.memory_space<vmem>> -> memref<128xi32, #tpu.memory_space<vmem>>
        %dma_start3A_269 = arith.constant 0 : i32
        %dma_start3A_270 = tpu.memref_slice %arg7[%dma_start3A_269] : memref<10240xf32, #tpu.memory_space<vmem_shared>> -> memref<10240xf32, #tpu.memory_space<vmem_shared>>
        tpu.enqueue_indirect_dma source(%arg5 : memref<128xf32, #tpu.memory_space<vmem>>) target(%dma_start3A_270 : memref<10240xf32, #tpu.memory_space<vmem_shared>>) offsets(%dma_start3A_268 : memref<128xi32, #tpu.memory_space<vmem>>) semaphore(%arg8 : memref<!tpu.dma_semaphore, #tpu.memory_space<semaphore_mem>>) {add = true}
        %mul3A_271 = arith.constant 40 : i32
        %mul3A_272 = arith.muli %scan3A_217, %mul3A_271 : i32
        %add3A_273 = arith.constant 6 : i32
        %add3A_274 = arith.addi %mul3A_272, %add3A_273 : i32
        %mul3A_275 = arith.constant 128 : i32
        %mul3A_276 = arith.muli %add3A_274, %mul3A_275 : i32
        %dma_start3A_277 = tpu.memref_slice %arg4[%mul3A_276] : memref<10240xi32, #tpu.memory_space<vmem>> -> memref<128xi32, #tpu.memory_space<vmem>>
        %dma_start3A_278 = arith.constant 0 : i32
        %dma_start3A_279 = tpu.memref_slice %arg7[%dma_start3A_278] : memref<10240xf32, #tpu.memory_space<vmem_shared>> -> memref<10240xf32, #tpu.memory_space<vmem_shared>>
        tpu.enqueue_indirect_dma source(%arg5 : memref<128xf32, #tpu.memory_space<vmem>>) target(%dma_start3A_279 : memref<10240xf32, #tpu.memory_space<vmem_shared>>) offsets(%dma_start3A_277 : memref<128xi32, #tpu.memory_space<vmem>>) semaphore(%arg8 : memref<!tpu.dma_semaphore, #tpu.memory_space<semaphore_mem>>) {add = true}
        %mul3A_280 = arith.constant 40 : i32
        %mul3A_281 = arith.muli %scan3A_217, %mul3A_280 : i32
        %add3A_282 = arith.constant 7 : i32
        %add3A_283 = arith.addi %mul3A_281, %add3A_282 : i32
        %mul3A_284 = arith.constant 128 : i32
        %mul3A_285 = arith.muli %add3A_283, %mul3A_284 : i32
        %dma_start3A_286 = tpu.memref_slice %arg4[%mul3A_285] : memref<10240xi32, #tpu.memory_space<vmem>> -> memref<128xi32, #tpu.memory_space<vmem>>
        %dma_start3A_287 = arith.constant 0 : i32
        %dma_start3A_288 = tpu.memref_slice %arg7[%dma_start3A_287] : memref<10240xf32, #tpu.memory_space<vmem_shared>> -> memref<10240xf32, #tpu.memory_space<vmem_shared>>
        tpu.enqueue_indirect_dma source(%arg5 : memref<128xf32, #tpu.memory_space<vmem>>) target(%dma_start3A_288 : memref<10240xf32, #tpu.memory_space<vmem_shared>>) offsets(%dma_start3A_286 : memref<128xi32, #tpu.memory_space<vmem>>) semaphore(%arg8 : memref<!tpu.dma_semaphore, #tpu.memory_space<semaphore_mem>>) {add = true}
        %mul3A_289 = arith.constant 40 : i32
        %mul3A_290 = arith.muli %scan3A_217, %mul3A_289 : i32
        %add3A_291 = arith.constant 8 : i32
        %add3A_292 = arith.addi %mul3A_290, %add3A_291 : i32
        %mul3A_293 = arith.constant 128 : i32
        %mul3A_294 = arith.muli %add3A_292, %mul3A_293 : i32
        %dma_start3A_295 = tpu.memref_slice %arg4[%mul3A_294] : memref<10240xi32, #tpu.memory_space<vmem>> -> memref<128xi32, #tpu.memory_space<vmem>>
        %dma_start3A_296 = arith.constant 0 : i32
        %dma_start3A_297 = tpu.memref_slice %arg7[%dma_start3A_296] : memref<10240xf32, #tpu.memory_space<vmem_shared>> -> memref<10240xf32, #tpu.memory_space<vmem_shared>>
        tpu.enqueue_indirect_dma source(%arg5 : memref<128xf32, #tpu.memory_space<vmem>>) target(%dma_start3A_297 : memref<10240xf32, #tpu.memory_space<vmem_shared>>) offsets(%dma_start3A_295 : memref<128xi32, #tpu.memory_space<vmem>>) semaphore(%arg8 : memref<!tpu.dma_semaphore, #tpu.memory_space<semaphore_mem>>) {add = true}
        %mul3A_298 = arith.constant 40 : i32
        %mul3A_299 = arith.muli %scan3A_217, %mul3A_298 : i32
        %add3A_300 = arith.constant 9 : i32
        %add3A_301 = arith.addi %mul3A_299, %add3A_300 : i32
        %mul3A_302 = arith.constant 128 : i32
        %mul3A_303 = arith.muli %add3A_301, %mul3A_302 : i32
        %dma_start3A_304 = tpu.memref_slice %arg4[%mul3A_303] : memref<10240xi32, #tpu.memory_space<vmem>> -> memref<128xi32, #tpu.memory_space<vmem>>
        %dma_start3A_305 = arith.constant 0 : i32
        %dma_start3A_306 = tpu.memref_slice %arg7[%dma_start3A_305] : memref<10240xf32, #tpu.memory_space<vmem_shared>> -> memref<10240xf32, #tpu.memory_space<vmem_shared>>
        tpu.enqueue_indirect_dma source(%arg5 : memref<128xf32, #tpu.memory_space<vmem>>) target(%dma_start3A_306 : memref<10240xf32, #tpu.memory_space<vmem_shared>>) offsets(%dma_start3A_304 : memref<128xi32, #tpu.memory_space<vmem>>) semaphore(%arg8 : memref<!tpu.dma_semaphore, #tpu.memory_space<semaphore_mem>>) {add = true}
        %mul3A_307 = arith.constant 40 : i32
        %mul3A_308 = arith.muli %scan3A_217, %mul3A_307 : i32
        %add3A_309 = arith.constant 10 : i32
        %add3A_310 = arith.addi %mul3A_308, %add3A_309 : i32
        %mul3A_311 = arith.constant 128 : i32
        %mul3A_312 = arith.muli %add3A_310, %mul3A_311 : i32
        %dma_start3A_313 = tpu.memref_slice %arg4[%mul3A_312] : memref<10240xi32, #tpu.memory_space<vmem>> -> memref<128xi32, #tpu.memory_space<vmem>>
        %dma_start3A_314 = arith.constant 0 : i32
        %dma_start3A_315 = tpu.memref_slice %arg7[%dma_start3A_314] : memref<10240xf32, #tpu.memory_space<vmem_shared>> -> memref<10240xf32, #tpu.memory_space<vmem_shared>>
        tpu.enqueue_indirect_dma source(%arg5 : memref<128xf32, #tpu.memory_space<vmem>>) target(%dma_start3A_315 : memref<10240xf32, #tpu.memory_space<vmem_shared>>) offsets(%dma_start3A_313 : memref<128xi32, #tpu.memory_space<vmem>>) semaphore(%arg8 : memref<!tpu.dma_semaphore, #tpu.memory_space<semaphore_mem>>) {add = true}
        %mul3A_316 = arith.constant 40 : i32
        %mul3A_317 = arith.muli %scan3A_217, %mul3A_316 : i32
        %add3A_318 = arith.constant 11 : i32
        %add3A_319 = arith.addi %mul3A_317, %add3A_318 : i32
        %mul3A_320 = arith.constant 128 : i32
        %mul3A_321 = arith.muli %add3A_319, %mul3A_320 : i32
        %dma_start3A_322 = tpu.memref_slice %arg4[%mul3A_321] : memref<10240xi32, #tpu.memory_space<vmem>> -> memref<128xi32, #tpu.memory_space<vmem>>
        %dma_start3A_323 = arith.constant 0 : i32
        %dma_start3A_324 = tpu.memref_slice %arg7[%dma_start3A_323] : memref<10240xf32, #tpu.memory_space<vmem_shared>> -> memref<10240xf32, #tpu.memory_space<vmem_shared>>
        tpu.enqueue_indirect_dma source(%arg5 : memref<128xf32, #tpu.memory_space<vmem>>) target(%dma_start3A_324 : memref<10240xf32, #tpu.memory_space<vmem_shared>>) offsets(%dma_start3A_322 : memref<128xi32, #tpu.memory_space<vmem>>) semaphore(%arg8 : memref<!tpu.dma_semaphore, #tpu.memory_space<semaphore_mem>>) {add = true}
        %mul3A_325 = arith.constant 40 : i32
        %mul3A_326 = arith.muli %scan3A_217, %mul3A_325 : i32
        %add3A_327 = arith.constant 12 : i32
        %add3A_328 = arith.addi %mul3A_326, %add3A_327 : i32
        %mul3A_329 = arith.constant 128 : i32
        %mul3A_330 = arith.muli %add3A_328, %mul3A_329 : i32
        %dma_start3A_331 = tpu.memref_slice %arg4[%mul3A_330] : memref<10240xi32, #tpu.memory_space<vmem>> -> memref<128xi32, #tpu.memory_space<vmem>>
        %dma_start3A_332 = arith.constant 0 : i32
        %dma_start3A_333 = tpu.memref_slice %arg7[%dma_start3A_332] : memref<10240xf32, #tpu.memory_space<vmem_shared>> -> memref<10240xf32, #tpu.memory_space<vmem_shared>>
        tpu.enqueue_indirect_dma source(%arg5 : memref<128xf32, #tpu.memory_space<vmem>>) target(%dma_start3A_333 : memref<10240xf32, #tpu.memory_space<vmem_shared>>) offsets(%dma_start3A_331 : memref<128xi32, #tpu.memory_space<vmem>>) semaphore(%arg8 : memref<!tpu.dma_semaphore, #tpu.memory_space<semaphore_mem>>) {add = true}
        %mul3A_334 = arith.constant 40 : i32
        %mul3A_335 = arith.muli %scan3A_217, %mul3A_334 : i32
        %add3A_336 = arith.constant 13 : i32
        %add3A_337 = arith.addi %mul3A_335, %add3A_336 : i32
        %mul3A_338 = arith.constant 128 : i32
        %mul3A_339 = arith.muli %add3A_337, %mul3A_338 : i32
        %dma_start3A_340 = tpu.memref_slice %arg4[%mul3A_339] : memref<10240xi32, #tpu.memory_space<vmem>> -> memref<128xi32, #tpu.memory_space<vmem>>
        %dma_start3A_341 = arith.constant 0 : i32
        %dma_start3A_342 = tpu.memref_slice %arg7[%dma_start3A_341] : memref<10240xf32, #tpu.memory_space<vmem_shared>> -> memref<10240xf32, #tpu.memory_space<vmem_shared>>
        tpu.enqueue_indirect_dma source(%arg5 : memref<128xf32, #tpu.memory_space<vmem>>) target(%dma_start3A_342 : memref<10240xf32, #tpu.memory_space<vmem_shared>>) offsets(%dma_start3A_340 : memref<128xi32, #tpu.memory_space<vmem>>) semaphore(%arg8 : memref<!tpu.dma_semaphore, #tpu.memory_space<semaphore_mem>>) {add = true}
        %mul3A_343 = arith.constant 40 : i32
        %mul3A_344 = arith.muli %scan3A_217, %mul3A_343 : i32
        %add3A_345 = arith.constant 14 : i32
        %add3A_346 = arith.addi %mul3A_344, %add3A_345 : i32
        %mul3A_347 = arith.constant 128 : i32
        %mul3A_348 = arith.muli %add3A_346, %mul3A_347 : i32
        %dma_start3A_349 = tpu.memref_slice %arg4[%mul3A_348] : memref<10240xi32, #tpu.memory_space<vmem>> -> memref<128xi32, #tpu.memory_space<vmem>>
        %dma_start3A_350 = arith.constant 0 : i32
        %dma_start3A_351 = tpu.memref_slice %arg7[%dma_start3A_350] : memref<10240xf32, #tpu.memory_space<vmem_shared>> -> memref<10240xf32, #tpu.memory_space<vmem_shared>>
        tpu.enqueue_indirect_dma source(%arg5 : memref<128xf32, #tpu.memory_space<vmem>>) target(%dma_start3A_351 : memref<10240xf32, #tpu.memory_space<vmem_shared>>) offsets(%dma_start3A_349 : memref<128xi32, #tpu.memory_space<vmem>>) semaphore(%arg8 : memref<!tpu.dma_semaphore, #tpu.memory_space<semaphore_mem>>) {add = true}
        %mul3A_352 = arith.constant 40 : i32
        %mul3A_353 = arith.muli %scan3A_217, %mul3A_352 : i32
        %add3A_354 = arith.constant 15 : i32
        %add3A_355 = arith.addi %mul3A_353, %add3A_354 : i32
        %mul3A_356 = arith.constant 128 : i32
        %mul3A_357 = arith.muli %add3A_355, %mul3A_356 : i32
        %dma_start3A_358 = tpu.memref_slice %arg4[%mul3A_357] : memref<10240xi32, #tpu.memory_space<vmem>> -> memref<128xi32, #tpu.memory_space<vmem>>
        %dma_start3A_359 = arith.constant 0 : i32
        %dma_start3A_360 = tpu.memref_slice %arg7[%dma_start3A_359] : memref<10240xf32, #tpu.memory_space<vmem_shared>> -> memref<10240xf32, #tpu.memory_space<vmem_shared>>
        tpu.enqueue_indirect_dma source(%arg5 : memref<128xf32, #tpu.memory_space<vmem>>) target(%dma_start3A_360 : memref<10240xf32, #tpu.memory_space<vmem_shared>>) offsets(%dma_start3A_358 : memref<128xi32, #tpu.memory_space<vmem>>) semaphore(%arg8 : memref<!tpu.dma_semaphore, #tpu.memory_space<semaphore_mem>>) {add = true}
        %mul3A_361 = arith.constant 40 : i32
        %mul3A_362 = arith.muli %scan3A_217, %mul3A_361 : i32
        %add3A_363 = arith.constant 16 : i32
        %add3A_364 = arith.addi %mul3A_362, %add3A_363 : i32
        %mul3A_365 = arith.constant 128 : i32
        %mul3A_366 = arith.muli %add3A_364, %mul3A_365 : i32
        %dma_start3A_367 = tpu.memref_slice %arg4[%mul3A_366] : memref<10240xi32, #tpu.memory_space<vmem>> -> memref<128xi32, #tpu.memory_space<vmem>>
        %dma_start3A_368 = arith.constant 0 : i32
        %dma_start3A_369 = tpu.memref_slice %arg7[%dma_start3A_368] : memref<10240xf32, #tpu.memory_space<vmem_shared>> -> memref<10240xf32, #tpu.memory_space<vmem_shared>>
        tpu.enqueue_indirect_dma source(%arg5 : memref<128xf32, #tpu.memory_space<vmem>>) target(%dma_start3A_369 : memref<10240xf32, #tpu.memory_space<vmem_shared>>) offsets(%dma_start3A_367 : memref<128xi32, #tpu.memory_space<vmem>>) semaphore(%arg8 : memref<!tpu.dma_semaphore, #tpu.memory_space<semaphore_mem>>) {add = true}
        %mul3A_370 = arith.constant 40 : i32
        %mul3A_371 = arith.muli %scan3A_217, %mul3A_370 : i32
        %add3A_372 = arith.constant 17 : i32
        %add3A_373 = arith.addi %mul3A_371, %add3A_372 : i32
        %mul3A_374 = arith.constant 128 : i32
        %mul3A_375 = arith.muli %add3A_373, %mul3A_374 : i32
        %dma_start3A_376 = tpu.memref_slice %arg4[%mul3A_375] : memref<10240xi32, #tpu.memory_space<vmem>> -> memref<128xi32, #tpu.memory_space<vmem>>
        %dma_start3A_377 = arith.constant 0 : i32
        %dma_start3A_378 = tpu.memref_slice %arg7[%dma_start3A_377] : memref<10240xf32, #tpu.memory_space<vmem_shared>> -> memref<10240xf32, #tpu.memory_space<vmem_shared>>
        tpu.enqueue_indirect_dma source(%arg5 : memref<128xf32, #tpu.memory_space<vmem>>) target(%dma_start3A_378 : memref<10240xf32, #tpu.memory_space<vmem_shared>>) offsets(%dma_start3A_376 : memref<128xi32, #tpu.memory_space<vmem>>) semaphore(%arg8 : memref<!tpu.dma_semaphore, #tpu.memory_space<semaphore_mem>>) {add = true}
        %mul3A_379 = arith.constant 40 : i32
        %mul3A_380 = arith.muli %scan3A_217, %mul3A_379 : i32
        %add3A_381 = arith.constant 18 : i32
        %add3A_382 = arith.addi %mul3A_380, %add3A_381 : i32
        %mul3A_383 = arith.constant 128 : i32
        %mul3A_384 = arith.muli %add3A_382, %mul3A_383 : i32
        %dma_start3A_385 = tpu.memref_slice %arg4[%mul3A_384] : memref<10240xi32, #tpu.memory_space<vmem>> -> memref<128xi32, #tpu.memory_space<vmem>>
        %dma_start3A_386 = arith.constant 0 : i32
        %dma_start3A_387 = tpu.memref_slice %arg7[%dma_start3A_386] : memref<10240xf32, #tpu.memory_space<vmem_shared>> -> memref<10240xf32, #tpu.memory_space<vmem_shared>>
        tpu.enqueue_indirect_dma source(%arg5 : memref<128xf32, #tpu.memory_space<vmem>>) target(%dma_start3A_387 : memref<10240xf32, #tpu.memory_space<vmem_shared>>) offsets(%dma_start3A_385 : memref<128xi32, #tpu.memory_space<vmem>>) semaphore(%arg8 : memref<!tpu.dma_semaphore, #tpu.memory_space<semaphore_mem>>) {add = true}
        %mul3A_388 = arith.constant 40 : i32
        %mul3A_389 = arith.muli %scan3A_217, %mul3A_388 : i32
        %add3A_390 = arith.constant 19 : i32
        %add3A_391 = arith.addi %mul3A_389, %add3A_390 : i32
        %mul3A_392 = arith.constant 128 : i32
        %mul3A_393 = arith.muli %add3A_391, %mul3A_392 : i32
        %dma_start3A_394 = tpu.memref_slice %arg4[%mul3A_393] : memref<10240xi32, #tpu.memory_space<vmem>> -> memref<128xi32, #tpu.memory_space<vmem>>
        %dma_start3A_395 = arith.constant 0 : i32
        %dma_start3A_396 = tpu.memref_slice %arg7[%dma_start3A_395] : memref<10240xf32, #tpu.memory_space<vmem_shared>> -> memref<10240xf32, #tpu.memory_space<vmem_shared>>
        tpu.enqueue_indirect_dma source(%arg5 : memref<128xf32, #tpu.memory_space<vmem>>) target(%dma_start3A_396 : memref<10240xf32, #tpu.memory_space<vmem_shared>>) offsets(%dma_start3A_394 : memref<128xi32, #tpu.memory_space<vmem>>) semaphore(%arg8 : memref<!tpu.dma_semaphore, #tpu.memory_space<semaphore_mem>>) {add = true}
        %mul3A_397 = arith.constant 40 : i32
        %mul3A_398 = arith.muli %scan3A_217, %mul3A_397 : i32
        %add3A_399 = arith.constant 20 : i32
        %add3A_400 = arith.addi %mul3A_398, %add3A_399 : i32
        %mul3A_401 = arith.constant 128 : i32
        %mul3A_402 = arith.muli %add3A_400, %mul3A_401 : i32
        %dma_start3A_403 = tpu.memref_slice %arg4[%mul3A_402] : memref<10240xi32, #tpu.memory_space<vmem>> -> memref<128xi32, #tpu.memory_space<vmem>>
        %dma_start3A_404 = arith.constant 0 : i32
        %dma_start3A_405 = tpu.memref_slice %arg7[%dma_start3A_404] : memref<10240xf32, #tpu.memory_space<vmem_shared>> -> memref<10240xf32, #tpu.memory_space<vmem_shared>>
        tpu.enqueue_indirect_dma source(%arg5 : memref<128xf32, #tpu.memory_space<vmem>>) target(%dma_start3A_405 : memref<10240xf32, #tpu.memory_space<vmem_shared>>) offsets(%dma_start3A_403 : memref<128xi32, #tpu.memory_space<vmem>>) semaphore(%arg8 : memref<!tpu.dma_semaphore, #tpu.memory_space<semaphore_mem>>) {add = true}
        %mul3A_406 = arith.constant 40 : i32
        %mul3A_407 = arith.muli %scan3A_217, %mul3A_406 : i32
        %add3A_408 = arith.constant 21 : i32
        %add3A_409 = arith.addi %mul3A_407, %add3A_408 : i32
        %mul3A_410 = arith.constant 128 : i32
        %mul3A_411 = arith.muli %add3A_409, %mul3A_410 : i32
        %dma_start3A_412 = tpu.memref_slice %arg4[%mul3A_411] : memref<10240xi32, #tpu.memory_space<vmem>> -> memref<128xi32, #tpu.memory_space<vmem>>
        %dma_start3A_413 = arith.constant 0 : i32
        %dma_start3A_414 = tpu.memref_slice %arg7[%dma_start3A_413] : memref<10240xf32, #tpu.memory_space<vmem_shared>> -> memref<10240xf32, #tpu.memory_space<vmem_shared>>
        tpu.enqueue_indirect_dma source(%arg5 : memref<128xf32, #tpu.memory_space<vmem>>) target(%dma_start3A_414 : memref<10240xf32, #tpu.memory_space<vmem_shared>>) offsets(%dma_start3A_412 : memref<128xi32, #tpu.memory_space<vmem>>) semaphore(%arg8 : memref<!tpu.dma_semaphore, #tpu.memory_space<semaphore_mem>>) {add = true}
        %mul3A_415 = arith.constant 40 : i32
        %mul3A_416 = arith.muli %scan3A_217, %mul3A_415 : i32
        %add3A_417 = arith.constant 22 : i32
        %add3A_418 = arith.addi %mul3A_416, %add3A_417 : i32
        %mul3A_419 = arith.constant 128 : i32
        %mul3A_420 = arith.muli %add3A_418, %mul3A_419 : i32
        %dma_start3A_421 = tpu.memref_slice %arg4[%mul3A_420] : memref<10240xi32, #tpu.memory_space<vmem>> -> memref<128xi32, #tpu.memory_space<vmem>>
        %dma_start3A_422 = arith.constant 0 : i32
        %dma_start3A_423 = tpu.memref_slice %arg7[%dma_start3A_422] : memref<10240xf32, #tpu.memory_space<vmem_shared>> -> memref<10240xf32, #tpu.memory_space<vmem_shared>>
        tpu.enqueue_indirect_dma source(%arg5 : memref<128xf32, #tpu.memory_space<vmem>>) target(%dma_start3A_423 : memref<10240xf32, #tpu.memory_space<vmem_shared>>) offsets(%dma_start3A_421 : memref<128xi32, #tpu.memory_space<vmem>>) semaphore(%arg8 : memref<!tpu.dma_semaphore, #tpu.memory_space<semaphore_mem>>) {add = true}
        %mul3A_424 = arith.constant 40 : i32
        %mul3A_425 = arith.muli %scan3A_217, %mul3A_424 : i32
        %add3A_426 = arith.constant 23 : i32
        %add3A_427 = arith.addi %mul3A_425, %add3A_426 : i32
        %mul3A_428 = arith.constant 128 : i32
        %mul3A_429 = arith.muli %add3A_427, %mul3A_428 : i32
        %dma_start3A_430 = tpu.memref_slice %arg4[%mul3A_429] : memref<10240xi32, #tpu.memory_space<vmem>> -> memref<128xi32, #tpu.memory_space<vmem>>
        %dma_start3A_431 = arith.constant 0 : i32
        %dma_start3A_432 = tpu.memref_slice %arg7[%dma_start3A_431] : memref<10240xf32, #tpu.memory_space<vmem_shared>> -> memref<10240xf32, #tpu.memory_space<vmem_shared>>
        tpu.enqueue_indirect_dma source(%arg5 : memref<128xf32, #tpu.memory_space<vmem>>) target(%dma_start3A_432 : memref<10240xf32, #tpu.memory_space<vmem_shared>>) offsets(%dma_start3A_430 : memref<128xi32, #tpu.memory_space<vmem>>) semaphore(%arg8 : memref<!tpu.dma_semaphore, #tpu.memory_space<semaphore_mem>>) {add = true}
        %mul3A_433 = arith.constant 40 : i32
        %mul3A_434 = arith.muli %scan3A_217, %mul3A_433 : i32
        %add3A_435 = arith.constant 24 : i32
        %add3A_436 = arith.addi %mul3A_434, %add3A_435 : i32
        %mul3A_437 = arith.constant 128 : i32
        %mul3A_438 = arith.muli %add3A_436, %mul3A_437 : i32
        %dma_start3A_439 = tpu.memref_slice %arg4[%mul3A_438] : memref<10240xi32, #tpu.memory_space<vmem>> -> memref<128xi32, #tpu.memory_space<vmem>>
        %dma_start3A_440 = arith.constant 0 : i32
        %dma_start3A_441 = tpu.memref_slice %arg7[%dma_start3A_440] : memref<10240xf32, #tpu.memory_space<vmem_shared>> -> memref<10240xf32, #tpu.memory_space<vmem_shared>>
        tpu.enqueue_indirect_dma source(%arg5 : memref<128xf32, #tpu.memory_space<vmem>>) target(%dma_start3A_441 : memref<10240xf32, #tpu.memory_space<vmem_shared>>) offsets(%dma_start3A_439 : memref<128xi32, #tpu.memory_space<vmem>>) semaphore(%arg8 : memref<!tpu.dma_semaphore, #tpu.memory_space<semaphore_mem>>) {add = true}
        %mul3A_442 = arith.constant 40 : i32
        %mul3A_443 = arith.muli %scan3A_217, %mul3A_442 : i32
        %add3A_444 = arith.constant 25 : i32
        %add3A_445 = arith.addi %mul3A_443, %add3A_444 : i32
        %mul3A_446 = arith.constant 128 : i32
        %mul3A_447 = arith.muli %add3A_445, %mul3A_446 : i32
        %dma_start3A_448 = tpu.memref_slice %arg4[%mul3A_447] : memref<10240xi32, #tpu.memory_space<vmem>> -> memref<128xi32, #tpu.memory_space<vmem>>
        %dma_start3A_449 = arith.constant 0 : i32
        %dma_start3A_450 = tpu.memref_slice %arg7[%dma_start3A_449] : memref<10240xf32, #tpu.memory_space<vmem_shared>> -> memref<10240xf32, #tpu.memory_space<vmem_shared>>
        tpu.enqueue_indirect_dma source(%arg5 : memref<128xf32, #tpu.memory_space<vmem>>) target(%dma_start3A_450 : memref<10240xf32, #tpu.memory_space<vmem_shared>>) offsets(%dma_start3A_448 : memref<128xi32, #tpu.memory_space<vmem>>) semaphore(%arg8 : memref<!tpu.dma_semaphore, #tpu.memory_space<semaphore_mem>>) {add = true}
        %mul3A_451 = arith.constant 40 : i32
        %mul3A_452 = arith.muli %scan3A_217, %mul3A_451 : i32
        %add3A_453 = arith.constant 26 : i32
        %add3A_454 = arith.addi %mul3A_452, %add3A_453 : i32
        %mul3A_455 = arith.constant 128 : i32
        %mul3A_456 = arith.muli %add3A_454, %mul3A_455 : i32
        %dma_start3A_457 = tpu.memref_slice %arg4[%mul3A_456] : memref<10240xi32, #tpu.memory_space<vmem>> -> memref<128xi32, #tpu.memory_space<vmem>>
        %dma_start3A_458 = arith.constant 0 : i32
        %dma_start3A_459 = tpu.memref_slice %arg7[%dma_start3A_458] : memref<10240xf32, #tpu.memory_space<vmem_shared>> -> memref<10240xf32, #tpu.memory_space<vmem_shared>>
        tpu.enqueue_indirect_dma source(%arg5 : memref<128xf32, #tpu.memory_space<vmem>>) target(%dma_start3A_459 : memref<10240xf32, #tpu.memory_space<vmem_shared>>) offsets(%dma_start3A_457 : memref<128xi32, #tpu.memory_space<vmem>>) semaphore(%arg8 : memref<!tpu.dma_semaphore, #tpu.memory_space<semaphore_mem>>) {add = true}
        %mul3A_460 = arith.constant 40 : i32
        %mul3A_461 = arith.muli %scan3A_217, %mul3A_460 : i32
        %add3A_462 = arith.constant 27 : i32
        %add3A_463 = arith.addi %mul3A_461, %add3A_462 : i32
        %mul3A_464 = arith.constant 128 : i32
        %mul3A_465 = arith.muli %add3A_463, %mul3A_464 : i32
        %dma_start3A_466 = tpu.memref_slice %arg4[%mul3A_465] : memref<10240xi32, #tpu.memory_space<vmem>> -> memref<128xi32, #tpu.memory_space<vmem>>
        %dma_start3A_467 = arith.constant 0 : i32
        %dma_start3A_468 = tpu.memref_slice %arg7[%dma_start3A_467] : memref<10240xf32, #tpu.memory_space<vmem_shared>> -> memref<10240xf32, #tpu.memory_space<vmem_shared>>
        tpu.enqueue_indirect_dma source(%arg5 : memref<128xf32, #tpu.memory_space<vmem>>) target(%dma_start3A_468 : memref<10240xf32, #tpu.memory_space<vmem_shared>>) offsets(%dma_start3A_466 : memref<128xi32, #tpu.memory_space<vmem>>) semaphore(%arg8 : memref<!tpu.dma_semaphore, #tpu.memory_space<semaphore_mem>>) {add = true}
        %mul3A_469 = arith.constant 40 : i32
        %mul3A_470 = arith.muli %scan3A_217, %mul3A_469 : i32
        %add3A_471 = arith.constant 28 : i32
        %add3A_472 = arith.addi %mul3A_470, %add3A_471 : i32
        %mul3A_473 = arith.constant 128 : i32
        %mul3A_474 = arith.muli %add3A_472, %mul3A_473 : i32
        %dma_start3A_475 = tpu.memref_slice %arg4[%mul3A_474] : memref<10240xi32, #tpu.memory_space<vmem>> -> memref<128xi32, #tpu.memory_space<vmem>>
        %dma_start3A_476 = arith.constant 0 : i32
        %dma_start3A_477 = tpu.memref_slice %arg7[%dma_start3A_476] : memref<10240xf32, #tpu.memory_space<vmem_shared>> -> memref<10240xf32, #tpu.memory_space<vmem_shared>>
        tpu.enqueue_indirect_dma source(%arg5 : memref<128xf32, #tpu.memory_space<vmem>>) target(%dma_start3A_477 : memref<10240xf32, #tpu.memory_space<vmem_shared>>) offsets(%dma_start3A_475 : memref<128xi32, #tpu.memory_space<vmem>>) semaphore(%arg8 : memref<!tpu.dma_semaphore, #tpu.memory_space<semaphore_mem>>) {add = true}
        %mul3A_478 = arith.constant 40 : i32
        %mul3A_479 = arith.muli %scan3A_217, %mul3A_478 : i32
        %add3A_480 = arith.constant 29 : i32
        %add3A_481 = arith.addi %mul3A_479, %add3A_480 : i32
        %mul3A_482 = arith.constant 128 : i32
        %mul3A_483 = arith.muli %add3A_481, %mul3A_482 : i32
        %dma_start3A_484 = tpu.memref_slice %arg4[%mul3A_483] : memref<10240xi32, #tpu.memory_space<vmem>> -> memref<128xi32, #tpu.memory_space<vmem>>
        %dma_start3A_485 = arith.constant 0 : i32
        %dma_start3A_486 = tpu.memref_slice %arg7[%dma_start3A_485] : memref<10240xf32, #tpu.memory_space<vmem_shared>> -> memref<10240xf32, #tpu.memory_space<vmem_shared>>
        tpu.enqueue_indirect_dma source(%arg5 : memref<128xf32, #tpu.memory_space<vmem>>) target(%dma_start3A_486 : memref<10240xf32, #tpu.memory_space<vmem_shared>>) offsets(%dma_start3A_484 : memref<128xi32, #tpu.memory_space<vmem>>) semaphore(%arg8 : memref<!tpu.dma_semaphore, #tpu.memory_space<semaphore_mem>>) {add = true}
        %mul3A_487 = arith.constant 40 : i32
        %mul3A_488 = arith.muli %scan3A_217, %mul3A_487 : i32
        %add3A_489 = arith.constant 30 : i32
        %add3A_490 = arith.addi %mul3A_488, %add3A_489 : i32
        %mul3A_491 = arith.constant 128 : i32
        %mul3A_492 = arith.muli %add3A_490, %mul3A_491 : i32
        %dma_start3A_493 = tpu.memref_slice %arg4[%mul3A_492] : memref<10240xi32, #tpu.memory_space<vmem>> -> memref<128xi32, #tpu.memory_space<vmem>>
        %dma_start3A_494 = arith.constant 0 : i32
        %dma_start3A_495 = tpu.memref_slice %arg7[%dma_start3A_494] : memref<10240xf32, #tpu.memory_space<vmem_shared>> -> memref<10240xf32, #tpu.memory_space<vmem_shared>>
        tpu.enqueue_indirect_dma source(%arg5 : memref<128xf32, #tpu.memory_space<vmem>>) target(%dma_start3A_495 : memref<10240xf32, #tpu.memory_space<vmem_shared>>) offsets(%dma_start3A_493 : memref<128xi32, #tpu.memory_space<vmem>>) semaphore(%arg8 : memref<!tpu.dma_semaphore, #tpu.memory_space<semaphore_mem>>) {add = true}
        %mul3A_496 = arith.constant 40 : i32
        %mul3A_497 = arith.muli %scan3A_217, %mul3A_496 : i32
        %add3A_498 = arith.constant 31 : i32
        %add3A_499 = arith.addi %mul3A_497, %add3A_498 : i32
        %mul3A_500 = arith.constant 128 : i32
        %mul3A_501 = arith.muli %add3A_499, %mul3A_500 : i32
        %dma_start3A_502 = tpu.memref_slice %arg4[%mul3A_501] : memref<10240xi32, #tpu.memory_space<vmem>> -> memref<128xi32, #tpu.memory_space<vmem>>
        %dma_start3A_503 = arith.constant 0 : i32
        %dma_start3A_504 = tpu.memref_slice %arg7[%dma_start3A_503] : memref<10240xf32, #tpu.memory_space<vmem_shared>> -> memref<10240xf32, #tpu.memory_space<vmem_shared>>
        tpu.enqueue_indirect_dma source(%arg5 : memref<128xf32, #tpu.memory_space<vmem>>) target(%dma_start3A_504 : memref<10240xf32, #tpu.memory_space<vmem_shared>>) offsets(%dma_start3A_502 : memref<128xi32, #tpu.memory_space<vmem>>) semaphore(%arg8 : memref<!tpu.dma_semaphore, #tpu.memory_space<semaphore_mem>>) {add = true}
        %mul3A_505 = arith.constant 40 : i32
        %mul3A_506 = arith.muli %scan3A_217, %mul3A_505 : i32
        %add3A_507 = arith.constant 32 : i32
        %add3A_508 = arith.addi %mul3A_506, %add3A_507 : i32
        %mul3A_509 = arith.constant 128 : i32
        %mul3A_510 = arith.muli %add3A_508, %mul3A_509 : i32
        %dma_start3A_511 = tpu.memref_slice %arg4[%mul3A_510] : memref<10240xi32, #tpu.memory_space<vmem>> -> memref<128xi32, #tpu.memory_space<vmem>>
        %dma_start3A_512 = arith.constant 0 : i32
        %dma_start3A_513 = tpu.memref_slice %arg7[%dma_start3A_512] : memref<10240xf32, #tpu.memory_space<vmem_shared>> -> memref<10240xf32, #tpu.memory_space<vmem_shared>>
        tpu.enqueue_indirect_dma source(%arg5 : memref<128xf32, #tpu.memory_space<vmem>>) target(%dma_start3A_513 : memref<10240xf32, #tpu.memory_space<vmem_shared>>) offsets(%dma_start3A_511 : memref<128xi32, #tpu.memory_space<vmem>>) semaphore(%arg8 : memref<!tpu.dma_semaphore, #tpu.memory_space<semaphore_mem>>) {add = true}
        %mul3A_514 = arith.constant 40 : i32
        %mul3A_515 = arith.muli %scan3A_217, %mul3A_514 : i32
        %add3A_516 = arith.constant 33 : i32
        %add3A_517 = arith.addi %mul3A_515, %add3A_516 : i32
        %mul3A_518 = arith.constant 128 : i32
        %mul3A_519 = arith.muli %add3A_517, %mul3A_518 : i32
        %dma_start3A_520 = tpu.memref_slice %arg4[%mul3A_519] : memref<10240xi32, #tpu.memory_space<vmem>> -> memref<128xi32, #tpu.memory_space<vmem>>
        %dma_start3A_521 = arith.constant 0 : i32
        %dma_start3A_522 = tpu.memref_slice %arg7[%dma_start3A_521] : memref<10240xf32, #tpu.memory_space<vmem_shared>> -> memref<10240xf32, #tpu.memory_space<vmem_shared>>
        tpu.enqueue_indirect_dma source(%arg5 : memref<128xf32, #tpu.memory_space<vmem>>) target(%dma_start3A_522 : memref<10240xf32, #tpu.memory_space<vmem_shared>>) offsets(%dma_start3A_520 : memref<128xi32, #tpu.memory_space<vmem>>) semaphore(%arg8 : memref<!tpu.dma_semaphore, #tpu.memory_space<semaphore_mem>>) {add = true}
        %mul3A_523 = arith.constant 40 : i32
        %mul3A_524 = arith.muli %scan3A_217, %mul3A_523 : i32
        %add3A_525 = arith.constant 34 : i32
        %add3A_526 = arith.addi %mul3A_524, %add3A_525 : i32
        %mul3A_527 = arith.constant 128 : i32
        %mul3A_528 = arith.muli %add3A_526, %mul3A_527 : i32
        %dma_start3A_529 = tpu.memref_slice %arg4[%mul3A_528] : memref<10240xi32, #tpu.memory_space<vmem>> -> memref<128xi32, #tpu.memory_space<vmem>>
        %dma_start3A_530 = arith.constant 0 : i32
        %dma_start3A_531 = tpu.memref_slice %arg7[%dma_start3A_530] : memref<10240xf32, #tpu.memory_space<vmem_shared>> -> memref<10240xf32, #tpu.memory_space<vmem_shared>>
        tpu.enqueue_indirect_dma source(%arg5 : memref<128xf32, #tpu.memory_space<vmem>>) target(%dma_start3A_531 : memref<10240xf32, #tpu.memory_space<vmem_shared>>) offsets(%dma_start3A_529 : memref<128xi32, #tpu.memory_space<vmem>>) semaphore(%arg8 : memref<!tpu.dma_semaphore, #tpu.memory_space<semaphore_mem>>) {add = true}
        %mul3A_532 = arith.constant 40 : i32
        %mul3A_533 = arith.muli %scan3A_217, %mul3A_532 : i32
        %add3A_534 = arith.constant 35 : i32
        %add3A_535 = arith.addi %mul3A_533, %add3A_534 : i32
        %mul3A_536 = arith.constant 128 : i32
        %mul3A_537 = arith.muli %add3A_535, %mul3A_536 : i32
        %dma_start3A_538 = tpu.memref_slice %arg4[%mul3A_537] : memref<10240xi32, #tpu.memory_space<vmem>> -> memref<128xi32, #tpu.memory_space<vmem>>
        %dma_start3A_539 = arith.constant 0 : i32
        %dma_start3A_540 = tpu.memref_slice %arg7[%dma_start3A_539] : memref<10240xf32, #tpu.memory_space<vmem_shared>> -> memref<10240xf32, #tpu.memory_space<vmem_shared>>
        tpu.enqueue_indirect_dma source(%arg5 : memref<128xf32, #tpu.memory_space<vmem>>) target(%dma_start3A_540 : memref<10240xf32, #tpu.memory_space<vmem_shared>>) offsets(%dma_start3A_538 : memref<128xi32, #tpu.memory_space<vmem>>) semaphore(%arg8 : memref<!tpu.dma_semaphore, #tpu.memory_space<semaphore_mem>>) {add = true}
        %mul3A_541 = arith.constant 40 : i32
        %mul3A_542 = arith.muli %scan3A_217, %mul3A_541 : i32
        %add3A_543 = arith.constant 36 : i32
        %add3A_544 = arith.addi %mul3A_542, %add3A_543 : i32
        %mul3A_545 = arith.constant 128 : i32
        %mul3A_546 = arith.muli %add3A_544, %mul3A_545 : i32
        %dma_start3A_547 = tpu.memref_slice %arg4[%mul3A_546] : memref<10240xi32, #tpu.memory_space<vmem>> -> memref<128xi32, #tpu.memory_space<vmem>>
        %dma_start3A_548 = arith.constant 0 : i32
        %dma_start3A_549 = tpu.memref_slice %arg7[%dma_start3A_548] : memref<10240xf32, #tpu.memory_space<vmem_shared>> -> memref<10240xf32, #tpu.memory_space<vmem_shared>>
        tpu.enqueue_indirect_dma source(%arg5 : memref<128xf32, #tpu.memory_space<vmem>>) target(%dma_start3A_549 : memref<10240xf32, #tpu.memory_space<vmem_shared>>) offsets(%dma_start3A_547 : memref<128xi32, #tpu.memory_space<vmem>>) semaphore(%arg8 : memref<!tpu.dma_semaphore, #tpu.memory_space<semaphore_mem>>) {add = true}
        %mul3A_550 = arith.constant 40 : i32
        %mul3A_551 = arith.muli %scan3A_217, %mul3A_550 : i32
        %add3A_552 = arith.constant 37 : i32
        %add3A_553 = arith.addi %mul3A_551, %add3A_552 : i32
        %mul3A_554 = arith.constant 128 : i32
        %mul3A_555 = arith.muli %add3A_553, %mul3A_554 : i32
        %dma_start3A_556 = tpu.memref_slice %arg4[%mul3A_555] : memref<10240xi32, #tpu.memory_space<vmem>> -> memref<128xi32, #tpu.memory_space<vmem>>
        %dma_start3A_557 = arith.constant 0 : i32
        %dma_start3A_558 = tpu.memref_slice %arg7[%dma_start3A_557] : memref<10240xf32, #tpu.memory_space<vmem_shared>> -> memref<10240xf32, #tpu.memory_space<vmem_shared>>
        tpu.enqueue_indirect_dma source(%arg5 : memref<128xf32, #tpu.memory_space<vmem>>) target(%dma_start3A_558 : memref<10240xf32, #tpu.memory_space<vmem_shared>>) offsets(%dma_start3A_556 : memref<128xi32, #tpu.memory_space<vmem>>) semaphore(%arg8 : memref<!tpu.dma_semaphore, #tpu.memory_space<semaphore_mem>>) {add = true}
        %mul3A_559 = arith.constant 40 : i32
        %mul3A_560 = arith.muli %scan3A_217, %mul3A_559 : i32
        %add3A_561 = arith.constant 38 : i32
        %add3A_562 = arith.addi %mul3A_560, %add3A_561 : i32
        %mul3A_563 = arith.constant 128 : i32
        %mul3A_564 = arith.muli %add3A_562, %mul3A_563 : i32
        %dma_start3A_565 = tpu.memref_slice %arg4[%mul3A_564] : memref<10240xi32, #tpu.memory_space<vmem>> -> memref<128xi32, #tpu.memory_space<vmem>>
        %dma_start3A_566 = arith.constant 0 : i32
        %dma_start3A_567 = tpu.memref_slice %arg7[%dma_start3A_566] : memref<10240xf32, #tpu.memory_space<vmem_shared>> -> memref<10240xf32, #tpu.memory_space<vmem_shared>>
        tpu.enqueue_indirect_dma source(%arg5 : memref<128xf32, #tpu.memory_space<vmem>>) target(%dma_start3A_567 : memref<10240xf32, #tpu.memory_space<vmem_shared>>) offsets(%dma_start3A_565 : memref<128xi32, #tpu.memory_space<vmem>>) semaphore(%arg8 : memref<!tpu.dma_semaphore, #tpu.memory_space<semaphore_mem>>) {add = true}
        %mul3A_568 = arith.constant 40 : i32
        %mul3A_569 = arith.muli %scan3A_217, %mul3A_568 : i32
        %add3A_570 = arith.constant 39 : i32
        %add3A_571 = arith.addi %mul3A_569, %add3A_570 : i32
        %mul3A_572 = arith.constant 128 : i32
        %mul3A_573 = arith.muli %add3A_571, %mul3A_572 : i32
        %dma_start3A_574 = tpu.memref_slice %arg4[%mul3A_573] : memref<10240xi32, #tpu.memory_space<vmem>> -> memref<128xi32, #tpu.memory_space<vmem>>
        %dma_start3A_575 = arith.constant 0 : i32
        %dma_start3A_576 = tpu.memref_slice %arg7[%dma_start3A_575] : memref<10240xf32, #tpu.memory_space<vmem_shared>> -> memref<10240xf32, #tpu.memory_space<vmem_shared>>
        tpu.enqueue_indirect_dma source(%arg5 : memref<128xf32, #tpu.memory_space<vmem>>) target(%dma_start3A_576 : memref<10240xf32, #tpu.memory_space<vmem_shared>>) offsets(%dma_start3A_574 : memref<128xi32, #tpu.memory_space<vmem>>) semaphore(%arg8 : memref<!tpu.dma_semaphore, #tpu.memory_space<semaphore_mem>>) {add = true}
        %dma_wait3A = tpu.memref_slice %arg4[%mul3A_223] : memref<10240xi32, #tpu.memory_space<vmem>> -> memref<128xi32, #tpu.memory_space<vmem>>
        %dma_wait3A_577 = arith.constant 0 : i32
        %dma_wait3A_578 = tpu.memref_slice %arg7[%dma_wait3A_577] : memref<10240xf32, #tpu.memory_space<vmem_shared>> -> memref<10240xf32, #tpu.memory_space<vmem_shared>>
        tpu.wait_indirect_dma semaphore(%arg8 : memref<!tpu.dma_semaphore, #tpu.memory_space<semaphore_mem>>) src(%arg5 : memref<128xf32, #tpu.memory_space<vmem>>) dst(%dma_wait3A_578 : memref<10240xf32, #tpu.memory_space<vmem_shared>>)
        %dma_wait3A_579 = tpu.memref_slice %arg4[%mul3A_231] : memref<10240xi32, #tpu.memory_space<vmem>> -> memref<128xi32, #tpu.memory_space<vmem>>
        %dma_wait3A_580 = arith.constant 0 : i32
        %dma_wait3A_581 = tpu.memref_slice %arg7[%dma_wait3A_580] : memref<10240xf32, #tpu.memory_space<vmem_shared>> -> memref<10240xf32, #tpu.memory_space<vmem_shared>>
        tpu.wait_indirect_dma semaphore(%arg8 : memref<!tpu.dma_semaphore, #tpu.memory_space<semaphore_mem>>) src(%arg5 : memref<128xf32, #tpu.memory_space<vmem>>) dst(%dma_wait3A_581 : memref<10240xf32, #tpu.memory_space<vmem_shared>>)
        %dma_wait3A_582 = tpu.memref_slice %arg4[%mul3A_240] : memref<10240xi32, #tpu.memory_space<vmem>> -> memref<128xi32, #tpu.memory_space<vmem>>
        %dma_wait3A_583 = arith.constant 0 : i32
        %dma_wait3A_584 = tpu.memref_slice %arg7[%dma_wait3A_583] : memref<10240xf32, #tpu.memory_space<vmem_shared>> -> memref<10240xf32, #tpu.memory_space<vmem_shared>>
        tpu.wait_indirect_dma semaphore(%arg8 : memref<!tpu.dma_semaphore, #tpu.memory_space<semaphore_mem>>) src(%arg5 : memref<128xf32, #tpu.memory_space<vmem>>) dst(%dma_wait3A_584 : memref<10240xf32, #tpu.memory_space<vmem_shared>>)
        %dma_wait3A_585 = tpu.memref_slice %arg4[%mul3A_249] : memref<10240xi32, #tpu.memory_space<vmem>> -> memref<128xi32, #tpu.memory_space<vmem>>
        %dma_wait3A_586 = arith.constant 0 : i32
        %dma_wait3A_587 = tpu.memref_slice %arg7[%dma_wait3A_586] : memref<10240xf32, #tpu.memory_space<vmem_shared>> -> memref<10240xf32, #tpu.memory_space<vmem_shared>>
        tpu.wait_indirect_dma semaphore(%arg8 : memref<!tpu.dma_semaphore, #tpu.memory_space<semaphore_mem>>) src(%arg5 : memref<128xf32, #tpu.memory_space<vmem>>) dst(%dma_wait3A_587 : memref<10240xf32, #tpu.memory_space<vmem_shared>>)
        %dma_wait3A_588 = tpu.memref_slice %arg4[%mul3A_258] : memref<10240xi32, #tpu.memory_space<vmem>> -> memref<128xi32, #tpu.memory_space<vmem>>
        %dma_wait3A_589 = arith.constant 0 : i32
        %dma_wait3A_590 = tpu.memref_slice %arg7[%dma_wait3A_589] : memref<10240xf32, #tpu.memory_space<vmem_shared>> -> memref<10240xf32, #tpu.memory_space<vmem_shared>>
        tpu.wait_indirect_dma semaphore(%arg8 : memref<!tpu.dma_semaphore, #tpu.memory_space<semaphore_mem>>) src(%arg5 : memref<128xf32, #tpu.memory_space<vmem>>) dst(%dma_wait3A_590 : memref<10240xf32, #tpu.memory_space<vmem_shared>>)
        %dma_wait3A_591 = tpu.memref_slice %arg4[%mul3A_267] : memref<10240xi32, #tpu.memory_space<vmem>> -> memref<128xi32, #tpu.memory_space<vmem>>
        %dma_wait3A_592 = arith.constant 0 : i32
        %dma_wait3A_593 = tpu.memref_slice %arg7[%dma_wait3A_592] : memref<10240xf32, #tpu.memory_space<vmem_shared>> -> memref<10240xf32, #tpu.memory_space<vmem_shared>>
        tpu.wait_indirect_dma semaphore(%arg8 : memref<!tpu.dma_semaphore, #tpu.memory_space<semaphore_mem>>) src(%arg5 : memref<128xf32, #tpu.memory_space<vmem>>) dst(%dma_wait3A_593 : memref<10240xf32, #tpu.memory_space<vmem_shared>>)
        %dma_wait3A_594 = tpu.memref_slice %arg4[%mul3A_276] : memref<10240xi32, #tpu.memory_space<vmem>> -> memref<128xi32, #tpu.memory_space<vmem>>
        %dma_wait3A_595 = arith.constant 0 : i32
        %dma_wait3A_596 = tpu.memref_slice %arg7[%dma_wait3A_595] : memref<10240xf32, #tpu.memory_space<vmem_shared>> -> memref<10240xf32, #tpu.memory_space<vmem_shared>>
        tpu.wait_indirect_dma semaphore(%arg8 : memref<!tpu.dma_semaphore, #tpu.memory_space<semaphore_mem>>) src(%arg5 : memref<128xf32, #tpu.memory_space<vmem>>) dst(%dma_wait3A_596 : memref<10240xf32, #tpu.memory_space<vmem_shared>>)
        %dma_wait3A_597 = tpu.memref_slice %arg4[%mul3A_285] : memref<10240xi32, #tpu.memory_space<vmem>> -> memref<128xi32, #tpu.memory_space<vmem>>
        %dma_wait3A_598 = arith.constant 0 : i32
        %dma_wait3A_599 = tpu.memref_slice %arg7[%dma_wait3A_598] : memref<10240xf32, #tpu.memory_space<vmem_shared>> -> memref<10240xf32, #tpu.memory_space<vmem_shared>>
        tpu.wait_indirect_dma semaphore(%arg8 : memref<!tpu.dma_semaphore, #tpu.memory_space<semaphore_mem>>) src(%arg5 : memref<128xf32, #tpu.memory_space<vmem>>) dst(%dma_wait3A_599 : memref<10240xf32, #tpu.memory_space<vmem_shared>>)
        %dma_wait3A_600 = tpu.memref_slice %arg4[%mul3A_294] : memref<10240xi32, #tpu.memory_space<vmem>> -> memref<128xi32, #tpu.memory_space<vmem>>
        %dma_wait3A_601 = arith.constant 0 : i32
        %dma_wait3A_602 = tpu.memref_slice %arg7[%dma_wait3A_601] : memref<10240xf32, #tpu.memory_space<vmem_shared>> -> memref<10240xf32, #tpu.memory_space<vmem_shared>>
        tpu.wait_indirect_dma semaphore(%arg8 : memref<!tpu.dma_semaphore, #tpu.memory_space<semaphore_mem>>) src(%arg5 : memref<128xf32, #tpu.memory_space<vmem>>) dst(%dma_wait3A_602 : memref<10240xf32, #tpu.memory_space<vmem_shared>>)
        %dma_wait3A_603 = tpu.memref_slice %arg4[%mul3A_303] : memref<10240xi32, #tpu.memory_space<vmem>> -> memref<128xi32, #tpu.memory_space<vmem>>
        %dma_wait3A_604 = arith.constant 0 : i32
        %dma_wait3A_605 = tpu.memref_slice %arg7[%dma_wait3A_604] : memref<10240xf32, #tpu.memory_space<vmem_shared>> -> memref<10240xf32, #tpu.memory_space<vmem_shared>>
        tpu.wait_indirect_dma semaphore(%arg8 : memref<!tpu.dma_semaphore, #tpu.memory_space<semaphore_mem>>) src(%arg5 : memref<128xf32, #tpu.memory_space<vmem>>) dst(%dma_wait3A_605 : memref<10240xf32, #tpu.memory_space<vmem_shared>>)
        %dma_wait3A_606 = tpu.memref_slice %arg4[%mul3A_312] : memref<10240xi32, #tpu.memory_space<vmem>> -> memref<128xi32, #tpu.memory_space<vmem>>
        %dma_wait3A_607 = arith.constant 0 : i32
        %dma_wait3A_608 = tpu.memref_slice %arg7[%dma_wait3A_607] : memref<10240xf32, #tpu.memory_space<vmem_shared>> -> memref<10240xf32, #tpu.memory_space<vmem_shared>>
        tpu.wait_indirect_dma semaphore(%arg8 : memref<!tpu.dma_semaphore, #tpu.memory_space<semaphore_mem>>) src(%arg5 : memref<128xf32, #tpu.memory_space<vmem>>) dst(%dma_wait3A_608 : memref<10240xf32, #tpu.memory_space<vmem_shared>>)
        %dma_wait3A_609 = tpu.memref_slice %arg4[%mul3A_321] : memref<10240xi32, #tpu.memory_space<vmem>> -> memref<128xi32, #tpu.memory_space<vmem>>
        %dma_wait3A_610 = arith.constant 0 : i32
        %dma_wait3A_611 = tpu.memref_slice %arg7[%dma_wait3A_610] : memref<10240xf32, #tpu.memory_space<vmem_shared>> -> memref<10240xf32, #tpu.memory_space<vmem_shared>>
        tpu.wait_indirect_dma semaphore(%arg8 : memref<!tpu.dma_semaphore, #tpu.memory_space<semaphore_mem>>) src(%arg5 : memref<128xf32, #tpu.memory_space<vmem>>) dst(%dma_wait3A_611 : memref<10240xf32, #tpu.memory_space<vmem_shared>>)
        %dma_wait3A_612 = tpu.memref_slice %arg4[%mul3A_330] : memref<10240xi32, #tpu.memory_space<vmem>> -> memref<128xi32, #tpu.memory_space<vmem>>
        %dma_wait3A_613 = arith.constant 0 : i32
        %dma_wait3A_614 = tpu.memref_slice %arg7[%dma_wait3A_613] : memref<10240xf32, #tpu.memory_space<vmem_shared>> -> memref<10240xf32, #tpu.memory_space<vmem_shared>>
        tpu.wait_indirect_dma semaphore(%arg8 : memref<!tpu.dma_semaphore, #tpu.memory_space<semaphore_mem>>) src(%arg5 : memref<128xf32, #tpu.memory_space<vmem>>) dst(%dma_wait3A_614 : memref<10240xf32, #tpu.memory_space<vmem_shared>>)
        %dma_wait3A_615 = tpu.memref_slice %arg4[%mul3A_339] : memref<10240xi32, #tpu.memory_space<vmem>> -> memref<128xi32, #tpu.memory_space<vmem>>
        %dma_wait3A_616 = arith.constant 0 : i32
        %dma_wait3A_617 = tpu.memref_slice %arg7[%dma_wait3A_616] : memref<10240xf32, #tpu.memory_space<vmem_shared>> -> memref<10240xf32, #tpu.memory_space<vmem_shared>>
        tpu.wait_indirect_dma semaphore(%arg8 : memref<!tpu.dma_semaphore, #tpu.memory_space<semaphore_mem>>) src(%arg5 : memref<128xf32, #tpu.memory_space<vmem>>) dst(%dma_wait3A_617 : memref<10240xf32, #tpu.memory_space<vmem_shared>>)
        %dma_wait3A_618 = tpu.memref_slice %arg4[%mul3A_348] : memref<10240xi32, #tpu.memory_space<vmem>> -> memref<128xi32, #tpu.memory_space<vmem>>
        %dma_wait3A_619 = arith.constant 0 : i32
        %dma_wait3A_620 = tpu.memref_slice %arg7[%dma_wait3A_619] : memref<10240xf32, #tpu.memory_space<vmem_shared>> -> memref<10240xf32, #tpu.memory_space<vmem_shared>>
        tpu.wait_indirect_dma semaphore(%arg8 : memref<!tpu.dma_semaphore, #tpu.memory_space<semaphore_mem>>) src(%arg5 : memref<128xf32, #tpu.memory_space<vmem>>) dst(%dma_wait3A_620 : memref<10240xf32, #tpu.memory_space<vmem_shared>>)
        %dma_wait3A_621 = tpu.memref_slice %arg4[%mul3A_357] : memref<10240xi32, #tpu.memory_space<vmem>> -> memref<128xi32, #tpu.memory_space<vmem>>
        %dma_wait3A_622 = arith.constant 0 : i32
        %dma_wait3A_623 = tpu.memref_slice %arg7[%dma_wait3A_622] : memref<10240xf32, #tpu.memory_space<vmem_shared>> -> memref<10240xf32, #tpu.memory_space<vmem_shared>>
        tpu.wait_indirect_dma semaphore(%arg8 : memref<!tpu.dma_semaphore, #tpu.memory_space<semaphore_mem>>) src(%arg5 : memref<128xf32, #tpu.memory_space<vmem>>) dst(%dma_wait3A_623 : memref<10240xf32, #tpu.memory_space<vmem_shared>>)
        %dma_wait3A_624 = tpu.memref_slice %arg4[%mul3A_366] : memref<10240xi32, #tpu.memory_space<vmem>> -> memref<128xi32, #tpu.memory_space<vmem>>
        %dma_wait3A_625 = arith.constant 0 : i32
        %dma_wait3A_626 = tpu.memref_slice %arg7[%dma_wait3A_625] : memref<10240xf32, #tpu.memory_space<vmem_shared>> -> memref<10240xf32, #tpu.memory_space<vmem_shared>>
        tpu.wait_indirect_dma semaphore(%arg8 : memref<!tpu.dma_semaphore, #tpu.memory_space<semaphore_mem>>) src(%arg5 : memref<128xf32, #tpu.memory_space<vmem>>) dst(%dma_wait3A_626 : memref<10240xf32, #tpu.memory_space<vmem_shared>>)
        %dma_wait3A_627 = tpu.memref_slice %arg4[%mul3A_375] : memref<10240xi32, #tpu.memory_space<vmem>> -> memref<128xi32, #tpu.memory_space<vmem>>
        %dma_wait3A_628 = arith.constant 0 : i32
        %dma_wait3A_629 = tpu.memref_slice %arg7[%dma_wait3A_628] : memref<10240xf32, #tpu.memory_space<vmem_shared>> -> memref<10240xf32, #tpu.memory_space<vmem_shared>>
        tpu.wait_indirect_dma semaphore(%arg8 : memref<!tpu.dma_semaphore, #tpu.memory_space<semaphore_mem>>) src(%arg5 : memref<128xf32, #tpu.memory_space<vmem>>) dst(%dma_wait3A_629 : memref<10240xf32, #tpu.memory_space<vmem_shared>>)
        %dma_wait3A_630 = tpu.memref_slice %arg4[%mul3A_384] : memref<10240xi32, #tpu.memory_space<vmem>> -> memref<128xi32, #tpu.memory_space<vmem>>
        %dma_wait3A_631 = arith.constant 0 : i32
        %dma_wait3A_632 = tpu.memref_slice %arg7[%dma_wait3A_631] : memref<10240xf32, #tpu.memory_space<vmem_shared>> -> memref<10240xf32, #tpu.memory_space<vmem_shared>>
        tpu.wait_indirect_dma semaphore(%arg8 : memref<!tpu.dma_semaphore, #tpu.memory_space<semaphore_mem>>) src(%arg5 : memref<128xf32, #tpu.memory_space<vmem>>) dst(%dma_wait3A_632 : memref<10240xf32, #tpu.memory_space<vmem_shared>>)
        %dma_wait3A_633 = tpu.memref_slice %arg4[%mul3A_393] : memref<10240xi32, #tpu.memory_space<vmem>> -> memref<128xi32, #tpu.memory_space<vmem>>
        %dma_wait3A_634 = arith.constant 0 : i32
        %dma_wait3A_635 = tpu.memref_slice %arg7[%dma_wait3A_634] : memref<10240xf32, #tpu.memory_space<vmem_shared>> -> memref<10240xf32, #tpu.memory_space<vmem_shared>>
        tpu.wait_indirect_dma semaphore(%arg8 : memref<!tpu.dma_semaphore, #tpu.memory_space<semaphore_mem>>) src(%arg5 : memref<128xf32, #tpu.memory_space<vmem>>) dst(%dma_wait3A_635 : memref<10240xf32, #tpu.memory_space<vmem_shared>>)
        %dma_wait3A_636 = tpu.memref_slice %arg4[%mul3A_402] : memref<10240xi32, #tpu.memory_space<vmem>> -> memref<128xi32, #tpu.memory_space<vmem>>
        %dma_wait3A_637 = arith.constant 0 : i32
        %dma_wait3A_638 = tpu.memref_slice %arg7[%dma_wait3A_637] : memref<10240xf32, #tpu.memory_space<vmem_shared>> -> memref<10240xf32, #tpu.memory_space<vmem_shared>>
        tpu.wait_indirect_dma semaphore(%arg8 : memref<!tpu.dma_semaphore, #tpu.memory_space<semaphore_mem>>) src(%arg5 : memref<128xf32, #tpu.memory_space<vmem>>) dst(%dma_wait3A_638 : memref<10240xf32, #tpu.memory_space<vmem_shared>>)
        %dma_wait3A_639 = tpu.memref_slice %arg4[%mul3A_411] : memref<10240xi32, #tpu.memory_space<vmem>> -> memref<128xi32, #tpu.memory_space<vmem>>
        %dma_wait3A_640 = arith.constant 0 : i32
        %dma_wait3A_641 = tpu.memref_slice %arg7[%dma_wait3A_640] : memref<10240xf32, #tpu.memory_space<vmem_shared>> -> memref<10240xf32, #tpu.memory_space<vmem_shared>>
        tpu.wait_indirect_dma semaphore(%arg8 : memref<!tpu.dma_semaphore, #tpu.memory_space<semaphore_mem>>) src(%arg5 : memref<128xf32, #tpu.memory_space<vmem>>) dst(%dma_wait3A_641 : memref<10240xf32, #tpu.memory_space<vmem_shared>>)
        %dma_wait3A_642 = tpu.memref_slice %arg4[%mul3A_420] : memref<10240xi32, #tpu.memory_space<vmem>> -> memref<128xi32, #tpu.memory_space<vmem>>
        %dma_wait3A_643 = arith.constant 0 : i32
        %dma_wait3A_644 = tpu.memref_slice %arg7[%dma_wait3A_643] : memref<10240xf32, #tpu.memory_space<vmem_shared>> -> memref<10240xf32, #tpu.memory_space<vmem_shared>>
        tpu.wait_indirect_dma semaphore(%arg8 : memref<!tpu.dma_semaphore, #tpu.memory_space<semaphore_mem>>) src(%arg5 : memref<128xf32, #tpu.memory_space<vmem>>) dst(%dma_wait3A_644 : memref<10240xf32, #tpu.memory_space<vmem_shared>>)
        %dma_wait3A_645 = tpu.memref_slice %arg4[%mul3A_429] : memref<10240xi32, #tpu.memory_space<vmem>> -> memref<128xi32, #tpu.memory_space<vmem>>
        %dma_wait3A_646 = arith.constant 0 : i32
        %dma_wait3A_647 = tpu.memref_slice %arg7[%dma_wait3A_646] : memref<10240xf32, #tpu.memory_space<vmem_shared>> -> memref<10240xf32, #tpu.memory_space<vmem_shared>>
        tpu.wait_indirect_dma semaphore(%arg8 : memref<!tpu.dma_semaphore, #tpu.memory_space<semaphore_mem>>) src(%arg5 : memref<128xf32, #tpu.memory_space<vmem>>) dst(%dma_wait3A_647 : memref<10240xf32, #tpu.memory_space<vmem_shared>>)
        %dma_wait3A_648 = tpu.memref_slice %arg4[%mul3A_438] : memref<10240xi32, #tpu.memory_space<vmem>> -> memref<128xi32, #tpu.memory_space<vmem>>
        %dma_wait3A_649 = arith.constant 0 : i32
        %dma_wait3A_650 = tpu.memref_slice %arg7[%dma_wait3A_649] : memref<10240xf32, #tpu.memory_space<vmem_shared>> -> memref<10240xf32, #tpu.memory_space<vmem_shared>>
        tpu.wait_indirect_dma semaphore(%arg8 : memref<!tpu.dma_semaphore, #tpu.memory_space<semaphore_mem>>) src(%arg5 : memref<128xf32, #tpu.memory_space<vmem>>) dst(%dma_wait3A_650 : memref<10240xf32, #tpu.memory_space<vmem_shared>>)
        %dma_wait3A_651 = tpu.memref_slice %arg4[%mul3A_447] : memref<10240xi32, #tpu.memory_space<vmem>> -> memref<128xi32, #tpu.memory_space<vmem>>
        %dma_wait3A_652 = arith.constant 0 : i32
        %dma_wait3A_653 = tpu.memref_slice %arg7[%dma_wait3A_652] : memref<10240xf32, #tpu.memory_space<vmem_shared>> -> memref<10240xf32, #tpu.memory_space<vmem_shared>>
        tpu.wait_indirect_dma semaphore(%arg8 : memref<!tpu.dma_semaphore, #tpu.memory_space<semaphore_mem>>) src(%arg5 : memref<128xf32, #tpu.memory_space<vmem>>) dst(%dma_wait3A_653 : memref<10240xf32, #tpu.memory_space<vmem_shared>>)
        %dma_wait3A_654 = tpu.memref_slice %arg4[%mul3A_456] : memref<10240xi32, #tpu.memory_space<vmem>> -> memref<128xi32, #tpu.memory_space<vmem>>
        %dma_wait3A_655 = arith.constant 0 : i32
        %dma_wait3A_656 = tpu.memref_slice %arg7[%dma_wait3A_655] : memref<10240xf32, #tpu.memory_space<vmem_shared>> -> memref<10240xf32, #tpu.memory_space<vmem_shared>>
        tpu.wait_indirect_dma semaphore(%arg8 : memref<!tpu.dma_semaphore, #tpu.memory_space<semaphore_mem>>) src(%arg5 : memref<128xf32, #tpu.memory_space<vmem>>) dst(%dma_wait3A_656 : memref<10240xf32, #tpu.memory_space<vmem_shared>>)
        %dma_wait3A_657 = tpu.memref_slice %arg4[%mul3A_465] : memref<10240xi32, #tpu.memory_space<vmem>> -> memref<128xi32, #tpu.memory_space<vmem>>
        %dma_wait3A_658 = arith.constant 0 : i32
        %dma_wait3A_659 = tpu.memref_slice %arg7[%dma_wait3A_658] : memref<10240xf32, #tpu.memory_space<vmem_shared>> -> memref<10240xf32, #tpu.memory_space<vmem_shared>>
        tpu.wait_indirect_dma semaphore(%arg8 : memref<!tpu.dma_semaphore, #tpu.memory_space<semaphore_mem>>) src(%arg5 : memref<128xf32, #tpu.memory_space<vmem>>) dst(%dma_wait3A_659 : memref<10240xf32, #tpu.memory_space<vmem_shared>>)
        %dma_wait3A_660 = tpu.memref_slice %arg4[%mul3A_474] : memref<10240xi32, #tpu.memory_space<vmem>> -> memref<128xi32, #tpu.memory_space<vmem>>
        %dma_wait3A_661 = arith.constant 0 : i32
        %dma_wait3A_662 = tpu.memref_slice %arg7[%dma_wait3A_661] : memref<10240xf32, #tpu.memory_space<vmem_shared>> -> memref<10240xf32, #tpu.memory_space<vmem_shared>>
        tpu.wait_indirect_dma semaphore(%arg8 : memref<!tpu.dma_semaphore, #tpu.memory_space<semaphore_mem>>) src(%arg5 : memref<128xf32, #tpu.memory_space<vmem>>) dst(%dma_wait3A_662 : memref<10240xf32, #tpu.memory_space<vmem_shared>>)
        %dma_wait3A_663 = tpu.memref_slice %arg4[%mul3A_483] : memref<10240xi32, #tpu.memory_space<vmem>> -> memref<128xi32, #tpu.memory_space<vmem>>
        %dma_wait3A_664 = arith.constant 0 : i32
        %dma_wait3A_665 = tpu.memref_slice %arg7[%dma_wait3A_664] : memref<10240xf32, #tpu.memory_space<vmem_shared>> -> memref<10240xf32, #tpu.memory_space<vmem_shared>>
        tpu.wait_indirect_dma semaphore(%arg8 : memref<!tpu.dma_semaphore, #tpu.memory_space<semaphore_mem>>) src(%arg5 : memref<128xf32, #tpu.memory_space<vmem>>) dst(%dma_wait3A_665 : memref<10240xf32, #tpu.memory_space<vmem_shared>>)
        %dma_wait3A_666 = tpu.memref_slice %arg4[%mul3A_492] : memref<10240xi32, #tpu.memory_space<vmem>> -> memref<128xi32, #tpu.memory_space<vmem>>
        %dma_wait3A_667 = arith.constant 0 : i32
        %dma_wait3A_668 = tpu.memref_slice %arg7[%dma_wait3A_667] : memref<10240xf32, #tpu.memory_space<vmem_shared>> -> memref<10240xf32, #tpu.memory_space<vmem_shared>>
        tpu.wait_indirect_dma semaphore(%arg8 : memref<!tpu.dma_semaphore, #tpu.memory_space<semaphore_mem>>) src(%arg5 : memref<128xf32, #tpu.memory_space<vmem>>) dst(%dma_wait3A_668 : memref<10240xf32, #tpu.memory_space<vmem_shared>>)
        %dma_wait3A_669 = tpu.memref_slice %arg4[%mul3A_501] : memref<10240xi32, #tpu.memory_space<vmem>> -> memref<128xi32, #tpu.memory_space<vmem>>
        %dma_wait3A_670 = arith.constant 0 : i32
        %dma_wait3A_671 = tpu.memref_slice %arg7[%dma_wait3A_670] : memref<10240xf32, #tpu.memory_space<vmem_shared>> -> memref<10240xf32, #tpu.memory_space<vmem_shared>>
        tpu.wait_indirect_dma semaphore(%arg8 : memref<!tpu.dma_semaphore, #tpu.memory_space<semaphore_mem>>) src(%arg5 : memref<128xf32, #tpu.memory_space<vmem>>) dst(%dma_wait3A_671 : memref<10240xf32, #tpu.memory_space<vmem_shared>>)
        %dma_wait3A_672 = tpu.memref_slice %arg4[%mul3A_510] : memref<10240xi32, #tpu.memory_space<vmem>> -> memref<128xi32, #tpu.memory_space<vmem>>
        %dma_wait3A_673 = arith.constant 0 : i32
        %dma_wait3A_674 = tpu.memref_slice %arg7[%dma_wait3A_673] : memref<10240xf32, #tpu.memory_space<vmem_shared>> -> memref<10240xf32, #tpu.memory_space<vmem_shared>>
        tpu.wait_indirect_dma semaphore(%arg8 : memref<!tpu.dma_semaphore, #tpu.memory_space<semaphore_mem>>) src(%arg5 : memref<128xf32, #tpu.memory_space<vmem>>) dst(%dma_wait3A_674 : memref<10240xf32, #tpu.memory_space<vmem_shared>>)
        %dma_wait3A_675 = tpu.memref_slice %arg4[%mul3A_519] : memref<10240xi32, #tpu.memory_space<vmem>> -> memref<128xi32, #tpu.memory_space<vmem>>
        %dma_wait3A_676 = arith.constant 0 : i32
        %dma_wait3A_677 = tpu.memref_slice %arg7[%dma_wait3A_676] : memref<10240xf32, #tpu.memory_space<vmem_shared>> -> memref<10240xf32, #tpu.memory_space<vmem_shared>>
        tpu.wait_indirect_dma semaphore(%arg8 : memref<!tpu.dma_semaphore, #tpu.memory_space<semaphore_mem>>) src(%arg5 : memref<128xf32, #tpu.memory_space<vmem>>) dst(%dma_wait3A_677 : memref<10240xf32, #tpu.memory_space<vmem_shared>>)
        %dma_wait3A_678 = tpu.memref_slice %arg4[%mul3A_528] : memref<10240xi32, #tpu.memory_space<vmem>> -> memref<128xi32, #tpu.memory_space<vmem>>
        %dma_wait3A_679 = arith.constant 0 : i32
        %dma_wait3A_680 = tpu.memref_slice %arg7[%dma_wait3A_679] : memref<10240xf32, #tpu.memory_space<vmem_shared>> -> memref<10240xf32, #tpu.memory_space<vmem_shared>>
        tpu.wait_indirect_dma semaphore(%arg8 : memref<!tpu.dma_semaphore, #tpu.memory_space<semaphore_mem>>) src(%arg5 : memref<128xf32, #tpu.memory_space<vmem>>) dst(%dma_wait3A_680 : memref<10240xf32, #tpu.memory_space<vmem_shared>>)
        %dma_wait3A_681 = tpu.memref_slice %arg4[%mul3A_537] : memref<10240xi32, #tpu.memory_space<vmem>> -> memref<128xi32, #tpu.memory_space<vmem>>
        %dma_wait3A_682 = arith.constant 0 : i32
        %dma_wait3A_683 = tpu.memref_slice %arg7[%dma_wait3A_682] : memref<10240xf32, #tpu.memory_space<vmem_shared>> -> memref<10240xf32, #tpu.memory_space<vmem_shared>>
        tpu.wait_indirect_dma semaphore(%arg8 : memref<!tpu.dma_semaphore, #tpu.memory_space<semaphore_mem>>) src(%arg5 : memref<128xf32, #tpu.memory_space<vmem>>) dst(%dma_wait3A_683 : memref<10240xf32, #tpu.memory_space<vmem_shared>>)
        %dma_wait3A_684 = tpu.memref_slice %arg4[%mul3A_546] : memref<10240xi32, #tpu.memory_space<vmem>> -> memref<128xi32, #tpu.memory_space<vmem>>
        %dma_wait3A_685 = arith.constant 0 : i32
        %dma_wait3A_686 = tpu.memref_slice %arg7[%dma_wait3A_685] : memref<10240xf32, #tpu.memory_space<vmem_shared>> -> memref<10240xf32, #tpu.memory_space<vmem_shared>>
        tpu.wait_indirect_dma semaphore(%arg8 : memref<!tpu.dma_semaphore, #tpu.memory_space<semaphore_mem>>) src(%arg5 : memref<128xf32, #tpu.memory_space<vmem>>) dst(%dma_wait3A_686 : memref<10240xf32, #tpu.memory_space<vmem_shared>>)
        %dma_wait3A_687 = tpu.memref_slice %arg4[%mul3A_555] : memref<10240xi32, #tpu.memory_space<vmem>> -> memref<128xi32, #tpu.memory_space<vmem>>
        %dma_wait3A_688 = arith.constant 0 : i32
        %dma_wait3A_689 = tpu.memref_slice %arg7[%dma_wait3A_688] : memref<10240xf32, #tpu.memory_space<vmem_shared>> -> memref<10240xf32, #tpu.memory_space<vmem_shared>>
        tpu.wait_indirect_dma semaphore(%arg8 : memref<!tpu.dma_semaphore, #tpu.memory_space<semaphore_mem>>) src(%arg5 : memref<128xf32, #tpu.memory_space<vmem>>) dst(%dma_wait3A_689 : memref<10240xf32, #tpu.memory_space<vmem_shared>>)
        %dma_wait3A_690 = tpu.memref_slice %arg4[%mul3A_564] : memref<10240xi32, #tpu.memory_space<vmem>> -> memref<128xi32, #tpu.memory_space<vmem>>
        %dma_wait3A_691 = arith.constant 0 : i32
        %dma_wait3A_692 = tpu.memref_slice %arg7[%dma_wait3A_691] : memref<10240xf32, #tpu.memory_space<vmem_shared>> -> memref<10240xf32, #tpu.memory_space<vmem_shared>>
        tpu.wait_indirect_dma semaphore(%arg8 : memref<!tpu.dma_semaphore, #tpu.memory_space<semaphore_mem>>) src(%arg5 : memref<128xf32, #tpu.memory_space<vmem>>) dst(%dma_wait3A_692 : memref<10240xf32, #tpu.memory_space<vmem_shared>>)
        %dma_wait3A_693 = tpu.memref_slice %arg4[%mul3A_573] : memref<10240xi32, #tpu.memory_space<vmem>> -> memref<128xi32, #tpu.memory_space<vmem>>
        %dma_wait3A_694 = arith.constant 0 : i32
        %dma_wait3A_695 = tpu.memref_slice %arg7[%dma_wait3A_694] : memref<10240xf32, #tpu.memory_space<vmem_shared>> -> memref<10240xf32, #tpu.memory_space<vmem_shared>>
        tpu.wait_indirect_dma semaphore(%arg8 : memref<!tpu.dma_semaphore, #tpu.memory_space<semaphore_mem>>) src(%arg5 : memref<128xf32, #tpu.memory_space<vmem>>) dst(%dma_wait3A_695 : memref<10240xf32, #tpu.memory_space<vmem_shared>>)
      }
      %scan3A_216 = arith.constant 2 : i32
    } else {
    }
    %convert_element_type3A_204 = arith.extui %eq3A_1 : i1 to i32
    %cond3A_205 = arith.constant 0 : i32
    %cond3A_206 = arith.cmpi ne, %convert_element_type3A_204, %cond3A_205 : i32
    scf.if %cond3A_206 {
      %dma_start3A = arith.constant 0 : i32
      %dma_start3A_212 = tpu.memref_slice %arg4[%dma_start3A] : memref<10240xi32, #tpu.memory_space<vmem>> -> memref<128xi32, #tpu.memory_space<vmem>>
      %dma_start3A_213 = arith.constant 0 : i32
      %dma_start3A_214 = tpu.memref_slice %arg7[%dma_start3A_213] : memref<10240xf32, #tpu.memory_space<vmem_shared>> -> memref<10240xf32, #tpu.memory_space<vmem_shared>>
      tpu.enqueue_indirect_dma source(%arg5 : memref<128xf32, #tpu.memory_space<vmem>>) target(%dma_start3A_214 : memref<10240xf32, #tpu.memory_space<vmem_shared>>) offsets(%dma_start3A_212 : memref<128xi32, #tpu.memory_space<vmem>>) semaphore(%arg8 : memref<!tpu.dma_semaphore, #tpu.memory_space<semaphore_mem>>) {add = true}
      %dma_start3A_215 = arith.constant 128 : i32
      %dma_start3A_216 = tpu.memref_slice %arg4[%dma_start3A_215] : memref<10240xi32, #tpu.memory_space<vmem>> -> memref<128xi32, #tpu.memory_space<vmem>>
      %dma_start3A_217 = arith.constant 0 : i32
      %dma_start3A_218 = tpu.memref_slice %arg7[%dma_start3A_217] : memref<10240xf32, #tpu.memory_space<vmem_shared>> -> memref<10240xf32, #tpu.memory_space<vmem_shared>>
      tpu.enqueue_indirect_dma source(%arg5 : memref<128xf32, #tpu.memory_space<vmem>>) target(%dma_start3A_218 : memref<10240xf32, #tpu.memory_space<vmem_shared>>) offsets(%dma_start3A_216 : memref<128xi32, #tpu.memory_space<vmem>>) semaphore(%arg8 : memref<!tpu.dma_semaphore, #tpu.memory_space<semaphore_mem>>) {add = true}
      %dma_start3A_219 = arith.constant 256 : i32
      %dma_start3A_220 = tpu.memref_slice %arg4[%dma_start3A_219] : memref<10240xi32, #tpu.memory_space<vmem>> -> memref<128xi32, #tpu.memory_space<vmem>>
      %dma_start3A_221 = arith.constant 0 : i32
      %dma_start3A_222 = tpu.memref_slice %arg7[%dma_start3A_221] : memref<10240xf32, #tpu.memory_space<vmem_shared>> -> memref<10240xf32, #tpu.memory_space<vmem_shared>>
      tpu.enqueue_indirect_dma source(%arg5 : memref<128xf32, #tpu.memory_space<vmem>>) target(%dma_start3A_222 : memref<10240xf32, #tpu.memory_space<vmem_shared>>) offsets(%dma_start3A_220 : memref<128xi32, #tpu.memory_space<vmem>>) semaphore(%arg8 : memref<!tpu.dma_semaphore, #tpu.memory_space<semaphore_mem>>) {add = true}
      %dma_start3A_223 = arith.constant 384 : i32
      %dma_start3A_224 = tpu.memref_slice %arg4[%dma_start3A_223] : memref<10240xi32, #tpu.memory_space<vmem>> -> memref<128xi32, #tpu.memory_space<vmem>>
      %dma_start3A_225 = arith.constant 0 : i32
      %dma_start3A_226 = tpu.memref_slice %arg7[%dma_start3A_225] : memref<10240xf32, #tpu.memory_space<vmem_shared>> -> memref<10240xf32, #tpu.memory_space<vmem_shared>>
      tpu.enqueue_indirect_dma source(%arg5 : memref<128xf32, #tpu.memory_space<vmem>>) target(%dma_start3A_226 : memref<10240xf32, #tpu.memory_space<vmem_shared>>) offsets(%dma_start3A_224 : memref<128xi32, #tpu.memory_space<vmem>>) semaphore(%arg8 : memref<!tpu.dma_semaphore, #tpu.memory_space<semaphore_mem>>) {add = true}
      %dma_start3A_227 = arith.constant 512 : i32
      %dma_start3A_228 = tpu.memref_slice %arg4[%dma_start3A_227] : memref<10240xi32, #tpu.memory_space<vmem>> -> memref<128xi32, #tpu.memory_space<vmem>>
      %dma_start3A_229 = arith.constant 0 : i32
      %dma_start3A_230 = tpu.memref_slice %arg7[%dma_start3A_229] : memref<10240xf32, #tpu.memory_space<vmem_shared>> -> memref<10240xf32, #tpu.memory_space<vmem_shared>>
      tpu.enqueue_indirect_dma source(%arg5 : memref<128xf32, #tpu.memory_space<vmem>>) target(%dma_start3A_230 : memref<10240xf32, #tpu.memory_space<vmem_shared>>) offsets(%dma_start3A_228 : memref<128xi32, #tpu.memory_space<vmem>>) semaphore(%arg8 : memref<!tpu.dma_semaphore, #tpu.memory_space<semaphore_mem>>) {add = true}
      %dma_start3A_231 = arith.constant 640 : i32
      %dma_start3A_232 = tpu.memref_slice %arg4[%dma_start3A_231] : memref<10240xi32, #tpu.memory_space<vmem>> -> memref<128xi32, #tpu.memory_space<vmem>>
      %dma_start3A_233 = arith.constant 0 : i32
      %dma_start3A_234 = tpu.memref_slice %arg7[%dma_start3A_233] : memref<10240xf32, #tpu.memory_space<vmem_shared>> -> memref<10240xf32, #tpu.memory_space<vmem_shared>>
      tpu.enqueue_indirect_dma source(%arg5 : memref<128xf32, #tpu.memory_space<vmem>>) target(%dma_start3A_234 : memref<10240xf32, #tpu.memory_space<vmem_shared>>) offsets(%dma_start3A_232 : memref<128xi32, #tpu.memory_space<vmem>>) semaphore(%arg8 : memref<!tpu.dma_semaphore, #tpu.memory_space<semaphore_mem>>) {add = true}
      %dma_start3A_235 = arith.constant 768 : i32
      %dma_start3A_236 = tpu.memref_slice %arg4[%dma_start3A_235] : memref<10240xi32, #tpu.memory_space<vmem>> -> memref<128xi32, #tpu.memory_space<vmem>>
      %dma_start3A_237 = arith.constant 0 : i32
      %dma_start3A_238 = tpu.memref_slice %arg7[%dma_start3A_237] : memref<10240xf32, #tpu.memory_space<vmem_shared>> -> memref<10240xf32, #tpu.memory_space<vmem_shared>>
      tpu.enqueue_indirect_dma source(%arg5 : memref<128xf32, #tpu.memory_space<vmem>>) target(%dma_start3A_238 : memref<10240xf32, #tpu.memory_space<vmem_shared>>) offsets(%dma_start3A_236 : memref<128xi32, #tpu.memory_space<vmem>>) semaphore(%arg8 : memref<!tpu.dma_semaphore, #tpu.memory_space<semaphore_mem>>) {add = true}
      %dma_start3A_239 = arith.constant 896 : i32
      %dma_start3A_240 = tpu.memref_slice %arg4[%dma_start3A_239] : memref<10240xi32, #tpu.memory_space<vmem>> -> memref<128xi32, #tpu.memory_space<vmem>>
      %dma_start3A_241 = arith.constant 0 : i32
      %dma_start3A_242 = tpu.memref_slice %arg7[%dma_start3A_241] : memref<10240xf32, #tpu.memory_space<vmem_shared>> -> memref<10240xf32, #tpu.memory_space<vmem_shared>>
      tpu.enqueue_indirect_dma source(%arg5 : memref<128xf32, #tpu.memory_space<vmem>>) target(%dma_start3A_242 : memref<10240xf32, #tpu.memory_space<vmem_shared>>) offsets(%dma_start3A_240 : memref<128xi32, #tpu.memory_space<vmem>>) semaphore(%arg8 : memref<!tpu.dma_semaphore, #tpu.memory_space<semaphore_mem>>) {add = true}
      %dma_start3A_243 = arith.constant 1024 : i32
      %dma_start3A_244 = tpu.memref_slice %arg4[%dma_start3A_243] : memref<10240xi32, #tpu.memory_space<vmem>> -> memref<128xi32, #tpu.memory_space<vmem>>
      %dma_start3A_245 = arith.constant 0 : i32
      %dma_start3A_246 = tpu.memref_slice %arg7[%dma_start3A_245] : memref<10240xf32, #tpu.memory_space<vmem_shared>> -> memref<10240xf32, #tpu.memory_space<vmem_shared>>
      tpu.enqueue_indirect_dma source(%arg5 : memref<128xf32, #tpu.memory_space<vmem>>) target(%dma_start3A_246 : memref<10240xf32, #tpu.memory_space<vmem_shared>>) offsets(%dma_start3A_244 : memref<128xi32, #tpu.memory_space<vmem>>) semaphore(%arg8 : memref<!tpu.dma_semaphore, #tpu.memory_space<semaphore_mem>>) {add = true}
      %dma_start3A_247 = arith.constant 1152 : i32
      %dma_start3A_248 = tpu.memref_slice %arg4[%dma_start3A_247] : memref<10240xi32, #tpu.memory_space<vmem>> -> memref<128xi32, #tpu.memory_space<vmem>>
      %dma_start3A_249 = arith.constant 0 : i32
      %dma_start3A_250 = tpu.memref_slice %arg7[%dma_start3A_249] : memref<10240xf32, #tpu.memory_space<vmem_shared>> -> memref<10240xf32, #tpu.memory_space<vmem_shared>>
      tpu.enqueue_indirect_dma source(%arg5 : memref<128xf32, #tpu.memory_space<vmem>>) target(%dma_start3A_250 : memref<10240xf32, #tpu.memory_space<vmem_shared>>) offsets(%dma_start3A_248 : memref<128xi32, #tpu.memory_space<vmem>>) semaphore(%arg8 : memref<!tpu.dma_semaphore, #tpu.memory_space<semaphore_mem>>) {add = true}
      %dma_start3A_251 = arith.constant 1280 : i32
      %dma_start3A_252 = tpu.memref_slice %arg4[%dma_start3A_251] : memref<10240xi32, #tpu.memory_space<vmem>> -> memref<128xi32, #tpu.memory_space<vmem>>
      %dma_start3A_253 = arith.constant 0 : i32
      %dma_start3A_254 = tpu.memref_slice %arg7[%dma_start3A_253] : memref<10240xf32, #tpu.memory_space<vmem_shared>> -> memref<10240xf32, #tpu.memory_space<vmem_shared>>
      tpu.enqueue_indirect_dma source(%arg5 : memref<128xf32, #tpu.memory_space<vmem>>) target(%dma_start3A_254 : memref<10240xf32, #tpu.memory_space<vmem_shared>>) offsets(%dma_start3A_252 : memref<128xi32, #tpu.memory_space<vmem>>) semaphore(%arg8 : memref<!tpu.dma_semaphore, #tpu.memory_space<semaphore_mem>>) {add = true}
      %dma_start3A_255 = arith.constant 1408 : i32
      %dma_start3A_256 = tpu.memref_slice %arg4[%dma_start3A_255] : memref<10240xi32, #tpu.memory_space<vmem>> -> memref<128xi32, #tpu.memory_space<vmem>>
      %dma_start3A_257 = arith.constant 0 : i32
      %dma_start3A_258 = tpu.memref_slice %arg7[%dma_start3A_257] : memref<10240xf32, #tpu.memory_space<vmem_shared>> -> memref<10240xf32, #tpu.memory_space<vmem_shared>>
      tpu.enqueue_indirect_dma source(%arg5 : memref<128xf32, #tpu.memory_space<vmem>>) target(%dma_start3A_258 : memref<10240xf32, #tpu.memory_space<vmem_shared>>) offsets(%dma_start3A_256 : memref<128xi32, #tpu.memory_space<vmem>>) semaphore(%arg8 : memref<!tpu.dma_semaphore, #tpu.memory_space<semaphore_mem>>) {add = true}
      %dma_start3A_259 = arith.constant 1536 : i32
      %dma_start3A_260 = tpu.memref_slice %arg4[%dma_start3A_259] : memref<10240xi32, #tpu.memory_space<vmem>> -> memref<128xi32, #tpu.memory_space<vmem>>
      %dma_start3A_261 = arith.constant 0 : i32
      %dma_start3A_262 = tpu.memref_slice %arg7[%dma_start3A_261] : memref<10240xf32, #tpu.memory_space<vmem_shared>> -> memref<10240xf32, #tpu.memory_space<vmem_shared>>
      tpu.enqueue_indirect_dma source(%arg5 : memref<128xf32, #tpu.memory_space<vmem>>) target(%dma_start3A_262 : memref<10240xf32, #tpu.memory_space<vmem_shared>>) offsets(%dma_start3A_260 : memref<128xi32, #tpu.memory_space<vmem>>) semaphore(%arg8 : memref<!tpu.dma_semaphore, #tpu.memory_space<semaphore_mem>>) {add = true}
      %dma_start3A_263 = arith.constant 1664 : i32
      %dma_start3A_264 = tpu.memref_slice %arg4[%dma_start3A_263] : memref<10240xi32, #tpu.memory_space<vmem>> -> memref<128xi32, #tpu.memory_space<vmem>>
      %dma_start3A_265 = arith.constant 0 : i32
      %dma_start3A_266 = tpu.memref_slice %arg7[%dma_start3A_265] : memref<10240xf32, #tpu.memory_space<vmem_shared>> -> memref<10240xf32, #tpu.memory_space<vmem_shared>>
      tpu.enqueue_indirect_dma source(%arg5 : memref<128xf32, #tpu.memory_space<vmem>>) target(%dma_start3A_266 : memref<10240xf32, #tpu.memory_space<vmem_shared>>) offsets(%dma_start3A_264 : memref<128xi32, #tpu.memory_space<vmem>>) semaphore(%arg8 : memref<!tpu.dma_semaphore, #tpu.memory_space<semaphore_mem>>) {add = true}
      %dma_start3A_267 = arith.constant 1792 : i32
      %dma_start3A_268 = tpu.memref_slice %arg4[%dma_start3A_267] : memref<10240xi32, #tpu.memory_space<vmem>> -> memref<128xi32, #tpu.memory_space<vmem>>
      %dma_start3A_269 = arith.constant 0 : i32
      %dma_start3A_270 = tpu.memref_slice %arg7[%dma_start3A_269] : memref<10240xf32, #tpu.memory_space<vmem_shared>> -> memref<10240xf32, #tpu.memory_space<vmem_shared>>
      tpu.enqueue_indirect_dma source(%arg5 : memref<128xf32, #tpu.memory_space<vmem>>) target(%dma_start3A_270 : memref<10240xf32, #tpu.memory_space<vmem_shared>>) offsets(%dma_start3A_268 : memref<128xi32, #tpu.memory_space<vmem>>) semaphore(%arg8 : memref<!tpu.dma_semaphore, #tpu.memory_space<semaphore_mem>>) {add = true}
      %dma_start3A_271 = arith.constant 1920 : i32
      %dma_start3A_272 = tpu.memref_slice %arg4[%dma_start3A_271] : memref<10240xi32, #tpu.memory_space<vmem>> -> memref<128xi32, #tpu.memory_space<vmem>>
      %dma_start3A_273 = arith.constant 0 : i32
      %dma_start3A_274 = tpu.memref_slice %arg7[%dma_start3A_273] : memref<10240xf32, #tpu.memory_space<vmem_shared>> -> memref<10240xf32, #tpu.memory_space<vmem_shared>>
      tpu.enqueue_indirect_dma source(%arg5 : memref<128xf32, #tpu.memory_space<vmem>>) target(%dma_start3A_274 : memref<10240xf32, #tpu.memory_space<vmem_shared>>) offsets(%dma_start3A_272 : memref<128xi32, #tpu.memory_space<vmem>>) semaphore(%arg8 : memref<!tpu.dma_semaphore, #tpu.memory_space<semaphore_mem>>) {add = true}
      %dma_start3A_275 = arith.constant 2048 : i32
      %dma_start3A_276 = tpu.memref_slice %arg4[%dma_start3A_275] : memref<10240xi32, #tpu.memory_space<vmem>> -> memref<128xi32, #tpu.memory_space<vmem>>
      %dma_start3A_277 = arith.constant 0 : i32
      %dma_start3A_278 = tpu.memref_slice %arg7[%dma_start3A_277] : memref<10240xf32, #tpu.memory_space<vmem_shared>> -> memref<10240xf32, #tpu.memory_space<vmem_shared>>
      tpu.enqueue_indirect_dma source(%arg5 : memref<128xf32, #tpu.memory_space<vmem>>) target(%dma_start3A_278 : memref<10240xf32, #tpu.memory_space<vmem_shared>>) offsets(%dma_start3A_276 : memref<128xi32, #tpu.memory_space<vmem>>) semaphore(%arg8 : memref<!tpu.dma_semaphore, #tpu.memory_space<semaphore_mem>>) {add = true}
      %dma_start3A_279 = arith.constant 2176 : i32
      %dma_start3A_280 = tpu.memref_slice %arg4[%dma_start3A_279] : memref<10240xi32, #tpu.memory_space<vmem>> -> memref<128xi32, #tpu.memory_space<vmem>>
      %dma_start3A_281 = arith.constant 0 : i32
      %dma_start3A_282 = tpu.memref_slice %arg7[%dma_start3A_281] : memref<10240xf32, #tpu.memory_space<vmem_shared>> -> memref<10240xf32, #tpu.memory_space<vmem_shared>>
      tpu.enqueue_indirect_dma source(%arg5 : memref<128xf32, #tpu.memory_space<vmem>>) target(%dma_start3A_282 : memref<10240xf32, #tpu.memory_space<vmem_shared>>) offsets(%dma_start3A_280 : memref<128xi32, #tpu.memory_space<vmem>>) semaphore(%arg8 : memref<!tpu.dma_semaphore, #tpu.memory_space<semaphore_mem>>) {add = true}
      %dma_start3A_283 = arith.constant 2304 : i32
      %dma_start3A_284 = tpu.memref_slice %arg4[%dma_start3A_283] : memref<10240xi32, #tpu.memory_space<vmem>> -> memref<128xi32, #tpu.memory_space<vmem>>
      %dma_start3A_285 = arith.constant 0 : i32
      %dma_start3A_286 = tpu.memref_slice %arg7[%dma_start3A_285] : memref<10240xf32, #tpu.memory_space<vmem_shared>> -> memref<10240xf32, #tpu.memory_space<vmem_shared>>
      tpu.enqueue_indirect_dma source(%arg5 : memref<128xf32, #tpu.memory_space<vmem>>) target(%dma_start3A_286 : memref<10240xf32, #tpu.memory_space<vmem_shared>>) offsets(%dma_start3A_284 : memref<128xi32, #tpu.memory_space<vmem>>) semaphore(%arg8 : memref<!tpu.dma_semaphore, #tpu.memory_space<semaphore_mem>>) {add = true}
      %dma_start3A_287 = arith.constant 2432 : i32
      %dma_start3A_288 = tpu.memref_slice %arg4[%dma_start3A_287] : memref<10240xi32, #tpu.memory_space<vmem>> -> memref<128xi32, #tpu.memory_space<vmem>>
      %dma_start3A_289 = arith.constant 0 : i32
      %dma_start3A_290 = tpu.memref_slice %arg7[%dma_start3A_289] : memref<10240xf32, #tpu.memory_space<vmem_shared>> -> memref<10240xf32, #tpu.memory_space<vmem_shared>>
      tpu.enqueue_indirect_dma source(%arg5 : memref<128xf32, #tpu.memory_space<vmem>>) target(%dma_start3A_290 : memref<10240xf32, #tpu.memory_space<vmem_shared>>) offsets(%dma_start3A_288 : memref<128xi32, #tpu.memory_space<vmem>>) semaphore(%arg8 : memref<!tpu.dma_semaphore, #tpu.memory_space<semaphore_mem>>) {add = true}
      %dma_wait3A = arith.constant 0 : i32
      %dma_wait3A_291 = tpu.memref_slice %arg4[%dma_wait3A] : memref<10240xi32, #tpu.memory_space<vmem>> -> memref<128xi32, #tpu.memory_space<vmem>>
      %dma_wait3A_292 = arith.constant 0 : i32
      %dma_wait3A_293 = tpu.memref_slice %arg7[%dma_wait3A_292] : memref<10240xf32, #tpu.memory_space<vmem_shared>> -> memref<10240xf32, #tpu.memory_space<vmem_shared>>
      tpu.wait_indirect_dma semaphore(%arg8 : memref<!tpu.dma_semaphore, #tpu.memory_space<semaphore_mem>>) src(%arg5 : memref<128xf32, #tpu.memory_space<vmem>>) dst(%dma_wait3A_293 : memref<10240xf32, #tpu.memory_space<vmem_shared>>)
      %dma_wait3A_294 = arith.constant 128 : i32
      %dma_wait3A_295 = tpu.memref_slice %arg4[%dma_wait3A_294] : memref<10240xi32, #tpu.memory_space<vmem>> -> memref<128xi32, #tpu.memory_space<vmem>>
      %dma_wait3A_296 = arith.constant 0 : i32
      %dma_wait3A_297 = tpu.memref_slice %arg7[%dma_wait3A_296] : memref<10240xf32, #tpu.memory_space<vmem_shared>> -> memref<10240xf32, #tpu.memory_space<vmem_shared>>
      tpu.wait_indirect_dma semaphore(%arg8 : memref<!tpu.dma_semaphore, #tpu.memory_space<semaphore_mem>>) src(%arg5 : memref<128xf32, #tpu.memory_space<vmem>>) dst(%dma_wait3A_297 : memref<10240xf32, #tpu.memory_space<vmem_shared>>)
      %dma_wait3A_298 = arith.constant 256 : i32
      %dma_wait3A_299 = tpu.memref_slice %arg4[%dma_wait3A_298] : memref<10240xi32, #tpu.memory_space<vmem>> -> memref<128xi32, #tpu.memory_space<vmem>>
      %dma_wait3A_300 = arith.constant 0 : i32
      %dma_wait3A_301 = tpu.memref_slice %arg7[%dma_wait3A_300] : memref<10240xf32, #tpu.memory_space<vmem_shared>> -> memref<10240xf32, #tpu.memory_space<vmem_shared>>
      tpu.wait_indirect_dma semaphore(%arg8 : memref<!tpu.dma_semaphore, #tpu.memory_space<semaphore_mem>>) src(%arg5 : memref<128xf32, #tpu.memory_space<vmem>>) dst(%dma_wait3A_301 : memref<10240xf32, #tpu.memory_space<vmem_shared>>)
      %dma_wait3A_302 = arith.constant 384 : i32
      %dma_wait3A_303 = tpu.memref_slice %arg4[%dma_wait3A_302] : memref<10240xi32, #tpu.memory_space<vmem>> -> memref<128xi32, #tpu.memory_space<vmem>>
      %dma_wait3A_304 = arith.constant 0 : i32
      %dma_wait3A_305 = tpu.memref_slice %arg7[%dma_wait3A_304] : memref<10240xf32, #tpu.memory_space<vmem_shared>> -> memref<10240xf32, #tpu.memory_space<vmem_shared>>
      tpu.wait_indirect_dma semaphore(%arg8 : memref<!tpu.dma_semaphore, #tpu.memory_space<semaphore_mem>>) src(%arg5 : memref<128xf32, #tpu.memory_space<vmem>>) dst(%dma_wait3A_305 : memref<10240xf32, #tpu.memory_space<vmem_shared>>)
      %dma_wait3A_306 = arith.constant 512 : i32
      %dma_wait3A_307 = tpu.memref_slice %arg4[%dma_wait3A_306] : memref<10240xi32, #tpu.memory_space<vmem>> -> memref<128xi32, #tpu.memory_space<vmem>>
      %dma_wait3A_308 = arith.constant 0 : i32
      %dma_wait3A_309 = tpu.memref_slice %arg7[%dma_wait3A_308] : memref<10240xf32, #tpu.memory_space<vmem_shared>> -> memref<10240xf32, #tpu.memory_space<vmem_shared>>
      tpu.wait_indirect_dma semaphore(%arg8 : memref<!tpu.dma_semaphore, #tpu.memory_space<semaphore_mem>>) src(%arg5 : memref<128xf32, #tpu.memory_space<vmem>>) dst(%dma_wait3A_309 : memref<10240xf32, #tpu.memory_space<vmem_shared>>)
      %dma_wait3A_310 = arith.constant 640 : i32
      %dma_wait3A_311 = tpu.memref_slice %arg4[%dma_wait3A_310] : memref<10240xi32, #tpu.memory_space<vmem>> -> memref<128xi32, #tpu.memory_space<vmem>>
      %dma_wait3A_312 = arith.constant 0 : i32
      %dma_wait3A_313 = tpu.memref_slice %arg7[%dma_wait3A_312] : memref<10240xf32, #tpu.memory_space<vmem_shared>> -> memref<10240xf32, #tpu.memory_space<vmem_shared>>
      tpu.wait_indirect_dma semaphore(%arg8 : memref<!tpu.dma_semaphore, #tpu.memory_space<semaphore_mem>>) src(%arg5 : memref<128xf32, #tpu.memory_space<vmem>>) dst(%dma_wait3A_313 : memref<10240xf32, #tpu.memory_space<vmem_shared>>)
      %dma_wait3A_314 = arith.constant 768 : i32
      %dma_wait3A_315 = tpu.memref_slice %arg4[%dma_wait3A_314] : memref<10240xi32, #tpu.memory_space<vmem>> -> memref<128xi32, #tpu.memory_space<vmem>>
      %dma_wait3A_316 = arith.constant 0 : i32
      %dma_wait3A_317 = tpu.memref_slice %arg7[%dma_wait3A_316] : memref<10240xf32, #tpu.memory_space<vmem_shared>> -> memref<10240xf32, #tpu.memory_space<vmem_shared>>
      tpu.wait_indirect_dma semaphore(%arg8 : memref<!tpu.dma_semaphore, #tpu.memory_space<semaphore_mem>>) src(%arg5 : memref<128xf32, #tpu.memory_space<vmem>>) dst(%dma_wait3A_317 : memref<10240xf32, #tpu.memory_space<vmem_shared>>)
      %dma_wait3A_318 = arith.constant 896 : i32
      %dma_wait3A_319 = tpu.memref_slice %arg4[%dma_wait3A_318] : memref<10240xi32, #tpu.memory_space<vmem>> -> memref<128xi32, #tpu.memory_space<vmem>>
      %dma_wait3A_320 = arith.constant 0 : i32
      %dma_wait3A_321 = tpu.memref_slice %arg7[%dma_wait3A_320] : memref<10240xf32, #tpu.memory_space<vmem_shared>> -> memref<10240xf32, #tpu.memory_space<vmem_shared>>
      tpu.wait_indirect_dma semaphore(%arg8 : memref<!tpu.dma_semaphore, #tpu.memory_space<semaphore_mem>>) src(%arg5 : memref<128xf32, #tpu.memory_space<vmem>>) dst(%dma_wait3A_321 : memref<10240xf32, #tpu.memory_space<vmem_shared>>)
      %dma_wait3A_322 = arith.constant 1024 : i32
      %dma_wait3A_323 = tpu.memref_slice %arg4[%dma_wait3A_322] : memref<10240xi32, #tpu.memory_space<vmem>> -> memref<128xi32, #tpu.memory_space<vmem>>
      %dma_wait3A_324 = arith.constant 0 : i32
      %dma_wait3A_325 = tpu.memref_slice %arg7[%dma_wait3A_324] : memref<10240xf32, #tpu.memory_space<vmem_shared>> -> memref<10240xf32, #tpu.memory_space<vmem_shared>>
      tpu.wait_indirect_dma semaphore(%arg8 : memref<!tpu.dma_semaphore, #tpu.memory_space<semaphore_mem>>) src(%arg5 : memref<128xf32, #tpu.memory_space<vmem>>) dst(%dma_wait3A_325 : memref<10240xf32, #tpu.memory_space<vmem_shared>>)
      %dma_wait3A_326 = arith.constant 1152 : i32
      %dma_wait3A_327 = tpu.memref_slice %arg4[%dma_wait3A_326] : memref<10240xi32, #tpu.memory_space<vmem>> -> memref<128xi32, #tpu.memory_space<vmem>>
      %dma_wait3A_328 = arith.constant 0 : i32
      %dma_wait3A_329 = tpu.memref_slice %arg7[%dma_wait3A_328] : memref<10240xf32, #tpu.memory_space<vmem_shared>> -> memref<10240xf32, #tpu.memory_space<vmem_shared>>
      tpu.wait_indirect_dma semaphore(%arg8 : memref<!tpu.dma_semaphore, #tpu.memory_space<semaphore_mem>>) src(%arg5 : memref<128xf32, #tpu.memory_space<vmem>>) dst(%dma_wait3A_329 : memref<10240xf32, #tpu.memory_space<vmem_shared>>)
      %dma_wait3A_330 = arith.constant 1280 : i32
      %dma_wait3A_331 = tpu.memref_slice %arg4[%dma_wait3A_330] : memref<10240xi32, #tpu.memory_space<vmem>> -> memref<128xi32, #tpu.memory_space<vmem>>
      %dma_wait3A_332 = arith.constant 0 : i32
      %dma_wait3A_333 = tpu.memref_slice %arg7[%dma_wait3A_332] : memref<10240xf32, #tpu.memory_space<vmem_shared>> -> memref<10240xf32, #tpu.memory_space<vmem_shared>>
      tpu.wait_indirect_dma semaphore(%arg8 : memref<!tpu.dma_semaphore, #tpu.memory_space<semaphore_mem>>) src(%arg5 : memref<128xf32, #tpu.memory_space<vmem>>) dst(%dma_wait3A_333 : memref<10240xf32, #tpu.memory_space<vmem_shared>>)
      %dma_wait3A_334 = arith.constant 1408 : i32
      %dma_wait3A_335 = tpu.memref_slice %arg4[%dma_wait3A_334] : memref<10240xi32, #tpu.memory_space<vmem>> -> memref<128xi32, #tpu.memory_space<vmem>>
      %dma_wait3A_336 = arith.constant 0 : i32
      %dma_wait3A_337 = tpu.memref_slice %arg7[%dma_wait3A_336] : memref<10240xf32, #tpu.memory_space<vmem_shared>> -> memref<10240xf32, #tpu.memory_space<vmem_shared>>
      tpu.wait_indirect_dma semaphore(%arg8 : memref<!tpu.dma_semaphore, #tpu.memory_space<semaphore_mem>>) src(%arg5 : memref<128xf32, #tpu.memory_space<vmem>>) dst(%dma_wait3A_337 : memref<10240xf32, #tpu.memory_space<vmem_shared>>)
      %dma_wait3A_338 = arith.constant 1536 : i32
      %dma_wait3A_339 = tpu.memref_slice %arg4[%dma_wait3A_338] : memref<10240xi32, #tpu.memory_space<vmem>> -> memref<128xi32, #tpu.memory_space<vmem>>
      %dma_wait3A_340 = arith.constant 0 : i32
      %dma_wait3A_341 = tpu.memref_slice %arg7[%dma_wait3A_340] : memref<10240xf32, #tpu.memory_space<vmem_shared>> -> memref<10240xf32, #tpu.memory_space<vmem_shared>>
      tpu.wait_indirect_dma semaphore(%arg8 : memref<!tpu.dma_semaphore, #tpu.memory_space<semaphore_mem>>) src(%arg5 : memref<128xf32, #tpu.memory_space<vmem>>) dst(%dma_wait3A_341 : memref<10240xf32, #tpu.memory_space<vmem_shared>>)
      %dma_wait3A_342 = arith.constant 1664 : i32
      %dma_wait3A_343 = tpu.memref_slice %arg4[%dma_wait3A_342] : memref<10240xi32, #tpu.memory_space<vmem>> -> memref<128xi32, #tpu.memory_space<vmem>>
      %dma_wait3A_344 = arith.constant 0 : i32
      %dma_wait3A_345 = tpu.memref_slice %arg7[%dma_wait3A_344] : memref<10240xf32, #tpu.memory_space<vmem_shared>> -> memref<10240xf32, #tpu.memory_space<vmem_shared>>
      tpu.wait_indirect_dma semaphore(%arg8 : memref<!tpu.dma_semaphore, #tpu.memory_space<semaphore_mem>>) src(%arg5 : memref<128xf32, #tpu.memory_space<vmem>>) dst(%dma_wait3A_345 : memref<10240xf32, #tpu.memory_space<vmem_shared>>)
      %dma_wait3A_346 = arith.constant 1792 : i32
      %dma_wait3A_347 = tpu.memref_slice %arg4[%dma_wait3A_346] : memref<10240xi32, #tpu.memory_space<vmem>> -> memref<128xi32, #tpu.memory_space<vmem>>
      %dma_wait3A_348 = arith.constant 0 : i32
      %dma_wait3A_349 = tpu.memref_slice %arg7[%dma_wait3A_348] : memref<10240xf32, #tpu.memory_space<vmem_shared>> -> memref<10240xf32, #tpu.memory_space<vmem_shared>>
      tpu.wait_indirect_dma semaphore(%arg8 : memref<!tpu.dma_semaphore, #tpu.memory_space<semaphore_mem>>) src(%arg5 : memref<128xf32, #tpu.memory_space<vmem>>) dst(%dma_wait3A_349 : memref<10240xf32, #tpu.memory_space<vmem_shared>>)
      %dma_wait3A_350 = arith.constant 1920 : i32
      %dma_wait3A_351 = tpu.memref_slice %arg4[%dma_wait3A_350] : memref<10240xi32, #tpu.memory_space<vmem>> -> memref<128xi32, #tpu.memory_space<vmem>>
      %dma_wait3A_352 = arith.constant 0 : i32
      %dma_wait3A_353 = tpu.memref_slice %arg7[%dma_wait3A_352] : memref<10240xf32, #tpu.memory_space<vmem_shared>> -> memref<10240xf32, #tpu.memory_space<vmem_shared>>
      tpu.wait_indirect_dma semaphore(%arg8 : memref<!tpu.dma_semaphore, #tpu.memory_space<semaphore_mem>>) src(%arg5 : memref<128xf32, #tpu.memory_space<vmem>>) dst(%dma_wait3A_353 : memref<10240xf32, #tpu.memory_space<vmem_shared>>)
      %dma_wait3A_354 = arith.constant 2048 : i32
      %dma_wait3A_355 = tpu.memref_slice %arg4[%dma_wait3A_354] : memref<10240xi32, #tpu.memory_space<vmem>> -> memref<128xi32, #tpu.memory_space<vmem>>
      %dma_wait3A_356 = arith.constant 0 : i32
      %dma_wait3A_357 = tpu.memref_slice %arg7[%dma_wait3A_356] : memref<10240xf32, #tpu.memory_space<vmem_shared>> -> memref<10240xf32, #tpu.memory_space<vmem_shared>>
      tpu.wait_indirect_dma semaphore(%arg8 : memref<!tpu.dma_semaphore, #tpu.memory_space<semaphore_mem>>) src(%arg5 : memref<128xf32, #tpu.memory_space<vmem>>) dst(%dma_wait3A_357 : memref<10240xf32, #tpu.memory_space<vmem_shared>>)
      %dma_wait3A_358 = arith.constant 2176 : i32
      %dma_wait3A_359 = tpu.memref_slice %arg4[%dma_wait3A_358] : memref<10240xi32, #tpu.memory_space<vmem>> -> memref<128xi32, #tpu.memory_space<vmem>>
      %dma_wait3A_360 = arith.constant 0 : i32
      %dma_wait3A_361 = tpu.memref_slice %arg7[%dma_wait3A_360] : memref<10240xf32, #tpu.memory_space<vmem_shared>> -> memref<10240xf32, #tpu.memory_space<vmem_shared>>
      tpu.wait_indirect_dma semaphore(%arg8 : memref<!tpu.dma_semaphore, #tpu.memory_space<semaphore_mem>>) src(%arg5 : memref<128xf32, #tpu.memory_space<vmem>>) dst(%dma_wait3A_361 : memref<10240xf32, #tpu.memory_space<vmem_shared>>)
      %dma_wait3A_362 = arith.constant 2304 : i32
      %dma_wait3A_363 = tpu.memref_slice %arg4[%dma_wait3A_362] : memref<10240xi32, #tpu.memory_space<vmem>> -> memref<128xi32, #tpu.memory_space<vmem>>
      %dma_wait3A_364 = arith.constant 0 : i32
      %dma_wait3A_365 = tpu.memref_slice %arg7[%dma_wait3A_364] : memref<10240xf32, #tpu.memory_space<vmem_shared>> -> memref<10240xf32, #tpu.memory_space<vmem_shared>>
      tpu.wait_indirect_dma semaphore(%arg8 : memref<!tpu.dma_semaphore, #tpu.memory_space<semaphore_mem>>) src(%arg5 : memref<128xf32, #tpu.memory_space<vmem>>) dst(%dma_wait3A_365 : memref<10240xf32, #tpu.memory_space<vmem_shared>>)
      %dma_wait3A_366 = arith.constant 2432 : i32
      %dma_wait3A_367 = tpu.memref_slice %arg4[%dma_wait3A_366] : memref<10240xi32, #tpu.memory_space<vmem>> -> memref<128xi32, #tpu.memory_space<vmem>>
      %dma_wait3A_368 = arith.constant 0 : i32
      %dma_wait3A_369 = tpu.memref_slice %arg7[%dma_wait3A_368] : memref<10240xf32, #tpu.memory_space<vmem_shared>> -> memref<10240xf32, #tpu.memory_space<vmem_shared>>
      tpu.wait_indirect_dma semaphore(%arg8 : memref<!tpu.dma_semaphore, #tpu.memory_space<semaphore_mem>>) src(%arg5 : memref<128xf32, #tpu.memory_space<vmem>>) dst(%dma_wait3A_369 : memref<10240xf32, #tpu.memory_space<vmem_shared>>)
    } else {
    }
    %barrier3A_207 = arith.constant 0 : index
    tpu.barrier barrier_id(%barrier3A_207)
    %mul3A_208 = arith.constant 640 : i32
    %mul3A_209 = arith.muli %arg1, %mul3A_208 : i32
    %mul3A_210 = arith.constant 640 : i32
    %mul3A_211 = arith.muli %arg1, %mul3A_210 : i32
    "tpu.region"() ({
      %run_scoped3A = tpu.sem_alloc : memref<!tpu.dma_semaphore, #tpu.memory_space<semaphore_mem>>
      %dma_start3A = tpu.memref_slice %arg3[%arg0, %mul3A_211] : memref<2x10240xf32, #tpu.memory_space<hbm>> -> memref<1x640xf32, #tpu.memory_space<hbm>>
      %dma_start3A_212 = tpu.memref_squeeze %dma_start3A : memref<1x640xf32, #tpu.memory_space<hbm>> -> memref<640xf32, #tpu.memory_space<hbm>>
      %dma_start3A_213 = tpu.memref_slice %arg7[%mul3A_209] : memref<10240xf32, #tpu.memory_space<vmem_shared>> -> memref<640xf32, #tpu.memory_space<vmem_shared>>
      tpu.enqueue_dma source(%dma_start3A_213 : memref<640xf32, #tpu.memory_space<vmem_shared>>) target(%dma_start3A_212 : memref<640xf32, #tpu.memory_space<hbm>>) target_semaphore(%run_scoped3A : memref<!tpu.dma_semaphore, #tpu.memory_space<semaphore_mem>>)
      %dma_wait3A = tpu.memref_slice %arg3[%arg0, %mul3A_211] : memref<2x10240xf32, #tpu.memory_space<hbm>> -> memref<1x640xf32, #tpu.memory_space<hbm>>
      %dma_wait3A_214 = tpu.memref_squeeze %dma_wait3A : memref<1x640xf32, #tpu.memory_space<hbm>> -> memref<640xf32, #tpu.memory_space<hbm>>
      %dma_wait3A_215 = tpu.memref_slice %arg7[%mul3A_209] : memref<10240xf32, #tpu.memory_space<vmem_shared>> -> memref<640xf32, #tpu.memory_space<vmem_shared>>
      tpu.wait_dma2 semaphore(%run_scoped3A : memref<!tpu.dma_semaphore, #tpu.memory_space<semaphore_mem>>) src(%dma_wait3A_215 : memref<640xf32, #tpu.memory_space<vmem_shared>>) dst(%dma_wait3A_214 : memref<640xf32, #tpu.memory_space<hbm>>)
      tpu.yield
    }) : () -> ()
    return
  }
}

#map = affine_map<(d0, d1) -> (0, 0)>
#map1 = affine_map<(d0, d1) -> (0)>
module attributes {stable_mosaic.version = 14 : i64} {
  func.func @_msg_body(%arg0: i32, %arg1: i32, %arg2: memref<2x320000xi32, #tpu.memory_space<hbm>>, %arg3: memref<10240xf32, #tpu.memory_space<hbm>>, %arg4: memref<2x10240xf32, #tpu.memory_space<hbm>>, %arg5: memref<2x10240xf32, #tpu.memory_space<hbm>>, %arg6: memref<10240xi32, #tpu.memory_space<vmem>>, %arg7: memref<10240xi32, #tpu.memory_space<vmem>>, %arg8: memref<10240xf32, #tpu.memory_space<vmem>>, %arg9: memref<10240xf32, #tpu.memory_space<vmem>>, %arg10: memref<2x10240xf32, #tpu.memory_space<vmem>>, %arg11: memref<640xf32, #tpu.memory_space<vmem>>, %arg12: memref<10240xf32, #tpu.memory_space<vmem_shared>>, %arg13: memref<!tpu.dma_semaphore, #tpu.memory_space<semaphore_mem>>) attributes {dimension_semantics = [#tpu.dimension_semantics<core_parallel>, #tpu.dimension_semantics<subcore_parallel>], iteration_bounds = array<i64: 2, 16>, scalar_prefetch = 0 : i64, scratch_operands = 8 : i64, tpu.core_type = #tpu.core_type<sc_vector_subcore>, window_params = [{transform_indices = #map}, {transform_indices = #map1}, {transform_indices = #map}, {transform_indices = #map}]} {
    %mul3A = arith.constant 16 : i32
    %mul3A_0 = arith.muli %arg0, %mul3A : i32
    %add3A = arith.addi %mul3A_0, %arg1 : i32
    tpu.enqueue_dma source(%arg3 : memref<10240xf32, #tpu.memory_space<hbm>>) target(%arg9 : memref<10240xf32, #tpu.memory_space<vmem>>) target_semaphore(%arg13 : memref<!tpu.dma_semaphore, #tpu.memory_space<semaphore_mem>>)
    tpu.enqueue_dma source(%arg4 : memref<2x10240xf32, #tpu.memory_space<hbm>>) target(%arg10 : memref<2x10240xf32, #tpu.memory_space<vmem>>) target_semaphore(%arg13 : memref<!tpu.dma_semaphore, #tpu.memory_space<semaphore_mem>>)
    %eq3A = arith.constant 31 : i32
    %eq3A_1 = arith.cmpi eq, %add3A, %eq3A : i32
    %not3A = arith.constant true
    %not3A_2 = arith.xori %eq3A_1, %not3A : i1
    %convert_element_type3A = arith.extui %not3A_2 : i1 to i32
    %cond3A = arith.constant 0 : i32
    %cond3A_3 = arith.cmpi ne, %convert_element_type3A, %cond3A : i32
    scf.if %cond3A_3 {
      %mul3A_195 = arith.constant 10240 : i32
      %mul3A_196 = arith.muli %add3A, %mul3A_195 : i32
      %run_scoped3A = arith.constant 0 : i32
      "tpu.region"() ({
        %run_scoped3A_197 = tpu.sem_alloc : memref<!tpu.dma_semaphore, #tpu.memory_space<semaphore_mem>>
        %dma_start3A = tpu.memref_slice %arg2[%run_scoped3A, %mul3A_196] : memref<2x320000xi32, #tpu.memory_space<hbm>> -> memref<1x10240xi32, #tpu.memory_space<hbm>>
        %dma_start3A_198 = tpu.memref_squeeze %dma_start3A : memref<1x10240xi32, #tpu.memory_space<hbm>> -> memref<10240xi32, #tpu.memory_space<hbm>>
        %dma_start3A_199 = tpu.memref_slice %arg2[%run_scoped3A, %mul3A_196] : memref<2x320000xi32, #tpu.memory_space<hbm>> -> memref<1x10240xi32, #tpu.memory_space<hbm>>
        %dma_start3A_200 = tpu.memref_squeeze %dma_start3A_199 : memref<1x10240xi32, #tpu.memory_space<hbm>> -> memref<10240xi32, #tpu.memory_space<hbm>>
        tpu.enqueue_dma source(%dma_start3A_200 : memref<10240xi32, #tpu.memory_space<hbm>>) target(%arg6 : memref<10240xi32, #tpu.memory_space<vmem>>) target_semaphore(%run_scoped3A_197 : memref<!tpu.dma_semaphore, #tpu.memory_space<semaphore_mem>>)
        %dma_wait3A = tpu.memref_slice %arg2[%run_scoped3A, %mul3A_196] : memref<2x320000xi32, #tpu.memory_space<hbm>> -> memref<1x10240xi32, #tpu.memory_space<hbm>>
        %dma_wait3A_201 = tpu.memref_squeeze %dma_wait3A : memref<1x10240xi32, #tpu.memory_space<hbm>> -> memref<10240xi32, #tpu.memory_space<hbm>>
        %dma_wait3A_202 = tpu.memref_slice %arg2[%run_scoped3A, %mul3A_196] : memref<2x320000xi32, #tpu.memory_space<hbm>> -> memref<1x10240xi32, #tpu.memory_space<hbm>>
        %dma_wait3A_203 = tpu.memref_squeeze %dma_wait3A_202 : memref<1x10240xi32, #tpu.memory_space<hbm>> -> memref<10240xi32, #tpu.memory_space<hbm>>
        tpu.wait_dma2 semaphore(%run_scoped3A_197 : memref<!tpu.dma_semaphore, #tpu.memory_space<semaphore_mem>>) src(%dma_wait3A_203 : memref<10240xi32, #tpu.memory_space<hbm>>) dst(%arg6 : memref<10240xi32, #tpu.memory_space<vmem>>)
        tpu.yield
      }) : () -> ()
    } else {
    }
    %convert_element_type3A_4 = arith.extui %eq3A_1 : i1 to i32
    %cond3A_5 = arith.constant 0 : i32
    %cond3A_6 = arith.cmpi ne, %convert_element_type3A_4, %cond3A_5 : i32
    scf.if %cond3A_6 {
      %run_scoped3A = arith.constant 0 : i32
      "tpu.region"() ({
        %run_scoped3A_195 = tpu.sem_alloc : memref<!tpu.dma_semaphore, #tpu.memory_space<semaphore_mem>>
        %dma_start3A = arith.constant 0 : i32
        %dma_start3A_196 = tpu.memref_slice %arg6[%dma_start3A] : memref<10240xi32, #tpu.memory_space<vmem>> -> memref<2560xi32, #tpu.memory_space<vmem>>
        %dma_start3A_197 = arith.constant 317440 : i32
        %dma_start3A_198 = tpu.memref_slice %arg2[%run_scoped3A, %dma_start3A_197] : memref<2x320000xi32, #tpu.memory_space<hbm>> -> memref<1x2560xi32, #tpu.memory_space<hbm>>
        %dma_start3A_199 = tpu.memref_squeeze %dma_start3A_198 : memref<1x2560xi32, #tpu.memory_space<hbm>> -> memref<2560xi32, #tpu.memory_space<hbm>>
        %dma_start3A_200 = arith.constant 0 : i32
        %dma_start3A_201 = tpu.memref_slice %arg6[%dma_start3A_200] : memref<10240xi32, #tpu.memory_space<vmem>> -> memref<2560xi32, #tpu.memory_space<vmem>>
        %dma_start3A_202 = arith.constant 317440 : i32
        %dma_start3A_203 = tpu.memref_slice %arg2[%run_scoped3A, %dma_start3A_202] : memref<2x320000xi32, #tpu.memory_space<hbm>> -> memref<1x2560xi32, #tpu.memory_space<hbm>>
        %dma_start3A_204 = tpu.memref_squeeze %dma_start3A_203 : memref<1x2560xi32, #tpu.memory_space<hbm>> -> memref<2560xi32, #tpu.memory_space<hbm>>
        tpu.enqueue_dma source(%dma_start3A_204 : memref<2560xi32, #tpu.memory_space<hbm>>) target(%dma_start3A_201 : memref<2560xi32, #tpu.memory_space<vmem>>) target_semaphore(%run_scoped3A_195 : memref<!tpu.dma_semaphore, #tpu.memory_space<semaphore_mem>>)
        %dma_wait3A = arith.constant 0 : i32
        %dma_wait3A_205 = tpu.memref_slice %arg6[%dma_wait3A] : memref<10240xi32, #tpu.memory_space<vmem>> -> memref<2560xi32, #tpu.memory_space<vmem>>
        %dma_wait3A_206 = arith.constant 317440 : i32
        %dma_wait3A_207 = tpu.memref_slice %arg2[%run_scoped3A, %dma_wait3A_206] : memref<2x320000xi32, #tpu.memory_space<hbm>> -> memref<1x2560xi32, #tpu.memory_space<hbm>>
        %dma_wait3A_208 = tpu.memref_squeeze %dma_wait3A_207 : memref<1x2560xi32, #tpu.memory_space<hbm>> -> memref<2560xi32, #tpu.memory_space<hbm>>
        %dma_wait3A_209 = arith.constant 0 : i32
        %dma_wait3A_210 = tpu.memref_slice %arg6[%dma_wait3A_209] : memref<10240xi32, #tpu.memory_space<vmem>> -> memref<2560xi32, #tpu.memory_space<vmem>>
        %dma_wait3A_211 = arith.constant 317440 : i32
        %dma_wait3A_212 = tpu.memref_slice %arg2[%run_scoped3A, %dma_wait3A_211] : memref<2x320000xi32, #tpu.memory_space<hbm>> -> memref<1x2560xi32, #tpu.memory_space<hbm>>
        %dma_wait3A_213 = tpu.memref_squeeze %dma_wait3A_212 : memref<1x2560xi32, #tpu.memory_space<hbm>> -> memref<2560xi32, #tpu.memory_space<hbm>>
        tpu.wait_dma2 semaphore(%run_scoped3A_195 : memref<!tpu.dma_semaphore, #tpu.memory_space<semaphore_mem>>) src(%dma_wait3A_213 : memref<2560xi32, #tpu.memory_space<hbm>>) dst(%dma_wait3A_210 : memref<2560xi32, #tpu.memory_space<vmem>>)
        tpu.yield
      }) : () -> ()
    } else {
    }
    %eq3A_7 = arith.constant 31 : i32
    %eq3A_8 = arith.cmpi eq, %add3A, %eq3A_7 : i32
    %not3A_9 = arith.constant true
    %not3A_10 = arith.xori %eq3A_8, %not3A_9 : i1
    %convert_element_type3A_11 = arith.extui %not3A_10 : i1 to i32
    %cond3A_12 = arith.constant 0 : i32
    %cond3A_13 = arith.cmpi ne, %convert_element_type3A_11, %cond3A_12 : i32
    scf.if %cond3A_13 {
      %mul3A_195 = arith.constant 10240 : i32
      %mul3A_196 = arith.muli %add3A, %mul3A_195 : i32
      %run_scoped3A = arith.constant 1 : i32
      "tpu.region"() ({
        %run_scoped3A_197 = tpu.sem_alloc : memref<!tpu.dma_semaphore, #tpu.memory_space<semaphore_mem>>
        %dma_start3A = tpu.memref_slice %arg2[%run_scoped3A, %mul3A_196] : memref<2x320000xi32, #tpu.memory_space<hbm>> -> memref<1x10240xi32, #tpu.memory_space<hbm>>
        %dma_start3A_198 = tpu.memref_squeeze %dma_start3A : memref<1x10240xi32, #tpu.memory_space<hbm>> -> memref<10240xi32, #tpu.memory_space<hbm>>
        %dma_start3A_199 = tpu.memref_slice %arg2[%run_scoped3A, %mul3A_196] : memref<2x320000xi32, #tpu.memory_space<hbm>> -> memref<1x10240xi32, #tpu.memory_space<hbm>>
        %dma_start3A_200 = tpu.memref_squeeze %dma_start3A_199 : memref<1x10240xi32, #tpu.memory_space<hbm>> -> memref<10240xi32, #tpu.memory_space<hbm>>
        tpu.enqueue_dma source(%dma_start3A_200 : memref<10240xi32, #tpu.memory_space<hbm>>) target(%arg7 : memref<10240xi32, #tpu.memory_space<vmem>>) target_semaphore(%run_scoped3A_197 : memref<!tpu.dma_semaphore, #tpu.memory_space<semaphore_mem>>)
        %dma_wait3A = tpu.memref_slice %arg2[%run_scoped3A, %mul3A_196] : memref<2x320000xi32, #tpu.memory_space<hbm>> -> memref<1x10240xi32, #tpu.memory_space<hbm>>
        %dma_wait3A_201 = tpu.memref_squeeze %dma_wait3A : memref<1x10240xi32, #tpu.memory_space<hbm>> -> memref<10240xi32, #tpu.memory_space<hbm>>
        %dma_wait3A_202 = tpu.memref_slice %arg2[%run_scoped3A, %mul3A_196] : memref<2x320000xi32, #tpu.memory_space<hbm>> -> memref<1x10240xi32, #tpu.memory_space<hbm>>
        %dma_wait3A_203 = tpu.memref_squeeze %dma_wait3A_202 : memref<1x10240xi32, #tpu.memory_space<hbm>> -> memref<10240xi32, #tpu.memory_space<hbm>>
        tpu.wait_dma2 semaphore(%run_scoped3A_197 : memref<!tpu.dma_semaphore, #tpu.memory_space<semaphore_mem>>) src(%dma_wait3A_203 : memref<10240xi32, #tpu.memory_space<hbm>>) dst(%arg7 : memref<10240xi32, #tpu.memory_space<vmem>>)
        tpu.yield
      }) : () -> ()
    } else {
    }
    %convert_element_type3A_14 = arith.extui %eq3A_8 : i1 to i32
    %cond3A_15 = arith.constant 0 : i32
    %cond3A_16 = arith.cmpi ne, %convert_element_type3A_14, %cond3A_15 : i32
    scf.if %cond3A_16 {
      %run_scoped3A = arith.constant 1 : i32
      "tpu.region"() ({
        %run_scoped3A_195 = tpu.sem_alloc : memref<!tpu.dma_semaphore, #tpu.memory_space<semaphore_mem>>
        %dma_start3A = arith.constant 0 : i32
        %dma_start3A_196 = tpu.memref_slice %arg7[%dma_start3A] : memref<10240xi32, #tpu.memory_space<vmem>> -> memref<2560xi32, #tpu.memory_space<vmem>>
        %dma_start3A_197 = arith.constant 317440 : i32
        %dma_start3A_198 = tpu.memref_slice %arg2[%run_scoped3A, %dma_start3A_197] : memref<2x320000xi32, #tpu.memory_space<hbm>> -> memref<1x2560xi32, #tpu.memory_space<hbm>>
        %dma_start3A_199 = tpu.memref_squeeze %dma_start3A_198 : memref<1x2560xi32, #tpu.memory_space<hbm>> -> memref<2560xi32, #tpu.memory_space<hbm>>
        %dma_start3A_200 = arith.constant 0 : i32
        %dma_start3A_201 = tpu.memref_slice %arg7[%dma_start3A_200] : memref<10240xi32, #tpu.memory_space<vmem>> -> memref<2560xi32, #tpu.memory_space<vmem>>
        %dma_start3A_202 = arith.constant 317440 : i32
        %dma_start3A_203 = tpu.memref_slice %arg2[%run_scoped3A, %dma_start3A_202] : memref<2x320000xi32, #tpu.memory_space<hbm>> -> memref<1x2560xi32, #tpu.memory_space<hbm>>
        %dma_start3A_204 = tpu.memref_squeeze %dma_start3A_203 : memref<1x2560xi32, #tpu.memory_space<hbm>> -> memref<2560xi32, #tpu.memory_space<hbm>>
        tpu.enqueue_dma source(%dma_start3A_204 : memref<2560xi32, #tpu.memory_space<hbm>>) target(%dma_start3A_201 : memref<2560xi32, #tpu.memory_space<vmem>>) target_semaphore(%run_scoped3A_195 : memref<!tpu.dma_semaphore, #tpu.memory_space<semaphore_mem>>)
        %dma_wait3A = arith.constant 0 : i32
        %dma_wait3A_205 = tpu.memref_slice %arg7[%dma_wait3A] : memref<10240xi32, #tpu.memory_space<vmem>> -> memref<2560xi32, #tpu.memory_space<vmem>>
        %dma_wait3A_206 = arith.constant 317440 : i32
        %dma_wait3A_207 = tpu.memref_slice %arg2[%run_scoped3A, %dma_wait3A_206] : memref<2x320000xi32, #tpu.memory_space<hbm>> -> memref<1x2560xi32, #tpu.memory_space<hbm>>
        %dma_wait3A_208 = tpu.memref_squeeze %dma_wait3A_207 : memref<1x2560xi32, #tpu.memory_space<hbm>> -> memref<2560xi32, #tpu.memory_space<hbm>>
        %dma_wait3A_209 = arith.constant 0 : i32
        %dma_wait3A_210 = tpu.memref_slice %arg7[%dma_wait3A_209] : memref<10240xi32, #tpu.memory_space<vmem>> -> memref<2560xi32, #tpu.memory_space<vmem>>
        %dma_wait3A_211 = arith.constant 317440 : i32
        %dma_wait3A_212 = tpu.memref_slice %arg2[%run_scoped3A, %dma_wait3A_211] : memref<2x320000xi32, #tpu.memory_space<hbm>> -> memref<1x2560xi32, #tpu.memory_space<hbm>>
        %dma_wait3A_213 = tpu.memref_squeeze %dma_wait3A_212 : memref<1x2560xi32, #tpu.memory_space<hbm>> -> memref<2560xi32, #tpu.memory_space<hbm>>
        tpu.wait_dma2 semaphore(%run_scoped3A_195 : memref<!tpu.dma_semaphore, #tpu.memory_space<semaphore_mem>>) src(%dma_wait3A_213 : memref<2560xi32, #tpu.memory_space<hbm>>) dst(%dma_wait3A_210 : memref<2560xi32, #tpu.memory_space<vmem>>)
        tpu.yield
      }) : () -> ()
    } else {
    }
    %broadcast_in_dim3A = arith.constant 0.000000e+00 : f32
    %broadcast_in_dim3A_17 = vector.broadcast %broadcast_in_dim3A : f32 to vector<16xf32>
    %swap3A = arith.constant 0 : index
    %swap3A_18 = tpu.vector_load %arg11[%swap3A] {strides = array<i32>} : memref<640xf32, #tpu.memory_space<vmem>>, vector<16xf32>,
    tpu.vector_store %arg11[%swap3A], %broadcast_in_dim3A_17 {strides = array<i32>} : memref<640xf32, #tpu.memory_space<vmem>>, vector<16xf32>,
    %broadcast_in_dim3A_19 = arith.constant 0.000000e+00 : f32
    %broadcast_in_dim3A_20 = vector.broadcast %broadcast_in_dim3A_19 : f32 to vector<16xf32>
    %swap3A_21 = arith.constant 16 : index
    %swap3A_22 = tpu.vector_load %arg11[%swap3A_21] {strides = array<i32>} : memref<640xf32, #tpu.memory_space<vmem>>, vector<16xf32>,
    tpu.vector_store %arg11[%swap3A_21], %broadcast_in_dim3A_20 {strides = array<i32>} : memref<640xf32, #tpu.memory_space<vmem>>, vector<16xf32>,
    %broadcast_in_dim3A_23 = arith.constant 0.000000e+00 : f32
    %broadcast_in_dim3A_24 = vector.broadcast %broadcast_in_dim3A_23 : f32 to vector<16xf32>
    %swap3A_25 = arith.constant 32 : index
    %swap3A_26 = tpu.vector_load %arg11[%swap3A_25] {strides = array<i32>} : memref<640xf32, #tpu.memory_space<vmem>>, vector<16xf32>,
    tpu.vector_store %arg11[%swap3A_25], %broadcast_in_dim3A_24 {strides = array<i32>} : memref<640xf32, #tpu.memory_space<vmem>>, vector<16xf32>,
    %broadcast_in_dim3A_27 = arith.constant 0.000000e+00 : f32
    %broadcast_in_dim3A_28 = vector.broadcast %broadcast_in_dim3A_27 : f32 to vector<16xf32>
    %swap3A_29 = arith.constant 48 : index
    %swap3A_30 = tpu.vector_load %arg11[%swap3A_29] {strides = array<i32>} : memref<640xf32, #tpu.memory_space<vmem>>, vector<16xf32>,
    tpu.vector_store %arg11[%swap3A_29], %broadcast_in_dim3A_28 {strides = array<i32>} : memref<640xf32, #tpu.memory_space<vmem>>, vector<16xf32>,
    %broadcast_in_dim3A_31 = arith.constant 0.000000e+00 : f32
    %broadcast_in_dim3A_32 = vector.broadcast %broadcast_in_dim3A_31 : f32 to vector<16xf32>
    %swap3A_33 = arith.constant 64 : index
    %swap3A_34 = tpu.vector_load %arg11[%swap3A_33] {strides = array<i32>} : memref<640xf32, #tpu.memory_space<vmem>>, vector<16xf32>,
    tpu.vector_store %arg11[%swap3A_33], %broadcast_in_dim3A_32 {strides = array<i32>} : memref<640xf32, #tpu.memory_space<vmem>>, vector<16xf32>,
    %broadcast_in_dim3A_35 = arith.constant 0.000000e+00 : f32
    %broadcast_in_dim3A_36 = vector.broadcast %broadcast_in_dim3A_35 : f32 to vector<16xf32>
    %swap3A_37 = arith.constant 80 : index
    %swap3A_38 = tpu.vector_load %arg11[%swap3A_37] {strides = array<i32>} : memref<640xf32, #tpu.memory_space<vmem>>, vector<16xf32>,
    tpu.vector_store %arg11[%swap3A_37], %broadcast_in_dim3A_36 {strides = array<i32>} : memref<640xf32, #tpu.memory_space<vmem>>, vector<16xf32>,
    %broadcast_in_dim3A_39 = arith.constant 0.000000e+00 : f32
    %broadcast_in_dim3A_40 = vector.broadcast %broadcast_in_dim3A_39 : f32 to vector<16xf32>
    %swap3A_41 = arith.constant 96 : index
    %swap3A_42 = tpu.vector_load %arg11[%swap3A_41] {strides = array<i32>} : memref<640xf32, #tpu.memory_space<vmem>>, vector<16xf32>,
    tpu.vector_store %arg11[%swap3A_41], %broadcast_in_dim3A_40 {strides = array<i32>} : memref<640xf32, #tpu.memory_space<vmem>>, vector<16xf32>,
    %broadcast_in_dim3A_43 = arith.constant 0.000000e+00 : f32
    %broadcast_in_dim3A_44 = vector.broadcast %broadcast_in_dim3A_43 : f32 to vector<16xf32>
    %swap3A_45 = arith.constant 112 : index
    %swap3A_46 = tpu.vector_load %arg11[%swap3A_45] {strides = array<i32>} : memref<640xf32, #tpu.memory_space<vmem>>, vector<16xf32>,
    tpu.vector_store %arg11[%swap3A_45], %broadcast_in_dim3A_44 {strides = array<i32>} : memref<640xf32, #tpu.memory_space<vmem>>, vector<16xf32>,
    %broadcast_in_dim3A_47 = arith.constant 0.000000e+00 : f32
    %broadcast_in_dim3A_48 = vector.broadcast %broadcast_in_dim3A_47 : f32 to vector<16xf32>
    %swap3A_49 = arith.constant 128 : index
    %swap3A_50 = tpu.vector_load %arg11[%swap3A_49] {strides = array<i32>} : memref<640xf32, #tpu.memory_space<vmem>>, vector<16xf32>,
    tpu.vector_store %arg11[%swap3A_49], %broadcast_in_dim3A_48 {strides = array<i32>} : memref<640xf32, #tpu.memory_space<vmem>>, vector<16xf32>,
    %broadcast_in_dim3A_51 = arith.constant 0.000000e+00 : f32
    %broadcast_in_dim3A_52 = vector.broadcast %broadcast_in_dim3A_51 : f32 to vector<16xf32>
    %swap3A_53 = arith.constant 144 : index
    %swap3A_54 = tpu.vector_load %arg11[%swap3A_53] {strides = array<i32>} : memref<640xf32, #tpu.memory_space<vmem>>, vector<16xf32>,
    tpu.vector_store %arg11[%swap3A_53], %broadcast_in_dim3A_52 {strides = array<i32>} : memref<640xf32, #tpu.memory_space<vmem>>, vector<16xf32>,
    %broadcast_in_dim3A_55 = arith.constant 0.000000e+00 : f32
    %broadcast_in_dim3A_56 = vector.broadcast %broadcast_in_dim3A_55 : f32 to vector<16xf32>
    %swap3A_57 = arith.constant 160 : index
    %swap3A_58 = tpu.vector_load %arg11[%swap3A_57] {strides = array<i32>} : memref<640xf32, #tpu.memory_space<vmem>>, vector<16xf32>,
    tpu.vector_store %arg11[%swap3A_57], %broadcast_in_dim3A_56 {strides = array<i32>} : memref<640xf32, #tpu.memory_space<vmem>>, vector<16xf32>,
    %broadcast_in_dim3A_59 = arith.constant 0.000000e+00 : f32
    %broadcast_in_dim3A_60 = vector.broadcast %broadcast_in_dim3A_59 : f32 to vector<16xf32>
    %swap3A_61 = arith.constant 176 : index
    %swap3A_62 = tpu.vector_load %arg11[%swap3A_61] {strides = array<i32>} : memref<640xf32, #tpu.memory_space<vmem>>, vector<16xf32>,
    tpu.vector_store %arg11[%swap3A_61], %broadcast_in_dim3A_60 {strides = array<i32>} : memref<640xf32, #tpu.memory_space<vmem>>, vector<16xf32>,
    %broadcast_in_dim3A_63 = arith.constant 0.000000e+00 : f32
    %broadcast_in_dim3A_64 = vector.broadcast %broadcast_in_dim3A_63 : f32 to vector<16xf32>
    %swap3A_65 = arith.constant 192 : index
    %swap3A_66 = tpu.vector_load %arg11[%swap3A_65] {strides = array<i32>} : memref<640xf32, #tpu.memory_space<vmem>>, vector<16xf32>,
    tpu.vector_store %arg11[%swap3A_65], %broadcast_in_dim3A_64 {strides = array<i32>} : memref<640xf32, #tpu.memory_space<vmem>>, vector<16xf32>,
    %broadcast_in_dim3A_67 = arith.constant 0.000000e+00 : f32
    %broadcast_in_dim3A_68 = vector.broadcast %broadcast_in_dim3A_67 : f32 to vector<16xf32>
    %swap3A_69 = arith.constant 208 : index
    %swap3A_70 = tpu.vector_load %arg11[%swap3A_69] {strides = array<i32>} : memref<640xf32, #tpu.memory_space<vmem>>, vector<16xf32>,
    tpu.vector_store %arg11[%swap3A_69], %broadcast_in_dim3A_68 {strides = array<i32>} : memref<640xf32, #tpu.memory_space<vmem>>, vector<16xf32>,
    %broadcast_in_dim3A_71 = arith.constant 0.000000e+00 : f32
    %broadcast_in_dim3A_72 = vector.broadcast %broadcast_in_dim3A_71 : f32 to vector<16xf32>
    %swap3A_73 = arith.constant 224 : index
    %swap3A_74 = tpu.vector_load %arg11[%swap3A_73] {strides = array<i32>} : memref<640xf32, #tpu.memory_space<vmem>>, vector<16xf32>,
    tpu.vector_store %arg11[%swap3A_73], %broadcast_in_dim3A_72 {strides = array<i32>} : memref<640xf32, #tpu.memory_space<vmem>>, vector<16xf32>,
    %broadcast_in_dim3A_75 = arith.constant 0.000000e+00 : f32
    %broadcast_in_dim3A_76 = vector.broadcast %broadcast_in_dim3A_75 : f32 to vector<16xf32>
    %swap3A_77 = arith.constant 240 : index
    %swap3A_78 = tpu.vector_load %arg11[%swap3A_77] {strides = array<i32>} : memref<640xf32, #tpu.memory_space<vmem>>, vector<16xf32>,
    tpu.vector_store %arg11[%swap3A_77], %broadcast_in_dim3A_76 {strides = array<i32>} : memref<640xf32, #tpu.memory_space<vmem>>, vector<16xf32>,
    %broadcast_in_dim3A_79 = arith.constant 0.000000e+00 : f32
    %broadcast_in_dim3A_80 = vector.broadcast %broadcast_in_dim3A_79 : f32 to vector<16xf32>
    %swap3A_81 = arith.constant 256 : index
    %swap3A_82 = tpu.vector_load %arg11[%swap3A_81] {strides = array<i32>} : memref<640xf32, #tpu.memory_space<vmem>>, vector<16xf32>,
    tpu.vector_store %arg11[%swap3A_81], %broadcast_in_dim3A_80 {strides = array<i32>} : memref<640xf32, #tpu.memory_space<vmem>>, vector<16xf32>,
    %broadcast_in_dim3A_83 = arith.constant 0.000000e+00 : f32
    %broadcast_in_dim3A_84 = vector.broadcast %broadcast_in_dim3A_83 : f32 to vector<16xf32>
    %swap3A_85 = arith.constant 272 : index
    %swap3A_86 = tpu.vector_load %arg11[%swap3A_85] {strides = array<i32>} : memref<640xf32, #tpu.memory_space<vmem>>, vector<16xf32>,
    tpu.vector_store %arg11[%swap3A_85], %broadcast_in_dim3A_84 {strides = array<i32>} : memref<640xf32, #tpu.memory_space<vmem>>, vector<16xf32>,
    %broadcast_in_dim3A_87 = arith.constant 0.000000e+00 : f32
    %broadcast_in_dim3A_88 = vector.broadcast %broadcast_in_dim3A_87 : f32 to vector<16xf32>
    %swap3A_89 = arith.constant 288 : index
    %swap3A_90 = tpu.vector_load %arg11[%swap3A_89] {strides = array<i32>} : memref<640xf32, #tpu.memory_space<vmem>>, vector<16xf32>,
    tpu.vector_store %arg11[%swap3A_89], %broadcast_in_dim3A_88 {strides = array<i32>} : memref<640xf32, #tpu.memory_space<vmem>>, vector<16xf32>,
    %broadcast_in_dim3A_91 = arith.constant 0.000000e+00 : f32
    %broadcast_in_dim3A_92 = vector.broadcast %broadcast_in_dim3A_91 : f32 to vector<16xf32>
    %swap3A_93 = arith.constant 304 : index
    %swap3A_94 = tpu.vector_load %arg11[%swap3A_93] {strides = array<i32>} : memref<640xf32, #tpu.memory_space<vmem>>, vector<16xf32>,
    tpu.vector_store %arg11[%swap3A_93], %broadcast_in_dim3A_92 {strides = array<i32>} : memref<640xf32, #tpu.memory_space<vmem>>, vector<16xf32>,
    %broadcast_in_dim3A_95 = arith.constant 0.000000e+00 : f32
    %broadcast_in_dim3A_96 = vector.broadcast %broadcast_in_dim3A_95 : f32 to vector<16xf32>
    %swap3A_97 = arith.constant 320 : index
    %swap3A_98 = tpu.vector_load %arg11[%swap3A_97] {strides = array<i32>} : memref<640xf32, #tpu.memory_space<vmem>>, vector<16xf32>,
    tpu.vector_store %arg11[%swap3A_97], %broadcast_in_dim3A_96 {strides = array<i32>} : memref<640xf32, #tpu.memory_space<vmem>>, vector<16xf32>,
    %broadcast_in_dim3A_99 = arith.constant 0.000000e+00 : f32
    %broadcast_in_dim3A_100 = vector.broadcast %broadcast_in_dim3A_99 : f32 to vector<16xf32>
    %swap3A_101 = arith.constant 336 : index
    %swap3A_102 = tpu.vector_load %arg11[%swap3A_101] {strides = array<i32>} : memref<640xf32, #tpu.memory_space<vmem>>, vector<16xf32>,
    tpu.vector_store %arg11[%swap3A_101], %broadcast_in_dim3A_100 {strides = array<i32>} : memref<640xf32, #tpu.memory_space<vmem>>, vector<16xf32>,
    %broadcast_in_dim3A_103 = arith.constant 0.000000e+00 : f32
    %broadcast_in_dim3A_104 = vector.broadcast %broadcast_in_dim3A_103 : f32 to vector<16xf32>
    %swap3A_105 = arith.constant 352 : index
    %swap3A_106 = tpu.vector_load %arg11[%swap3A_105] {strides = array<i32>} : memref<640xf32, #tpu.memory_space<vmem>>, vector<16xf32>,
    tpu.vector_store %arg11[%swap3A_105], %broadcast_in_dim3A_104 {strides = array<i32>} : memref<640xf32, #tpu.memory_space<vmem>>, vector<16xf32>,
    %broadcast_in_dim3A_107 = arith.constant 0.000000e+00 : f32
    %broadcast_in_dim3A_108 = vector.broadcast %broadcast_in_dim3A_107 : f32 to vector<16xf32>
    %swap3A_109 = arith.constant 368 : index
    %swap3A_110 = tpu.vector_load %arg11[%swap3A_109] {strides = array<i32>} : memref<640xf32, #tpu.memory_space<vmem>>, vector<16xf32>,
    tpu.vector_store %arg11[%swap3A_109], %broadcast_in_dim3A_108 {strides = array<i32>} : memref<640xf32, #tpu.memory_space<vmem>>, vector<16xf32>,
    %broadcast_in_dim3A_111 = arith.constant 0.000000e+00 : f32
    %broadcast_in_dim3A_112 = vector.broadcast %broadcast_in_dim3A_111 : f32 to vector<16xf32>
    %swap3A_113 = arith.constant 384 : index
    %swap3A_114 = tpu.vector_load %arg11[%swap3A_113] {strides = array<i32>} : memref<640xf32, #tpu.memory_space<vmem>>, vector<16xf32>,
    tpu.vector_store %arg11[%swap3A_113], %broadcast_in_dim3A_112 {strides = array<i32>} : memref<640xf32, #tpu.memory_space<vmem>>, vector<16xf32>,
    %broadcast_in_dim3A_115 = arith.constant 0.000000e+00 : f32
    %broadcast_in_dim3A_116 = vector.broadcast %broadcast_in_dim3A_115 : f32 to vector<16xf32>
    %swap3A_117 = arith.constant 400 : index
    %swap3A_118 = tpu.vector_load %arg11[%swap3A_117] {strides = array<i32>} : memref<640xf32, #tpu.memory_space<vmem>>, vector<16xf32>,
    tpu.vector_store %arg11[%swap3A_117], %broadcast_in_dim3A_116 {strides = array<i32>} : memref<640xf32, #tpu.memory_space<vmem>>, vector<16xf32>,
    %broadcast_in_dim3A_119 = arith.constant 0.000000e+00 : f32
    %broadcast_in_dim3A_120 = vector.broadcast %broadcast_in_dim3A_119 : f32 to vector<16xf32>
    %swap3A_121 = arith.constant 416 : index
    %swap3A_122 = tpu.vector_load %arg11[%swap3A_121] {strides = array<i32>} : memref<640xf32, #tpu.memory_space<vmem>>, vector<16xf32>,
    tpu.vector_store %arg11[%swap3A_121], %broadcast_in_dim3A_120 {strides = array<i32>} : memref<640xf32, #tpu.memory_space<vmem>>, vector<16xf32>,
    %broadcast_in_dim3A_123 = arith.constant 0.000000e+00 : f32
    %broadcast_in_dim3A_124 = vector.broadcast %broadcast_in_dim3A_123 : f32 to vector<16xf32>
    %swap3A_125 = arith.constant 432 : index
    %swap3A_126 = tpu.vector_load %arg11[%swap3A_125] {strides = array<i32>} : memref<640xf32, #tpu.memory_space<vmem>>, vector<16xf32>,
    tpu.vector_store %arg11[%swap3A_125], %broadcast_in_dim3A_124 {strides = array<i32>} : memref<640xf32, #tpu.memory_space<vmem>>, vector<16xf32>,
    %broadcast_in_dim3A_127 = arith.constant 0.000000e+00 : f32
    %broadcast_in_dim3A_128 = vector.broadcast %broadcast_in_dim3A_127 : f32 to vector<16xf32>
    %swap3A_129 = arith.constant 448 : index
    %swap3A_130 = tpu.vector_load %arg11[%swap3A_129] {strides = array<i32>} : memref<640xf32, #tpu.memory_space<vmem>>, vector<16xf32>,
    tpu.vector_store %arg11[%swap3A_129], %broadcast_in_dim3A_128 {strides = array<i32>} : memref<640xf32, #tpu.memory_space<vmem>>, vector<16xf32>,
    %broadcast_in_dim3A_131 = arith.constant 0.000000e+00 : f32
    %broadcast_in_dim3A_132 = vector.broadcast %broadcast_in_dim3A_131 : f32 to vector<16xf32>
    %swap3A_133 = arith.constant 464 : index
    %swap3A_134 = tpu.vector_load %arg11[%swap3A_133] {strides = array<i32>} : memref<640xf32, #tpu.memory_space<vmem>>, vector<16xf32>,
    tpu.vector_store %arg11[%swap3A_133], %broadcast_in_dim3A_132 {strides = array<i32>} : memref<640xf32, #tpu.memory_space<vmem>>, vector<16xf32>,
    %broadcast_in_dim3A_135 = arith.constant 0.000000e+00 : f32
    %broadcast_in_dim3A_136 = vector.broadcast %broadcast_in_dim3A_135 : f32 to vector<16xf32>
    %swap3A_137 = arith.constant 480 : index
    %swap3A_138 = tpu.vector_load %arg11[%swap3A_137] {strides = array<i32>} : memref<640xf32, #tpu.memory_space<vmem>>, vector<16xf32>,
    tpu.vector_store %arg11[%swap3A_137], %broadcast_in_dim3A_136 {strides = array<i32>} : memref<640xf32, #tpu.memory_space<vmem>>, vector<16xf32>,
    %broadcast_in_dim3A_139 = arith.constant 0.000000e+00 : f32
    %broadcast_in_dim3A_140 = vector.broadcast %broadcast_in_dim3A_139 : f32 to vector<16xf32>
    %swap3A_141 = arith.constant 496 : index
    %swap3A_142 = tpu.vector_load %arg11[%swap3A_141] {strides = array<i32>} : memref<640xf32, #tpu.memory_space<vmem>>, vector<16xf32>,
    tpu.vector_store %arg11[%swap3A_141], %broadcast_in_dim3A_140 {strides = array<i32>} : memref<640xf32, #tpu.memory_space<vmem>>, vector<16xf32>,
    %broadcast_in_dim3A_143 = arith.constant 0.000000e+00 : f32
    %broadcast_in_dim3A_144 = vector.broadcast %broadcast_in_dim3A_143 : f32 to vector<16xf32>
    %swap3A_145 = arith.constant 512 : index
    %swap3A_146 = tpu.vector_load %arg11[%swap3A_145] {strides = array<i32>} : memref<640xf32, #tpu.memory_space<vmem>>, vector<16xf32>,
    tpu.vector_store %arg11[%swap3A_145], %broadcast_in_dim3A_144 {strides = array<i32>} : memref<640xf32, #tpu.memory_space<vmem>>, vector<16xf32>,
    %broadcast_in_dim3A_147 = arith.constant 0.000000e+00 : f32
    %broadcast_in_dim3A_148 = vector.broadcast %broadcast_in_dim3A_147 : f32 to vector<16xf32>
    %swap3A_149 = arith.constant 528 : index
    %swap3A_150 = tpu.vector_load %arg11[%swap3A_149] {strides = array<i32>} : memref<640xf32, #tpu.memory_space<vmem>>, vector<16xf32>,
    tpu.vector_store %arg11[%swap3A_149], %broadcast_in_dim3A_148 {strides = array<i32>} : memref<640xf32, #tpu.memory_space<vmem>>, vector<16xf32>,
    %broadcast_in_dim3A_151 = arith.constant 0.000000e+00 : f32
    %broadcast_in_dim3A_152 = vector.broadcast %broadcast_in_dim3A_151 : f32 to vector<16xf32>
    %swap3A_153 = arith.constant 544 : index
    %swap3A_154 = tpu.vector_load %arg11[%swap3A_153] {strides = array<i32>} : memref<640xf32, #tpu.memory_space<vmem>>, vector<16xf32>,
    tpu.vector_store %arg11[%swap3A_153], %broadcast_in_dim3A_152 {strides = array<i32>} : memref<640xf32, #tpu.memory_space<vmem>>, vector<16xf32>,
    %broadcast_in_dim3A_155 = arith.constant 0.000000e+00 : f32
    %broadcast_in_dim3A_156 = vector.broadcast %broadcast_in_dim3A_155 : f32 to vector<16xf32>
    %swap3A_157 = arith.constant 560 : index
    %swap3A_158 = tpu.vector_load %arg11[%swap3A_157] {strides = array<i32>} : memref<640xf32, #tpu.memory_space<vmem>>, vector<16xf32>,
    tpu.vector_store %arg11[%swap3A_157], %broadcast_in_dim3A_156 {strides = array<i32>} : memref<640xf32, #tpu.memory_space<vmem>>, vector<16xf32>,
    %broadcast_in_dim3A_159 = arith.constant 0.000000e+00 : f32
    %broadcast_in_dim3A_160 = vector.broadcast %broadcast_in_dim3A_159 : f32 to vector<16xf32>
    %swap3A_161 = arith.constant 576 : index
    %swap3A_162 = tpu.vector_load %arg11[%swap3A_161] {strides = array<i32>} : memref<640xf32, #tpu.memory_space<vmem>>, vector<16xf32>,
    tpu.vector_store %arg11[%swap3A_161], %broadcast_in_dim3A_160 {strides = array<i32>} : memref<640xf32, #tpu.memory_space<vmem>>, vector<16xf32>,
    %broadcast_in_dim3A_163 = arith.constant 0.000000e+00 : f32
    %broadcast_in_dim3A_164 = vector.broadcast %broadcast_in_dim3A_163 : f32 to vector<16xf32>
    %swap3A_165 = arith.constant 592 : index
    %swap3A_166 = tpu.vector_load %arg11[%swap3A_165] {strides = array<i32>} : memref<640xf32, #tpu.memory_space<vmem>>, vector<16xf32>,
    tpu.vector_store %arg11[%swap3A_165], %broadcast_in_dim3A_164 {strides = array<i32>} : memref<640xf32, #tpu.memory_space<vmem>>, vector<16xf32>,
    %broadcast_in_dim3A_167 = arith.constant 0.000000e+00 : f32
    %broadcast_in_dim3A_168 = vector.broadcast %broadcast_in_dim3A_167 : f32 to vector<16xf32>
    %swap3A_169 = arith.constant 608 : index
    %swap3A_170 = tpu.vector_load %arg11[%swap3A_169] {strides = array<i32>} : memref<640xf32, #tpu.memory_space<vmem>>, vector<16xf32>,
    tpu.vector_store %arg11[%swap3A_169], %broadcast_in_dim3A_168 {strides = array<i32>} : memref<640xf32, #tpu.memory_space<vmem>>, vector<16xf32>,
    %broadcast_in_dim3A_171 = arith.constant 0.000000e+00 : f32
    %broadcast_in_dim3A_172 = vector.broadcast %broadcast_in_dim3A_171 : f32 to vector<16xf32>
    %swap3A_173 = arith.constant 624 : index
    %swap3A_174 = tpu.vector_load %arg11[%swap3A_173] {strides = array<i32>} : memref<640xf32, #tpu.memory_space<vmem>>, vector<16xf32>,
    tpu.vector_store %arg11[%swap3A_173], %broadcast_in_dim3A_172 {strides = array<i32>} : memref<640xf32, #tpu.memory_space<vmem>>, vector<16xf32>,
    %mul3A_175 = arith.constant 640 : i32
    %mul3A_176 = arith.muli %arg1, %mul3A_175 : i32
    "tpu.region"() ({
      %run_scoped3A = tpu.sem_alloc : memref<!tpu.dma_semaphore, #tpu.memory_space<semaphore_mem>>
      %dma_start3A = tpu.memref_slice %arg12[%mul3A_176] : memref<10240xf32, #tpu.memory_space<vmem_shared>> -> memref<640xf32, #tpu.memory_space<vmem_shared>>
      %dma_start3A_195 = tpu.memref_slice %arg12[%mul3A_176] : memref<10240xf32, #tpu.memory_space<vmem_shared>> -> memref<640xf32, #tpu.memory_space<vmem_shared>>
      tpu.enqueue_dma source(%arg11 : memref<640xf32, #tpu.memory_space<vmem>>) target(%dma_start3A_195 : memref<640xf32, #tpu.memory_space<vmem_shared>>) target_semaphore(%run_scoped3A : memref<!tpu.dma_semaphore, #tpu.memory_space<semaphore_mem>>)
      %dma_wait3A = tpu.memref_slice %arg12[%mul3A_176] : memref<10240xf32, #tpu.memory_space<vmem_shared>> -> memref<640xf32, #tpu.memory_space<vmem_shared>>
      %dma_wait3A_196 = tpu.memref_slice %arg12[%mul3A_176] : memref<10240xf32, #tpu.memory_space<vmem_shared>> -> memref<640xf32, #tpu.memory_space<vmem_shared>>
      tpu.wait_dma2 semaphore(%run_scoped3A : memref<!tpu.dma_semaphore, #tpu.memory_space<semaphore_mem>>) src(%arg11 : memref<640xf32, #tpu.memory_space<vmem>>) dst(%dma_wait3A_196 : memref<640xf32, #tpu.memory_space<vmem_shared>>)
      tpu.yield
    }) : () -> ()
    tpu.wait_dma2 semaphore(%arg13 : memref<!tpu.dma_semaphore, #tpu.memory_space<semaphore_mem>>) src(%arg3 : memref<10240xf32, #tpu.memory_space<hbm>>) dst(%arg9 : memref<10240xf32, #tpu.memory_space<vmem>>)
    tpu.wait_dma2 semaphore(%arg13 : memref<!tpu.dma_semaphore, #tpu.memory_space<semaphore_mem>>) src(%arg4 : memref<2x10240xf32, #tpu.memory_space<hbm>>) dst(%arg10 : memref<2x10240xf32, #tpu.memory_space<vmem>>)
    %parallel_loop3A = arith.constant 0 : i32
    %parallel_loop3A_177 = arith.constant 640 : i32
    %parallel_loop3A_178 = arith.constant 1 : i32
    scf.for %parallel_loop3A_195 = %parallel_loop3A to %parallel_loop3A_177 step %parallel_loop3A_178  : i32 {
      %parallel_loop3A_196 = arith.constant 16 : i32
      %parallel_loop3A_197 = arith.muli %parallel_loop3A_195, %parallel_loop3A_196 : i32
      %parallel_loop3A_198 = arith.constant 0 : i32
      %parallel_loop3A_199 = arith.index_cast %parallel_loop3A_198 : i32 to index
      %parallel_loop3A_200 = arith.index_cast %parallel_loop3A_197 : i32 to index
      %parallel_loop3A_201 = tpu.vector_load %arg10[%parallel_loop3A_199, %parallel_loop3A_200] {strides = array<i32>} : memref<2x10240xf32, #tpu.memory_space<vmem>>, vector<16xf32>,
      %parallel_loop3A_202 = arith.constant 1 : i32
      %parallel_loop3A_203 = arith.index_cast %parallel_loop3A_202 : i32 to index
      %parallel_loop3A_204 = arith.index_cast %parallel_loop3A_197 : i32 to index
      %parallel_loop3A_205 = tpu.vector_load %arg10[%parallel_loop3A_203, %parallel_loop3A_204] {strides = array<i32>} : memref<2x10240xf32, #tpu.memory_space<vmem>>, vector<16xf32>,
      %parallel_loop3A_206 = arith.addf %parallel_loop3A_201, %parallel_loop3A_205 : vector<16xf32>
      %parallel_loop3A_207 = arith.constant 1.000000e+00 : f32
      %parallel_loop3A_208 = vector.broadcast %parallel_loop3A_207 : f32 to vector<16xf32>
      %parallel_loop3A_209 = arith.addf %parallel_loop3A_206, %parallel_loop3A_208 : vector<16xf32>
      %parallel_loop3A_210 = arith.index_cast %parallel_loop3A_197 : i32 to index
      %parallel_loop3A_211 = tpu.vector_load %arg9[%parallel_loop3A_210] {strides = array<i32>} : memref<10240xf32, #tpu.memory_space<vmem>>, vector<16xf32>,
      %parallel_loop3A_212 = vector.bitcast %parallel_loop3A_209 : vector<16xf32> to vector<16xi32>
      %parallel_loop3A_213 = arith.constant 1 : i32
      %parallel_loop3A_214 = vector.broadcast %parallel_loop3A_213 : i32 to vector<16xi32>
      %parallel_loop3A_215 = arith.shrsi %parallel_loop3A_212, %parallel_loop3A_214 : vector<16xi32>
      %parallel_loop3A_216 = arith.constant 1597463007 : i32
      %parallel_loop3A_217 = vector.broadcast %parallel_loop3A_216 : i32 to vector<16xi32>
      %parallel_loop3A_218 = arith.subi %parallel_loop3A_217, %parallel_loop3A_215 : vector<16xi32>
      %parallel_loop3A_219 = vector.bitcast %parallel_loop3A_218 : vector<16xi32> to vector<16xf32>
      %parallel_loop3A_220 = arith.constant 5.000000e-01 : f32
      %parallel_loop3A_221 = vector.broadcast %parallel_loop3A_220 : f32 to vector<16xf32>
      %parallel_loop3A_222 = arith.mulf %parallel_loop3A_221, %parallel_loop3A_209 : vector<16xf32>
      %parallel_loop3A_223 = arith.mulf %parallel_loop3A_222, %parallel_loop3A_219 : vector<16xf32>
      %parallel_loop3A_224 = arith.mulf %parallel_loop3A_223, %parallel_loop3A_219 : vector<16xf32>
      %parallel_loop3A_225 = arith.constant 1.500000e+00 : f32
      %parallel_loop3A_226 = vector.broadcast %parallel_loop3A_225 : f32 to vector<16xf32>
      %parallel_loop3A_227 = arith.subf %parallel_loop3A_226, %parallel_loop3A_224 : vector<16xf32>
      %parallel_loop3A_228 = arith.mulf %parallel_loop3A_219, %parallel_loop3A_227 : vector<16xf32>
      %parallel_loop3A_229 = arith.constant 5.000000e-01 : f32
      %parallel_loop3A_230 = vector.broadcast %parallel_loop3A_229 : f32 to vector<16xf32>
      %parallel_loop3A_231 = arith.mulf %parallel_loop3A_230, %parallel_loop3A_209 : vector<16xf32>
      %parallel_loop3A_232 = arith.mulf %parallel_loop3A_231, %parallel_loop3A_228 : vector<16xf32>
      %parallel_loop3A_233 = arith.mulf %parallel_loop3A_232, %parallel_loop3A_228 : vector<16xf32>
      %parallel_loop3A_234 = arith.constant 1.500000e+00 : f32
      %parallel_loop3A_235 = vector.broadcast %parallel_loop3A_234 : f32 to vector<16xf32>
      %parallel_loop3A_236 = arith.subf %parallel_loop3A_235, %parallel_loop3A_233 : vector<16xf32>
      %parallel_loop3A_237 = arith.mulf %parallel_loop3A_228, %parallel_loop3A_236 : vector<16xf32>
      %parallel_loop3A_238 = arith.constant 5.000000e-01 : f32
      %parallel_loop3A_239 = vector.broadcast %parallel_loop3A_238 : f32 to vector<16xf32>
      %parallel_loop3A_240 = arith.mulf %parallel_loop3A_239, %parallel_loop3A_209 : vector<16xf32>
      %parallel_loop3A_241 = arith.mulf %parallel_loop3A_240, %parallel_loop3A_237 : vector<16xf32>
      %parallel_loop3A_242 = arith.mulf %parallel_loop3A_241, %parallel_loop3A_237 : vector<16xf32>
      %parallel_loop3A_243 = arith.constant 1.500000e+00 : f32
      %parallel_loop3A_244 = vector.broadcast %parallel_loop3A_243 : f32 to vector<16xf32>
      %parallel_loop3A_245 = arith.subf %parallel_loop3A_244, %parallel_loop3A_242 : vector<16xf32>
      %parallel_loop3A_246 = arith.mulf %parallel_loop3A_237, %parallel_loop3A_245 : vector<16xf32>
      %parallel_loop3A_247 = arith.mulf %parallel_loop3A_211, %parallel_loop3A_246 : vector<16xf32>
      %parallel_loop3A_248 = arith.index_cast %parallel_loop3A_197 : i32 to index
      %parallel_loop3A_249 = tpu.vector_load %arg9[%parallel_loop3A_248] {strides = array<i32>} : memref<10240xf32, #tpu.memory_space<vmem>>, vector<16xf32>,
      tpu.vector_store %arg9[%parallel_loop3A_248], %parallel_loop3A_247 {strides = array<i32>} : memref<10240xf32, #tpu.memory_space<vmem>>, vector<16xf32>,
    } {sc.loop_unroll_factor = 8 : i64, sc.parallel_access}
    %jit3A = arith.constant 160 : i32
    %jit3A_179 = arith.constant 640 : i32
    %select_n3A = arith.select %eq3A_1, %jit3A, %jit3A_179 : i32
    %parallel_loop3A_180 = arith.constant 0 : i32
    %parallel_loop3A_181 = arith.constant 1 : i32
    scf.for %parallel_loop3A_195 = %parallel_loop3A_180 to %select_n3A step %parallel_loop3A_181  : i32 {
      %parallel_loop3A_196 = arith.constant 16 : i32
      %parallel_loop3A_197 = arith.muli %parallel_loop3A_195, %parallel_loop3A_196 : i32
      %parallel_loop3A_198 = arith.index_cast %parallel_loop3A_197 : i32 to index
      %parallel_loop3A_199 = tpu.vector_load %arg6[%parallel_loop3A_198] {strides = array<i32>} : memref<10240xi32, #tpu.memory_space<vmem>>, vector<16xi32>,
      %parallel_loop3A_200 = tpu.vector_load_idx %arg9[%parallel_loop3A_199] : memref<10240xf32, #tpu.memory_space<vmem>>[vector<16xi32>], vector<16xf32>,
      %parallel_loop3A_201 = arith.index_cast %parallel_loop3A_197 : i32 to index
      %parallel_loop3A_202 = tpu.vector_load %arg8[%parallel_loop3A_201] {strides = array<i32>} : memref<10240xf32, #tpu.memory_space<vmem>>, vector<16xf32>,
      tpu.vector_store %arg8[%parallel_loop3A_201], %parallel_loop3A_200 {strides = array<i32>} : memref<10240xf32, #tpu.memory_space<vmem>>, vector<16xf32>,
    } {sc.loop_unroll_factor = 8 : i64, sc.parallel_access}
    %barrier3A = arith.constant 0 : index
    tpu.barrier barrier_id(%barrier3A)
    %not3A_182 = arith.constant true
    %not3A_183 = arith.xori %eq3A_1, %not3A_182 : i1
    %convert_element_type3A_184 = arith.extui %not3A_183 : i1 to i32
    %cond3A_185 = arith.constant 0 : i32
    %cond3A_186 = arith.cmpi ne, %convert_element_type3A_184, %cond3A_185 : i32
    scf.if %cond3A_186 {
      %scan3A = arith.constant 0 : i32
      %scan3A_195 = arith.constant 0 : i32
      %scan3A_196 = arith.constant 2 : i32
      %scan3A_197 = arith.addi %scan3A_195, %scan3A_196 : i32
      %scan3A_198 = arith.constant 1 : i32
      scf.for %scan3A_200 = %scan3A_195 to %scan3A_197 step %scan3A_198  : i32 {
        %mul3A_201 = arith.constant 40 : i32
        %mul3A_202 = arith.muli %scan3A_200, %mul3A_201 : i32
        %add3A_203 = arith.constant 0 : i32
        %add3A_204 = arith.addi %mul3A_202, %add3A_203 : i32
        %mul3A_205 = arith.constant 128 : i32
        %mul3A_206 = arith.muli %add3A_204, %mul3A_205 : i32
        %mul3A_207 = arith.constant 128 : i32
        %mul3A_208 = arith.muli %add3A_204, %mul3A_207 : i32
        %dma_start3A = tpu.memref_slice %arg8[%mul3A_206] : memref<10240xf32, #tpu.memory_space<vmem>> -> memref<128xf32, #tpu.memory_space<vmem>>
        %dma_start3A_209 = tpu.memref_slice %arg7[%mul3A_208] : memref<10240xi32, #tpu.memory_space<vmem>> -> memref<128xi32, #tpu.memory_space<vmem>>
        %dma_start3A_210 = arith.constant 0 : i32
        %dma_start3A_211 = tpu.memref_slice %arg12[%dma_start3A_210] : memref<10240xf32, #tpu.memory_space<vmem_shared>> -> memref<10240xf32, #tpu.memory_space<vmem_shared>>
        tpu.enqueue_indirect_dma source(%dma_start3A : memref<128xf32, #tpu.memory_space<vmem>>) target(%dma_start3A_211 : memref<10240xf32, #tpu.memory_space<vmem_shared>>) offsets(%dma_start3A_209 : memref<128xi32, #tpu.memory_space<vmem>>) semaphore(%arg13 : memref<!tpu.dma_semaphore, #tpu.memory_space<semaphore_mem>>) {add = true}
        %mul3A_212 = arith.constant 40 : i32
        %mul3A_213 = arith.muli %scan3A_200, %mul3A_212 : i32
        %add3A_214 = arith.constant 1 : i32
        %add3A_215 = arith.addi %mul3A_213, %add3A_214 : i32
        %mul3A_216 = arith.constant 128 : i32
        %mul3A_217 = arith.muli %add3A_215, %mul3A_216 : i32
        %mul3A_218 = arith.constant 128 : i32
        %mul3A_219 = arith.muli %add3A_215, %mul3A_218 : i32
        %dma_start3A_220 = tpu.memref_slice %arg8[%mul3A_217] : memref<10240xf32, #tpu.memory_space<vmem>> -> memref<128xf32, #tpu.memory_space<vmem>>
        %dma_start3A_221 = tpu.memref_slice %arg7[%mul3A_219] : memref<10240xi32, #tpu.memory_space<vmem>> -> memref<128xi32, #tpu.memory_space<vmem>>
        %dma_start3A_222 = arith.constant 0 : i32
        %dma_start3A_223 = tpu.memref_slice %arg12[%dma_start3A_222] : memref<10240xf32, #tpu.memory_space<vmem_shared>> -> memref<10240xf32, #tpu.memory_space<vmem_shared>>
        tpu.enqueue_indirect_dma source(%dma_start3A_220 : memref<128xf32, #tpu.memory_space<vmem>>) target(%dma_start3A_223 : memref<10240xf32, #tpu.memory_space<vmem_shared>>) offsets(%dma_start3A_221 : memref<128xi32, #tpu.memory_space<vmem>>) semaphore(%arg13 : memref<!tpu.dma_semaphore, #tpu.memory_space<semaphore_mem>>) {add = true}
        %mul3A_224 = arith.constant 40 : i32
        %mul3A_225 = arith.muli %scan3A_200, %mul3A_224 : i32
        %add3A_226 = arith.constant 2 : i32
        %add3A_227 = arith.addi %mul3A_225, %add3A_226 : i32
        %mul3A_228 = arith.constant 128 : i32
        %mul3A_229 = arith.muli %add3A_227, %mul3A_228 : i32
        %mul3A_230 = arith.constant 128 : i32
        %mul3A_231 = arith.muli %add3A_227, %mul3A_230 : i32
        %dma_start3A_232 = tpu.memref_slice %arg8[%mul3A_229] : memref<10240xf32, #tpu.memory_space<vmem>> -> memref<128xf32, #tpu.memory_space<vmem>>
        %dma_start3A_233 = tpu.memref_slice %arg7[%mul3A_231] : memref<10240xi32, #tpu.memory_space<vmem>> -> memref<128xi32, #tpu.memory_space<vmem>>
        %dma_start3A_234 = arith.constant 0 : i32
        %dma_start3A_235 = tpu.memref_slice %arg12[%dma_start3A_234] : memref<10240xf32, #tpu.memory_space<vmem_shared>> -> memref<10240xf32, #tpu.memory_space<vmem_shared>>
        tpu.enqueue_indirect_dma source(%dma_start3A_232 : memref<128xf32, #tpu.memory_space<vmem>>) target(%dma_start3A_235 : memref<10240xf32, #tpu.memory_space<vmem_shared>>) offsets(%dma_start3A_233 : memref<128xi32, #tpu.memory_space<vmem>>) semaphore(%arg13 : memref<!tpu.dma_semaphore, #tpu.memory_space<semaphore_mem>>) {add = true}
        %mul3A_236 = arith.constant 40 : i32
        %mul3A_237 = arith.muli %scan3A_200, %mul3A_236 : i32
        %add3A_238 = arith.constant 3 : i32
        %add3A_239 = arith.addi %mul3A_237, %add3A_238 : i32
        %mul3A_240 = arith.constant 128 : i32
        %mul3A_241 = arith.muli %add3A_239, %mul3A_240 : i32
        %mul3A_242 = arith.constant 128 : i32
        %mul3A_243 = arith.muli %add3A_239, %mul3A_242 : i32
        %dma_start3A_244 = tpu.memref_slice %arg8[%mul3A_241] : memref<10240xf32, #tpu.memory_space<vmem>> -> memref<128xf32, #tpu.memory_space<vmem>>
        %dma_start3A_245 = tpu.memref_slice %arg7[%mul3A_243] : memref<10240xi32, #tpu.memory_space<vmem>> -> memref<128xi32, #tpu.memory_space<vmem>>
        %dma_start3A_246 = arith.constant 0 : i32
        %dma_start3A_247 = tpu.memref_slice %arg12[%dma_start3A_246] : memref<10240xf32, #tpu.memory_space<vmem_shared>> -> memref<10240xf32, #tpu.memory_space<vmem_shared>>
        tpu.enqueue_indirect_dma source(%dma_start3A_244 : memref<128xf32, #tpu.memory_space<vmem>>) target(%dma_start3A_247 : memref<10240xf32, #tpu.memory_space<vmem_shared>>) offsets(%dma_start3A_245 : memref<128xi32, #tpu.memory_space<vmem>>) semaphore(%arg13 : memref<!tpu.dma_semaphore, #tpu.memory_space<semaphore_mem>>) {add = true}
        %mul3A_248 = arith.constant 40 : i32
        %mul3A_249 = arith.muli %scan3A_200, %mul3A_248 : i32
        %add3A_250 = arith.constant 4 : i32
        %add3A_251 = arith.addi %mul3A_249, %add3A_250 : i32
        %mul3A_252 = arith.constant 128 : i32
        %mul3A_253 = arith.muli %add3A_251, %mul3A_252 : i32
        %mul3A_254 = arith.constant 128 : i32
        %mul3A_255 = arith.muli %add3A_251, %mul3A_254 : i32
        %dma_start3A_256 = tpu.memref_slice %arg8[%mul3A_253] : memref<10240xf32, #tpu.memory_space<vmem>> -> memref<128xf32, #tpu.memory_space<vmem>>
        %dma_start3A_257 = tpu.memref_slice %arg7[%mul3A_255] : memref<10240xi32, #tpu.memory_space<vmem>> -> memref<128xi32, #tpu.memory_space<vmem>>
        %dma_start3A_258 = arith.constant 0 : i32
        %dma_start3A_259 = tpu.memref_slice %arg12[%dma_start3A_258] : memref<10240xf32, #tpu.memory_space<vmem_shared>> -> memref<10240xf32, #tpu.memory_space<vmem_shared>>
        tpu.enqueue_indirect_dma source(%dma_start3A_256 : memref<128xf32, #tpu.memory_space<vmem>>) target(%dma_start3A_259 : memref<10240xf32, #tpu.memory_space<vmem_shared>>) offsets(%dma_start3A_257 : memref<128xi32, #tpu.memory_space<vmem>>) semaphore(%arg13 : memref<!tpu.dma_semaphore, #tpu.memory_space<semaphore_mem>>) {add = true}
        %mul3A_260 = arith.constant 40 : i32
        %mul3A_261 = arith.muli %scan3A_200, %mul3A_260 : i32
        %add3A_262 = arith.constant 5 : i32
        %add3A_263 = arith.addi %mul3A_261, %add3A_262 : i32
        %mul3A_264 = arith.constant 128 : i32
        %mul3A_265 = arith.muli %add3A_263, %mul3A_264 : i32
        %mul3A_266 = arith.constant 128 : i32
        %mul3A_267 = arith.muli %add3A_263, %mul3A_266 : i32
        %dma_start3A_268 = tpu.memref_slice %arg8[%mul3A_265] : memref<10240xf32, #tpu.memory_space<vmem>> -> memref<128xf32, #tpu.memory_space<vmem>>
        %dma_start3A_269 = tpu.memref_slice %arg7[%mul3A_267] : memref<10240xi32, #tpu.memory_space<vmem>> -> memref<128xi32, #tpu.memory_space<vmem>>
        %dma_start3A_270 = arith.constant 0 : i32
        %dma_start3A_271 = tpu.memref_slice %arg12[%dma_start3A_270] : memref<10240xf32, #tpu.memory_space<vmem_shared>> -> memref<10240xf32, #tpu.memory_space<vmem_shared>>
        tpu.enqueue_indirect_dma source(%dma_start3A_268 : memref<128xf32, #tpu.memory_space<vmem>>) target(%dma_start3A_271 : memref<10240xf32, #tpu.memory_space<vmem_shared>>) offsets(%dma_start3A_269 : memref<128xi32, #tpu.memory_space<vmem>>) semaphore(%arg13 : memref<!tpu.dma_semaphore, #tpu.memory_space<semaphore_mem>>) {add = true}
        %mul3A_272 = arith.constant 40 : i32
        %mul3A_273 = arith.muli %scan3A_200, %mul3A_272 : i32
        %add3A_274 = arith.constant 6 : i32
        %add3A_275 = arith.addi %mul3A_273, %add3A_274 : i32
        %mul3A_276 = arith.constant 128 : i32
        %mul3A_277 = arith.muli %add3A_275, %mul3A_276 : i32
        %mul3A_278 = arith.constant 128 : i32
        %mul3A_279 = arith.muli %add3A_275, %mul3A_278 : i32
        %dma_start3A_280 = tpu.memref_slice %arg8[%mul3A_277] : memref<10240xf32, #tpu.memory_space<vmem>> -> memref<128xf32, #tpu.memory_space<vmem>>
        %dma_start3A_281 = tpu.memref_slice %arg7[%mul3A_279] : memref<10240xi32, #tpu.memory_space<vmem>> -> memref<128xi32, #tpu.memory_space<vmem>>
        %dma_start3A_282 = arith.constant 0 : i32
        %dma_start3A_283 = tpu.memref_slice %arg12[%dma_start3A_282] : memref<10240xf32, #tpu.memory_space<vmem_shared>> -> memref<10240xf32, #tpu.memory_space<vmem_shared>>
        tpu.enqueue_indirect_dma source(%dma_start3A_280 : memref<128xf32, #tpu.memory_space<vmem>>) target(%dma_start3A_283 : memref<10240xf32, #tpu.memory_space<vmem_shared>>) offsets(%dma_start3A_281 : memref<128xi32, #tpu.memory_space<vmem>>) semaphore(%arg13 : memref<!tpu.dma_semaphore, #tpu.memory_space<semaphore_mem>>) {add = true}
        %mul3A_284 = arith.constant 40 : i32
        %mul3A_285 = arith.muli %scan3A_200, %mul3A_284 : i32
        %add3A_286 = arith.constant 7 : i32
        %add3A_287 = arith.addi %mul3A_285, %add3A_286 : i32
        %mul3A_288 = arith.constant 128 : i32
        %mul3A_289 = arith.muli %add3A_287, %mul3A_288 : i32
        %mul3A_290 = arith.constant 128 : i32
        %mul3A_291 = arith.muli %add3A_287, %mul3A_290 : i32
        %dma_start3A_292 = tpu.memref_slice %arg8[%mul3A_289] : memref<10240xf32, #tpu.memory_space<vmem>> -> memref<128xf32, #tpu.memory_space<vmem>>
        %dma_start3A_293 = tpu.memref_slice %arg7[%mul3A_291] : memref<10240xi32, #tpu.memory_space<vmem>> -> memref<128xi32, #tpu.memory_space<vmem>>
        %dma_start3A_294 = arith.constant 0 : i32
        %dma_start3A_295 = tpu.memref_slice %arg12[%dma_start3A_294] : memref<10240xf32, #tpu.memory_space<vmem_shared>> -> memref<10240xf32, #tpu.memory_space<vmem_shared>>
        tpu.enqueue_indirect_dma source(%dma_start3A_292 : memref<128xf32, #tpu.memory_space<vmem>>) target(%dma_start3A_295 : memref<10240xf32, #tpu.memory_space<vmem_shared>>) offsets(%dma_start3A_293 : memref<128xi32, #tpu.memory_space<vmem>>) semaphore(%arg13 : memref<!tpu.dma_semaphore, #tpu.memory_space<semaphore_mem>>) {add = true}
        %mul3A_296 = arith.constant 40 : i32
        %mul3A_297 = arith.muli %scan3A_200, %mul3A_296 : i32
        %add3A_298 = arith.constant 8 : i32
        %add3A_299 = arith.addi %mul3A_297, %add3A_298 : i32
        %mul3A_300 = arith.constant 128 : i32
        %mul3A_301 = arith.muli %add3A_299, %mul3A_300 : i32
        %mul3A_302 = arith.constant 128 : i32
        %mul3A_303 = arith.muli %add3A_299, %mul3A_302 : i32
        %dma_start3A_304 = tpu.memref_slice %arg8[%mul3A_301] : memref<10240xf32, #tpu.memory_space<vmem>> -> memref<128xf32, #tpu.memory_space<vmem>>
        %dma_start3A_305 = tpu.memref_slice %arg7[%mul3A_303] : memref<10240xi32, #tpu.memory_space<vmem>> -> memref<128xi32, #tpu.memory_space<vmem>>
        %dma_start3A_306 = arith.constant 0 : i32
        %dma_start3A_307 = tpu.memref_slice %arg12[%dma_start3A_306] : memref<10240xf32, #tpu.memory_space<vmem_shared>> -> memref<10240xf32, #tpu.memory_space<vmem_shared>>
        tpu.enqueue_indirect_dma source(%dma_start3A_304 : memref<128xf32, #tpu.memory_space<vmem>>) target(%dma_start3A_307 : memref<10240xf32, #tpu.memory_space<vmem_shared>>) offsets(%dma_start3A_305 : memref<128xi32, #tpu.memory_space<vmem>>) semaphore(%arg13 : memref<!tpu.dma_semaphore, #tpu.memory_space<semaphore_mem>>) {add = true}
        %mul3A_308 = arith.constant 40 : i32
        %mul3A_309 = arith.muli %scan3A_200, %mul3A_308 : i32
        %add3A_310 = arith.constant 9 : i32
        %add3A_311 = arith.addi %mul3A_309, %add3A_310 : i32
        %mul3A_312 = arith.constant 128 : i32
        %mul3A_313 = arith.muli %add3A_311, %mul3A_312 : i32
        %mul3A_314 = arith.constant 128 : i32
        %mul3A_315 = arith.muli %add3A_311, %mul3A_314 : i32
        %dma_start3A_316 = tpu.memref_slice %arg8[%mul3A_313] : memref<10240xf32, #tpu.memory_space<vmem>> -> memref<128xf32, #tpu.memory_space<vmem>>
        %dma_start3A_317 = tpu.memref_slice %arg7[%mul3A_315] : memref<10240xi32, #tpu.memory_space<vmem>> -> memref<128xi32, #tpu.memory_space<vmem>>
        %dma_start3A_318 = arith.constant 0 : i32
        %dma_start3A_319 = tpu.memref_slice %arg12[%dma_start3A_318] : memref<10240xf32, #tpu.memory_space<vmem_shared>> -> memref<10240xf32, #tpu.memory_space<vmem_shared>>
        tpu.enqueue_indirect_dma source(%dma_start3A_316 : memref<128xf32, #tpu.memory_space<vmem>>) target(%dma_start3A_319 : memref<10240xf32, #tpu.memory_space<vmem_shared>>) offsets(%dma_start3A_317 : memref<128xi32, #tpu.memory_space<vmem>>) semaphore(%arg13 : memref<!tpu.dma_semaphore, #tpu.memory_space<semaphore_mem>>) {add = true}
        %mul3A_320 = arith.constant 40 : i32
        %mul3A_321 = arith.muli %scan3A_200, %mul3A_320 : i32
        %add3A_322 = arith.constant 10 : i32
        %add3A_323 = arith.addi %mul3A_321, %add3A_322 : i32
        %mul3A_324 = arith.constant 128 : i32
        %mul3A_325 = arith.muli %add3A_323, %mul3A_324 : i32
        %mul3A_326 = arith.constant 128 : i32
        %mul3A_327 = arith.muli %add3A_323, %mul3A_326 : i32
        %dma_start3A_328 = tpu.memref_slice %arg8[%mul3A_325] : memref<10240xf32, #tpu.memory_space<vmem>> -> memref<128xf32, #tpu.memory_space<vmem>>
        %dma_start3A_329 = tpu.memref_slice %arg7[%mul3A_327] : memref<10240xi32, #tpu.memory_space<vmem>> -> memref<128xi32, #tpu.memory_space<vmem>>
        %dma_start3A_330 = arith.constant 0 : i32
        %dma_start3A_331 = tpu.memref_slice %arg12[%dma_start3A_330] : memref<10240xf32, #tpu.memory_space<vmem_shared>> -> memref<10240xf32, #tpu.memory_space<vmem_shared>>
        tpu.enqueue_indirect_dma source(%dma_start3A_328 : memref<128xf32, #tpu.memory_space<vmem>>) target(%dma_start3A_331 : memref<10240xf32, #tpu.memory_space<vmem_shared>>) offsets(%dma_start3A_329 : memref<128xi32, #tpu.memory_space<vmem>>) semaphore(%arg13 : memref<!tpu.dma_semaphore, #tpu.memory_space<semaphore_mem>>) {add = true}
        %mul3A_332 = arith.constant 40 : i32
        %mul3A_333 = arith.muli %scan3A_200, %mul3A_332 : i32
        %add3A_334 = arith.constant 11 : i32
        %add3A_335 = arith.addi %mul3A_333, %add3A_334 : i32
        %mul3A_336 = arith.constant 128 : i32
        %mul3A_337 = arith.muli %add3A_335, %mul3A_336 : i32
        %mul3A_338 = arith.constant 128 : i32
        %mul3A_339 = arith.muli %add3A_335, %mul3A_338 : i32
        %dma_start3A_340 = tpu.memref_slice %arg8[%mul3A_337] : memref<10240xf32, #tpu.memory_space<vmem>> -> memref<128xf32, #tpu.memory_space<vmem>>
        %dma_start3A_341 = tpu.memref_slice %arg7[%mul3A_339] : memref<10240xi32, #tpu.memory_space<vmem>> -> memref<128xi32, #tpu.memory_space<vmem>>
        %dma_start3A_342 = arith.constant 0 : i32
        %dma_start3A_343 = tpu.memref_slice %arg12[%dma_start3A_342] : memref<10240xf32, #tpu.memory_space<vmem_shared>> -> memref<10240xf32, #tpu.memory_space<vmem_shared>>
        tpu.enqueue_indirect_dma source(%dma_start3A_340 : memref<128xf32, #tpu.memory_space<vmem>>) target(%dma_start3A_343 : memref<10240xf32, #tpu.memory_space<vmem_shared>>) offsets(%dma_start3A_341 : memref<128xi32, #tpu.memory_space<vmem>>) semaphore(%arg13 : memref<!tpu.dma_semaphore, #tpu.memory_space<semaphore_mem>>) {add = true}
        %mul3A_344 = arith.constant 40 : i32
        %mul3A_345 = arith.muli %scan3A_200, %mul3A_344 : i32
        %add3A_346 = arith.constant 12 : i32
        %add3A_347 = arith.addi %mul3A_345, %add3A_346 : i32
        %mul3A_348 = arith.constant 128 : i32
        %mul3A_349 = arith.muli %add3A_347, %mul3A_348 : i32
        %mul3A_350 = arith.constant 128 : i32
        %mul3A_351 = arith.muli %add3A_347, %mul3A_350 : i32
        %dma_start3A_352 = tpu.memref_slice %arg8[%mul3A_349] : memref<10240xf32, #tpu.memory_space<vmem>> -> memref<128xf32, #tpu.memory_space<vmem>>
        %dma_start3A_353 = tpu.memref_slice %arg7[%mul3A_351] : memref<10240xi32, #tpu.memory_space<vmem>> -> memref<128xi32, #tpu.memory_space<vmem>>
        %dma_start3A_354 = arith.constant 0 : i32
        %dma_start3A_355 = tpu.memref_slice %arg12[%dma_start3A_354] : memref<10240xf32, #tpu.memory_space<vmem_shared>> -> memref<10240xf32, #tpu.memory_space<vmem_shared>>
        tpu.enqueue_indirect_dma source(%dma_start3A_352 : memref<128xf32, #tpu.memory_space<vmem>>) target(%dma_start3A_355 : memref<10240xf32, #tpu.memory_space<vmem_shared>>) offsets(%dma_start3A_353 : memref<128xi32, #tpu.memory_space<vmem>>) semaphore(%arg13 : memref<!tpu.dma_semaphore, #tpu.memory_space<semaphore_mem>>) {add = true}
        %mul3A_356 = arith.constant 40 : i32
        %mul3A_357 = arith.muli %scan3A_200, %mul3A_356 : i32
        %add3A_358 = arith.constant 13 : i32
        %add3A_359 = arith.addi %mul3A_357, %add3A_358 : i32
        %mul3A_360 = arith.constant 128 : i32
        %mul3A_361 = arith.muli %add3A_359, %mul3A_360 : i32
        %mul3A_362 = arith.constant 128 : i32
        %mul3A_363 = arith.muli %add3A_359, %mul3A_362 : i32
        %dma_start3A_364 = tpu.memref_slice %arg8[%mul3A_361] : memref<10240xf32, #tpu.memory_space<vmem>> -> memref<128xf32, #tpu.memory_space<vmem>>
        %dma_start3A_365 = tpu.memref_slice %arg7[%mul3A_363] : memref<10240xi32, #tpu.memory_space<vmem>> -> memref<128xi32, #tpu.memory_space<vmem>>
        %dma_start3A_366 = arith.constant 0 : i32
        %dma_start3A_367 = tpu.memref_slice %arg12[%dma_start3A_366] : memref<10240xf32, #tpu.memory_space<vmem_shared>> -> memref<10240xf32, #tpu.memory_space<vmem_shared>>
        tpu.enqueue_indirect_dma source(%dma_start3A_364 : memref<128xf32, #tpu.memory_space<vmem>>) target(%dma_start3A_367 : memref<10240xf32, #tpu.memory_space<vmem_shared>>) offsets(%dma_start3A_365 : memref<128xi32, #tpu.memory_space<vmem>>) semaphore(%arg13 : memref<!tpu.dma_semaphore, #tpu.memory_space<semaphore_mem>>) {add = true}
        %mul3A_368 = arith.constant 40 : i32
        %mul3A_369 = arith.muli %scan3A_200, %mul3A_368 : i32
        %add3A_370 = arith.constant 14 : i32
        %add3A_371 = arith.addi %mul3A_369, %add3A_370 : i32
        %mul3A_372 = arith.constant 128 : i32
        %mul3A_373 = arith.muli %add3A_371, %mul3A_372 : i32
        %mul3A_374 = arith.constant 128 : i32
        %mul3A_375 = arith.muli %add3A_371, %mul3A_374 : i32
        %dma_start3A_376 = tpu.memref_slice %arg8[%mul3A_373] : memref<10240xf32, #tpu.memory_space<vmem>> -> memref<128xf32, #tpu.memory_space<vmem>>
        %dma_start3A_377 = tpu.memref_slice %arg7[%mul3A_375] : memref<10240xi32, #tpu.memory_space<vmem>> -> memref<128xi32, #tpu.memory_space<vmem>>
        %dma_start3A_378 = arith.constant 0 : i32
        %dma_start3A_379 = tpu.memref_slice %arg12[%dma_start3A_378] : memref<10240xf32, #tpu.memory_space<vmem_shared>> -> memref<10240xf32, #tpu.memory_space<vmem_shared>>
        tpu.enqueue_indirect_dma source(%dma_start3A_376 : memref<128xf32, #tpu.memory_space<vmem>>) target(%dma_start3A_379 : memref<10240xf32, #tpu.memory_space<vmem_shared>>) offsets(%dma_start3A_377 : memref<128xi32, #tpu.memory_space<vmem>>) semaphore(%arg13 : memref<!tpu.dma_semaphore, #tpu.memory_space<semaphore_mem>>) {add = true}
        %mul3A_380 = arith.constant 40 : i32
        %mul3A_381 = arith.muli %scan3A_200, %mul3A_380 : i32
        %add3A_382 = arith.constant 15 : i32
        %add3A_383 = arith.addi %mul3A_381, %add3A_382 : i32
        %mul3A_384 = arith.constant 128 : i32
        %mul3A_385 = arith.muli %add3A_383, %mul3A_384 : i32
        %mul3A_386 = arith.constant 128 : i32
        %mul3A_387 = arith.muli %add3A_383, %mul3A_386 : i32
        %dma_start3A_388 = tpu.memref_slice %arg8[%mul3A_385] : memref<10240xf32, #tpu.memory_space<vmem>> -> memref<128xf32, #tpu.memory_space<vmem>>
        %dma_start3A_389 = tpu.memref_slice %arg7[%mul3A_387] : memref<10240xi32, #tpu.memory_space<vmem>> -> memref<128xi32, #tpu.memory_space<vmem>>
        %dma_start3A_390 = arith.constant 0 : i32
        %dma_start3A_391 = tpu.memref_slice %arg12[%dma_start3A_390] : memref<10240xf32, #tpu.memory_space<vmem_shared>> -> memref<10240xf32, #tpu.memory_space<vmem_shared>>
        tpu.enqueue_indirect_dma source(%dma_start3A_388 : memref<128xf32, #tpu.memory_space<vmem>>) target(%dma_start3A_391 : memref<10240xf32, #tpu.memory_space<vmem_shared>>) offsets(%dma_start3A_389 : memref<128xi32, #tpu.memory_space<vmem>>) semaphore(%arg13 : memref<!tpu.dma_semaphore, #tpu.memory_space<semaphore_mem>>) {add = true}
        %mul3A_392 = arith.constant 40 : i32
        %mul3A_393 = arith.muli %scan3A_200, %mul3A_392 : i32
        %add3A_394 = arith.constant 16 : i32
        %add3A_395 = arith.addi %mul3A_393, %add3A_394 : i32
        %mul3A_396 = arith.constant 128 : i32
        %mul3A_397 = arith.muli %add3A_395, %mul3A_396 : i32
        %mul3A_398 = arith.constant 128 : i32
        %mul3A_399 = arith.muli %add3A_395, %mul3A_398 : i32
        %dma_start3A_400 = tpu.memref_slice %arg8[%mul3A_397] : memref<10240xf32, #tpu.memory_space<vmem>> -> memref<128xf32, #tpu.memory_space<vmem>>
        %dma_start3A_401 = tpu.memref_slice %arg7[%mul3A_399] : memref<10240xi32, #tpu.memory_space<vmem>> -> memref<128xi32, #tpu.memory_space<vmem>>
        %dma_start3A_402 = arith.constant 0 : i32
        %dma_start3A_403 = tpu.memref_slice %arg12[%dma_start3A_402] : memref<10240xf32, #tpu.memory_space<vmem_shared>> -> memref<10240xf32, #tpu.memory_space<vmem_shared>>
        tpu.enqueue_indirect_dma source(%dma_start3A_400 : memref<128xf32, #tpu.memory_space<vmem>>) target(%dma_start3A_403 : memref<10240xf32, #tpu.memory_space<vmem_shared>>) offsets(%dma_start3A_401 : memref<128xi32, #tpu.memory_space<vmem>>) semaphore(%arg13 : memref<!tpu.dma_semaphore, #tpu.memory_space<semaphore_mem>>) {add = true}
        %mul3A_404 = arith.constant 40 : i32
        %mul3A_405 = arith.muli %scan3A_200, %mul3A_404 : i32
        %add3A_406 = arith.constant 17 : i32
        %add3A_407 = arith.addi %mul3A_405, %add3A_406 : i32
        %mul3A_408 = arith.constant 128 : i32
        %mul3A_409 = arith.muli %add3A_407, %mul3A_408 : i32
        %mul3A_410 = arith.constant 128 : i32
        %mul3A_411 = arith.muli %add3A_407, %mul3A_410 : i32
        %dma_start3A_412 = tpu.memref_slice %arg8[%mul3A_409] : memref<10240xf32, #tpu.memory_space<vmem>> -> memref<128xf32, #tpu.memory_space<vmem>>
        %dma_start3A_413 = tpu.memref_slice %arg7[%mul3A_411] : memref<10240xi32, #tpu.memory_space<vmem>> -> memref<128xi32, #tpu.memory_space<vmem>>
        %dma_start3A_414 = arith.constant 0 : i32
        %dma_start3A_415 = tpu.memref_slice %arg12[%dma_start3A_414] : memref<10240xf32, #tpu.memory_space<vmem_shared>> -> memref<10240xf32, #tpu.memory_space<vmem_shared>>
        tpu.enqueue_indirect_dma source(%dma_start3A_412 : memref<128xf32, #tpu.memory_space<vmem>>) target(%dma_start3A_415 : memref<10240xf32, #tpu.memory_space<vmem_shared>>) offsets(%dma_start3A_413 : memref<128xi32, #tpu.memory_space<vmem>>) semaphore(%arg13 : memref<!tpu.dma_semaphore, #tpu.memory_space<semaphore_mem>>) {add = true}
        %mul3A_416 = arith.constant 40 : i32
        %mul3A_417 = arith.muli %scan3A_200, %mul3A_416 : i32
        %add3A_418 = arith.constant 18 : i32
        %add3A_419 = arith.addi %mul3A_417, %add3A_418 : i32
        %mul3A_420 = arith.constant 128 : i32
        %mul3A_421 = arith.muli %add3A_419, %mul3A_420 : i32
        %mul3A_422 = arith.constant 128 : i32
        %mul3A_423 = arith.muli %add3A_419, %mul3A_422 : i32
        %dma_start3A_424 = tpu.memref_slice %arg8[%mul3A_421] : memref<10240xf32, #tpu.memory_space<vmem>> -> memref<128xf32, #tpu.memory_space<vmem>>
        %dma_start3A_425 = tpu.memref_slice %arg7[%mul3A_423] : memref<10240xi32, #tpu.memory_space<vmem>> -> memref<128xi32, #tpu.memory_space<vmem>>
        %dma_start3A_426 = arith.constant 0 : i32
        %dma_start3A_427 = tpu.memref_slice %arg12[%dma_start3A_426] : memref<10240xf32, #tpu.memory_space<vmem_shared>> -> memref<10240xf32, #tpu.memory_space<vmem_shared>>
        tpu.enqueue_indirect_dma source(%dma_start3A_424 : memref<128xf32, #tpu.memory_space<vmem>>) target(%dma_start3A_427 : memref<10240xf32, #tpu.memory_space<vmem_shared>>) offsets(%dma_start3A_425 : memref<128xi32, #tpu.memory_space<vmem>>) semaphore(%arg13 : memref<!tpu.dma_semaphore, #tpu.memory_space<semaphore_mem>>) {add = true}
        %mul3A_428 = arith.constant 40 : i32
        %mul3A_429 = arith.muli %scan3A_200, %mul3A_428 : i32
        %add3A_430 = arith.constant 19 : i32
        %add3A_431 = arith.addi %mul3A_429, %add3A_430 : i32
        %mul3A_432 = arith.constant 128 : i32
        %mul3A_433 = arith.muli %add3A_431, %mul3A_432 : i32
        %mul3A_434 = arith.constant 128 : i32
        %mul3A_435 = arith.muli %add3A_431, %mul3A_434 : i32
        %dma_start3A_436 = tpu.memref_slice %arg8[%mul3A_433] : memref<10240xf32, #tpu.memory_space<vmem>> -> memref<128xf32, #tpu.memory_space<vmem>>
        %dma_start3A_437 = tpu.memref_slice %arg7[%mul3A_435] : memref<10240xi32, #tpu.memory_space<vmem>> -> memref<128xi32, #tpu.memory_space<vmem>>
        %dma_start3A_438 = arith.constant 0 : i32
        %dma_start3A_439 = tpu.memref_slice %arg12[%dma_start3A_438] : memref<10240xf32, #tpu.memory_space<vmem_shared>> -> memref<10240xf32, #tpu.memory_space<vmem_shared>>
        tpu.enqueue_indirect_dma source(%dma_start3A_436 : memref<128xf32, #tpu.memory_space<vmem>>) target(%dma_start3A_439 : memref<10240xf32, #tpu.memory_space<vmem_shared>>) offsets(%dma_start3A_437 : memref<128xi32, #tpu.memory_space<vmem>>) semaphore(%arg13 : memref<!tpu.dma_semaphore, #tpu.memory_space<semaphore_mem>>) {add = true}
        %mul3A_440 = arith.constant 40 : i32
        %mul3A_441 = arith.muli %scan3A_200, %mul3A_440 : i32
        %add3A_442 = arith.constant 20 : i32
        %add3A_443 = arith.addi %mul3A_441, %add3A_442 : i32
        %mul3A_444 = arith.constant 128 : i32
        %mul3A_445 = arith.muli %add3A_443, %mul3A_444 : i32
        %mul3A_446 = arith.constant 128 : i32
        %mul3A_447 = arith.muli %add3A_443, %mul3A_446 : i32
        %dma_start3A_448 = tpu.memref_slice %arg8[%mul3A_445] : memref<10240xf32, #tpu.memory_space<vmem>> -> memref<128xf32, #tpu.memory_space<vmem>>
        %dma_start3A_449 = tpu.memref_slice %arg7[%mul3A_447] : memref<10240xi32, #tpu.memory_space<vmem>> -> memref<128xi32, #tpu.memory_space<vmem>>
        %dma_start3A_450 = arith.constant 0 : i32
        %dma_start3A_451 = tpu.memref_slice %arg12[%dma_start3A_450] : memref<10240xf32, #tpu.memory_space<vmem_shared>> -> memref<10240xf32, #tpu.memory_space<vmem_shared>>
        tpu.enqueue_indirect_dma source(%dma_start3A_448 : memref<128xf32, #tpu.memory_space<vmem>>) target(%dma_start3A_451 : memref<10240xf32, #tpu.memory_space<vmem_shared>>) offsets(%dma_start3A_449 : memref<128xi32, #tpu.memory_space<vmem>>) semaphore(%arg13 : memref<!tpu.dma_semaphore, #tpu.memory_space<semaphore_mem>>) {add = true}
        %mul3A_452 = arith.constant 40 : i32
        %mul3A_453 = arith.muli %scan3A_200, %mul3A_452 : i32
        %add3A_454 = arith.constant 21 : i32
        %add3A_455 = arith.addi %mul3A_453, %add3A_454 : i32
        %mul3A_456 = arith.constant 128 : i32
        %mul3A_457 = arith.muli %add3A_455, %mul3A_456 : i32
        %mul3A_458 = arith.constant 128 : i32
        %mul3A_459 = arith.muli %add3A_455, %mul3A_458 : i32
        %dma_start3A_460 = tpu.memref_slice %arg8[%mul3A_457] : memref<10240xf32, #tpu.memory_space<vmem>> -> memref<128xf32, #tpu.memory_space<vmem>>
        %dma_start3A_461 = tpu.memref_slice %arg7[%mul3A_459] : memref<10240xi32, #tpu.memory_space<vmem>> -> memref<128xi32, #tpu.memory_space<vmem>>
        %dma_start3A_462 = arith.constant 0 : i32
        %dma_start3A_463 = tpu.memref_slice %arg12[%dma_start3A_462] : memref<10240xf32, #tpu.memory_space<vmem_shared>> -> memref<10240xf32, #tpu.memory_space<vmem_shared>>
        tpu.enqueue_indirect_dma source(%dma_start3A_460 : memref<128xf32, #tpu.memory_space<vmem>>) target(%dma_start3A_463 : memref<10240xf32, #tpu.memory_space<vmem_shared>>) offsets(%dma_start3A_461 : memref<128xi32, #tpu.memory_space<vmem>>) semaphore(%arg13 : memref<!tpu.dma_semaphore, #tpu.memory_space<semaphore_mem>>) {add = true}
        %mul3A_464 = arith.constant 40 : i32
        %mul3A_465 = arith.muli %scan3A_200, %mul3A_464 : i32
        %add3A_466 = arith.constant 22 : i32
        %add3A_467 = arith.addi %mul3A_465, %add3A_466 : i32
        %mul3A_468 = arith.constant 128 : i32
        %mul3A_469 = arith.muli %add3A_467, %mul3A_468 : i32
        %mul3A_470 = arith.constant 128 : i32
        %mul3A_471 = arith.muli %add3A_467, %mul3A_470 : i32
        %dma_start3A_472 = tpu.memref_slice %arg8[%mul3A_469] : memref<10240xf32, #tpu.memory_space<vmem>> -> memref<128xf32, #tpu.memory_space<vmem>>
        %dma_start3A_473 = tpu.memref_slice %arg7[%mul3A_471] : memref<10240xi32, #tpu.memory_space<vmem>> -> memref<128xi32, #tpu.memory_space<vmem>>
        %dma_start3A_474 = arith.constant 0 : i32
        %dma_start3A_475 = tpu.memref_slice %arg12[%dma_start3A_474] : memref<10240xf32, #tpu.memory_space<vmem_shared>> -> memref<10240xf32, #tpu.memory_space<vmem_shared>>
        tpu.enqueue_indirect_dma source(%dma_start3A_472 : memref<128xf32, #tpu.memory_space<vmem>>) target(%dma_start3A_475 : memref<10240xf32, #tpu.memory_space<vmem_shared>>) offsets(%dma_start3A_473 : memref<128xi32, #tpu.memory_space<vmem>>) semaphore(%arg13 : memref<!tpu.dma_semaphore, #tpu.memory_space<semaphore_mem>>) {add = true}
        %mul3A_476 = arith.constant 40 : i32
        %mul3A_477 = arith.muli %scan3A_200, %mul3A_476 : i32
        %add3A_478 = arith.constant 23 : i32
        %add3A_479 = arith.addi %mul3A_477, %add3A_478 : i32
        %mul3A_480 = arith.constant 128 : i32
        %mul3A_481 = arith.muli %add3A_479, %mul3A_480 : i32
        %mul3A_482 = arith.constant 128 : i32
        %mul3A_483 = arith.muli %add3A_479, %mul3A_482 : i32
        %dma_start3A_484 = tpu.memref_slice %arg8[%mul3A_481] : memref<10240xf32, #tpu.memory_space<vmem>> -> memref<128xf32, #tpu.memory_space<vmem>>
        %dma_start3A_485 = tpu.memref_slice %arg7[%mul3A_483] : memref<10240xi32, #tpu.memory_space<vmem>> -> memref<128xi32, #tpu.memory_space<vmem>>
        %dma_start3A_486 = arith.constant 0 : i32
        %dma_start3A_487 = tpu.memref_slice %arg12[%dma_start3A_486] : memref<10240xf32, #tpu.memory_space<vmem_shared>> -> memref<10240xf32, #tpu.memory_space<vmem_shared>>
        tpu.enqueue_indirect_dma source(%dma_start3A_484 : memref<128xf32, #tpu.memory_space<vmem>>) target(%dma_start3A_487 : memref<10240xf32, #tpu.memory_space<vmem_shared>>) offsets(%dma_start3A_485 : memref<128xi32, #tpu.memory_space<vmem>>) semaphore(%arg13 : memref<!tpu.dma_semaphore, #tpu.memory_space<semaphore_mem>>) {add = true}
        %mul3A_488 = arith.constant 40 : i32
        %mul3A_489 = arith.muli %scan3A_200, %mul3A_488 : i32
        %add3A_490 = arith.constant 24 : i32
        %add3A_491 = arith.addi %mul3A_489, %add3A_490 : i32
        %mul3A_492 = arith.constant 128 : i32
        %mul3A_493 = arith.muli %add3A_491, %mul3A_492 : i32
        %mul3A_494 = arith.constant 128 : i32
        %mul3A_495 = arith.muli %add3A_491, %mul3A_494 : i32
        %dma_start3A_496 = tpu.memref_slice %arg8[%mul3A_493] : memref<10240xf32, #tpu.memory_space<vmem>> -> memref<128xf32, #tpu.memory_space<vmem>>
        %dma_start3A_497 = tpu.memref_slice %arg7[%mul3A_495] : memref<10240xi32, #tpu.memory_space<vmem>> -> memref<128xi32, #tpu.memory_space<vmem>>
        %dma_start3A_498 = arith.constant 0 : i32
        %dma_start3A_499 = tpu.memref_slice %arg12[%dma_start3A_498] : memref<10240xf32, #tpu.memory_space<vmem_shared>> -> memref<10240xf32, #tpu.memory_space<vmem_shared>>
        tpu.enqueue_indirect_dma source(%dma_start3A_496 : memref<128xf32, #tpu.memory_space<vmem>>) target(%dma_start3A_499 : memref<10240xf32, #tpu.memory_space<vmem_shared>>) offsets(%dma_start3A_497 : memref<128xi32, #tpu.memory_space<vmem>>) semaphore(%arg13 : memref<!tpu.dma_semaphore, #tpu.memory_space<semaphore_mem>>) {add = true}
        %mul3A_500 = arith.constant 40 : i32
        %mul3A_501 = arith.muli %scan3A_200, %mul3A_500 : i32
        %add3A_502 = arith.constant 25 : i32
        %add3A_503 = arith.addi %mul3A_501, %add3A_502 : i32
        %mul3A_504 = arith.constant 128 : i32
        %mul3A_505 = arith.muli %add3A_503, %mul3A_504 : i32
        %mul3A_506 = arith.constant 128 : i32
        %mul3A_507 = arith.muli %add3A_503, %mul3A_506 : i32
        %dma_start3A_508 = tpu.memref_slice %arg8[%mul3A_505] : memref<10240xf32, #tpu.memory_space<vmem>> -> memref<128xf32, #tpu.memory_space<vmem>>
        %dma_start3A_509 = tpu.memref_slice %arg7[%mul3A_507] : memref<10240xi32, #tpu.memory_space<vmem>> -> memref<128xi32, #tpu.memory_space<vmem>>
        %dma_start3A_510 = arith.constant 0 : i32
        %dma_start3A_511 = tpu.memref_slice %arg12[%dma_start3A_510] : memref<10240xf32, #tpu.memory_space<vmem_shared>> -> memref<10240xf32, #tpu.memory_space<vmem_shared>>
        tpu.enqueue_indirect_dma source(%dma_start3A_508 : memref<128xf32, #tpu.memory_space<vmem>>) target(%dma_start3A_511 : memref<10240xf32, #tpu.memory_space<vmem_shared>>) offsets(%dma_start3A_509 : memref<128xi32, #tpu.memory_space<vmem>>) semaphore(%arg13 : memref<!tpu.dma_semaphore, #tpu.memory_space<semaphore_mem>>) {add = true}
        %mul3A_512 = arith.constant 40 : i32
        %mul3A_513 = arith.muli %scan3A_200, %mul3A_512 : i32
        %add3A_514 = arith.constant 26 : i32
        %add3A_515 = arith.addi %mul3A_513, %add3A_514 : i32
        %mul3A_516 = arith.constant 128 : i32
        %mul3A_517 = arith.muli %add3A_515, %mul3A_516 : i32
        %mul3A_518 = arith.constant 128 : i32
        %mul3A_519 = arith.muli %add3A_515, %mul3A_518 : i32
        %dma_start3A_520 = tpu.memref_slice %arg8[%mul3A_517] : memref<10240xf32, #tpu.memory_space<vmem>> -> memref<128xf32, #tpu.memory_space<vmem>>
        %dma_start3A_521 = tpu.memref_slice %arg7[%mul3A_519] : memref<10240xi32, #tpu.memory_space<vmem>> -> memref<128xi32, #tpu.memory_space<vmem>>
        %dma_start3A_522 = arith.constant 0 : i32
        %dma_start3A_523 = tpu.memref_slice %arg12[%dma_start3A_522] : memref<10240xf32, #tpu.memory_space<vmem_shared>> -> memref<10240xf32, #tpu.memory_space<vmem_shared>>
        tpu.enqueue_indirect_dma source(%dma_start3A_520 : memref<128xf32, #tpu.memory_space<vmem>>) target(%dma_start3A_523 : memref<10240xf32, #tpu.memory_space<vmem_shared>>) offsets(%dma_start3A_521 : memref<128xi32, #tpu.memory_space<vmem>>) semaphore(%arg13 : memref<!tpu.dma_semaphore, #tpu.memory_space<semaphore_mem>>) {add = true}
        %mul3A_524 = arith.constant 40 : i32
        %mul3A_525 = arith.muli %scan3A_200, %mul3A_524 : i32
        %add3A_526 = arith.constant 27 : i32
        %add3A_527 = arith.addi %mul3A_525, %add3A_526 : i32
        %mul3A_528 = arith.constant 128 : i32
        %mul3A_529 = arith.muli %add3A_527, %mul3A_528 : i32
        %mul3A_530 = arith.constant 128 : i32
        %mul3A_531 = arith.muli %add3A_527, %mul3A_530 : i32
        %dma_start3A_532 = tpu.memref_slice %arg8[%mul3A_529] : memref<10240xf32, #tpu.memory_space<vmem>> -> memref<128xf32, #tpu.memory_space<vmem>>
        %dma_start3A_533 = tpu.memref_slice %arg7[%mul3A_531] : memref<10240xi32, #tpu.memory_space<vmem>> -> memref<128xi32, #tpu.memory_space<vmem>>
        %dma_start3A_534 = arith.constant 0 : i32
        %dma_start3A_535 = tpu.memref_slice %arg12[%dma_start3A_534] : memref<10240xf32, #tpu.memory_space<vmem_shared>> -> memref<10240xf32, #tpu.memory_space<vmem_shared>>
        tpu.enqueue_indirect_dma source(%dma_start3A_532 : memref<128xf32, #tpu.memory_space<vmem>>) target(%dma_start3A_535 : memref<10240xf32, #tpu.memory_space<vmem_shared>>) offsets(%dma_start3A_533 : memref<128xi32, #tpu.memory_space<vmem>>) semaphore(%arg13 : memref<!tpu.dma_semaphore, #tpu.memory_space<semaphore_mem>>) {add = true}
        %mul3A_536 = arith.constant 40 : i32
        %mul3A_537 = arith.muli %scan3A_200, %mul3A_536 : i32
        %add3A_538 = arith.constant 28 : i32
        %add3A_539 = arith.addi %mul3A_537, %add3A_538 : i32
        %mul3A_540 = arith.constant 128 : i32
        %mul3A_541 = arith.muli %add3A_539, %mul3A_540 : i32
        %mul3A_542 = arith.constant 128 : i32
        %mul3A_543 = arith.muli %add3A_539, %mul3A_542 : i32
        %dma_start3A_544 = tpu.memref_slice %arg8[%mul3A_541] : memref<10240xf32, #tpu.memory_space<vmem>> -> memref<128xf32, #tpu.memory_space<vmem>>
        %dma_start3A_545 = tpu.memref_slice %arg7[%mul3A_543] : memref<10240xi32, #tpu.memory_space<vmem>> -> memref<128xi32, #tpu.memory_space<vmem>>
        %dma_start3A_546 = arith.constant 0 : i32
        %dma_start3A_547 = tpu.memref_slice %arg12[%dma_start3A_546] : memref<10240xf32, #tpu.memory_space<vmem_shared>> -> memref<10240xf32, #tpu.memory_space<vmem_shared>>
        tpu.enqueue_indirect_dma source(%dma_start3A_544 : memref<128xf32, #tpu.memory_space<vmem>>) target(%dma_start3A_547 : memref<10240xf32, #tpu.memory_space<vmem_shared>>) offsets(%dma_start3A_545 : memref<128xi32, #tpu.memory_space<vmem>>) semaphore(%arg13 : memref<!tpu.dma_semaphore, #tpu.memory_space<semaphore_mem>>) {add = true}
        %mul3A_548 = arith.constant 40 : i32
        %mul3A_549 = arith.muli %scan3A_200, %mul3A_548 : i32
        %add3A_550 = arith.constant 29 : i32
        %add3A_551 = arith.addi %mul3A_549, %add3A_550 : i32
        %mul3A_552 = arith.constant 128 : i32
        %mul3A_553 = arith.muli %add3A_551, %mul3A_552 : i32
        %mul3A_554 = arith.constant 128 : i32
        %mul3A_555 = arith.muli %add3A_551, %mul3A_554 : i32
        %dma_start3A_556 = tpu.memref_slice %arg8[%mul3A_553] : memref<10240xf32, #tpu.memory_space<vmem>> -> memref<128xf32, #tpu.memory_space<vmem>>
        %dma_start3A_557 = tpu.memref_slice %arg7[%mul3A_555] : memref<10240xi32, #tpu.memory_space<vmem>> -> memref<128xi32, #tpu.memory_space<vmem>>
        %dma_start3A_558 = arith.constant 0 : i32
        %dma_start3A_559 = tpu.memref_slice %arg12[%dma_start3A_558] : memref<10240xf32, #tpu.memory_space<vmem_shared>> -> memref<10240xf32, #tpu.memory_space<vmem_shared>>
        tpu.enqueue_indirect_dma source(%dma_start3A_556 : memref<128xf32, #tpu.memory_space<vmem>>) target(%dma_start3A_559 : memref<10240xf32, #tpu.memory_space<vmem_shared>>) offsets(%dma_start3A_557 : memref<128xi32, #tpu.memory_space<vmem>>) semaphore(%arg13 : memref<!tpu.dma_semaphore, #tpu.memory_space<semaphore_mem>>) {add = true}
        %mul3A_560 = arith.constant 40 : i32
        %mul3A_561 = arith.muli %scan3A_200, %mul3A_560 : i32
        %add3A_562 = arith.constant 30 : i32
        %add3A_563 = arith.addi %mul3A_561, %add3A_562 : i32
        %mul3A_564 = arith.constant 128 : i32
        %mul3A_565 = arith.muli %add3A_563, %mul3A_564 : i32
        %mul3A_566 = arith.constant 128 : i32
        %mul3A_567 = arith.muli %add3A_563, %mul3A_566 : i32
        %dma_start3A_568 = tpu.memref_slice %arg8[%mul3A_565] : memref<10240xf32, #tpu.memory_space<vmem>> -> memref<128xf32, #tpu.memory_space<vmem>>
        %dma_start3A_569 = tpu.memref_slice %arg7[%mul3A_567] : memref<10240xi32, #tpu.memory_space<vmem>> -> memref<128xi32, #tpu.memory_space<vmem>>
        %dma_start3A_570 = arith.constant 0 : i32
        %dma_start3A_571 = tpu.memref_slice %arg12[%dma_start3A_570] : memref<10240xf32, #tpu.memory_space<vmem_shared>> -> memref<10240xf32, #tpu.memory_space<vmem_shared>>
        tpu.enqueue_indirect_dma source(%dma_start3A_568 : memref<128xf32, #tpu.memory_space<vmem>>) target(%dma_start3A_571 : memref<10240xf32, #tpu.memory_space<vmem_shared>>) offsets(%dma_start3A_569 : memref<128xi32, #tpu.memory_space<vmem>>) semaphore(%arg13 : memref<!tpu.dma_semaphore, #tpu.memory_space<semaphore_mem>>) {add = true}
        %mul3A_572 = arith.constant 40 : i32
        %mul3A_573 = arith.muli %scan3A_200, %mul3A_572 : i32
        %add3A_574 = arith.constant 31 : i32
        %add3A_575 = arith.addi %mul3A_573, %add3A_574 : i32
        %mul3A_576 = arith.constant 128 : i32
        %mul3A_577 = arith.muli %add3A_575, %mul3A_576 : i32
        %mul3A_578 = arith.constant 128 : i32
        %mul3A_579 = arith.muli %add3A_575, %mul3A_578 : i32
        %dma_start3A_580 = tpu.memref_slice %arg8[%mul3A_577] : memref<10240xf32, #tpu.memory_space<vmem>> -> memref<128xf32, #tpu.memory_space<vmem>>
        %dma_start3A_581 = tpu.memref_slice %arg7[%mul3A_579] : memref<10240xi32, #tpu.memory_space<vmem>> -> memref<128xi32, #tpu.memory_space<vmem>>
        %dma_start3A_582 = arith.constant 0 : i32
        %dma_start3A_583 = tpu.memref_slice %arg12[%dma_start3A_582] : memref<10240xf32, #tpu.memory_space<vmem_shared>> -> memref<10240xf32, #tpu.memory_space<vmem_shared>>
        tpu.enqueue_indirect_dma source(%dma_start3A_580 : memref<128xf32, #tpu.memory_space<vmem>>) target(%dma_start3A_583 : memref<10240xf32, #tpu.memory_space<vmem_shared>>) offsets(%dma_start3A_581 : memref<128xi32, #tpu.memory_space<vmem>>) semaphore(%arg13 : memref<!tpu.dma_semaphore, #tpu.memory_space<semaphore_mem>>) {add = true}
        %mul3A_584 = arith.constant 40 : i32
        %mul3A_585 = arith.muli %scan3A_200, %mul3A_584 : i32
        %add3A_586 = arith.constant 32 : i32
        %add3A_587 = arith.addi %mul3A_585, %add3A_586 : i32
        %mul3A_588 = arith.constant 128 : i32
        %mul3A_589 = arith.muli %add3A_587, %mul3A_588 : i32
        %mul3A_590 = arith.constant 128 : i32
        %mul3A_591 = arith.muli %add3A_587, %mul3A_590 : i32
        %dma_start3A_592 = tpu.memref_slice %arg8[%mul3A_589] : memref<10240xf32, #tpu.memory_space<vmem>> -> memref<128xf32, #tpu.memory_space<vmem>>
        %dma_start3A_593 = tpu.memref_slice %arg7[%mul3A_591] : memref<10240xi32, #tpu.memory_space<vmem>> -> memref<128xi32, #tpu.memory_space<vmem>>
        %dma_start3A_594 = arith.constant 0 : i32
        %dma_start3A_595 = tpu.memref_slice %arg12[%dma_start3A_594] : memref<10240xf32, #tpu.memory_space<vmem_shared>> -> memref<10240xf32, #tpu.memory_space<vmem_shared>>
        tpu.enqueue_indirect_dma source(%dma_start3A_592 : memref<128xf32, #tpu.memory_space<vmem>>) target(%dma_start3A_595 : memref<10240xf32, #tpu.memory_space<vmem_shared>>) offsets(%dma_start3A_593 : memref<128xi32, #tpu.memory_space<vmem>>) semaphore(%arg13 : memref<!tpu.dma_semaphore, #tpu.memory_space<semaphore_mem>>) {add = true}
        %mul3A_596 = arith.constant 40 : i32
        %mul3A_597 = arith.muli %scan3A_200, %mul3A_596 : i32
        %add3A_598 = arith.constant 33 : i32
        %add3A_599 = arith.addi %mul3A_597, %add3A_598 : i32
        %mul3A_600 = arith.constant 128 : i32
        %mul3A_601 = arith.muli %add3A_599, %mul3A_600 : i32
        %mul3A_602 = arith.constant 128 : i32
        %mul3A_603 = arith.muli %add3A_599, %mul3A_602 : i32
        %dma_start3A_604 = tpu.memref_slice %arg8[%mul3A_601] : memref<10240xf32, #tpu.memory_space<vmem>> -> memref<128xf32, #tpu.memory_space<vmem>>
        %dma_start3A_605 = tpu.memref_slice %arg7[%mul3A_603] : memref<10240xi32, #tpu.memory_space<vmem>> -> memref<128xi32, #tpu.memory_space<vmem>>
        %dma_start3A_606 = arith.constant 0 : i32
        %dma_start3A_607 = tpu.memref_slice %arg12[%dma_start3A_606] : memref<10240xf32, #tpu.memory_space<vmem_shared>> -> memref<10240xf32, #tpu.memory_space<vmem_shared>>
        tpu.enqueue_indirect_dma source(%dma_start3A_604 : memref<128xf32, #tpu.memory_space<vmem>>) target(%dma_start3A_607 : memref<10240xf32, #tpu.memory_space<vmem_shared>>) offsets(%dma_start3A_605 : memref<128xi32, #tpu.memory_space<vmem>>) semaphore(%arg13 : memref<!tpu.dma_semaphore, #tpu.memory_space<semaphore_mem>>) {add = true}
        %mul3A_608 = arith.constant 40 : i32
        %mul3A_609 = arith.muli %scan3A_200, %mul3A_608 : i32
        %add3A_610 = arith.constant 34 : i32
        %add3A_611 = arith.addi %mul3A_609, %add3A_610 : i32
        %mul3A_612 = arith.constant 128 : i32
        %mul3A_613 = arith.muli %add3A_611, %mul3A_612 : i32
        %mul3A_614 = arith.constant 128 : i32
        %mul3A_615 = arith.muli %add3A_611, %mul3A_614 : i32
        %dma_start3A_616 = tpu.memref_slice %arg8[%mul3A_613] : memref<10240xf32, #tpu.memory_space<vmem>> -> memref<128xf32, #tpu.memory_space<vmem>>
        %dma_start3A_617 = tpu.memref_slice %arg7[%mul3A_615] : memref<10240xi32, #tpu.memory_space<vmem>> -> memref<128xi32, #tpu.memory_space<vmem>>
        %dma_start3A_618 = arith.constant 0 : i32
        %dma_start3A_619 = tpu.memref_slice %arg12[%dma_start3A_618] : memref<10240xf32, #tpu.memory_space<vmem_shared>> -> memref<10240xf32, #tpu.memory_space<vmem_shared>>
        tpu.enqueue_indirect_dma source(%dma_start3A_616 : memref<128xf32, #tpu.memory_space<vmem>>) target(%dma_start3A_619 : memref<10240xf32, #tpu.memory_space<vmem_shared>>) offsets(%dma_start3A_617 : memref<128xi32, #tpu.memory_space<vmem>>) semaphore(%arg13 : memref<!tpu.dma_semaphore, #tpu.memory_space<semaphore_mem>>) {add = true}
        %mul3A_620 = arith.constant 40 : i32
        %mul3A_621 = arith.muli %scan3A_200, %mul3A_620 : i32
        %add3A_622 = arith.constant 35 : i32
        %add3A_623 = arith.addi %mul3A_621, %add3A_622 : i32
        %mul3A_624 = arith.constant 128 : i32
        %mul3A_625 = arith.muli %add3A_623, %mul3A_624 : i32
        %mul3A_626 = arith.constant 128 : i32
        %mul3A_627 = arith.muli %add3A_623, %mul3A_626 : i32
        %dma_start3A_628 = tpu.memref_slice %arg8[%mul3A_625] : memref<10240xf32, #tpu.memory_space<vmem>> -> memref<128xf32, #tpu.memory_space<vmem>>
        %dma_start3A_629 = tpu.memref_slice %arg7[%mul3A_627] : memref<10240xi32, #tpu.memory_space<vmem>> -> memref<128xi32, #tpu.memory_space<vmem>>
        %dma_start3A_630 = arith.constant 0 : i32
        %dma_start3A_631 = tpu.memref_slice %arg12[%dma_start3A_630] : memref<10240xf32, #tpu.memory_space<vmem_shared>> -> memref<10240xf32, #tpu.memory_space<vmem_shared>>
        tpu.enqueue_indirect_dma source(%dma_start3A_628 : memref<128xf32, #tpu.memory_space<vmem>>) target(%dma_start3A_631 : memref<10240xf32, #tpu.memory_space<vmem_shared>>) offsets(%dma_start3A_629 : memref<128xi32, #tpu.memory_space<vmem>>) semaphore(%arg13 : memref<!tpu.dma_semaphore, #tpu.memory_space<semaphore_mem>>) {add = true}
        %mul3A_632 = arith.constant 40 : i32
        %mul3A_633 = arith.muli %scan3A_200, %mul3A_632 : i32
        %add3A_634 = arith.constant 36 : i32
        %add3A_635 = arith.addi %mul3A_633, %add3A_634 : i32
        %mul3A_636 = arith.constant 128 : i32
        %mul3A_637 = arith.muli %add3A_635, %mul3A_636 : i32
        %mul3A_638 = arith.constant 128 : i32
        %mul3A_639 = arith.muli %add3A_635, %mul3A_638 : i32
        %dma_start3A_640 = tpu.memref_slice %arg8[%mul3A_637] : memref<10240xf32, #tpu.memory_space<vmem>> -> memref<128xf32, #tpu.memory_space<vmem>>
        %dma_start3A_641 = tpu.memref_slice %arg7[%mul3A_639] : memref<10240xi32, #tpu.memory_space<vmem>> -> memref<128xi32, #tpu.memory_space<vmem>>
        %dma_start3A_642 = arith.constant 0 : i32
        %dma_start3A_643 = tpu.memref_slice %arg12[%dma_start3A_642] : memref<10240xf32, #tpu.memory_space<vmem_shared>> -> memref<10240xf32, #tpu.memory_space<vmem_shared>>
        tpu.enqueue_indirect_dma source(%dma_start3A_640 : memref<128xf32, #tpu.memory_space<vmem>>) target(%dma_start3A_643 : memref<10240xf32, #tpu.memory_space<vmem_shared>>) offsets(%dma_start3A_641 : memref<128xi32, #tpu.memory_space<vmem>>) semaphore(%arg13 : memref<!tpu.dma_semaphore, #tpu.memory_space<semaphore_mem>>) {add = true}
        %mul3A_644 = arith.constant 40 : i32
        %mul3A_645 = arith.muli %scan3A_200, %mul3A_644 : i32
        %add3A_646 = arith.constant 37 : i32
        %add3A_647 = arith.addi %mul3A_645, %add3A_646 : i32
        %mul3A_648 = arith.constant 128 : i32
        %mul3A_649 = arith.muli %add3A_647, %mul3A_648 : i32
        %mul3A_650 = arith.constant 128 : i32
        %mul3A_651 = arith.muli %add3A_647, %mul3A_650 : i32
        %dma_start3A_652 = tpu.memref_slice %arg8[%mul3A_649] : memref<10240xf32, #tpu.memory_space<vmem>> -> memref<128xf32, #tpu.memory_space<vmem>>
        %dma_start3A_653 = tpu.memref_slice %arg7[%mul3A_651] : memref<10240xi32, #tpu.memory_space<vmem>> -> memref<128xi32, #tpu.memory_space<vmem>>
        %dma_start3A_654 = arith.constant 0 : i32
        %dma_start3A_655 = tpu.memref_slice %arg12[%dma_start3A_654] : memref<10240xf32, #tpu.memory_space<vmem_shared>> -> memref<10240xf32, #tpu.memory_space<vmem_shared>>
        tpu.enqueue_indirect_dma source(%dma_start3A_652 : memref<128xf32, #tpu.memory_space<vmem>>) target(%dma_start3A_655 : memref<10240xf32, #tpu.memory_space<vmem_shared>>) offsets(%dma_start3A_653 : memref<128xi32, #tpu.memory_space<vmem>>) semaphore(%arg13 : memref<!tpu.dma_semaphore, #tpu.memory_space<semaphore_mem>>) {add = true}
        %mul3A_656 = arith.constant 40 : i32
        %mul3A_657 = arith.muli %scan3A_200, %mul3A_656 : i32
        %add3A_658 = arith.constant 38 : i32
        %add3A_659 = arith.addi %mul3A_657, %add3A_658 : i32
        %mul3A_660 = arith.constant 128 : i32
        %mul3A_661 = arith.muli %add3A_659, %mul3A_660 : i32
        %mul3A_662 = arith.constant 128 : i32
        %mul3A_663 = arith.muli %add3A_659, %mul3A_662 : i32
        %dma_start3A_664 = tpu.memref_slice %arg8[%mul3A_661] : memref<10240xf32, #tpu.memory_space<vmem>> -> memref<128xf32, #tpu.memory_space<vmem>>
        %dma_start3A_665 = tpu.memref_slice %arg7[%mul3A_663] : memref<10240xi32, #tpu.memory_space<vmem>> -> memref<128xi32, #tpu.memory_space<vmem>>
        %dma_start3A_666 = arith.constant 0 : i32
        %dma_start3A_667 = tpu.memref_slice %arg12[%dma_start3A_666] : memref<10240xf32, #tpu.memory_space<vmem_shared>> -> memref<10240xf32, #tpu.memory_space<vmem_shared>>
        tpu.enqueue_indirect_dma source(%dma_start3A_664 : memref<128xf32, #tpu.memory_space<vmem>>) target(%dma_start3A_667 : memref<10240xf32, #tpu.memory_space<vmem_shared>>) offsets(%dma_start3A_665 : memref<128xi32, #tpu.memory_space<vmem>>) semaphore(%arg13 : memref<!tpu.dma_semaphore, #tpu.memory_space<semaphore_mem>>) {add = true}
        %mul3A_668 = arith.constant 40 : i32
        %mul3A_669 = arith.muli %scan3A_200, %mul3A_668 : i32
        %add3A_670 = arith.constant 39 : i32
        %add3A_671 = arith.addi %mul3A_669, %add3A_670 : i32
        %mul3A_672 = arith.constant 128 : i32
        %mul3A_673 = arith.muli %add3A_671, %mul3A_672 : i32
        %mul3A_674 = arith.constant 128 : i32
        %mul3A_675 = arith.muli %add3A_671, %mul3A_674 : i32
        %dma_start3A_676 = tpu.memref_slice %arg8[%mul3A_673] : memref<10240xf32, #tpu.memory_space<vmem>> -> memref<128xf32, #tpu.memory_space<vmem>>
        %dma_start3A_677 = tpu.memref_slice %arg7[%mul3A_675] : memref<10240xi32, #tpu.memory_space<vmem>> -> memref<128xi32, #tpu.memory_space<vmem>>
        %dma_start3A_678 = arith.constant 0 : i32
        %dma_start3A_679 = tpu.memref_slice %arg12[%dma_start3A_678] : memref<10240xf32, #tpu.memory_space<vmem_shared>> -> memref<10240xf32, #tpu.memory_space<vmem_shared>>
        tpu.enqueue_indirect_dma source(%dma_start3A_676 : memref<128xf32, #tpu.memory_space<vmem>>) target(%dma_start3A_679 : memref<10240xf32, #tpu.memory_space<vmem_shared>>) offsets(%dma_start3A_677 : memref<128xi32, #tpu.memory_space<vmem>>) semaphore(%arg13 : memref<!tpu.dma_semaphore, #tpu.memory_space<semaphore_mem>>) {add = true}
        %dma_wait3A = tpu.memref_slice %arg8[%mul3A_206] : memref<10240xf32, #tpu.memory_space<vmem>> -> memref<128xf32, #tpu.memory_space<vmem>>
        %dma_wait3A_680 = tpu.memref_slice %arg7[%mul3A_208] : memref<10240xi32, #tpu.memory_space<vmem>> -> memref<128xi32, #tpu.memory_space<vmem>>
        %dma_wait3A_681 = arith.constant 0 : i32
        %dma_wait3A_682 = tpu.memref_slice %arg12[%dma_wait3A_681] : memref<10240xf32, #tpu.memory_space<vmem_shared>> -> memref<10240xf32, #tpu.memory_space<vmem_shared>>
        tpu.wait_indirect_dma semaphore(%arg13 : memref<!tpu.dma_semaphore, #tpu.memory_space<semaphore_mem>>) src(%dma_wait3A : memref<128xf32, #tpu.memory_space<vmem>>) dst(%dma_wait3A_682 : memref<10240xf32, #tpu.memory_space<vmem_shared>>)
        %dma_wait3A_683 = tpu.memref_slice %arg8[%mul3A_217] : memref<10240xf32, #tpu.memory_space<vmem>> -> memref<128xf32, #tpu.memory_space<vmem>>
        %dma_wait3A_684 = tpu.memref_slice %arg7[%mul3A_219] : memref<10240xi32, #tpu.memory_space<vmem>> -> memref<128xi32, #tpu.memory_space<vmem>>
        %dma_wait3A_685 = arith.constant 0 : i32
        %dma_wait3A_686 = tpu.memref_slice %arg12[%dma_wait3A_685] : memref<10240xf32, #tpu.memory_space<vmem_shared>> -> memref<10240xf32, #tpu.memory_space<vmem_shared>>
        tpu.wait_indirect_dma semaphore(%arg13 : memref<!tpu.dma_semaphore, #tpu.memory_space<semaphore_mem>>) src(%dma_wait3A_683 : memref<128xf32, #tpu.memory_space<vmem>>) dst(%dma_wait3A_686 : memref<10240xf32, #tpu.memory_space<vmem_shared>>)
        %dma_wait3A_687 = tpu.memref_slice %arg8[%mul3A_229] : memref<10240xf32, #tpu.memory_space<vmem>> -> memref<128xf32, #tpu.memory_space<vmem>>
        %dma_wait3A_688 = tpu.memref_slice %arg7[%mul3A_231] : memref<10240xi32, #tpu.memory_space<vmem>> -> memref<128xi32, #tpu.memory_space<vmem>>
        %dma_wait3A_689 = arith.constant 0 : i32
        %dma_wait3A_690 = tpu.memref_slice %arg12[%dma_wait3A_689] : memref<10240xf32, #tpu.memory_space<vmem_shared>> -> memref<10240xf32, #tpu.memory_space<vmem_shared>>
        tpu.wait_indirect_dma semaphore(%arg13 : memref<!tpu.dma_semaphore, #tpu.memory_space<semaphore_mem>>) src(%dma_wait3A_687 : memref<128xf32, #tpu.memory_space<vmem>>) dst(%dma_wait3A_690 : memref<10240xf32, #tpu.memory_space<vmem_shared>>)
        %dma_wait3A_691 = tpu.memref_slice %arg8[%mul3A_241] : memref<10240xf32, #tpu.memory_space<vmem>> -> memref<128xf32, #tpu.memory_space<vmem>>
        %dma_wait3A_692 = tpu.memref_slice %arg7[%mul3A_243] : memref<10240xi32, #tpu.memory_space<vmem>> -> memref<128xi32, #tpu.memory_space<vmem>>
        %dma_wait3A_693 = arith.constant 0 : i32
        %dma_wait3A_694 = tpu.memref_slice %arg12[%dma_wait3A_693] : memref<10240xf32, #tpu.memory_space<vmem_shared>> -> memref<10240xf32, #tpu.memory_space<vmem_shared>>
        tpu.wait_indirect_dma semaphore(%arg13 : memref<!tpu.dma_semaphore, #tpu.memory_space<semaphore_mem>>) src(%dma_wait3A_691 : memref<128xf32, #tpu.memory_space<vmem>>) dst(%dma_wait3A_694 : memref<10240xf32, #tpu.memory_space<vmem_shared>>)
        %dma_wait3A_695 = tpu.memref_slice %arg8[%mul3A_253] : memref<10240xf32, #tpu.memory_space<vmem>> -> memref<128xf32, #tpu.memory_space<vmem>>
        %dma_wait3A_696 = tpu.memref_slice %arg7[%mul3A_255] : memref<10240xi32, #tpu.memory_space<vmem>> -> memref<128xi32, #tpu.memory_space<vmem>>
        %dma_wait3A_697 = arith.constant 0 : i32
        %dma_wait3A_698 = tpu.memref_slice %arg12[%dma_wait3A_697] : memref<10240xf32, #tpu.memory_space<vmem_shared>> -> memref<10240xf32, #tpu.memory_space<vmem_shared>>
        tpu.wait_indirect_dma semaphore(%arg13 : memref<!tpu.dma_semaphore, #tpu.memory_space<semaphore_mem>>) src(%dma_wait3A_695 : memref<128xf32, #tpu.memory_space<vmem>>) dst(%dma_wait3A_698 : memref<10240xf32, #tpu.memory_space<vmem_shared>>)
        %dma_wait3A_699 = tpu.memref_slice %arg8[%mul3A_265] : memref<10240xf32, #tpu.memory_space<vmem>> -> memref<128xf32, #tpu.memory_space<vmem>>
        %dma_wait3A_700 = tpu.memref_slice %arg7[%mul3A_267] : memref<10240xi32, #tpu.memory_space<vmem>> -> memref<128xi32, #tpu.memory_space<vmem>>
        %dma_wait3A_701 = arith.constant 0 : i32
        %dma_wait3A_702 = tpu.memref_slice %arg12[%dma_wait3A_701] : memref<10240xf32, #tpu.memory_space<vmem_shared>> -> memref<10240xf32, #tpu.memory_space<vmem_shared>>
        tpu.wait_indirect_dma semaphore(%arg13 : memref<!tpu.dma_semaphore, #tpu.memory_space<semaphore_mem>>) src(%dma_wait3A_699 : memref<128xf32, #tpu.memory_space<vmem>>) dst(%dma_wait3A_702 : memref<10240xf32, #tpu.memory_space<vmem_shared>>)
        %dma_wait3A_703 = tpu.memref_slice %arg8[%mul3A_277] : memref<10240xf32, #tpu.memory_space<vmem>> -> memref<128xf32, #tpu.memory_space<vmem>>
        %dma_wait3A_704 = tpu.memref_slice %arg7[%mul3A_279] : memref<10240xi32, #tpu.memory_space<vmem>> -> memref<128xi32, #tpu.memory_space<vmem>>
        %dma_wait3A_705 = arith.constant 0 : i32
        %dma_wait3A_706 = tpu.memref_slice %arg12[%dma_wait3A_705] : memref<10240xf32, #tpu.memory_space<vmem_shared>> -> memref<10240xf32, #tpu.memory_space<vmem_shared>>
        tpu.wait_indirect_dma semaphore(%arg13 : memref<!tpu.dma_semaphore, #tpu.memory_space<semaphore_mem>>) src(%dma_wait3A_703 : memref<128xf32, #tpu.memory_space<vmem>>) dst(%dma_wait3A_706 : memref<10240xf32, #tpu.memory_space<vmem_shared>>)
        %dma_wait3A_707 = tpu.memref_slice %arg8[%mul3A_289] : memref<10240xf32, #tpu.memory_space<vmem>> -> memref<128xf32, #tpu.memory_space<vmem>>
        %dma_wait3A_708 = tpu.memref_slice %arg7[%mul3A_291] : memref<10240xi32, #tpu.memory_space<vmem>> -> memref<128xi32, #tpu.memory_space<vmem>>
        %dma_wait3A_709 = arith.constant 0 : i32
        %dma_wait3A_710 = tpu.memref_slice %arg12[%dma_wait3A_709] : memref<10240xf32, #tpu.memory_space<vmem_shared>> -> memref<10240xf32, #tpu.memory_space<vmem_shared>>
        tpu.wait_indirect_dma semaphore(%arg13 : memref<!tpu.dma_semaphore, #tpu.memory_space<semaphore_mem>>) src(%dma_wait3A_707 : memref<128xf32, #tpu.memory_space<vmem>>) dst(%dma_wait3A_710 : memref<10240xf32, #tpu.memory_space<vmem_shared>>)
        %dma_wait3A_711 = tpu.memref_slice %arg8[%mul3A_301] : memref<10240xf32, #tpu.memory_space<vmem>> -> memref<128xf32, #tpu.memory_space<vmem>>
        %dma_wait3A_712 = tpu.memref_slice %arg7[%mul3A_303] : memref<10240xi32, #tpu.memory_space<vmem>> -> memref<128xi32, #tpu.memory_space<vmem>>
        %dma_wait3A_713 = arith.constant 0 : i32
        %dma_wait3A_714 = tpu.memref_slice %arg12[%dma_wait3A_713] : memref<10240xf32, #tpu.memory_space<vmem_shared>> -> memref<10240xf32, #tpu.memory_space<vmem_shared>>
        tpu.wait_indirect_dma semaphore(%arg13 : memref<!tpu.dma_semaphore, #tpu.memory_space<semaphore_mem>>) src(%dma_wait3A_711 : memref<128xf32, #tpu.memory_space<vmem>>) dst(%dma_wait3A_714 : memref<10240xf32, #tpu.memory_space<vmem_shared>>)
        %dma_wait3A_715 = tpu.memref_slice %arg8[%mul3A_313] : memref<10240xf32, #tpu.memory_space<vmem>> -> memref<128xf32, #tpu.memory_space<vmem>>
        %dma_wait3A_716 = tpu.memref_slice %arg7[%mul3A_315] : memref<10240xi32, #tpu.memory_space<vmem>> -> memref<128xi32, #tpu.memory_space<vmem>>
        %dma_wait3A_717 = arith.constant 0 : i32
        %dma_wait3A_718 = tpu.memref_slice %arg12[%dma_wait3A_717] : memref<10240xf32, #tpu.memory_space<vmem_shared>> -> memref<10240xf32, #tpu.memory_space<vmem_shared>>
        tpu.wait_indirect_dma semaphore(%arg13 : memref<!tpu.dma_semaphore, #tpu.memory_space<semaphore_mem>>) src(%dma_wait3A_715 : memref<128xf32, #tpu.memory_space<vmem>>) dst(%dma_wait3A_718 : memref<10240xf32, #tpu.memory_space<vmem_shared>>)
        %dma_wait3A_719 = tpu.memref_slice %arg8[%mul3A_325] : memref<10240xf32, #tpu.memory_space<vmem>> -> memref<128xf32, #tpu.memory_space<vmem>>
        %dma_wait3A_720 = tpu.memref_slice %arg7[%mul3A_327] : memref<10240xi32, #tpu.memory_space<vmem>> -> memref<128xi32, #tpu.memory_space<vmem>>
        %dma_wait3A_721 = arith.constant 0 : i32
        %dma_wait3A_722 = tpu.memref_slice %arg12[%dma_wait3A_721] : memref<10240xf32, #tpu.memory_space<vmem_shared>> -> memref<10240xf32, #tpu.memory_space<vmem_shared>>
        tpu.wait_indirect_dma semaphore(%arg13 : memref<!tpu.dma_semaphore, #tpu.memory_space<semaphore_mem>>) src(%dma_wait3A_719 : memref<128xf32, #tpu.memory_space<vmem>>) dst(%dma_wait3A_722 : memref<10240xf32, #tpu.memory_space<vmem_shared>>)
        %dma_wait3A_723 = tpu.memref_slice %arg8[%mul3A_337] : memref<10240xf32, #tpu.memory_space<vmem>> -> memref<128xf32, #tpu.memory_space<vmem>>
        %dma_wait3A_724 = tpu.memref_slice %arg7[%mul3A_339] : memref<10240xi32, #tpu.memory_space<vmem>> -> memref<128xi32, #tpu.memory_space<vmem>>
        %dma_wait3A_725 = arith.constant 0 : i32
        %dma_wait3A_726 = tpu.memref_slice %arg12[%dma_wait3A_725] : memref<10240xf32, #tpu.memory_space<vmem_shared>> -> memref<10240xf32, #tpu.memory_space<vmem_shared>>
        tpu.wait_indirect_dma semaphore(%arg13 : memref<!tpu.dma_semaphore, #tpu.memory_space<semaphore_mem>>) src(%dma_wait3A_723 : memref<128xf32, #tpu.memory_space<vmem>>) dst(%dma_wait3A_726 : memref<10240xf32, #tpu.memory_space<vmem_shared>>)
        %dma_wait3A_727 = tpu.memref_slice %arg8[%mul3A_349] : memref<10240xf32, #tpu.memory_space<vmem>> -> memref<128xf32, #tpu.memory_space<vmem>>
        %dma_wait3A_728 = tpu.memref_slice %arg7[%mul3A_351] : memref<10240xi32, #tpu.memory_space<vmem>> -> memref<128xi32, #tpu.memory_space<vmem>>
        %dma_wait3A_729 = arith.constant 0 : i32
        %dma_wait3A_730 = tpu.memref_slice %arg12[%dma_wait3A_729] : memref<10240xf32, #tpu.memory_space<vmem_shared>> -> memref<10240xf32, #tpu.memory_space<vmem_shared>>
        tpu.wait_indirect_dma semaphore(%arg13 : memref<!tpu.dma_semaphore, #tpu.memory_space<semaphore_mem>>) src(%dma_wait3A_727 : memref<128xf32, #tpu.memory_space<vmem>>) dst(%dma_wait3A_730 : memref<10240xf32, #tpu.memory_space<vmem_shared>>)
        %dma_wait3A_731 = tpu.memref_slice %arg8[%mul3A_361] : memref<10240xf32, #tpu.memory_space<vmem>> -> memref<128xf32, #tpu.memory_space<vmem>>
        %dma_wait3A_732 = tpu.memref_slice %arg7[%mul3A_363] : memref<10240xi32, #tpu.memory_space<vmem>> -> memref<128xi32, #tpu.memory_space<vmem>>
        %dma_wait3A_733 = arith.constant 0 : i32
        %dma_wait3A_734 = tpu.memref_slice %arg12[%dma_wait3A_733] : memref<10240xf32, #tpu.memory_space<vmem_shared>> -> memref<10240xf32, #tpu.memory_space<vmem_shared>>
        tpu.wait_indirect_dma semaphore(%arg13 : memref<!tpu.dma_semaphore, #tpu.memory_space<semaphore_mem>>) src(%dma_wait3A_731 : memref<128xf32, #tpu.memory_space<vmem>>) dst(%dma_wait3A_734 : memref<10240xf32, #tpu.memory_space<vmem_shared>>)
        %dma_wait3A_735 = tpu.memref_slice %arg8[%mul3A_373] : memref<10240xf32, #tpu.memory_space<vmem>> -> memref<128xf32, #tpu.memory_space<vmem>>
        %dma_wait3A_736 = tpu.memref_slice %arg7[%mul3A_375] : memref<10240xi32, #tpu.memory_space<vmem>> -> memref<128xi32, #tpu.memory_space<vmem>>
        %dma_wait3A_737 = arith.constant 0 : i32
        %dma_wait3A_738 = tpu.memref_slice %arg12[%dma_wait3A_737] : memref<10240xf32, #tpu.memory_space<vmem_shared>> -> memref<10240xf32, #tpu.memory_space<vmem_shared>>
        tpu.wait_indirect_dma semaphore(%arg13 : memref<!tpu.dma_semaphore, #tpu.memory_space<semaphore_mem>>) src(%dma_wait3A_735 : memref<128xf32, #tpu.memory_space<vmem>>) dst(%dma_wait3A_738 : memref<10240xf32, #tpu.memory_space<vmem_shared>>)
        %dma_wait3A_739 = tpu.memref_slice %arg8[%mul3A_385] : memref<10240xf32, #tpu.memory_space<vmem>> -> memref<128xf32, #tpu.memory_space<vmem>>
        %dma_wait3A_740 = tpu.memref_slice %arg7[%mul3A_387] : memref<10240xi32, #tpu.memory_space<vmem>> -> memref<128xi32, #tpu.memory_space<vmem>>
        %dma_wait3A_741 = arith.constant 0 : i32
        %dma_wait3A_742 = tpu.memref_slice %arg12[%dma_wait3A_741] : memref<10240xf32, #tpu.memory_space<vmem_shared>> -> memref<10240xf32, #tpu.memory_space<vmem_shared>>
        tpu.wait_indirect_dma semaphore(%arg13 : memref<!tpu.dma_semaphore, #tpu.memory_space<semaphore_mem>>) src(%dma_wait3A_739 : memref<128xf32, #tpu.memory_space<vmem>>) dst(%dma_wait3A_742 : memref<10240xf32, #tpu.memory_space<vmem_shared>>)
        %dma_wait3A_743 = tpu.memref_slice %arg8[%mul3A_397] : memref<10240xf32, #tpu.memory_space<vmem>> -> memref<128xf32, #tpu.memory_space<vmem>>
        %dma_wait3A_744 = tpu.memref_slice %arg7[%mul3A_399] : memref<10240xi32, #tpu.memory_space<vmem>> -> memref<128xi32, #tpu.memory_space<vmem>>
        %dma_wait3A_745 = arith.constant 0 : i32
        %dma_wait3A_746 = tpu.memref_slice %arg12[%dma_wait3A_745] : memref<10240xf32, #tpu.memory_space<vmem_shared>> -> memref<10240xf32, #tpu.memory_space<vmem_shared>>
        tpu.wait_indirect_dma semaphore(%arg13 : memref<!tpu.dma_semaphore, #tpu.memory_space<semaphore_mem>>) src(%dma_wait3A_743 : memref<128xf32, #tpu.memory_space<vmem>>) dst(%dma_wait3A_746 : memref<10240xf32, #tpu.memory_space<vmem_shared>>)
        %dma_wait3A_747 = tpu.memref_slice %arg8[%mul3A_409] : memref<10240xf32, #tpu.memory_space<vmem>> -> memref<128xf32, #tpu.memory_space<vmem>>
        %dma_wait3A_748 = tpu.memref_slice %arg7[%mul3A_411] : memref<10240xi32, #tpu.memory_space<vmem>> -> memref<128xi32, #tpu.memory_space<vmem>>
        %dma_wait3A_749 = arith.constant 0 : i32
        %dma_wait3A_750 = tpu.memref_slice %arg12[%dma_wait3A_749] : memref<10240xf32, #tpu.memory_space<vmem_shared>> -> memref<10240xf32, #tpu.memory_space<vmem_shared>>
        tpu.wait_indirect_dma semaphore(%arg13 : memref<!tpu.dma_semaphore, #tpu.memory_space<semaphore_mem>>) src(%dma_wait3A_747 : memref<128xf32, #tpu.memory_space<vmem>>) dst(%dma_wait3A_750 : memref<10240xf32, #tpu.memory_space<vmem_shared>>)
        %dma_wait3A_751 = tpu.memref_slice %arg8[%mul3A_421] : memref<10240xf32, #tpu.memory_space<vmem>> -> memref<128xf32, #tpu.memory_space<vmem>>
        %dma_wait3A_752 = tpu.memref_slice %arg7[%mul3A_423] : memref<10240xi32, #tpu.memory_space<vmem>> -> memref<128xi32, #tpu.memory_space<vmem>>
        %dma_wait3A_753 = arith.constant 0 : i32
        %dma_wait3A_754 = tpu.memref_slice %arg12[%dma_wait3A_753] : memref<10240xf32, #tpu.memory_space<vmem_shared>> -> memref<10240xf32, #tpu.memory_space<vmem_shared>>
        tpu.wait_indirect_dma semaphore(%arg13 : memref<!tpu.dma_semaphore, #tpu.memory_space<semaphore_mem>>) src(%dma_wait3A_751 : memref<128xf32, #tpu.memory_space<vmem>>) dst(%dma_wait3A_754 : memref<10240xf32, #tpu.memory_space<vmem_shared>>)
        %dma_wait3A_755 = tpu.memref_slice %arg8[%mul3A_433] : memref<10240xf32, #tpu.memory_space<vmem>> -> memref<128xf32, #tpu.memory_space<vmem>>
        %dma_wait3A_756 = tpu.memref_slice %arg7[%mul3A_435] : memref<10240xi32, #tpu.memory_space<vmem>> -> memref<128xi32, #tpu.memory_space<vmem>>
        %dma_wait3A_757 = arith.constant 0 : i32
        %dma_wait3A_758 = tpu.memref_slice %arg12[%dma_wait3A_757] : memref<10240xf32, #tpu.memory_space<vmem_shared>> -> memref<10240xf32, #tpu.memory_space<vmem_shared>>
        tpu.wait_indirect_dma semaphore(%arg13 : memref<!tpu.dma_semaphore, #tpu.memory_space<semaphore_mem>>) src(%dma_wait3A_755 : memref<128xf32, #tpu.memory_space<vmem>>) dst(%dma_wait3A_758 : memref<10240xf32, #tpu.memory_space<vmem_shared>>)
        %dma_wait3A_759 = tpu.memref_slice %arg8[%mul3A_445] : memref<10240xf32, #tpu.memory_space<vmem>> -> memref<128xf32, #tpu.memory_space<vmem>>
        %dma_wait3A_760 = tpu.memref_slice %arg7[%mul3A_447] : memref<10240xi32, #tpu.memory_space<vmem>> -> memref<128xi32, #tpu.memory_space<vmem>>
        %dma_wait3A_761 = arith.constant 0 : i32
        %dma_wait3A_762 = tpu.memref_slice %arg12[%dma_wait3A_761] : memref<10240xf32, #tpu.memory_space<vmem_shared>> -> memref<10240xf32, #tpu.memory_space<vmem_shared>>
        tpu.wait_indirect_dma semaphore(%arg13 : memref<!tpu.dma_semaphore, #tpu.memory_space<semaphore_mem>>) src(%dma_wait3A_759 : memref<128xf32, #tpu.memory_space<vmem>>) dst(%dma_wait3A_762 : memref<10240xf32, #tpu.memory_space<vmem_shared>>)
        %dma_wait3A_763 = tpu.memref_slice %arg8[%mul3A_457] : memref<10240xf32, #tpu.memory_space<vmem>> -> memref<128xf32, #tpu.memory_space<vmem>>
        %dma_wait3A_764 = tpu.memref_slice %arg7[%mul3A_459] : memref<10240xi32, #tpu.memory_space<vmem>> -> memref<128xi32, #tpu.memory_space<vmem>>
        %dma_wait3A_765 = arith.constant 0 : i32
        %dma_wait3A_766 = tpu.memref_slice %arg12[%dma_wait3A_765] : memref<10240xf32, #tpu.memory_space<vmem_shared>> -> memref<10240xf32, #tpu.memory_space<vmem_shared>>
        tpu.wait_indirect_dma semaphore(%arg13 : memref<!tpu.dma_semaphore, #tpu.memory_space<semaphore_mem>>) src(%dma_wait3A_763 : memref<128xf32, #tpu.memory_space<vmem>>) dst(%dma_wait3A_766 : memref<10240xf32, #tpu.memory_space<vmem_shared>>)
        %dma_wait3A_767 = tpu.memref_slice %arg8[%mul3A_469] : memref<10240xf32, #tpu.memory_space<vmem>> -> memref<128xf32, #tpu.memory_space<vmem>>
        %dma_wait3A_768 = tpu.memref_slice %arg7[%mul3A_471] : memref<10240xi32, #tpu.memory_space<vmem>> -> memref<128xi32, #tpu.memory_space<vmem>>
        %dma_wait3A_769 = arith.constant 0 : i32
        %dma_wait3A_770 = tpu.memref_slice %arg12[%dma_wait3A_769] : memref<10240xf32, #tpu.memory_space<vmem_shared>> -> memref<10240xf32, #tpu.memory_space<vmem_shared>>
        tpu.wait_indirect_dma semaphore(%arg13 : memref<!tpu.dma_semaphore, #tpu.memory_space<semaphore_mem>>) src(%dma_wait3A_767 : memref<128xf32, #tpu.memory_space<vmem>>) dst(%dma_wait3A_770 : memref<10240xf32, #tpu.memory_space<vmem_shared>>)
        %dma_wait3A_771 = tpu.memref_slice %arg8[%mul3A_481] : memref<10240xf32, #tpu.memory_space<vmem>> -> memref<128xf32, #tpu.memory_space<vmem>>
        %dma_wait3A_772 = tpu.memref_slice %arg7[%mul3A_483] : memref<10240xi32, #tpu.memory_space<vmem>> -> memref<128xi32, #tpu.memory_space<vmem>>
        %dma_wait3A_773 = arith.constant 0 : i32
        %dma_wait3A_774 = tpu.memref_slice %arg12[%dma_wait3A_773] : memref<10240xf32, #tpu.memory_space<vmem_shared>> -> memref<10240xf32, #tpu.memory_space<vmem_shared>>
        tpu.wait_indirect_dma semaphore(%arg13 : memref<!tpu.dma_semaphore, #tpu.memory_space<semaphore_mem>>) src(%dma_wait3A_771 : memref<128xf32, #tpu.memory_space<vmem>>) dst(%dma_wait3A_774 : memref<10240xf32, #tpu.memory_space<vmem_shared>>)
        %dma_wait3A_775 = tpu.memref_slice %arg8[%mul3A_493] : memref<10240xf32, #tpu.memory_space<vmem>> -> memref<128xf32, #tpu.memory_space<vmem>>
        %dma_wait3A_776 = tpu.memref_slice %arg7[%mul3A_495] : memref<10240xi32, #tpu.memory_space<vmem>> -> memref<128xi32, #tpu.memory_space<vmem>>
        %dma_wait3A_777 = arith.constant 0 : i32
        %dma_wait3A_778 = tpu.memref_slice %arg12[%dma_wait3A_777] : memref<10240xf32, #tpu.memory_space<vmem_shared>> -> memref<10240xf32, #tpu.memory_space<vmem_shared>>
        tpu.wait_indirect_dma semaphore(%arg13 : memref<!tpu.dma_semaphore, #tpu.memory_space<semaphore_mem>>) src(%dma_wait3A_775 : memref<128xf32, #tpu.memory_space<vmem>>) dst(%dma_wait3A_778 : memref<10240xf32, #tpu.memory_space<vmem_shared>>)
        %dma_wait3A_779 = tpu.memref_slice %arg8[%mul3A_505] : memref<10240xf32, #tpu.memory_space<vmem>> -> memref<128xf32, #tpu.memory_space<vmem>>
        %dma_wait3A_780 = tpu.memref_slice %arg7[%mul3A_507] : memref<10240xi32, #tpu.memory_space<vmem>> -> memref<128xi32, #tpu.memory_space<vmem>>
        %dma_wait3A_781 = arith.constant 0 : i32
        %dma_wait3A_782 = tpu.memref_slice %arg12[%dma_wait3A_781] : memref<10240xf32, #tpu.memory_space<vmem_shared>> -> memref<10240xf32, #tpu.memory_space<vmem_shared>>
        tpu.wait_indirect_dma semaphore(%arg13 : memref<!tpu.dma_semaphore, #tpu.memory_space<semaphore_mem>>) src(%dma_wait3A_779 : memref<128xf32, #tpu.memory_space<vmem>>) dst(%dma_wait3A_782 : memref<10240xf32, #tpu.memory_space<vmem_shared>>)
        %dma_wait3A_783 = tpu.memref_slice %arg8[%mul3A_517] : memref<10240xf32, #tpu.memory_space<vmem>> -> memref<128xf32, #tpu.memory_space<vmem>>
        %dma_wait3A_784 = tpu.memref_slice %arg7[%mul3A_519] : memref<10240xi32, #tpu.memory_space<vmem>> -> memref<128xi32, #tpu.memory_space<vmem>>
        %dma_wait3A_785 = arith.constant 0 : i32
        %dma_wait3A_786 = tpu.memref_slice %arg12[%dma_wait3A_785] : memref<10240xf32, #tpu.memory_space<vmem_shared>> -> memref<10240xf32, #tpu.memory_space<vmem_shared>>
        tpu.wait_indirect_dma semaphore(%arg13 : memref<!tpu.dma_semaphore, #tpu.memory_space<semaphore_mem>>) src(%dma_wait3A_783 : memref<128xf32, #tpu.memory_space<vmem>>) dst(%dma_wait3A_786 : memref<10240xf32, #tpu.memory_space<vmem_shared>>)
        %dma_wait3A_787 = tpu.memref_slice %arg8[%mul3A_529] : memref<10240xf32, #tpu.memory_space<vmem>> -> memref<128xf32, #tpu.memory_space<vmem>>
        %dma_wait3A_788 = tpu.memref_slice %arg7[%mul3A_531] : memref<10240xi32, #tpu.memory_space<vmem>> -> memref<128xi32, #tpu.memory_space<vmem>>
        %dma_wait3A_789 = arith.constant 0 : i32
        %dma_wait3A_790 = tpu.memref_slice %arg12[%dma_wait3A_789] : memref<10240xf32, #tpu.memory_space<vmem_shared>> -> memref<10240xf32, #tpu.memory_space<vmem_shared>>
        tpu.wait_indirect_dma semaphore(%arg13 : memref<!tpu.dma_semaphore, #tpu.memory_space<semaphore_mem>>) src(%dma_wait3A_787 : memref<128xf32, #tpu.memory_space<vmem>>) dst(%dma_wait3A_790 : memref<10240xf32, #tpu.memory_space<vmem_shared>>)
        %dma_wait3A_791 = tpu.memref_slice %arg8[%mul3A_541] : memref<10240xf32, #tpu.memory_space<vmem>> -> memref<128xf32, #tpu.memory_space<vmem>>
        %dma_wait3A_792 = tpu.memref_slice %arg7[%mul3A_543] : memref<10240xi32, #tpu.memory_space<vmem>> -> memref<128xi32, #tpu.memory_space<vmem>>
        %dma_wait3A_793 = arith.constant 0 : i32
        %dma_wait3A_794 = tpu.memref_slice %arg12[%dma_wait3A_793] : memref<10240xf32, #tpu.memory_space<vmem_shared>> -> memref<10240xf32, #tpu.memory_space<vmem_shared>>
        tpu.wait_indirect_dma semaphore(%arg13 : memref<!tpu.dma_semaphore, #tpu.memory_space<semaphore_mem>>) src(%dma_wait3A_791 : memref<128xf32, #tpu.memory_space<vmem>>) dst(%dma_wait3A_794 : memref<10240xf32, #tpu.memory_space<vmem_shared>>)
        %dma_wait3A_795 = tpu.memref_slice %arg8[%mul3A_553] : memref<10240xf32, #tpu.memory_space<vmem>> -> memref<128xf32, #tpu.memory_space<vmem>>
        %dma_wait3A_796 = tpu.memref_slice %arg7[%mul3A_555] : memref<10240xi32, #tpu.memory_space<vmem>> -> memref<128xi32, #tpu.memory_space<vmem>>
        %dma_wait3A_797 = arith.constant 0 : i32
        %dma_wait3A_798 = tpu.memref_slice %arg12[%dma_wait3A_797] : memref<10240xf32, #tpu.memory_space<vmem_shared>> -> memref<10240xf32, #tpu.memory_space<vmem_shared>>
        tpu.wait_indirect_dma semaphore(%arg13 : memref<!tpu.dma_semaphore, #tpu.memory_space<semaphore_mem>>) src(%dma_wait3A_795 : memref<128xf32, #tpu.memory_space<vmem>>) dst(%dma_wait3A_798 : memref<10240xf32, #tpu.memory_space<vmem_shared>>)
        %dma_wait3A_799 = tpu.memref_slice %arg8[%mul3A_565] : memref<10240xf32, #tpu.memory_space<vmem>> -> memref<128xf32, #tpu.memory_space<vmem>>
        %dma_wait3A_800 = tpu.memref_slice %arg7[%mul3A_567] : memref<10240xi32, #tpu.memory_space<vmem>> -> memref<128xi32, #tpu.memory_space<vmem>>
        %dma_wait3A_801 = arith.constant 0 : i32
        %dma_wait3A_802 = tpu.memref_slice %arg12[%dma_wait3A_801] : memref<10240xf32, #tpu.memory_space<vmem_shared>> -> memref<10240xf32, #tpu.memory_space<vmem_shared>>
        tpu.wait_indirect_dma semaphore(%arg13 : memref<!tpu.dma_semaphore, #tpu.memory_space<semaphore_mem>>) src(%dma_wait3A_799 : memref<128xf32, #tpu.memory_space<vmem>>) dst(%dma_wait3A_802 : memref<10240xf32, #tpu.memory_space<vmem_shared>>)
        %dma_wait3A_803 = tpu.memref_slice %arg8[%mul3A_577] : memref<10240xf32, #tpu.memory_space<vmem>> -> memref<128xf32, #tpu.memory_space<vmem>>
        %dma_wait3A_804 = tpu.memref_slice %arg7[%mul3A_579] : memref<10240xi32, #tpu.memory_space<vmem>> -> memref<128xi32, #tpu.memory_space<vmem>>
        %dma_wait3A_805 = arith.constant 0 : i32
        %dma_wait3A_806 = tpu.memref_slice %arg12[%dma_wait3A_805] : memref<10240xf32, #tpu.memory_space<vmem_shared>> -> memref<10240xf32, #tpu.memory_space<vmem_shared>>
        tpu.wait_indirect_dma semaphore(%arg13 : memref<!tpu.dma_semaphore, #tpu.memory_space<semaphore_mem>>) src(%dma_wait3A_803 : memref<128xf32, #tpu.memory_space<vmem>>) dst(%dma_wait3A_806 : memref<10240xf32, #tpu.memory_space<vmem_shared>>)
        %dma_wait3A_807 = tpu.memref_slice %arg8[%mul3A_589] : memref<10240xf32, #tpu.memory_space<vmem>> -> memref<128xf32, #tpu.memory_space<vmem>>
        %dma_wait3A_808 = tpu.memref_slice %arg7[%mul3A_591] : memref<10240xi32, #tpu.memory_space<vmem>> -> memref<128xi32, #tpu.memory_space<vmem>>
        %dma_wait3A_809 = arith.constant 0 : i32
        %dma_wait3A_810 = tpu.memref_slice %arg12[%dma_wait3A_809] : memref<10240xf32, #tpu.memory_space<vmem_shared>> -> memref<10240xf32, #tpu.memory_space<vmem_shared>>
        tpu.wait_indirect_dma semaphore(%arg13 : memref<!tpu.dma_semaphore, #tpu.memory_space<semaphore_mem>>) src(%dma_wait3A_807 : memref<128xf32, #tpu.memory_space<vmem>>) dst(%dma_wait3A_810 : memref<10240xf32, #tpu.memory_space<vmem_shared>>)
        %dma_wait3A_811 = tpu.memref_slice %arg8[%mul3A_601] : memref<10240xf32, #tpu.memory_space<vmem>> -> memref<128xf32, #tpu.memory_space<vmem>>
        %dma_wait3A_812 = tpu.memref_slice %arg7[%mul3A_603] : memref<10240xi32, #tpu.memory_space<vmem>> -> memref<128xi32, #tpu.memory_space<vmem>>
        %dma_wait3A_813 = arith.constant 0 : i32
        %dma_wait3A_814 = tpu.memref_slice %arg12[%dma_wait3A_813] : memref<10240xf32, #tpu.memory_space<vmem_shared>> -> memref<10240xf32, #tpu.memory_space<vmem_shared>>
        tpu.wait_indirect_dma semaphore(%arg13 : memref<!tpu.dma_semaphore, #tpu.memory_space<semaphore_mem>>) src(%dma_wait3A_811 : memref<128xf32, #tpu.memory_space<vmem>>) dst(%dma_wait3A_814 : memref<10240xf32, #tpu.memory_space<vmem_shared>>)
        %dma_wait3A_815 = tpu.memref_slice %arg8[%mul3A_613] : memref<10240xf32, #tpu.memory_space<vmem>> -> memref<128xf32, #tpu.memory_space<vmem>>
        %dma_wait3A_816 = tpu.memref_slice %arg7[%mul3A_615] : memref<10240xi32, #tpu.memory_space<vmem>> -> memref<128xi32, #tpu.memory_space<vmem>>
        %dma_wait3A_817 = arith.constant 0 : i32
        %dma_wait3A_818 = tpu.memref_slice %arg12[%dma_wait3A_817] : memref<10240xf32, #tpu.memory_space<vmem_shared>> -> memref<10240xf32, #tpu.memory_space<vmem_shared>>
        tpu.wait_indirect_dma semaphore(%arg13 : memref<!tpu.dma_semaphore, #tpu.memory_space<semaphore_mem>>) src(%dma_wait3A_815 : memref<128xf32, #tpu.memory_space<vmem>>) dst(%dma_wait3A_818 : memref<10240xf32, #tpu.memory_space<vmem_shared>>)
        %dma_wait3A_819 = tpu.memref_slice %arg8[%mul3A_625] : memref<10240xf32, #tpu.memory_space<vmem>> -> memref<128xf32, #tpu.memory_space<vmem>>
        %dma_wait3A_820 = tpu.memref_slice %arg7[%mul3A_627] : memref<10240xi32, #tpu.memory_space<vmem>> -> memref<128xi32, #tpu.memory_space<vmem>>
        %dma_wait3A_821 = arith.constant 0 : i32
        %dma_wait3A_822 = tpu.memref_slice %arg12[%dma_wait3A_821] : memref<10240xf32, #tpu.memory_space<vmem_shared>> -> memref<10240xf32, #tpu.memory_space<vmem_shared>>
        tpu.wait_indirect_dma semaphore(%arg13 : memref<!tpu.dma_semaphore, #tpu.memory_space<semaphore_mem>>) src(%dma_wait3A_819 : memref<128xf32, #tpu.memory_space<vmem>>) dst(%dma_wait3A_822 : memref<10240xf32, #tpu.memory_space<vmem_shared>>)
        %dma_wait3A_823 = tpu.memref_slice %arg8[%mul3A_637] : memref<10240xf32, #tpu.memory_space<vmem>> -> memref<128xf32, #tpu.memory_space<vmem>>
        %dma_wait3A_824 = tpu.memref_slice %arg7[%mul3A_639] : memref<10240xi32, #tpu.memory_space<vmem>> -> memref<128xi32, #tpu.memory_space<vmem>>
        %dma_wait3A_825 = arith.constant 0 : i32
        %dma_wait3A_826 = tpu.memref_slice %arg12[%dma_wait3A_825] : memref<10240xf32, #tpu.memory_space<vmem_shared>> -> memref<10240xf32, #tpu.memory_space<vmem_shared>>
        tpu.wait_indirect_dma semaphore(%arg13 : memref<!tpu.dma_semaphore, #tpu.memory_space<semaphore_mem>>) src(%dma_wait3A_823 : memref<128xf32, #tpu.memory_space<vmem>>) dst(%dma_wait3A_826 : memref<10240xf32, #tpu.memory_space<vmem_shared>>)
        %dma_wait3A_827 = tpu.memref_slice %arg8[%mul3A_649] : memref<10240xf32, #tpu.memory_space<vmem>> -> memref<128xf32, #tpu.memory_space<vmem>>
        %dma_wait3A_828 = tpu.memref_slice %arg7[%mul3A_651] : memref<10240xi32, #tpu.memory_space<vmem>> -> memref<128xi32, #tpu.memory_space<vmem>>
        %dma_wait3A_829 = arith.constant 0 : i32
        %dma_wait3A_830 = tpu.memref_slice %arg12[%dma_wait3A_829] : memref<10240xf32, #tpu.memory_space<vmem_shared>> -> memref<10240xf32, #tpu.memory_space<vmem_shared>>
        tpu.wait_indirect_dma semaphore(%arg13 : memref<!tpu.dma_semaphore, #tpu.memory_space<semaphore_mem>>) src(%dma_wait3A_827 : memref<128xf32, #tpu.memory_space<vmem>>) dst(%dma_wait3A_830 : memref<10240xf32, #tpu.memory_space<vmem_shared>>)
        %dma_wait3A_831 = tpu.memref_slice %arg8[%mul3A_661] : memref<10240xf32, #tpu.memory_space<vmem>> -> memref<128xf32, #tpu.memory_space<vmem>>
        %dma_wait3A_832 = tpu.memref_slice %arg7[%mul3A_663] : memref<10240xi32, #tpu.memory_space<vmem>> -> memref<128xi32, #tpu.memory_space<vmem>>
        %dma_wait3A_833 = arith.constant 0 : i32
        %dma_wait3A_834 = tpu.memref_slice %arg12[%dma_wait3A_833] : memref<10240xf32, #tpu.memory_space<vmem_shared>> -> memref<10240xf32, #tpu.memory_space<vmem_shared>>
        tpu.wait_indirect_dma semaphore(%arg13 : memref<!tpu.dma_semaphore, #tpu.memory_space<semaphore_mem>>) src(%dma_wait3A_831 : memref<128xf32, #tpu.memory_space<vmem>>) dst(%dma_wait3A_834 : memref<10240xf32, #tpu.memory_space<vmem_shared>>)
        %dma_wait3A_835 = tpu.memref_slice %arg8[%mul3A_673] : memref<10240xf32, #tpu.memory_space<vmem>> -> memref<128xf32, #tpu.memory_space<vmem>>
        %dma_wait3A_836 = tpu.memref_slice %arg7[%mul3A_675] : memref<10240xi32, #tpu.memory_space<vmem>> -> memref<128xi32, #tpu.memory_space<vmem>>
        %dma_wait3A_837 = arith.constant 0 : i32
        %dma_wait3A_838 = tpu.memref_slice %arg12[%dma_wait3A_837] : memref<10240xf32, #tpu.memory_space<vmem_shared>> -> memref<10240xf32, #tpu.memory_space<vmem_shared>>
        tpu.wait_indirect_dma semaphore(%arg13 : memref<!tpu.dma_semaphore, #tpu.memory_space<semaphore_mem>>) src(%dma_wait3A_835 : memref<128xf32, #tpu.memory_space<vmem>>) dst(%dma_wait3A_838 : memref<10240xf32, #tpu.memory_space<vmem_shared>>)
      }
      %scan3A_199 = arith.constant 2 : i32
    } else {
    }
    %convert_element_type3A_187 = arith.extui %eq3A_1 : i1 to i32
    %cond3A_188 = arith.constant 0 : i32
    %cond3A_189 = arith.cmpi ne, %convert_element_type3A_187, %cond3A_188 : i32
    scf.if %cond3A_189 {
      %dma_start3A = arith.constant 0 : i32
      %dma_start3A_195 = tpu.memref_slice %arg8[%dma_start3A] : memref<10240xf32, #tpu.memory_space<vmem>> -> memref<128xf32, #tpu.memory_space<vmem>>
      %dma_start3A_196 = arith.constant 0 : i32
      %dma_start3A_197 = tpu.memref_slice %arg7[%dma_start3A_196] : memref<10240xi32, #tpu.memory_space<vmem>> -> memref<128xi32, #tpu.memory_space<vmem>>
      %dma_start3A_198 = arith.constant 0 : i32
      %dma_start3A_199 = tpu.memref_slice %arg12[%dma_start3A_198] : memref<10240xf32, #tpu.memory_space<vmem_shared>> -> memref<10240xf32, #tpu.memory_space<vmem_shared>>
      tpu.enqueue_indirect_dma source(%dma_start3A_195 : memref<128xf32, #tpu.memory_space<vmem>>) target(%dma_start3A_199 : memref<10240xf32, #tpu.memory_space<vmem_shared>>) offsets(%dma_start3A_197 : memref<128xi32, #tpu.memory_space<vmem>>) semaphore(%arg13 : memref<!tpu.dma_semaphore, #tpu.memory_space<semaphore_mem>>) {add = true}
      %dma_start3A_200 = arith.constant 128 : i32
      %dma_start3A_201 = tpu.memref_slice %arg8[%dma_start3A_200] : memref<10240xf32, #tpu.memory_space<vmem>> -> memref<128xf32, #tpu.memory_space<vmem>>
      %dma_start3A_202 = arith.constant 128 : i32
      %dma_start3A_203 = tpu.memref_slice %arg7[%dma_start3A_202] : memref<10240xi32, #tpu.memory_space<vmem>> -> memref<128xi32, #tpu.memory_space<vmem>>
      %dma_start3A_204 = arith.constant 0 : i32
      %dma_start3A_205 = tpu.memref_slice %arg12[%dma_start3A_204] : memref<10240xf32, #tpu.memory_space<vmem_shared>> -> memref<10240xf32, #tpu.memory_space<vmem_shared>>
      tpu.enqueue_indirect_dma source(%dma_start3A_201 : memref<128xf32, #tpu.memory_space<vmem>>) target(%dma_start3A_205 : memref<10240xf32, #tpu.memory_space<vmem_shared>>) offsets(%dma_start3A_203 : memref<128xi32, #tpu.memory_space<vmem>>) semaphore(%arg13 : memref<!tpu.dma_semaphore, #tpu.memory_space<semaphore_mem>>) {add = true}
      %dma_start3A_206 = arith.constant 256 : i32
      %dma_start3A_207 = tpu.memref_slice %arg8[%dma_start3A_206] : memref<10240xf32, #tpu.memory_space<vmem>> -> memref<128xf32, #tpu.memory_space<vmem>>
      %dma_start3A_208 = arith.constant 256 : i32
      %dma_start3A_209 = tpu.memref_slice %arg7[%dma_start3A_208] : memref<10240xi32, #tpu.memory_space<vmem>> -> memref<128xi32, #tpu.memory_space<vmem>>
      %dma_start3A_210 = arith.constant 0 : i32
      %dma_start3A_211 = tpu.memref_slice %arg12[%dma_start3A_210] : memref<10240xf32, #tpu.memory_space<vmem_shared>> -> memref<10240xf32, #tpu.memory_space<vmem_shared>>
      tpu.enqueue_indirect_dma source(%dma_start3A_207 : memref<128xf32, #tpu.memory_space<vmem>>) target(%dma_start3A_211 : memref<10240xf32, #tpu.memory_space<vmem_shared>>) offsets(%dma_start3A_209 : memref<128xi32, #tpu.memory_space<vmem>>) semaphore(%arg13 : memref<!tpu.dma_semaphore, #tpu.memory_space<semaphore_mem>>) {add = true}
      %dma_start3A_212 = arith.constant 384 : i32
      %dma_start3A_213 = tpu.memref_slice %arg8[%dma_start3A_212] : memref<10240xf32, #tpu.memory_space<vmem>> -> memref<128xf32, #tpu.memory_space<vmem>>
      %dma_start3A_214 = arith.constant 384 : i32
      %dma_start3A_215 = tpu.memref_slice %arg7[%dma_start3A_214] : memref<10240xi32, #tpu.memory_space<vmem>> -> memref<128xi32, #tpu.memory_space<vmem>>
      %dma_start3A_216 = arith.constant 0 : i32
      %dma_start3A_217 = tpu.memref_slice %arg12[%dma_start3A_216] : memref<10240xf32, #tpu.memory_space<vmem_shared>> -> memref<10240xf32, #tpu.memory_space<vmem_shared>>
      tpu.enqueue_indirect_dma source(%dma_start3A_213 : memref<128xf32, #tpu.memory_space<vmem>>) target(%dma_start3A_217 : memref<10240xf32, #tpu.memory_space<vmem_shared>>) offsets(%dma_start3A_215 : memref<128xi32, #tpu.memory_space<vmem>>) semaphore(%arg13 : memref<!tpu.dma_semaphore, #tpu.memory_space<semaphore_mem>>) {add = true}
      %dma_start3A_218 = arith.constant 512 : i32
      %dma_start3A_219 = tpu.memref_slice %arg8[%dma_start3A_218] : memref<10240xf32, #tpu.memory_space<vmem>> -> memref<128xf32, #tpu.memory_space<vmem>>
      %dma_start3A_220 = arith.constant 512 : i32
      %dma_start3A_221 = tpu.memref_slice %arg7[%dma_start3A_220] : memref<10240xi32, #tpu.memory_space<vmem>> -> memref<128xi32, #tpu.memory_space<vmem>>
      %dma_start3A_222 = arith.constant 0 : i32
      %dma_start3A_223 = tpu.memref_slice %arg12[%dma_start3A_222] : memref<10240xf32, #tpu.memory_space<vmem_shared>> -> memref<10240xf32, #tpu.memory_space<vmem_shared>>
      tpu.enqueue_indirect_dma source(%dma_start3A_219 : memref<128xf32, #tpu.memory_space<vmem>>) target(%dma_start3A_223 : memref<10240xf32, #tpu.memory_space<vmem_shared>>) offsets(%dma_start3A_221 : memref<128xi32, #tpu.memory_space<vmem>>) semaphore(%arg13 : memref<!tpu.dma_semaphore, #tpu.memory_space<semaphore_mem>>) {add = true}
      %dma_start3A_224 = arith.constant 640 : i32
      %dma_start3A_225 = tpu.memref_slice %arg8[%dma_start3A_224] : memref<10240xf32, #tpu.memory_space<vmem>> -> memref<128xf32, #tpu.memory_space<vmem>>
      %dma_start3A_226 = arith.constant 640 : i32
      %dma_start3A_227 = tpu.memref_slice %arg7[%dma_start3A_226] : memref<10240xi32, #tpu.memory_space<vmem>> -> memref<128xi32, #tpu.memory_space<vmem>>
      %dma_start3A_228 = arith.constant 0 : i32
      %dma_start3A_229 = tpu.memref_slice %arg12[%dma_start3A_228] : memref<10240xf32, #tpu.memory_space<vmem_shared>> -> memref<10240xf32, #tpu.memory_space<vmem_shared>>
      tpu.enqueue_indirect_dma source(%dma_start3A_225 : memref<128xf32, #tpu.memory_space<vmem>>) target(%dma_start3A_229 : memref<10240xf32, #tpu.memory_space<vmem_shared>>) offsets(%dma_start3A_227 : memref<128xi32, #tpu.memory_space<vmem>>) semaphore(%arg13 : memref<!tpu.dma_semaphore, #tpu.memory_space<semaphore_mem>>) {add = true}
      %dma_start3A_230 = arith.constant 768 : i32
      %dma_start3A_231 = tpu.memref_slice %arg8[%dma_start3A_230] : memref<10240xf32, #tpu.memory_space<vmem>> -> memref<128xf32, #tpu.memory_space<vmem>>
      %dma_start3A_232 = arith.constant 768 : i32
      %dma_start3A_233 = tpu.memref_slice %arg7[%dma_start3A_232] : memref<10240xi32, #tpu.memory_space<vmem>> -> memref<128xi32, #tpu.memory_space<vmem>>
      %dma_start3A_234 = arith.constant 0 : i32
      %dma_start3A_235 = tpu.memref_slice %arg12[%dma_start3A_234] : memref<10240xf32, #tpu.memory_space<vmem_shared>> -> memref<10240xf32, #tpu.memory_space<vmem_shared>>
      tpu.enqueue_indirect_dma source(%dma_start3A_231 : memref<128xf32, #tpu.memory_space<vmem>>) target(%dma_start3A_235 : memref<10240xf32, #tpu.memory_space<vmem_shared>>) offsets(%dma_start3A_233 : memref<128xi32, #tpu.memory_space<vmem>>) semaphore(%arg13 : memref<!tpu.dma_semaphore, #tpu.memory_space<semaphore_mem>>) {add = true}
      %dma_start3A_236 = arith.constant 896 : i32
      %dma_start3A_237 = tpu.memref_slice %arg8[%dma_start3A_236] : memref<10240xf32, #tpu.memory_space<vmem>> -> memref<128xf32, #tpu.memory_space<vmem>>
      %dma_start3A_238 = arith.constant 896 : i32
      %dma_start3A_239 = tpu.memref_slice %arg7[%dma_start3A_238] : memref<10240xi32, #tpu.memory_space<vmem>> -> memref<128xi32, #tpu.memory_space<vmem>>
      %dma_start3A_240 = arith.constant 0 : i32
      %dma_start3A_241 = tpu.memref_slice %arg12[%dma_start3A_240] : memref<10240xf32, #tpu.memory_space<vmem_shared>> -> memref<10240xf32, #tpu.memory_space<vmem_shared>>
      tpu.enqueue_indirect_dma source(%dma_start3A_237 : memref<128xf32, #tpu.memory_space<vmem>>) target(%dma_start3A_241 : memref<10240xf32, #tpu.memory_space<vmem_shared>>) offsets(%dma_start3A_239 : memref<128xi32, #tpu.memory_space<vmem>>) semaphore(%arg13 : memref<!tpu.dma_semaphore, #tpu.memory_space<semaphore_mem>>) {add = true}
      %dma_start3A_242 = arith.constant 1024 : i32
      %dma_start3A_243 = tpu.memref_slice %arg8[%dma_start3A_242] : memref<10240xf32, #tpu.memory_space<vmem>> -> memref<128xf32, #tpu.memory_space<vmem>>
      %dma_start3A_244 = arith.constant 1024 : i32
      %dma_start3A_245 = tpu.memref_slice %arg7[%dma_start3A_244] : memref<10240xi32, #tpu.memory_space<vmem>> -> memref<128xi32, #tpu.memory_space<vmem>>
      %dma_start3A_246 = arith.constant 0 : i32
      %dma_start3A_247 = tpu.memref_slice %arg12[%dma_start3A_246] : memref<10240xf32, #tpu.memory_space<vmem_shared>> -> memref<10240xf32, #tpu.memory_space<vmem_shared>>
      tpu.enqueue_indirect_dma source(%dma_start3A_243 : memref<128xf32, #tpu.memory_space<vmem>>) target(%dma_start3A_247 : memref<10240xf32, #tpu.memory_space<vmem_shared>>) offsets(%dma_start3A_245 : memref<128xi32, #tpu.memory_space<vmem>>) semaphore(%arg13 : memref<!tpu.dma_semaphore, #tpu.memory_space<semaphore_mem>>) {add = true}
      %dma_start3A_248 = arith.constant 1152 : i32
      %dma_start3A_249 = tpu.memref_slice %arg8[%dma_start3A_248] : memref<10240xf32, #tpu.memory_space<vmem>> -> memref<128xf32, #tpu.memory_space<vmem>>
      %dma_start3A_250 = arith.constant 1152 : i32
      %dma_start3A_251 = tpu.memref_slice %arg7[%dma_start3A_250] : memref<10240xi32, #tpu.memory_space<vmem>> -> memref<128xi32, #tpu.memory_space<vmem>>
      %dma_start3A_252 = arith.constant 0 : i32
      %dma_start3A_253 = tpu.memref_slice %arg12[%dma_start3A_252] : memref<10240xf32, #tpu.memory_space<vmem_shared>> -> memref<10240xf32, #tpu.memory_space<vmem_shared>>
      tpu.enqueue_indirect_dma source(%dma_start3A_249 : memref<128xf32, #tpu.memory_space<vmem>>) target(%dma_start3A_253 : memref<10240xf32, #tpu.memory_space<vmem_shared>>) offsets(%dma_start3A_251 : memref<128xi32, #tpu.memory_space<vmem>>) semaphore(%arg13 : memref<!tpu.dma_semaphore, #tpu.memory_space<semaphore_mem>>) {add = true}
      %dma_start3A_254 = arith.constant 1280 : i32
      %dma_start3A_255 = tpu.memref_slice %arg8[%dma_start3A_254] : memref<10240xf32, #tpu.memory_space<vmem>> -> memref<128xf32, #tpu.memory_space<vmem>>
      %dma_start3A_256 = arith.constant 1280 : i32
      %dma_start3A_257 = tpu.memref_slice %arg7[%dma_start3A_256] : memref<10240xi32, #tpu.memory_space<vmem>> -> memref<128xi32, #tpu.memory_space<vmem>>
      %dma_start3A_258 = arith.constant 0 : i32
      %dma_start3A_259 = tpu.memref_slice %arg12[%dma_start3A_258] : memref<10240xf32, #tpu.memory_space<vmem_shared>> -> memref<10240xf32, #tpu.memory_space<vmem_shared>>
      tpu.enqueue_indirect_dma source(%dma_start3A_255 : memref<128xf32, #tpu.memory_space<vmem>>) target(%dma_start3A_259 : memref<10240xf32, #tpu.memory_space<vmem_shared>>) offsets(%dma_start3A_257 : memref<128xi32, #tpu.memory_space<vmem>>) semaphore(%arg13 : memref<!tpu.dma_semaphore, #tpu.memory_space<semaphore_mem>>) {add = true}
      %dma_start3A_260 = arith.constant 1408 : i32
      %dma_start3A_261 = tpu.memref_slice %arg8[%dma_start3A_260] : memref<10240xf32, #tpu.memory_space<vmem>> -> memref<128xf32, #tpu.memory_space<vmem>>
      %dma_start3A_262 = arith.constant 1408 : i32
      %dma_start3A_263 = tpu.memref_slice %arg7[%dma_start3A_262] : memref<10240xi32, #tpu.memory_space<vmem>> -> memref<128xi32, #tpu.memory_space<vmem>>
      %dma_start3A_264 = arith.constant 0 : i32
      %dma_start3A_265 = tpu.memref_slice %arg12[%dma_start3A_264] : memref<10240xf32, #tpu.memory_space<vmem_shared>> -> memref<10240xf32, #tpu.memory_space<vmem_shared>>
      tpu.enqueue_indirect_dma source(%dma_start3A_261 : memref<128xf32, #tpu.memory_space<vmem>>) target(%dma_start3A_265 : memref<10240xf32, #tpu.memory_space<vmem_shared>>) offsets(%dma_start3A_263 : memref<128xi32, #tpu.memory_space<vmem>>) semaphore(%arg13 : memref<!tpu.dma_semaphore, #tpu.memory_space<semaphore_mem>>) {add = true}
      %dma_start3A_266 = arith.constant 1536 : i32
      %dma_start3A_267 = tpu.memref_slice %arg8[%dma_start3A_266] : memref<10240xf32, #tpu.memory_space<vmem>> -> memref<128xf32, #tpu.memory_space<vmem>>
      %dma_start3A_268 = arith.constant 1536 : i32
      %dma_start3A_269 = tpu.memref_slice %arg7[%dma_start3A_268] : memref<10240xi32, #tpu.memory_space<vmem>> -> memref<128xi32, #tpu.memory_space<vmem>>
      %dma_start3A_270 = arith.constant 0 : i32
      %dma_start3A_271 = tpu.memref_slice %arg12[%dma_start3A_270] : memref<10240xf32, #tpu.memory_space<vmem_shared>> -> memref<10240xf32, #tpu.memory_space<vmem_shared>>
      tpu.enqueue_indirect_dma source(%dma_start3A_267 : memref<128xf32, #tpu.memory_space<vmem>>) target(%dma_start3A_271 : memref<10240xf32, #tpu.memory_space<vmem_shared>>) offsets(%dma_start3A_269 : memref<128xi32, #tpu.memory_space<vmem>>) semaphore(%arg13 : memref<!tpu.dma_semaphore, #tpu.memory_space<semaphore_mem>>) {add = true}
      %dma_start3A_272 = arith.constant 1664 : i32
      %dma_start3A_273 = tpu.memref_slice %arg8[%dma_start3A_272] : memref<10240xf32, #tpu.memory_space<vmem>> -> memref<128xf32, #tpu.memory_space<vmem>>
      %dma_start3A_274 = arith.constant 1664 : i32
      %dma_start3A_275 = tpu.memref_slice %arg7[%dma_start3A_274] : memref<10240xi32, #tpu.memory_space<vmem>> -> memref<128xi32, #tpu.memory_space<vmem>>
      %dma_start3A_276 = arith.constant 0 : i32
      %dma_start3A_277 = tpu.memref_slice %arg12[%dma_start3A_276] : memref<10240xf32, #tpu.memory_space<vmem_shared>> -> memref<10240xf32, #tpu.memory_space<vmem_shared>>
      tpu.enqueue_indirect_dma source(%dma_start3A_273 : memref<128xf32, #tpu.memory_space<vmem>>) target(%dma_start3A_277 : memref<10240xf32, #tpu.memory_space<vmem_shared>>) offsets(%dma_start3A_275 : memref<128xi32, #tpu.memory_space<vmem>>) semaphore(%arg13 : memref<!tpu.dma_semaphore, #tpu.memory_space<semaphore_mem>>) {add = true}
      %dma_start3A_278 = arith.constant 1792 : i32
      %dma_start3A_279 = tpu.memref_slice %arg8[%dma_start3A_278] : memref<10240xf32, #tpu.memory_space<vmem>> -> memref<128xf32, #tpu.memory_space<vmem>>
      %dma_start3A_280 = arith.constant 1792 : i32
      %dma_start3A_281 = tpu.memref_slice %arg7[%dma_start3A_280] : memref<10240xi32, #tpu.memory_space<vmem>> -> memref<128xi32, #tpu.memory_space<vmem>>
      %dma_start3A_282 = arith.constant 0 : i32
      %dma_start3A_283 = tpu.memref_slice %arg12[%dma_start3A_282] : memref<10240xf32, #tpu.memory_space<vmem_shared>> -> memref<10240xf32, #tpu.memory_space<vmem_shared>>
      tpu.enqueue_indirect_dma source(%dma_start3A_279 : memref<128xf32, #tpu.memory_space<vmem>>) target(%dma_start3A_283 : memref<10240xf32, #tpu.memory_space<vmem_shared>>) offsets(%dma_start3A_281 : memref<128xi32, #tpu.memory_space<vmem>>) semaphore(%arg13 : memref<!tpu.dma_semaphore, #tpu.memory_space<semaphore_mem>>) {add = true}
      %dma_start3A_284 = arith.constant 1920 : i32
      %dma_start3A_285 = tpu.memref_slice %arg8[%dma_start3A_284] : memref<10240xf32, #tpu.memory_space<vmem>> -> memref<128xf32, #tpu.memory_space<vmem>>
      %dma_start3A_286 = arith.constant 1920 : i32
      %dma_start3A_287 = tpu.memref_slice %arg7[%dma_start3A_286] : memref<10240xi32, #tpu.memory_space<vmem>> -> memref<128xi32, #tpu.memory_space<vmem>>
      %dma_start3A_288 = arith.constant 0 : i32
      %dma_start3A_289 = tpu.memref_slice %arg12[%dma_start3A_288] : memref<10240xf32, #tpu.memory_space<vmem_shared>> -> memref<10240xf32, #tpu.memory_space<vmem_shared>>
      tpu.enqueue_indirect_dma source(%dma_start3A_285 : memref<128xf32, #tpu.memory_space<vmem>>) target(%dma_start3A_289 : memref<10240xf32, #tpu.memory_space<vmem_shared>>) offsets(%dma_start3A_287 : memref<128xi32, #tpu.memory_space<vmem>>) semaphore(%arg13 : memref<!tpu.dma_semaphore, #tpu.memory_space<semaphore_mem>>) {add = true}
      %dma_start3A_290 = arith.constant 2048 : i32
      %dma_start3A_291 = tpu.memref_slice %arg8[%dma_start3A_290] : memref<10240xf32, #tpu.memory_space<vmem>> -> memref<128xf32, #tpu.memory_space<vmem>>
      %dma_start3A_292 = arith.constant 2048 : i32
      %dma_start3A_293 = tpu.memref_slice %arg7[%dma_start3A_292] : memref<10240xi32, #tpu.memory_space<vmem>> -> memref<128xi32, #tpu.memory_space<vmem>>
      %dma_start3A_294 = arith.constant 0 : i32
      %dma_start3A_295 = tpu.memref_slice %arg12[%dma_start3A_294] : memref<10240xf32, #tpu.memory_space<vmem_shared>> -> memref<10240xf32, #tpu.memory_space<vmem_shared>>
      tpu.enqueue_indirect_dma source(%dma_start3A_291 : memref<128xf32, #tpu.memory_space<vmem>>) target(%dma_start3A_295 : memref<10240xf32, #tpu.memory_space<vmem_shared>>) offsets(%dma_start3A_293 : memref<128xi32, #tpu.memory_space<vmem>>) semaphore(%arg13 : memref<!tpu.dma_semaphore, #tpu.memory_space<semaphore_mem>>) {add = true}
      %dma_start3A_296 = arith.constant 2176 : i32
      %dma_start3A_297 = tpu.memref_slice %arg8[%dma_start3A_296] : memref<10240xf32, #tpu.memory_space<vmem>> -> memref<128xf32, #tpu.memory_space<vmem>>
      %dma_start3A_298 = arith.constant 2176 : i32
      %dma_start3A_299 = tpu.memref_slice %arg7[%dma_start3A_298] : memref<10240xi32, #tpu.memory_space<vmem>> -> memref<128xi32, #tpu.memory_space<vmem>>
      %dma_start3A_300 = arith.constant 0 : i32
      %dma_start3A_301 = tpu.memref_slice %arg12[%dma_start3A_300] : memref<10240xf32, #tpu.memory_space<vmem_shared>> -> memref<10240xf32, #tpu.memory_space<vmem_shared>>
      tpu.enqueue_indirect_dma source(%dma_start3A_297 : memref<128xf32, #tpu.memory_space<vmem>>) target(%dma_start3A_301 : memref<10240xf32, #tpu.memory_space<vmem_shared>>) offsets(%dma_start3A_299 : memref<128xi32, #tpu.memory_space<vmem>>) semaphore(%arg13 : memref<!tpu.dma_semaphore, #tpu.memory_space<semaphore_mem>>) {add = true}
      %dma_start3A_302 = arith.constant 2304 : i32
      %dma_start3A_303 = tpu.memref_slice %arg8[%dma_start3A_302] : memref<10240xf32, #tpu.memory_space<vmem>> -> memref<128xf32, #tpu.memory_space<vmem>>
      %dma_start3A_304 = arith.constant 2304 : i32
      %dma_start3A_305 = tpu.memref_slice %arg7[%dma_start3A_304] : memref<10240xi32, #tpu.memory_space<vmem>> -> memref<128xi32, #tpu.memory_space<vmem>>
      %dma_start3A_306 = arith.constant 0 : i32
      %dma_start3A_307 = tpu.memref_slice %arg12[%dma_start3A_306] : memref<10240xf32, #tpu.memory_space<vmem_shared>> -> memref<10240xf32, #tpu.memory_space<vmem_shared>>
      tpu.enqueue_indirect_dma source(%dma_start3A_303 : memref<128xf32, #tpu.memory_space<vmem>>) target(%dma_start3A_307 : memref<10240xf32, #tpu.memory_space<vmem_shared>>) offsets(%dma_start3A_305 : memref<128xi32, #tpu.memory_space<vmem>>) semaphore(%arg13 : memref<!tpu.dma_semaphore, #tpu.memory_space<semaphore_mem>>) {add = true}
      %dma_start3A_308 = arith.constant 2432 : i32
      %dma_start3A_309 = tpu.memref_slice %arg8[%dma_start3A_308] : memref<10240xf32, #tpu.memory_space<vmem>> -> memref<128xf32, #tpu.memory_space<vmem>>
      %dma_start3A_310 = arith.constant 2432 : i32
      %dma_start3A_311 = tpu.memref_slice %arg7[%dma_start3A_310] : memref<10240xi32, #tpu.memory_space<vmem>> -> memref<128xi32, #tpu.memory_space<vmem>>
      %dma_start3A_312 = arith.constant 0 : i32
      %dma_start3A_313 = tpu.memref_slice %arg12[%dma_start3A_312] : memref<10240xf32, #tpu.memory_space<vmem_shared>> -> memref<10240xf32, #tpu.memory_space<vmem_shared>>
      tpu.enqueue_indirect_dma source(%dma_start3A_309 : memref<128xf32, #tpu.memory_space<vmem>>) target(%dma_start3A_313 : memref<10240xf32, #tpu.memory_space<vmem_shared>>) offsets(%dma_start3A_311 : memref<128xi32, #tpu.memory_space<vmem>>) semaphore(%arg13 : memref<!tpu.dma_semaphore, #tpu.memory_space<semaphore_mem>>) {add = true}
      %dma_wait3A = arith.constant 0 : i32
      %dma_wait3A_314 = tpu.memref_slice %arg8[%dma_wait3A] : memref<10240xf32, #tpu.memory_space<vmem>> -> memref<128xf32, #tpu.memory_space<vmem>>
      %dma_wait3A_315 = arith.constant 0 : i32
      %dma_wait3A_316 = tpu.memref_slice %arg7[%dma_wait3A_315] : memref<10240xi32, #tpu.memory_space<vmem>> -> memref<128xi32, #tpu.memory_space<vmem>>
      %dma_wait3A_317 = arith.constant 0 : i32
      %dma_wait3A_318 = tpu.memref_slice %arg12[%dma_wait3A_317] : memref<10240xf32, #tpu.memory_space<vmem_shared>> -> memref<10240xf32, #tpu.memory_space<vmem_shared>>
      tpu.wait_indirect_dma semaphore(%arg13 : memref<!tpu.dma_semaphore, #tpu.memory_space<semaphore_mem>>) src(%dma_wait3A_314 : memref<128xf32, #tpu.memory_space<vmem>>) dst(%dma_wait3A_318 : memref<10240xf32, #tpu.memory_space<vmem_shared>>)
      %dma_wait3A_319 = arith.constant 128 : i32
      %dma_wait3A_320 = tpu.memref_slice %arg8[%dma_wait3A_319] : memref<10240xf32, #tpu.memory_space<vmem>> -> memref<128xf32, #tpu.memory_space<vmem>>
      %dma_wait3A_321 = arith.constant 128 : i32
      %dma_wait3A_322 = tpu.memref_slice %arg7[%dma_wait3A_321] : memref<10240xi32, #tpu.memory_space<vmem>> -> memref<128xi32, #tpu.memory_space<vmem>>
      %dma_wait3A_323 = arith.constant 0 : i32
      %dma_wait3A_324 = tpu.memref_slice %arg12[%dma_wait3A_323] : memref<10240xf32, #tpu.memory_space<vmem_shared>> -> memref<10240xf32, #tpu.memory_space<vmem_shared>>
      tpu.wait_indirect_dma semaphore(%arg13 : memref<!tpu.dma_semaphore, #tpu.memory_space<semaphore_mem>>) src(%dma_wait3A_320 : memref<128xf32, #tpu.memory_space<vmem>>) dst(%dma_wait3A_324 : memref<10240xf32, #tpu.memory_space<vmem_shared>>)
      %dma_wait3A_325 = arith.constant 256 : i32
      %dma_wait3A_326 = tpu.memref_slice %arg8[%dma_wait3A_325] : memref<10240xf32, #tpu.memory_space<vmem>> -> memref<128xf32, #tpu.memory_space<vmem>>
      %dma_wait3A_327 = arith.constant 256 : i32
      %dma_wait3A_328 = tpu.memref_slice %arg7[%dma_wait3A_327] : memref<10240xi32, #tpu.memory_space<vmem>> -> memref<128xi32, #tpu.memory_space<vmem>>
      %dma_wait3A_329 = arith.constant 0 : i32
      %dma_wait3A_330 = tpu.memref_slice %arg12[%dma_wait3A_329] : memref<10240xf32, #tpu.memory_space<vmem_shared>> -> memref<10240xf32, #tpu.memory_space<vmem_shared>>
      tpu.wait_indirect_dma semaphore(%arg13 : memref<!tpu.dma_semaphore, #tpu.memory_space<semaphore_mem>>) src(%dma_wait3A_326 : memref<128xf32, #tpu.memory_space<vmem>>) dst(%dma_wait3A_330 : memref<10240xf32, #tpu.memory_space<vmem_shared>>)
      %dma_wait3A_331 = arith.constant 384 : i32
      %dma_wait3A_332 = tpu.memref_slice %arg8[%dma_wait3A_331] : memref<10240xf32, #tpu.memory_space<vmem>> -> memref<128xf32, #tpu.memory_space<vmem>>
      %dma_wait3A_333 = arith.constant 384 : i32
      %dma_wait3A_334 = tpu.memref_slice %arg7[%dma_wait3A_333] : memref<10240xi32, #tpu.memory_space<vmem>> -> memref<128xi32, #tpu.memory_space<vmem>>
      %dma_wait3A_335 = arith.constant 0 : i32
      %dma_wait3A_336 = tpu.memref_slice %arg12[%dma_wait3A_335] : memref<10240xf32, #tpu.memory_space<vmem_shared>> -> memref<10240xf32, #tpu.memory_space<vmem_shared>>
      tpu.wait_indirect_dma semaphore(%arg13 : memref<!tpu.dma_semaphore, #tpu.memory_space<semaphore_mem>>) src(%dma_wait3A_332 : memref<128xf32, #tpu.memory_space<vmem>>) dst(%dma_wait3A_336 : memref<10240xf32, #tpu.memory_space<vmem_shared>>)
      %dma_wait3A_337 = arith.constant 512 : i32
      %dma_wait3A_338 = tpu.memref_slice %arg8[%dma_wait3A_337] : memref<10240xf32, #tpu.memory_space<vmem>> -> memref<128xf32, #tpu.memory_space<vmem>>
      %dma_wait3A_339 = arith.constant 512 : i32
      %dma_wait3A_340 = tpu.memref_slice %arg7[%dma_wait3A_339] : memref<10240xi32, #tpu.memory_space<vmem>> -> memref<128xi32, #tpu.memory_space<vmem>>
      %dma_wait3A_341 = arith.constant 0 : i32
      %dma_wait3A_342 = tpu.memref_slice %arg12[%dma_wait3A_341] : memref<10240xf32, #tpu.memory_space<vmem_shared>> -> memref<10240xf32, #tpu.memory_space<vmem_shared>>
      tpu.wait_indirect_dma semaphore(%arg13 : memref<!tpu.dma_semaphore, #tpu.memory_space<semaphore_mem>>) src(%dma_wait3A_338 : memref<128xf32, #tpu.memory_space<vmem>>) dst(%dma_wait3A_342 : memref<10240xf32, #tpu.memory_space<vmem_shared>>)
      %dma_wait3A_343 = arith.constant 640 : i32
      %dma_wait3A_344 = tpu.memref_slice %arg8[%dma_wait3A_343] : memref<10240xf32, #tpu.memory_space<vmem>> -> memref<128xf32, #tpu.memory_space<vmem>>
      %dma_wait3A_345 = arith.constant 640 : i32
      %dma_wait3A_346 = tpu.memref_slice %arg7[%dma_wait3A_345] : memref<10240xi32, #tpu.memory_space<vmem>> -> memref<128xi32, #tpu.memory_space<vmem>>
      %dma_wait3A_347 = arith.constant 0 : i32
      %dma_wait3A_348 = tpu.memref_slice %arg12[%dma_wait3A_347] : memref<10240xf32, #tpu.memory_space<vmem_shared>> -> memref<10240xf32, #tpu.memory_space<vmem_shared>>
      tpu.wait_indirect_dma semaphore(%arg13 : memref<!tpu.dma_semaphore, #tpu.memory_space<semaphore_mem>>) src(%dma_wait3A_344 : memref<128xf32, #tpu.memory_space<vmem>>) dst(%dma_wait3A_348 : memref<10240xf32, #tpu.memory_space<vmem_shared>>)
      %dma_wait3A_349 = arith.constant 768 : i32
      %dma_wait3A_350 = tpu.memref_slice %arg8[%dma_wait3A_349] : memref<10240xf32, #tpu.memory_space<vmem>> -> memref<128xf32, #tpu.memory_space<vmem>>
      %dma_wait3A_351 = arith.constant 768 : i32
      %dma_wait3A_352 = tpu.memref_slice %arg7[%dma_wait3A_351] : memref<10240xi32, #tpu.memory_space<vmem>> -> memref<128xi32, #tpu.memory_space<vmem>>
      %dma_wait3A_353 = arith.constant 0 : i32
      %dma_wait3A_354 = tpu.memref_slice %arg12[%dma_wait3A_353] : memref<10240xf32, #tpu.memory_space<vmem_shared>> -> memref<10240xf32, #tpu.memory_space<vmem_shared>>
      tpu.wait_indirect_dma semaphore(%arg13 : memref<!tpu.dma_semaphore, #tpu.memory_space<semaphore_mem>>) src(%dma_wait3A_350 : memref<128xf32, #tpu.memory_space<vmem>>) dst(%dma_wait3A_354 : memref<10240xf32, #tpu.memory_space<vmem_shared>>)
      %dma_wait3A_355 = arith.constant 896 : i32
      %dma_wait3A_356 = tpu.memref_slice %arg8[%dma_wait3A_355] : memref<10240xf32, #tpu.memory_space<vmem>> -> memref<128xf32, #tpu.memory_space<vmem>>
      %dma_wait3A_357 = arith.constant 896 : i32
      %dma_wait3A_358 = tpu.memref_slice %arg7[%dma_wait3A_357] : memref<10240xi32, #tpu.memory_space<vmem>> -> memref<128xi32, #tpu.memory_space<vmem>>
      %dma_wait3A_359 = arith.constant 0 : i32
      %dma_wait3A_360 = tpu.memref_slice %arg12[%dma_wait3A_359] : memref<10240xf32, #tpu.memory_space<vmem_shared>> -> memref<10240xf32, #tpu.memory_space<vmem_shared>>
      tpu.wait_indirect_dma semaphore(%arg13 : memref<!tpu.dma_semaphore, #tpu.memory_space<semaphore_mem>>) src(%dma_wait3A_356 : memref<128xf32, #tpu.memory_space<vmem>>) dst(%dma_wait3A_360 : memref<10240xf32, #tpu.memory_space<vmem_shared>>)
      %dma_wait3A_361 = arith.constant 1024 : i32
      %dma_wait3A_362 = tpu.memref_slice %arg8[%dma_wait3A_361] : memref<10240xf32, #tpu.memory_space<vmem>> -> memref<128xf32, #tpu.memory_space<vmem>>
      %dma_wait3A_363 = arith.constant 1024 : i32
      %dma_wait3A_364 = tpu.memref_slice %arg7[%dma_wait3A_363] : memref<10240xi32, #tpu.memory_space<vmem>> -> memref<128xi32, #tpu.memory_space<vmem>>
      %dma_wait3A_365 = arith.constant 0 : i32
      %dma_wait3A_366 = tpu.memref_slice %arg12[%dma_wait3A_365] : memref<10240xf32, #tpu.memory_space<vmem_shared>> -> memref<10240xf32, #tpu.memory_space<vmem_shared>>
      tpu.wait_indirect_dma semaphore(%arg13 : memref<!tpu.dma_semaphore, #tpu.memory_space<semaphore_mem>>) src(%dma_wait3A_362 : memref<128xf32, #tpu.memory_space<vmem>>) dst(%dma_wait3A_366 : memref<10240xf32, #tpu.memory_space<vmem_shared>>)
      %dma_wait3A_367 = arith.constant 1152 : i32
      %dma_wait3A_368 = tpu.memref_slice %arg8[%dma_wait3A_367] : memref<10240xf32, #tpu.memory_space<vmem>> -> memref<128xf32, #tpu.memory_space<vmem>>
      %dma_wait3A_369 = arith.constant 1152 : i32
      %dma_wait3A_370 = tpu.memref_slice %arg7[%dma_wait3A_369] : memref<10240xi32, #tpu.memory_space<vmem>> -> memref<128xi32, #tpu.memory_space<vmem>>
      %dma_wait3A_371 = arith.constant 0 : i32
      %dma_wait3A_372 = tpu.memref_slice %arg12[%dma_wait3A_371] : memref<10240xf32, #tpu.memory_space<vmem_shared>> -> memref<10240xf32, #tpu.memory_space<vmem_shared>>
      tpu.wait_indirect_dma semaphore(%arg13 : memref<!tpu.dma_semaphore, #tpu.memory_space<semaphore_mem>>) src(%dma_wait3A_368 : memref<128xf32, #tpu.memory_space<vmem>>) dst(%dma_wait3A_372 : memref<10240xf32, #tpu.memory_space<vmem_shared>>)
      %dma_wait3A_373 = arith.constant 1280 : i32
      %dma_wait3A_374 = tpu.memref_slice %arg8[%dma_wait3A_373] : memref<10240xf32, #tpu.memory_space<vmem>> -> memref<128xf32, #tpu.memory_space<vmem>>
      %dma_wait3A_375 = arith.constant 1280 : i32
      %dma_wait3A_376 = tpu.memref_slice %arg7[%dma_wait3A_375] : memref<10240xi32, #tpu.memory_space<vmem>> -> memref<128xi32, #tpu.memory_space<vmem>>
      %dma_wait3A_377 = arith.constant 0 : i32
      %dma_wait3A_378 = tpu.memref_slice %arg12[%dma_wait3A_377] : memref<10240xf32, #tpu.memory_space<vmem_shared>> -> memref<10240xf32, #tpu.memory_space<vmem_shared>>
      tpu.wait_indirect_dma semaphore(%arg13 : memref<!tpu.dma_semaphore, #tpu.memory_space<semaphore_mem>>) src(%dma_wait3A_374 : memref<128xf32, #tpu.memory_space<vmem>>) dst(%dma_wait3A_378 : memref<10240xf32, #tpu.memory_space<vmem_shared>>)
      %dma_wait3A_379 = arith.constant 1408 : i32
      %dma_wait3A_380 = tpu.memref_slice %arg8[%dma_wait3A_379] : memref<10240xf32, #tpu.memory_space<vmem>> -> memref<128xf32, #tpu.memory_space<vmem>>
      %dma_wait3A_381 = arith.constant 1408 : i32
      %dma_wait3A_382 = tpu.memref_slice %arg7[%dma_wait3A_381] : memref<10240xi32, #tpu.memory_space<vmem>> -> memref<128xi32, #tpu.memory_space<vmem>>
      %dma_wait3A_383 = arith.constant 0 : i32
      %dma_wait3A_384 = tpu.memref_slice %arg12[%dma_wait3A_383] : memref<10240xf32, #tpu.memory_space<vmem_shared>> -> memref<10240xf32, #tpu.memory_space<vmem_shared>>
      tpu.wait_indirect_dma semaphore(%arg13 : memref<!tpu.dma_semaphore, #tpu.memory_space<semaphore_mem>>) src(%dma_wait3A_380 : memref<128xf32, #tpu.memory_space<vmem>>) dst(%dma_wait3A_384 : memref<10240xf32, #tpu.memory_space<vmem_shared>>)
      %dma_wait3A_385 = arith.constant 1536 : i32
      %dma_wait3A_386 = tpu.memref_slice %arg8[%dma_wait3A_385] : memref<10240xf32, #tpu.memory_space<vmem>> -> memref<128xf32, #tpu.memory_space<vmem>>
      %dma_wait3A_387 = arith.constant 1536 : i32
      %dma_wait3A_388 = tpu.memref_slice %arg7[%dma_wait3A_387] : memref<10240xi32, #tpu.memory_space<vmem>> -> memref<128xi32, #tpu.memory_space<vmem>>
      %dma_wait3A_389 = arith.constant 0 : i32
      %dma_wait3A_390 = tpu.memref_slice %arg12[%dma_wait3A_389] : memref<10240xf32, #tpu.memory_space<vmem_shared>> -> memref<10240xf32, #tpu.memory_space<vmem_shared>>
      tpu.wait_indirect_dma semaphore(%arg13 : memref<!tpu.dma_semaphore, #tpu.memory_space<semaphore_mem>>) src(%dma_wait3A_386 : memref<128xf32, #tpu.memory_space<vmem>>) dst(%dma_wait3A_390 : memref<10240xf32, #tpu.memory_space<vmem_shared>>)
      %dma_wait3A_391 = arith.constant 1664 : i32
      %dma_wait3A_392 = tpu.memref_slice %arg8[%dma_wait3A_391] : memref<10240xf32, #tpu.memory_space<vmem>> -> memref<128xf32, #tpu.memory_space<vmem>>
      %dma_wait3A_393 = arith.constant 1664 : i32
      %dma_wait3A_394 = tpu.memref_slice %arg7[%dma_wait3A_393] : memref<10240xi32, #tpu.memory_space<vmem>> -> memref<128xi32, #tpu.memory_space<vmem>>
      %dma_wait3A_395 = arith.constant 0 : i32
      %dma_wait3A_396 = tpu.memref_slice %arg12[%dma_wait3A_395] : memref<10240xf32, #tpu.memory_space<vmem_shared>> -> memref<10240xf32, #tpu.memory_space<vmem_shared>>
      tpu.wait_indirect_dma semaphore(%arg13 : memref<!tpu.dma_semaphore, #tpu.memory_space<semaphore_mem>>) src(%dma_wait3A_392 : memref<128xf32, #tpu.memory_space<vmem>>) dst(%dma_wait3A_396 : memref<10240xf32, #tpu.memory_space<vmem_shared>>)
      %dma_wait3A_397 = arith.constant 1792 : i32
      %dma_wait3A_398 = tpu.memref_slice %arg8[%dma_wait3A_397] : memref<10240xf32, #tpu.memory_space<vmem>> -> memref<128xf32, #tpu.memory_space<vmem>>
      %dma_wait3A_399 = arith.constant 1792 : i32
      %dma_wait3A_400 = tpu.memref_slice %arg7[%dma_wait3A_399] : memref<10240xi32, #tpu.memory_space<vmem>> -> memref<128xi32, #tpu.memory_space<vmem>>
      %dma_wait3A_401 = arith.constant 0 : i32
      %dma_wait3A_402 = tpu.memref_slice %arg12[%dma_wait3A_401] : memref<10240xf32, #tpu.memory_space<vmem_shared>> -> memref<10240xf32, #tpu.memory_space<vmem_shared>>
      tpu.wait_indirect_dma semaphore(%arg13 : memref<!tpu.dma_semaphore, #tpu.memory_space<semaphore_mem>>) src(%dma_wait3A_398 : memref<128xf32, #tpu.memory_space<vmem>>) dst(%dma_wait3A_402 : memref<10240xf32, #tpu.memory_space<vmem_shared>>)
      %dma_wait3A_403 = arith.constant 1920 : i32
      %dma_wait3A_404 = tpu.memref_slice %arg8[%dma_wait3A_403] : memref<10240xf32, #tpu.memory_space<vmem>> -> memref<128xf32, #tpu.memory_space<vmem>>
      %dma_wait3A_405 = arith.constant 1920 : i32
      %dma_wait3A_406 = tpu.memref_slice %arg7[%dma_wait3A_405] : memref<10240xi32, #tpu.memory_space<vmem>> -> memref<128xi32, #tpu.memory_space<vmem>>
      %dma_wait3A_407 = arith.constant 0 : i32
      %dma_wait3A_408 = tpu.memref_slice %arg12[%dma_wait3A_407] : memref<10240xf32, #tpu.memory_space<vmem_shared>> -> memref<10240xf32, #tpu.memory_space<vmem_shared>>
      tpu.wait_indirect_dma semaphore(%arg13 : memref<!tpu.dma_semaphore, #tpu.memory_space<semaphore_mem>>) src(%dma_wait3A_404 : memref<128xf32, #tpu.memory_space<vmem>>) dst(%dma_wait3A_408 : memref<10240xf32, #tpu.memory_space<vmem_shared>>)
      %dma_wait3A_409 = arith.constant 2048 : i32
      %dma_wait3A_410 = tpu.memref_slice %arg8[%dma_wait3A_409] : memref<10240xf32, #tpu.memory_space<vmem>> -> memref<128xf32, #tpu.memory_space<vmem>>
      %dma_wait3A_411 = arith.constant 2048 : i32
      %dma_wait3A_412 = tpu.memref_slice %arg7[%dma_wait3A_411] : memref<10240xi32, #tpu.memory_space<vmem>> -> memref<128xi32, #tpu.memory_space<vmem>>
      %dma_wait3A_413 = arith.constant 0 : i32
      %dma_wait3A_414 = tpu.memref_slice %arg12[%dma_wait3A_413] : memref<10240xf32, #tpu.memory_space<vmem_shared>> -> memref<10240xf32, #tpu.memory_space<vmem_shared>>
      tpu.wait_indirect_dma semaphore(%arg13 : memref<!tpu.dma_semaphore, #tpu.memory_space<semaphore_mem>>) src(%dma_wait3A_410 : memref<128xf32, #tpu.memory_space<vmem>>) dst(%dma_wait3A_414 : memref<10240xf32, #tpu.memory_space<vmem_shared>>)
      %dma_wait3A_415 = arith.constant 2176 : i32
      %dma_wait3A_416 = tpu.memref_slice %arg8[%dma_wait3A_415] : memref<10240xf32, #tpu.memory_space<vmem>> -> memref<128xf32, #tpu.memory_space<vmem>>
      %dma_wait3A_417 = arith.constant 2176 : i32
      %dma_wait3A_418 = tpu.memref_slice %arg7[%dma_wait3A_417] : memref<10240xi32, #tpu.memory_space<vmem>> -> memref<128xi32, #tpu.memory_space<vmem>>
      %dma_wait3A_419 = arith.constant 0 : i32
      %dma_wait3A_420 = tpu.memref_slice %arg12[%dma_wait3A_419] : memref<10240xf32, #tpu.memory_space<vmem_shared>> -> memref<10240xf32, #tpu.memory_space<vmem_shared>>
      tpu.wait_indirect_dma semaphore(%arg13 : memref<!tpu.dma_semaphore, #tpu.memory_space<semaphore_mem>>) src(%dma_wait3A_416 : memref<128xf32, #tpu.memory_space<vmem>>) dst(%dma_wait3A_420 : memref<10240xf32, #tpu.memory_space<vmem_shared>>)
      %dma_wait3A_421 = arith.constant 2304 : i32
      %dma_wait3A_422 = tpu.memref_slice %arg8[%dma_wait3A_421] : memref<10240xf32, #tpu.memory_space<vmem>> -> memref<128xf32, #tpu.memory_space<vmem>>
      %dma_wait3A_423 = arith.constant 2304 : i32
      %dma_wait3A_424 = tpu.memref_slice %arg7[%dma_wait3A_423] : memref<10240xi32, #tpu.memory_space<vmem>> -> memref<128xi32, #tpu.memory_space<vmem>>
      %dma_wait3A_425 = arith.constant 0 : i32
      %dma_wait3A_426 = tpu.memref_slice %arg12[%dma_wait3A_425] : memref<10240xf32, #tpu.memory_space<vmem_shared>> -> memref<10240xf32, #tpu.memory_space<vmem_shared>>
      tpu.wait_indirect_dma semaphore(%arg13 : memref<!tpu.dma_semaphore, #tpu.memory_space<semaphore_mem>>) src(%dma_wait3A_422 : memref<128xf32, #tpu.memory_space<vmem>>) dst(%dma_wait3A_426 : memref<10240xf32, #tpu.memory_space<vmem_shared>>)
      %dma_wait3A_427 = arith.constant 2432 : i32
      %dma_wait3A_428 = tpu.memref_slice %arg8[%dma_wait3A_427] : memref<10240xf32, #tpu.memory_space<vmem>> -> memref<128xf32, #tpu.memory_space<vmem>>
      %dma_wait3A_429 = arith.constant 2432 : i32
      %dma_wait3A_430 = tpu.memref_slice %arg7[%dma_wait3A_429] : memref<10240xi32, #tpu.memory_space<vmem>> -> memref<128xi32, #tpu.memory_space<vmem>>
      %dma_wait3A_431 = arith.constant 0 : i32
      %dma_wait3A_432 = tpu.memref_slice %arg12[%dma_wait3A_431] : memref<10240xf32, #tpu.memory_space<vmem_shared>> -> memref<10240xf32, #tpu.memory_space<vmem_shared>>
      tpu.wait_indirect_dma semaphore(%arg13 : memref<!tpu.dma_semaphore, #tpu.memory_space<semaphore_mem>>) src(%dma_wait3A_428 : memref<128xf32, #tpu.memory_space<vmem>>) dst(%dma_wait3A_432 : memref<10240xf32, #tpu.memory_space<vmem_shared>>)
    } else {
    }
    %barrier3A_190 = arith.constant 0 : index
    tpu.barrier barrier_id(%barrier3A_190)
    %mul3A_191 = arith.constant 640 : i32
    %mul3A_192 = arith.muli %arg1, %mul3A_191 : i32
    %mul3A_193 = arith.constant 640 : i32
    %mul3A_194 = arith.muli %arg1, %mul3A_193 : i32
    "tpu.region"() ({
      %run_scoped3A = tpu.sem_alloc : memref<!tpu.dma_semaphore, #tpu.memory_space<semaphore_mem>>
      %dma_start3A = tpu.memref_slice %arg5[%arg0, %mul3A_194] : memref<2x10240xf32, #tpu.memory_space<hbm>> -> memref<1x640xf32, #tpu.memory_space<hbm>>
      %dma_start3A_195 = tpu.memref_squeeze %dma_start3A : memref<1x640xf32, #tpu.memory_space<hbm>> -> memref<640xf32, #tpu.memory_space<hbm>>
      %dma_start3A_196 = tpu.memref_slice %arg12[%mul3A_192] : memref<10240xf32, #tpu.memory_space<vmem_shared>> -> memref<640xf32, #tpu.memory_space<vmem_shared>>
      tpu.enqueue_dma source(%dma_start3A_196 : memref<640xf32, #tpu.memory_space<vmem_shared>>) target(%dma_start3A_195 : memref<640xf32, #tpu.memory_space<hbm>>) target_semaphore(%run_scoped3A : memref<!tpu.dma_semaphore, #tpu.memory_space<semaphore_mem>>)
      %dma_wait3A = tpu.memref_slice %arg5[%arg0, %mul3A_194] : memref<2x10240xf32, #tpu.memory_space<hbm>> -> memref<1x640xf32, #tpu.memory_space<hbm>>
      %dma_wait3A_197 = tpu.memref_squeeze %dma_wait3A : memref<1x640xf32, #tpu.memory_space<hbm>> -> memref<640xf32, #tpu.memory_space<hbm>>
      %dma_wait3A_198 = tpu.memref_slice %arg12[%mul3A_192] : memref<10240xf32, #tpu.memory_space<vmem_shared>> -> memref<640xf32, #tpu.memory_space<vmem_shared>>
      tpu.wait_dma2 semaphore(%run_scoped3A : memref<!tpu.dma_semaphore, #tpu.memory_space<semaphore_mem>>) src(%dma_wait3A_198 : memref<640xf32, #tpu.memory_space<vmem_shared>>) dst(%dma_wait3A_197 : memref<640xf32, #tpu.memory_space<hbm>>)
      tpu.yield
    }) : () -> ()
    return
  }
}

module attributes {stable_mosaic.version = 14 : i64} {
  func.func @_mid_body(%arg0: i32, %arg1: memref<2048x128xf32, #tpu.memory_space<vmem>>, %arg2: memref<64x128xf32, #tpu.memory_space<vmem>>, %arg3: memref<64xf32, #tpu.memory_space<vmem>>, %arg4: memref<32x64xf32, #tpu.memory_space<vmem>>, %arg5: memref<1x32xf32, #tpu.memory_space<vmem>>, %arg6: memref<2048xf32, #tpu.memory_space<vmem>>) attributes {dimension_semantics = [#tpu.dimension_semantics<arbitrary>], iteration_bounds = array<i64: 5>, scalar_prefetch = 0 : i64, scratch_operands = 0 : i64, tpu.core_type = #tpu.core_type<tc>, window_params = [{transform_indices = @transform_0, window_bounds = array<i64: 2048, 128>}, {pipeline_mode = #tpu.pipeline_mode<synchronous>, transform_indices = @transform_1, window_bounds = array<i64: 64, 128>}, {pipeline_mode = #tpu.pipeline_mode<synchronous>, transform_indices = @transform_2, window_bounds = array<i64: 64>}, {pipeline_mode = #tpu.pipeline_mode<synchronous>, transform_indices = @transform_3, window_bounds = array<i64: 32, 64>}, {pipeline_mode = #tpu.pipeline_mode<synchronous>, transform_indices = @transform_4, window_bounds = array<i64: 1, 32>}, {transform_indices = @transform_5, window_bounds = array<i64: 2048>}]} {
    %get3A = arith.constant 0 : index
    %get3A_0 = arith.constant 0 : index
    %get3A_1 = vector.load %arg5[%get3A, %get3A_0] : memref<1x32xf32, #tpu.memory_space<vmem>>, vector<1x32xf32>
    %squeeze3A = vector.shape_cast %get3A_1 : vector<1x32xf32> to vector<32xf32>
    %get3A_2 = arith.constant 0 : index
    %get3A_3 = arith.constant 0 : index
    %get3A_4 = vector.load %arg4[%get3A_2, %get3A_3] : memref<32x64xf32, #tpu.memory_space<vmem>>, vector<32x64xf32>
    %dot_general3A = arith.constant dense<0.000000e+00> : vector<64xf32>
    %dot_general3A_5 = tpu.matmul %squeeze3A, %get3A_4, %dot_general3A {dimension_numbers = #tpu.dot_dimension_numbers<[0], [0], [], [1], [1, 1], [], []>, transpose_lhs_hint = false} : vector<32xf32>, vector<32x64xf32>, vector<64xf32> -> vector<64xf32>
    %get3A_6 = arith.constant 0 : index
    %get3A_7 = arith.constant 0 : index
    %get3A_8 = vector.load %arg1[%get3A_6, %get3A_7] : memref<2048x128xf32, #tpu.memory_space<vmem>>, vector<2048x128xf32>
    %get3A_9 = arith.constant 0 : index
    %get3A_10 = arith.constant 0 : index
    %get3A_11 = vector.load %arg2[%get3A_9, %get3A_10] : memref<64x128xf32, #tpu.memory_space<vmem>>, vector<64x128xf32>
    %dot_general3A_12 = arith.constant dense<0.000000e+00> : vector<2048x64xf32>
    %dot_general3A_13 = tpu.matmul %get3A_8, %get3A_11, %dot_general3A_12 {dimension_numbers = #tpu.dot_dimension_numbers<[1], [1], [0], [0], [0, 0, 1, 0], [], []>, transpose_lhs_hint = false} : vector<2048x128xf32>, vector<64x128xf32>, vector<2048x64xf32> -> vector<2048x64xf32>
    %get3A_14 = arith.constant 0 : index
    %get3A_15 = vector.load %arg3[%get3A_14] : memref<64xf32, #tpu.memory_space<vmem>>, vector<64xf32>
    %broadcast_in_dim3A = vector.shape_cast %get3A_15 : vector<64xf32> to vector<1x64xf32>
    %add3A = vector.broadcast %broadcast_in_dim3A : vector<1x64xf32> to vector<2048x64xf32>
    %add3A_16 = arith.addf %dot_general3A_13, %add3A : vector<2048x64xf32>
    %max3A = arith.constant 0.000000e+00 : f32
    %max3A_17 = vector.broadcast %max3A : f32 to vector<2048x64xf32>
    %max3A_18 = arith.maximumf %add3A_16, %max3A_17 : vector<2048x64xf32>
    %broadcast_in_dim3A_19 = vector.shape_cast %dot_general3A_5 : vector<64xf32> to vector<1x64xf32>
    %mul3A = vector.broadcast %broadcast_in_dim3A_19 : vector<1x64xf32> to vector<2048x64xf32>
    %mul3A_20 = arith.mulf %max3A_18, %mul3A : vector<2048x64xf32>
    %reduce_sum3A = arith.constant dense<0.000000e+00> : vector<2048xf32>
    %reduce_sum3A_21 = vector.multi_reduction <add>, %mul3A_20, %reduce_sum3A [1] : vector<2048x64xf32> to vector<2048xf32>
    %swap3A = arith.constant 0 : index
    %swap3A_22 = vector.load %arg6[%swap3A] : memref<2048xf32, #tpu.memory_space<vmem>>, vector<2048xf32>
    tpu.vector_store %arg6[%swap3A], %reduce_sum3A_21 {strides = array<i32>} : memref<2048xf32, #tpu.memory_space<vmem>>, vector<2048xf32>,
    return
  }
  func.func @transform_0(%arg0: i32) -> (i32, i32) {
    %c0_i32 = arith.constant 0 : i32
    %c0_i32_0 = arith.constant 0 : i32
    return %arg0, %c0_i32 : i32, i32
  }
  func.func @transform_1(%arg0: i32) -> (i32, i32) {
    %c0_i32 = arith.constant 0 : i32
    %c0_i32_0 = arith.constant 0 : i32
    %c0_i32_1 = arith.constant 0 : i32
    return %c0_i32, %c0_i32_0 : i32, i32
  }
  func.func @transform_2(%arg0: i32) -> i32 {
    %c0_i32 = arith.constant 0 : i32
    %c0_i32_0 = arith.constant 0 : i32
    return %c0_i32 : i32
  }
  func.func @transform_3(%arg0: i32) -> (i32, i32) {
    %c0_i32 = arith.constant 0 : i32
    %c0_i32_0 = arith.constant 0 : i32
    %c0_i32_1 = arith.constant 0 : i32
    return %c0_i32, %c0_i32_0 : i32, i32
  }
  func.func @transform_4(%arg0: i32) -> (i32, i32) {
    %c0_i32 = arith.constant 0 : i32
    %c0_i32_0 = arith.constant 0 : i32
    %c0_i32_1 = arith.constant 0 : i32
    return %c0_i32, %c0_i32_0 : i32, i32
  }
  func.func @transform_5(%arg0: i32) -> i32 {
    %c0_i32 = arith.constant 0 : i32
    return %arg0 : i32
  }
}

module attributes {stable_mosaic.version = 14 : i64} {
  func.func @_final_body(%arg0: memref<10240xf32, #tpu.memory_space<vmem>>, %arg1: memref<2x10240xf32, #tpu.memory_space<vmem>>, %arg2: memref<2x10240xf32, #tpu.memory_space<vmem>>, %arg3: memref<1x32xf32, #tpu.memory_space<vmem>>, %arg4: memref<32xf32, #tpu.memory_space<vmem>>, %arg5: memref<1xf32, #tpu.memory_space<vmem>>, %arg6: memref<10240xf32, #tpu.memory_space<vmem>>) attributes {dimension_semantics = [], scalar_prefetch = 0 : i64, scratch_operands = 0 : i64, tpu.core_type = #tpu.core_type<tc>} {
    %get3A = arith.constant 0 : index
    %get3A_0 = arith.constant 0 : index
    %get3A_1 = vector.load %arg3[%get3A, %get3A_0] : memref<1x32xf32, #tpu.memory_space<vmem>>, vector<1x32xf32>
    %squeeze3A = vector.shape_cast %get3A_1 : vector<1x32xf32> to vector<32xf32>
    %get3A_2 = arith.constant 0 : index
    %get3A_3 = vector.load %arg4[%get3A_2] : memref<32xf32, #tpu.memory_space<vmem>>, vector<32xf32>
    %mul3A = arith.mulf %squeeze3A, %get3A_3 : vector<32xf32>
    %reduce_sum3A = vector.shape_cast %mul3A : vector<32xf32> to vector<1x32xf32>
    %reduce_sum3A_4 = arith.constant dense<0.000000e+00> : vector<1xf32>
    %reduce_sum3A_5 = vector.multi_reduction <add>, %reduce_sum3A, %reduce_sum3A_4 [1] : vector<1x32xf32> to vector<1xf32>
    %reduce_sum3A_6 = vector.shape_cast %reduce_sum3A_5 : vector<1xf32> to vector<1x1xf32>
    %reduce_sum3A_7 = vector.extract %reduce_sum3A_6[0, 0] : f32 from vector<1x1xf32>
    %get3A_8 = arith.constant 0 : index
    %get3A_9 = vector.load %arg5[%get3A_8] : memref<1xf32, #tpu.memory_space<vmem>>, vector<1xf32>
    %reduce_sum3A_10 = vector.shape_cast %get3A_9 : vector<1xf32> to vector<1x1xf32>
    %reduce_sum3A_11 = arith.constant dense<0.000000e+00> : vector<1xf32>
    %reduce_sum3A_12 = vector.multi_reduction <add>, %reduce_sum3A_10, %reduce_sum3A_11 [1] : vector<1x1xf32> to vector<1xf32>
    %reduce_sum3A_13 = vector.shape_cast %reduce_sum3A_12 : vector<1xf32> to vector<1x1xf32>
    %reduce_sum3A_14 = vector.extract %reduce_sum3A_13[0, 0] : f32 from vector<1x1xf32>
    %add3A = arith.addf %reduce_sum3A_7, %reduce_sum3A_14 : f32
    %get3A_15 = arith.constant 0 : index
    %get3A_16 = arith.constant 0 : index
    %get3A_17 = vector.load %arg1[%get3A_15, %get3A_16] : memref<2x10240xf32, #tpu.memory_space<vmem>>, vector<1x10240xf32>
    %get3A_18 = vector.shape_cast %get3A_17 : vector<1x10240xf32> to vector<10240xf32>
    %get3A_19 = arith.constant 1 : index
    %get3A_20 = arith.constant 0 : index
    %get3A_21 = vector.load %arg1[%get3A_19, %get3A_20] : memref<2x10240xf32, #tpu.memory_space<vmem>>, vector<1x10240xf32>
    %get3A_22 = vector.shape_cast %get3A_21 : vector<1x10240xf32> to vector<10240xf32>
    %add3A_23 = arith.addf %get3A_18, %get3A_22 : vector<10240xf32>
    %add3A_24 = arith.constant 1.000000e+00 : f32
    %add3A_25 = vector.broadcast %add3A_24 : f32 to vector<10240xf32>
    %add3A_26 = arith.addf %add3A_23, %add3A_25 : vector<10240xf32>
    %rsqrt3A = math.rsqrt %add3A_26 : vector<10240xf32>
    %get3A_27 = arith.constant 0 : index
    %get3A_28 = vector.load %arg0[%get3A_27] : memref<10240xf32, #tpu.memory_space<vmem>>, vector<10240xf32>
    %mul3A_29 = arith.mulf %rsqrt3A, %get3A_28 : vector<10240xf32>
    %get3A_30 = arith.constant 0 : index
    %get3A_31 = arith.constant 0 : index
    %get3A_32 = vector.load %arg2[%get3A_30, %get3A_31] : memref<2x10240xf32, #tpu.memory_space<vmem>>, vector<1x10240xf32>
    %get3A_33 = vector.shape_cast %get3A_32 : vector<1x10240xf32> to vector<10240xf32>
    %get3A_34 = arith.constant 1 : index
    %get3A_35 = arith.constant 0 : index
    %get3A_36 = vector.load %arg2[%get3A_34, %get3A_35] : memref<2x10240xf32, #tpu.memory_space<vmem>>, vector<1x10240xf32>
    %get3A_37 = vector.shape_cast %get3A_36 : vector<1x10240xf32> to vector<10240xf32>
    %add3A_38 = arith.addf %get3A_33, %get3A_37 : vector<10240xf32>
    %add3A_39 = arith.addf %add3A_38, %mul3A_29 : vector<10240xf32>
    %mul3A_40 = arith.mulf %rsqrt3A, %add3A_39 : vector<10240xf32>
    %add3A_41 = vector.broadcast %add3A : f32 to vector<10240xf32>
    %add3A_42 = arith.addf %mul3A_40, %add3A_41 : vector<10240xf32>
    %swap3A = arith.constant 0 : index
    %swap3A_43 = vector.load %arg6[%swap3A] : memref<10240xf32, #tpu.memory_space<vmem>>, vector<10240xf32>
    tpu.vector_store %arg6[%swap3A], %add3A_42 {strides = array<i32>} : memref<10240xf32, #tpu.memory_space<vmem>>, vector<10240xf32>,
    return
  }
}

</mosaic_0001>

<sc_bundles>
// kernel: kernel.6.cloned.1.call-start
scs
__scs_entry_jumppad:
0x0: {  	(pc) =	sbr.rel $0x88, $3  }
0x1: {  	(tag) =	ssettag $0x0;
	lr =	simm.s32 $0x1  }
0x2: {  	[smem:$0x3F99] =	sst lr;
	_ =	strace $0xD0000000  }
0x3: {  	_ = 	snop  }
0x4: {  	_ = 	snop  }
0x5: {  	_ = 	snop  }
0x6: {  	_ = 	snop  }
0x7: {  	_ = 	snop  }
__scs_overlays_trampoline_lowered:
0x8: {  	[smem:$0x3FA8] =	sst s0  }
0x9: {  	[smem:$0x3FA9] =	sst s1  }
0xa: {  	[smem:$0x3FAA] =	sst s2  }
0xb: {  	[smem:$0x3FAB] =	sst s3  }
0xc: {  	[smem:$0x3FAC] =	sst s4  }
0xd: {  	[smem:$0x3FAD] =	sst s5  }
0xe: {  	[smem:$0x3FAE] =	sst s6  }
0xf: {  	[smem:$0x3FAF] =	sst s7  }
0x10: {  	[smem:$0x3FB0] =	sst s8  }
0x11: {  	[smem:$0x3FB1] =	sst s9;
	s0 =	simm.s32 @!p0 $0x0  }
0x12: {  	s1 =	sld [smem:$0x3F97];
	s0 =	simm.s32 @p0 $0x1  }
0x13: {  	[smem:$0x3FB2] =	sst s0;
	s0 =	simm.s32 @!p1 $0x0  }
0x14: {  	s2 =	sld [smem:$0x3F96];
	s0 =	simm.s32 @p1 $0x1  }
0x15: {  	[smem:$0x3FB3] =	sst s0;
	s0 =	simm.s32 @!p2 $0x0  }
0x16: {  	s3 =	sld [smem:$0x3FDB];
	s0 =	simm.s32 @p2 $0x1  }
0x17: {  	s4 =	simm.s32 $0x1BF5;
	[smem:$0x3FB5] =	sst s0  }
0x18: {  	s0 =	sld [smem:$0x3F98];
	_ =	swait.ge [sflag:s4], $0x0  }
0x19: {  	s7 =	sld [smem:$0x3F99]  }
0x1a: {  	s8 =	sadd.s32 $0xFFFFE003, lr  }
0x1b: {  	s9 =	sadd.s32 $0xFFFFFEF7, lr;
	s5 =	simm.s32 $0xFFFFFFFF;
	p2 =	slt.u32 s8, $0xFFFFF086  }
0x1c: {  	p1 =	slt.u32 s9, $0xF7A;
	s5 =	simm.s32 @!p2 $0x0  }
0x1d: {  	s5 =	simm.s32 @p1 $0x1;
	p0 =	seq.s32 s7, s2  }
0x1e: {  	s7 =	smul.u32 @!p0 $0xF7A, s2;
	p2 =	seq.s32 @!p0 s5, $0x0  }
0x1f: {  	s9 =	smul.u32 $0xF7A, s1;
	s8 =	simm.s32 @!p0 $0x1BF5;
	p2 =	por !p2, p0  }
0x20: {  	[sflag:s8] =	ssyncset.s32 @!p0 $0xFFFFF086;
	s6 =	sadd.s32 @!p0 s3, s7;
	s7 =	simm.s32 @!p0 $0x108  }
0x21: {  	s3 =	sadd.s32 s3, s9;
	s6 =	sadd.s32 @!p0 $0x88, s6;
	s7 =	simm.s32 @p2 $0x1082  }
0x22: {  	[simem:s7], [sflag:s8] =	dma.local @!p0 [hbm:s6], $0xF7A  }
0x23: {  	s9 =	sor.u32 $0xD0000000, s2;
	s6 =	simm.s32 $0x108;
	_ =	swait.ge @!p0 [sflag:s8], $0x0  }
0x24: {  	s3 =	sadd.s32 $0x88, s3;
	s6 =	simm.s32 @!p1 $0x1082;
	[sflag:s4] =	ssyncset.s32 $0xFFFFF086  }
0x25: {  	[simem:s6], [sflag:s4] =	dma.local [hbm:s3], $0xF7A  }
0x26: {  	[smem:$0x3F99] =	sst s1;
	(tag) =	ssettag s2;
	_ =	strace s9  }
0x27: {  	s1 =	sld [smem:$0x3FA9]  }
0x28: {  	s2 =	sld [smem:$0x3FAA]  }
0x29: {  	s4 =	sld [smem:$0x3FAC]  }
0x2a: {  	p0 =	seq.s32 s5, $0x0;
	s5 =	sld [smem:$0x3FAD]  }
0x2b: {  	s6 =	sld [smem:$0x3FAE]  }
0x2c: {  	s7 =	sld [smem:$0x3FAF]  }
0x2d: {  	s3 =	simm.s32 $0x108;
	s8 =	sld [smem:$0x3FB0]  }
0x2e: {  	s3 =	simm.s32 @!p0 $0x1082;
	s9 =	sld [smem:$0x3FB1]  }
0x2f: {  	lr =	sadd.s32 s0, s3;
	s0 =	sld [smem:$0x3FA8]  }
0x30: {  	s3 =	sld [smem:$0x3FAB]  }
0x31: {  	[smem:$0x3FB4] =	sst s10  }
0x32: {  	s10 =	sld [smem:$0x3FB2];
	_ =	sdelay $0x3  }
0x33: {  	p0 =	seq.s32 s10, $0x1;
	s10 =	sld [smem:$0x3FB4];
	_ =	sdelay $0x3  }
0x34: {  	[smem:$0x3FB4] =	sst s10  }
0x35: {  	s10 =	sld [smem:$0x3FB3];
	_ =	sdelay $0x3  }
0x36: {  	p1 =	seq.s32 s10, $0x1;
	s10 =	sld [smem:$0x3FB4];
	_ =	sdelay $0x3  }
0x37: {  	[smem:$0x3FB4] =	sst s10  }
0x38: {  	s10 =	sld [smem:$0x3FB5]  }
0x39: {  	_ = 	snop;
	(pc) =	sbr.ind lr, $3  }
0x3a: {  	_ = 	snop  }
0x3b: {  	_ = 	snop  }
0x3c: {  	p2 =	seq.s32 s10, $0x1;
	s10 =	sld [smem:$0x3FB4]  }
0x3d: {  	_ =	shalt  }
0x3e: {  	_ =	shalt  }
0x3f: {  	_ =	shalt  }
0x40: {  	_ =	shalt  }
0x41: {  	_ =	shalt  }
0x42: {  	_ =	shalt  }
0x43: {  	_ =	shalt  }
0x44: {  	_ =	shalt  }
0x45: {  	_ =	shalt  }
0x46: {  	_ =	shalt  }
0x47: {  	_ =	shalt  }
0x48: {  	_ =	shalt  }
0x49: {  	_ =	shalt  }
0x4a: {  	_ =	shalt  }
0x4b: {  	_ =	shalt  }
0x4c: {  	_ =	shalt  }
0x4d: {  	_ =	shalt  }
0x4e: {  	_ =	shalt  }
0x4f: {  	_ =	shalt  }
0x50: {  	_ =	shalt  }
0x51: {  	_ =	shalt  }
0x52: {  	_ =	shalt  }
0x53: {  	_ =	shalt  }
0x54: {  	_ =	shalt  }
0x55: {  	_ =	shalt  }
0x56: {  	_ =	shalt  }
0x57: {  	_ =	shalt  }
0x58: {  	_ =	shalt  }
0x59: {  	_ =	shalt  }
0x5a: {  	_ =	shalt  }
0x5b: {  	_ =	shalt  }
0x5c: {  	_ =	shalt  }
0x5d: {  	_ =	shalt  }
0x5e: {  	_ =	shalt  }
0x5f: {  	_ =	shalt  }
0x60: {  	_ =	shalt  }
0x61: {  	_ =	shalt  }
0x62: {  	_ =	shalt  }
0x63: {  	_ =	shalt  }
0x64: {  	_ =	shalt  }
0x65: {  	_ =	shalt  }
0x66: {  	_ =	shalt  }
0x67: {  	_ =	shalt  }
0x68: {  	_ =	shalt  }
0x69: {  	_ =	shalt  }
0x6a: {  	_ =	shalt  }
0x6b: {  	_ =	shalt  }
0x6c: {  	_ =	shalt  }
0x6d: {  	_ =	shalt  }
0x6e: {  	_ =	shalt  }
0x6f: {  	_ =	shalt  }
0x70: {  	_ =	shalt  }
0x71: {  	_ =	shalt  }
0x72: {  	_ =	shalt  }
0x73: {  	_ =	shalt  }
0x74: {  	_ =	shalt  }
0x75: {  	_ =	shalt  }
0x76: {  	_ =	shalt  }
0x77: {  	_ =	shalt  }
0x78: {  	_ =	shalt  }
0x79: {  	_ =	shalt  }
0x7a: {  	_ =	shalt  }
0x7b: {  	_ =	shalt  }
0x7c: {  	_ =	shalt  }
0x7d: {  	_ =	shalt  }
0x7e: {  	_ =	shalt  }
0x7f: {  	_ =	shalt  }
0x80: {  	_ =	shalt  }
0x81: {  	_ =	shalt  }
0x82: {  	_ =	shalt  }
0x83: {  	_ =	shalt  }
0x84: {  	_ =	shalt  }
0x85: {  	_ =	shalt  }
0x86: {  	_ =	shalt  }
0x87: {  	_ =	shalt  }
.Lfunc_end0:
.L_simem_size_0:
called_computation_lowered:
.L_overlay_start_0:
0x88: {  	s2 =	sld [smem:$0x3FD9]  }
0x89: {  	s3 =	sld [smem:$0x3FFE];
	_ =	sdelay $0x1  }
0x8a: {  	s1 =	srdreg.scid  }
0x8b: {  	s0 =	sand.u32 $0x1, s1  }
0x8c: {  	s17 =	sshll.u32 s0, $0xA;
	s2 =	sadd.s32 s3, s2  }
0x8d: {  	s2 =	sadd.s32 s2, s17  }
0x8e: {  	[smem:$0x3FC0] =	sst s2  }
0x8f: {  	_ = 	snop  }
0x90: {  	s2 =	sld [smem:$0x3FC8];
	(tm) =	ssettm $0x1  }
0x91: {  	s18 =	sld [smem:$0x3FFB];
	_ =	sdelay $0x3  }
0x92: {  	_ =	strace s18  }
0x93: {  	s3 =	sld [smem:$0x3FFC];
	_ =	sdelay $0x3  }
0x94: {  	_ =	strace s3  }
0x95: {  	s3 =	sld [smem:$0x3FFD];
	_ =	sdelay $0x3  }
0x96: {  	_ =	strace s3  }
0x97: {  	_ =	strace $0x8FFFFFFF  }
0x98: {  	s19 =	sld [smem:$0x3FDB];
	_ =	sdelay $0x1  }
0x99: {  	s4 =	simm.s32 $_scs_section_size  }
0x9a: {  	s5 =	simm.s32 $_size__tile_overlayer_lowered;
	s6 =	simm.s32 $_tile_overlayer_lowered  }
0x9b: {  	s22 =	simm.s32 $0x1BFF;
	s21 =	sshll.u32 s6, $0x1;
	s3 =	sadd.s32 s4, s19  }
0x9c: {  	s7 =	simm.s32 $0x0;
	s20 =	sshll.u32 s5, $0x1;
	s5 =	sadd.s32 s21, s3  }
0x9d: {  	[timem:s7], [sflag:s22] =	dma.local [hbm:s5], s20  }
0x9e: {  	_ =	swait.ge [sflag:s22], s20  }
0x9f: {  	s4 =	ssub.s32 $0x0, s20;
	[sflag:s22] =	ssyncset.done $0x0  }
0xa0: {  	[sflag:s22] =	ssyncadd.s32 s4;
	_ =	sdelay $0x1  }
0xa1: {  	s23 =	simm.s32 $0x1B8B  }
0xa2: {  	_ =	swait.ge [sflag:s23], $0x1  }
0xa3: {  	[sflag:s23] =	ssyncset.done $0x0  }
0xa4: {  	s25 =	simm.s32 $0x1B8E;
	s24 =	sld [smem:$0x3FFE];
	[sflag:s23] =	ssyncadd.s32 $0xFFFFFFFF  }
0xa5: {  	s26 =	simm.s32 $execute0_lowered;
	[smem:$0x3FD2] =	sst s25  }
0xa6: {  	s5 =	sshll.u32 s26, $0x1;
	_ =	strace $0x80000046;
	[dreg:$0x1] =	wrdreg $0xFFFFFFFF  }
0xa7: {  	s28 =	simm.s32 $_size_execute0_lowered;
	s3 =	sadd.s32 s3, s5;
	[dreg:$0x0] =	wrdreg $0x0  }
0xa8: {  	s5 =	sshll.u32 s28, $0x1;
	[dreg:$0x2] =	wrdreg s3  }
0xa9: {  	[dreg:$0x3] =	wrdreg s5  }
0xaa: {  	[dreg:$0x4] =	wrdreg $0xC0  }
0xab: {  	_ =	task [dreg:s7], $0x5FFFF  }
0xac: {  	[dreg:$0x1] =	wrdreg $0xFFFFFFFF  }
0xad: {  	[dreg:$0x0] =	wrdreg $0x60  }
0xae: {  	[dreg:$0x2] =	wrdreg s2  }
0xaf: {  	[dreg:$0x3] =	wrdreg s24  }
0xb0: {  	[dreg:$0x4] =	wrdreg $0x2B000  }
0xb1: {  	[dreg:$0x5] =	wrdreg $0x9  }
0xb2: {  	_ =	task.clear_ibuf [dreg:s7], $0x6FFFF;
	_ =	strace $0x90000046  }
0xb3: {  	s29 =	simm.s32 $0x9;
	_ =	strace $0x80000048  }
0xb4: {  	_ =	swait.ge [sflag:s29], $0x1  }
0xb5: {  	[sflag:s29] =	ssyncadd.s32 $0xFFFFFFFF  }
0xb6: {  	_ =	strace $0x90000048  }
0xb7: {  	_ =	sfence  }
0xb8: {  	s30 =	sld [smem:$0x0];
	_ =	sdelay $0x2  }
0xb9: {  	s31 =	sshll.u32 s1, $0xD;
	s1 =	sshrl.u32 s1, $0x2  }
0xba: {  	s3 =	sand.u32 $0x4000, s31;
	s1 =	sadd.s32 s1, s30  }
0xbb: {  	s0 =	sor.u32 s3, s0;
	s1 =	sshll.u32 s1, $0x11  }
0xbc: {  	s0 =	sor.u32 s1, s0  }
0xbd: {  	s0 =	sadd.s32 $0x8F2B, s0  }
0xbe: {  	[sflag:s0] =	ssyncadd.remote.s32 $0x1  }
0xbf: {  	_ =	sfence.sel $0xFFFF  }
0xc0: {  	[dreg:$0x0] =	wrdreg $0xFFFFFFFF;
	(pc) =	sbr.abs _section_cstart, $3  }
0xc1: {  	[dreg:$0x1] =	wrdreg $0xFFFFFFFF  }
0xc2: {  	_ =	task.clear_ibuf [dreg:s7], $0x2FFFF;
	_ =	strace $0x9FFFFFFF  }
0xc3: {  	(tm) =	ssettm $0x7FFFFFFF  }
tec
execute0_lowered:
.L_overlay_start_1:
0x0: {  	(tag) =	ssettag $0x1  }
0x1: {  	s0 =	rddreg [dreg:$0x0]  }
0x2: {  	s3 =	rddreg [dreg:$0x1]  }
0x3: {  	s2 =	rddreg [dreg:$0x2]  }
0x4: {  	s4 =	srdreg.scid;
	s5 =	simm.s32 $0x0;
	s1 =	stileid.u32  }
0x5: {  	s11 =	simm.s32 $0x80;
	s12 =	simm.s32 $0x2800;
	s18 =	simm.s32 $0x380  }
0x6: {  	s19 =	simm.s32 $0x400;
	s20 =	simm.s32 $0x480;
	s21 =	simm.s32 $0x500  }
0x7: {  	s22 =	simm.s32 $0x580;
	s28 =	simm.s32 $0x800;
	s29 =	simm.s32 $0x880  }
0x8: {  	s30 =	simm.s32 $0x900;
	s31 =	simm.s32 $0x980;
	s13 =	simm.s32 $0x10  }
0x9: {  	s14 =	simm.s32 $0x0;
	s4 =	sand.u32 $0x1, s4;
	s23 =	smul.u32 $0x500, s1  }
0xa: {  	[smem:$0x7FF] =	sst s5;
	s8 =	smul.u32 $0xA00, s1;
	s6 =	sshll.u32 s4, $0x4  }
0xb: {  	_ =	strace $0x80000047;
	s7 =	sshll.u32 s4, $0x7;
	s4 =	ssub.s32 $0x2, s4  }
0xc: {  	s9 =	sor.u32 s1, s6;
	s5 =	sor.u32 s7, s23;
	s24 =	sshrl.u32 s4, $0x1  }
0xd: {  	s26 =	sshrl.u32 s8, $0x2;
	s23 =	simm.s32 $0x600;
	s6 =	smul.u32 $0xA00, s9  }
0xe: {  	s5 =	sshrl.u32 s5, $0x3;
	s10 =	ssub.s32 s4, s24;
	p0 =	seq.s32 s9, $0x1F  }
.Ltmp0:
0xf: {  	s9 =	simm.s32 $0x2880;
	s24 =	simm.s32 $0x680;
	(pc) =	sbr.rel .LBB2_1-.Ltmp0, $4  }
0x10: {  	s3 =	sadd.s32 s5, s3;
	s5 =	sadd.s32 $0x13610, s0;
	s8 =	smax.u32 s10, $0x1  }
0x11: {  	s10 =	simm.s32 $0x2;
	s25 =	sadd.s32 s6, s0;
	s6 =	sadd.s32 s26, s2  }
0x12: {  	s7 =	sadd.s32 $0x1C00, s3;
	s26 =	simm.s32 $0x780;
	s0 =	simm.s32 $0x1  }
0x13: {  	v0 =	vimm.f32 $1.000000000e+00;
	v1 =	vimm.f32 $0.0e+00;
	s3 =	simm.s32 $0x20;
	s4 =	sadd.s32 $0x10, s25;
	s25 =	simm.s32 $0x700  }
.LBB2_3:
0x14: {  	s15 =	simm.s32 $0x0  }
0x15: {  	[spmem:s2] =	stream.indirect.scatter.add.f32 [tilespmem:s12], [sflag:$0x1], $0x1, s15, s11, $0xb8;
	[tilespmem:$0x2D80] =	vst v63  }
0x16: {  	_ = 	snop  }
0x17: {  	[spmem:s2] =	stream.indirect.scatter.add.f32 [tilespmem:s12], [sflag:$0x1], $0x1, s11, s11, $0xb8;
	[tilespmem:$0x2D80] =	vst v63  }
0x18: {  	s17 =	simm.s32 $0x100  }
0x19: {  	[spmem:s2] =	stream.indirect.scatter.add.f32 [tilespmem:s12], [sflag:$0x1], $0x1, s17, s11, $0xb8;
	[tilespmem:$0x2D80] =	vst v63  }
0x1a: {  	s16 =	simm.s32 $0x180  }
0x1b: {  	[spmem:s2] =	stream.indirect.scatter.add.f32 [tilespmem:s12], [sflag:$0x1], $0x1, s16, s11, $0xb8;
	[tilespmem:$0x2D80] =	vst v63  }
0x1c: {  	s17 =	simm.s32 $0x200  }
0x1d: {  	[spmem:s2] =	stream.indirect.scatter.add.f32 [tilespmem:s12], [sflag:$0x1], $0x1, s17, s11, $0xb8;
	[tilespmem:$0x2D80] =	vst v63  }
0x1e: {  	s16 =	simm.s32 $0x280  }
0x1f: {  	[spmem:s2] =	stream.indirect.scatter.add.f32 [tilespmem:s12], [sflag:$0x1], $0x1, s16, s11, $0xb8;
	[tilespmem:$0x2D80] =	vst v63  }
0x20: {  	s17 =	simm.s32 $0x300  }
0x21: {  	[spmem:s2] =	stream.indirect.scatter.add.f32 [tilespmem:s12], [sflag:$0x1], $0x1, s17, s11, $0xb8;
	[tilespmem:$0x2D80] =	vst v63  }
0x22: {  	_ = 	snop  }
0x23: {  	[spmem:s2] =	stream.indirect.scatter.add.f32 [tilespmem:s12], [sflag:$0x1], $0x1, s18, s11, $0xb8;
	[tilespmem:$0x2D80] =	vst v63  }
0x24: {  	_ = 	snop  }
0x25: {  	[spmem:s2] =	stream.indirect.scatter.add.f32 [tilespmem:s12], [sflag:$0x1], $0x1, s19, s11, $0xb8;
	[tilespmem:$0x2D80] =	vst v63  }
0x26: {  	_ = 	snop  }
0x27: {  	[spmem:s2] =	stream.indirect.scatter.add.f32 [tilespmem:s12], [sflag:$0x1], $0x1, s20, s11, $0xb8;
	[tilespmem:$0x2D80] =	vst v63  }
0x28: {  	_ = 	snop  }
0x29: {  	[spmem:s2] =	stream.indirect.scatter.add.f32 [tilespmem:s12], [sflag:$0x1], $0x1, s21, s11, $0xb8;
	[tilespmem:$0x2D80] =	vst v63  }
0x2a: {  	_ = 	snop  }
0x2b: {  	[spmem:s2] =	stream.indirect.scatter.add.f32 [tilespmem:s12], [sflag:$0x1], $0x1, s22, s11, $0xb8;
	[tilespmem:$0x2D80] =	vst v63  }
0x2c: {  	_ = 	snop  }
0x2d: {  	[spmem:s2] =	stream.indirect.scatter.add.f32 [tilespmem:s12], [sflag:$0x1], $0x1, s23, s11, $0xb8;
	[tilespmem:$0x2D80] =	vst v63  }
0x2e: {  	_ = 	snop  }
0x2f: {  	[spmem:s2] =	stream.indirect.scatter.add.f32 [tilespmem:s12], [sflag:$0x1], $0x1, s24, s11, $0xb8;
	[tilespmem:$0x2D80] =	vst v63  }
0x30: {  	_ = 	snop  }
0x31: {  	[spmem:s2] =	stream.indirect.scatter.add.f32 [tilespmem:s12], [sflag:$0x1], $0x1, s25, s11, $0xb8;
	[tilespmem:$0x2D80] =	vst v63  }
0x32: {  	_ = 	snop  }
0x33: {  	[spmem:s2] =	stream.indirect.scatter.add.f32 [tilespmem:s12], [sflag:$0x1], $0x1, s26, s11, $0xb8;
	[tilespmem:$0x2D80] =	vst v63  }
0x34: {  	_ = 	snop  }
0x35: {  	[spmem:s2] =	stream.indirect.scatter.add.f32 [tilespmem:s12], [sflag:$0x1], $0x1, s28, s11, $0xb8;
	[tilespmem:$0x2D80] =	vst v63  }
0x36: {  	_ = 	snop  }
0x37: {  	[spmem:s2] =	stream.indirect.scatter.add.f32 [tilespmem:s12], [sflag:$0x1], $0x1, s29, s11, $0xb8;
	[tilespmem:$0x2D80] =	vst v63  }
0x38: {  	_ = 	snop  }
0x39: {  	[spmem:s2] =	stream.indirect.scatter.add.f32 [tilespmem:s12], [sflag:$0x1], $0x1, s30, s11, $0xb8;
	[tilespmem:$0x2D80] =	vst v63  }
0x3a: {  	_ = 	snop  }
0x3b: {  	[spmem:s2] =	stream.indirect.scatter.add.f32 [tilespmem:s12], [sflag:$0x1], $0x1, s31, s11, $0xb8;
	[tilespmem:$0x2D80] =	vst v63  }
0x3c: {  	_ =	swait.ge [sflag:s0], $0x80  }
0x3d: {  	[sflag:s0] =	ssyncset.done $0x0  }
0x3e: {  	[sflag:s0] =	ssyncadd.s32 $0xFFFFFF80  }
0x3f: {  	_ =	swait.ge [sflag:s0], $0x80  }
0x40: {  	[sflag:s0] =	ssyncset.done $0x0  }
0x41: {  	[sflag:s0] =	ssyncadd.s32 $0xFFFFFF80  }
0x42: {  	_ =	swait.ge [sflag:s0], $0x80  }
0x43: {  	[sflag:s0] =	ssyncset.done $0x0  }
0x44: {  	[sflag:s0] =	ssyncadd.s32 $0xFFFFFF80  }
0x45: {  	_ =	swait.ge [sflag:s0], $0x80  }
0x46: {  	[sflag:s0] =	ssyncset.done $0x0  }
0x47: {  	[sflag:s0] =	ssyncadd.s32 $0xFFFFFF80  }
0x48: {  	_ =	swait.ge [sflag:s0], $0x80  }
0x49: {  	[sflag:s0] =	ssyncset.done $0x0  }
0x4a: {  	[sflag:s0] =	ssyncadd.s32 $0xFFFFFF80  }
0x4b: {  	_ =	swait.ge [sflag:s0], $0x80  }
0x4c: {  	[sflag:s0] =	ssyncset.done $0x0  }
0x4d: {  	[sflag:s0] =	ssyncadd.s32 $0xFFFFFF80  }
0x4e: {  	_ =	swait.ge [sflag:s0], $0x80  }
0x4f: {  	[sflag:s0] =	ssyncset.done $0x0  }
0x50: {  	[sflag:s0] =	ssyncadd.s32 $0xFFFFFF80  }
0x51: {  	_ =	swait.ge [sflag:s0], $0x80  }
0x52: {  	[sflag:s0] =	ssyncset.done $0x0  }
0x53: {  	[sflag:s0] =	ssyncadd.s32 $0xFFFFFF80  }
0x54: {  	_ =	swait.ge [sflag:s0], $0x80  }
0x55: {  	[sflag:s0] =	ssyncset.done $0x0  }
0x56: {  	[sflag:s0] =	ssyncadd.s32 $0xFFFFFF80  }
0x57: {  	_ =	swait.ge [sflag:s0], $0x80  }
0x58: {  	[sflag:s0] =	ssyncset.done $0x0  }
0x59: {  	[sflag:s0] =	ssyncadd.s32 $0xFFFFFF80  }
0x5a: {  	_ =	swait.ge [sflag:s0], $0x80  }
0x5b: {  	[sflag:s0] =	ssyncset.done $0x0  }
0x5c: {  	[sflag:s0] =	ssyncadd.s32 $0xFFFFFF80  }
0x5d: {  	_ =	swait.ge [sflag:s0], $0x80  }
0x5e: {  	[sflag:s0] =	ssyncset.done $0x0  }
0x5f: {  	[sflag:s0] =	ssyncadd.s32 $0xFFFFFF80  }
0x60: {  	_ =	swait.ge [sflag:s0], $0x80  }
0x61: {  	[sflag:s0] =	ssyncset.done $0x0  }
0x62: {  	[sflag:s0] =	ssyncadd.s32 $0xFFFFFF80  }
0x63: {  	_ =	swait.ge [sflag:s0], $0x80  }
0x64: {  	[sflag:s0] =	ssyncset.done $0x0  }
0x65: {  	[sflag:s0] =	ssyncadd.s32 $0xFFFFFF80  }
0x66: {  	_ =	swait.ge [sflag:s0], $0x80  }
0x67: {  	[sflag:s0] =	ssyncset.done $0x0  }
0x68: {  	[sflag:s0] =	ssyncadd.s32 $0xFFFFFF80  }
0x69: {  	_ =	swait.ge [sflag:s0], $0x80  }
0x6a: {  	[sflag:s0] =	ssyncset.done $0x0  }
0x6b: {  	[sflag:s0] =	ssyncadd.s32 $0xFFFFFF80  }
0x6c: {  	_ =	swait.ge [sflag:s0], $0x80  }
0x6d: {  	[sflag:s0] =	ssyncset.done $0x0  }
0x6e: {  	[sflag:s0] =	ssyncadd.s32 $0xFFFFFF80  }
0x6f: {  	_ =	swait.ge [sflag:s0], $0x80  }
0x70: {  	[sflag:s0] =	ssyncset.done $0x0  }
0x71: {  	[sflag:s0] =	ssyncadd.s32 $0xFFFFFF80  }
0x72: {  	_ =	swait.ge [sflag:s0], $0x80  }
0x73: {  	[sflag:s0] =	ssyncset.done $0x0  }
0x74: {  	[sflag:s0] =	ssyncadd.s32 $0xFFFFFF80  }
0x75: {  	_ =	swait.ge [sflag:s0], $0x80  }
0x76: {  	[sflag:s0] =	ssyncset.done $0x0  }
0x77: {  	[sflag:s0] =	ssyncadd.s32 $0xFFFFFF80  }
.LBB2_4:
0x78: {  	s14 =	sadd.s32 $0x1, s14  }
0x79: {  	s15 =	sshll.u32 s1, $0x6;
	[bflag:$0x0] =	sbarrier.arrive $0xFFFF;
	p1 =	sne.s32 s14, s8  }
.Ltmp1:
0x7a: {  	s16 =	sshrl.u32 s6, $0x3;
	s15 =	sor.u32 $0x1C02, s15;
	(pc) =	sbr.rel @!p1 .LBB2_5-.Ltmp1, $4  }
0x7b: {  	[hbm:s7@s3], [sflag:s15] =	dma.strided [spmem:s16@s13], $0x50, s0, $0x10   }
0x7c: {  	_ =	swait.ge [sflag:s10], $0x50  }
0x7d: {  	[sflag:s10] =	ssyncset.done $0x0  }
0x7e: {  	[sflag:s10] =	ssyncadd.s32 $0xFFFFFFB0  }
.LBB2_1:
0x7f: {  	s15 =	simm.s32 @p0 $0x80;
	s16 =	simm.s32 @p0 $0x100;
	s17 =	simm.s32 @p0 $0x0  }
0x80: {  	[tilespmem:s17], [sflag:$0x2] =	stream.strided.gather @p0 [hbm4b:s5+s15], $0xA00, s16, s15, $0x38;
	[tilespmem:$0x2D80] =	vst v63  }
0x81: {  	s15 =	simm.s32 @p0 $0x2  }
0x82: {  	_ =	swait.ge @p0 [sflag:s15], $0xA00  }
0x83: {  	s16 =	simm.s32 @!p0 $0x100;
	[sflag:s15] =	ssyncset.done @p0 $0x0  }
0x84: {  	s17 =	simm.s32 @!p0 $0x0;
	[sflag:s15] =	ssyncadd.s32 @p0 $0xFFFFF600;
	s15 =	simm.s32 @!p0 $0x80  }
0x85: {  	[tilespmem:s17], [sflag:$0x2] =	stream.strided.gather @!p0 [hbm4b:s4+s15], $0x2800, s16, s15, $0x38;
	[tilespmem:$0x2D80] =	vst v63  }
0x86: {  	s15 =	simm.s32 @!p0 $0x2  }
0x87: {  	_ =	swait.ge @!p0 [sflag:s15], $0x2800  }
0x88: {  	[sflag:s15] =	ssyncset.done @!p0 $0x0  }
0x89: {  	[sflag:s15] =	ssyncadd.s32 @!p0 $0xFFFFD800  }
0x8a: {  	[tilespmem:$0x2800] =	vst v0  }
0x8b: {  	[tilespmem:$0x2810] =	vst v0  }
0x8c: {  	[tilespmem:$0x2820] =	vst v0  }
0x8d: {  	[tilespmem:$0x2830] =	vst v0  }
0x8e: {  	[tilespmem:$0x2840] =	vst v0  }
0x8f: {  	[tilespmem:$0x2850] =	vst v0  }
0x90: {  	[tilespmem:$0x2860] =	vst v0  }
0x91: {  	[tilespmem:$0x2870] =	vst v0  }
0x92: {  	[tilespmem:$0x2880] =	vst v1  }
0x93: {  	[tilespmem:$0x2890] =	vst v1  }
0x94: {  	[tilespmem:$0x28A0] =	vst v1  }
0x95: {  	[tilespmem:$0x28B0] =	vst v1  }
0x96: {  	[tilespmem:$0x28C0] =	vst v1  }
0x97: {  	[tilespmem:$0x28D0] =	vst v1  }
0x98: {  	[tilespmem:$0x28E0] =	vst v1  }
0x99: {  	[tilespmem:$0x28F0] =	vst v1  }
0x9a: {  	[tilespmem:$0x2900] =	vst v1  }
0x9b: {  	[tilespmem:$0x2910] =	vst v1  }
0x9c: {  	[tilespmem:$0x2920] =	vst v1  }
0x9d: {  	[tilespmem:$0x2930] =	vst v1  }
0x9e: {  	[tilespmem:$0x2940] =	vst v1  }
0x9f: {  	[tilespmem:$0x2950] =	vst v1  }
0xa0: {  	[tilespmem:$0x2960] =	vst v1  }
0xa1: {  	[tilespmem:$0x2970] =	vst v1  }
0xa2: {  	[tilespmem:$0x2980] =	vst v1  }
0xa3: {  	[tilespmem:$0x2990] =	vst v1  }
0xa4: {  	[tilespmem:$0x29A0] =	vst v1  }
0xa5: {  	[tilespmem:$0x29B0] =	vst v1  }
0xa6: {  	[tilespmem:$0x29C0] =	vst v1  }
0xa7: {  	[tilespmem:$0x29D0] =	vst v1  }
0xa8: {  	[tilespmem:$0x29E0] =	vst v1  }
0xa9: {  	[tilespmem:$0x29F0] =	vst v1  }
0xaa: {  	[tilespmem:$0x2A00] =	vst v1  }
0xab: {  	[tilespmem:$0x2A10] =	vst v1  }
0xac: {  	[tilespmem:$0x2A20] =	vst v1  }
0xad: {  	[tilespmem:$0x2A30] =	vst v1  }
0xae: {  	[tilespmem:$0x2A40] =	vst v1  }
0xaf: {  	[tilespmem:$0x2A50] =	vst v1  }
0xb0: {  	[tilespmem:$0x2A60] =	vst v1  }
0xb1: {  	[tilespmem:$0x2A70] =	vst v1  }
0xb2: {  	[tilespmem:$0x2A80] =	vst v1  }
0xb3: {  	[tilespmem:$0x2A90] =	vst v1  }
0xb4: {  	[tilespmem:$0x2AA0] =	vst v1  }
0xb5: {  	[tilespmem:$0x2AB0] =	vst v1  }
0xb6: {  	[tilespmem:$0x2AC0] =	vst v1  }
0xb7: {  	[tilespmem:$0x2AD0] =	vst v1  }
0xb8: {  	[tilespmem:$0x2AE0] =	vst v1  }
0xb9: {  	[tilespmem:$0x2AF0] =	vst v1  }
0xba: {  	[spmem:s6] =	stream.linear.scatter [tilespmem:s9], [sflag:$0x2], $0x280, $0x38;
	[tilespmem:$0x2D80] =	vst v63  }
.Ltmp2:
0xbb: {  	_ =	swait.ge [sflag:s10], $0x280;
	(pc) =	sbr.rel @p0 .LBB2_3-.Ltmp2, $4  }
0xbc: {  	[sflag:s10] =	ssyncset.done $0x0  }
0xbd: {  	[sflag:s10] =	ssyncadd.s32 $0xFFFFFD80  }
0xbe: {  	[bflag:$0x0] =	sbarrier.arrive $0xFFFF  }
0xbf: {  	p1 =	por $0x1, $0x1;
	s15 =	simm.s32 $0x0  }
.LBB2_2:
0xc0: {  	s15 =	sshra.s32 s15, $0x2  }
0xc1: {  	[spmem:s2] =	stream.indirect.scatter.add.f32 [tilespmem:s12], [sflag:$0x1], $0x1, s15, s11, $0xb8;
	[tilespmem:$0x2D80] =	vst v63  }
0xc2: {  	s16 =	sadd.s32 $0x80, s15  }
0xc3: {  	[spmem:s2] =	stream.indirect.scatter.add.f32 [tilespmem:s12], [sflag:$0x1], $0x1, s16, s11, $0xb8;
	[tilespmem:$0x2D80] =	vst v63  }
0xc4: {  	s17 =	sadd.s32 $0x100, s15  }
0xc5: {  	[spmem:s2] =	stream.indirect.scatter.add.f32 [tilespmem:s12], [sflag:$0x1], $0x1, s17, s11, $0xb8;
	[tilespmem:$0x2D80] =	vst v63  }
0xc6: {  	s17 =	sadd.s32 $0x180, s15  }
0xc7: {  	[spmem:s2] =	stream.indirect.scatter.add.f32 [tilespmem:s12], [sflag:$0x1], $0x1, s17, s11, $0xb8;
	[tilespmem:$0x2D80] =	vst v63  }
0xc8: {  	s17 =	sadd.s32 $0x200, s15  }
0xc9: {  	[spmem:s2] =	stream.indirect.scatter.add.f32 [tilespmem:s12], [sflag:$0x1], $0x1, s17, s11, $0xb8;
	[tilespmem:$0x2D80] =	vst v63  }
0xca: {  	s17 =	sadd.s32 $0x280, s15  }
0xcb: {  	[spmem:s2] =	stream.indirect.scatter.add.f32 [tilespmem:s12], [sflag:$0x1], $0x1, s17, s11, $0xb8;
	[tilespmem:$0x2D80] =	vst v63  }
0xcc: {  	s17 =	sadd.s32 $0x300, s15  }
0xcd: {  	[spmem:s2] =	stream.indirect.scatter.add.f32 [tilespmem:s12], [sflag:$0x1], $0x1, s17, s11, $0xb8;
	[tilespmem:$0x2D80] =	vst v63  }
0xce: {  	s17 =	sadd.s32 $0x380, s15  }
0xcf: {  	[spmem:s2] =	stream.indirect.scatter.add.f32 [tilespmem:s12], [sflag:$0x1], $0x1, s17, s11, $0xb8;
	[tilespmem:$0x2D80] =	vst v63  }
0xd0: {  	s17 =	sadd.s32 $0x400, s15  }
0xd1: {  	[spmem:s2] =	stream.indirect.scatter.add.f32 [tilespmem:s12], [sflag:$0x1], $0x1, s17, s11, $0xb8;
	[tilespmem:$0x2D80] =	vst v63  }
0xd2: {  	s17 =	sadd.s32 $0x480, s15  }
0xd3: {  	[spmem:s2] =	stream.indirect.scatter.add.f32 [tilespmem:s12], [sflag:$0x1], $0x1, s17, s11, $0xb8;
	[tilespmem:$0x2D80] =	vst v63  }
0xd4: {  	s17 =	sadd.s32 $0x500, s15  }
0xd5: {  	[spmem:s2] =	stream.indirect.scatter.add.f32 [tilespmem:s12], [sflag:$0x1], $0x1, s17, s11, $0xb8;
	[tilespmem:$0x2D80] =	vst v63  }
0xd6: {  	s17 =	sadd.s32 $0x580, s15  }
0xd7: {  	[spmem:s2] =	stream.indirect.scatter.add.f32 [tilespmem:s12], [sflag:$0x1], $0x1, s17, s11, $0xb8;
	[tilespmem:$0x2D80] =	vst v63  }
0xd8: {  	s17 =	sadd.s32 $0x600, s15  }
0xd9: {  	[spmem:s2] =	stream.indirect.scatter.add.f32 [tilespmem:s12], [sflag:$0x1], $0x1, s17, s11, $0xb8;
	[tilespmem:$0x2D80] =	vst v63  }
0xda: {  	s17 =	sadd.s32 $0x680, s15  }
0xdb: {  	[spmem:s2] =	stream.indirect.scatter.add.f32 [tilespmem:s12], [sflag:$0x1], $0x1, s17, s11, $0xb8;
	[tilespmem:$0x2D80] =	vst v63  }
0xdc: {  	s17 =	sadd.s32 $0x700, s15  }
0xdd: {  	[spmem:s2] =	stream.indirect.scatter.add.f32 [tilespmem:s12], [sflag:$0x1], $0x1, s17, s11, $0xb8;
	[tilespmem:$0x2D80] =	vst v63  }
0xde: {  	s17 =	sadd.s32 $0x780, s15  }
0xdf: {  	[spmem:s2] =	stream.indirect.scatter.add.f32 [tilespmem:s12], [sflag:$0x1], $0x1, s17, s11, $0xb8;
	[tilespmem:$0x2D80] =	vst v63  }
0xe0: {  	s17 =	sadd.s32 $0x800, s15  }
0xe1: {  	[spmem:s2] =	stream.indirect.scatter.add.f32 [tilespmem:s12], [sflag:$0x1], $0x1, s17, s11, $0xb8;
	[tilespmem:$0x2D80] =	vst v63  }
0xe2: {  	s17 =	sadd.s32 $0x880, s15  }
0xe3: {  	[spmem:s2] =	stream.indirect.scatter.add.f32 [tilespmem:s12], [sflag:$0x1], $0x1, s17, s11, $0xb8;
	[tilespmem:$0x2D80] =	vst v63  }
0xe4: {  	s17 =	sadd.s32 $0x900, s15  }
0xe5: {  	[spmem:s2] =	stream.indirect.scatter.add.f32 [tilespmem:s12], [sflag:$0x1], $0x1, s17, s11, $0xb8;
	[tilespmem:$0x2D80] =	vst v63  }
0xe6: {  	s17 =	sadd.s32 $0x980, s15  }
0xe7: {  	[spmem:s2] =	stream.indirect.scatter.add.f32 [tilespmem:s12], [sflag:$0x1], $0x1, s17, s11, $0xb8;
	[tilespmem:$0x2D80] =	vst v63  }
0xe8: {  	s17 =	sadd.s32 $0xA00, s15  }
0xe9: {  	[spmem:s2] =	stream.indirect.scatter.add.f32 [tilespmem:s12], [sflag:$0x1], $0x1, s17, s11, $0xb8;
	[tilespmem:$0x2D80] =	vst v63  }
0xea: {  	s17 =	sadd.s32 $0xA80, s15  }
0xeb: {  	[spmem:s2] =	stream.indirect.scatter.add.f32 [tilespmem:s12], [sflag:$0x1], $0x1, s17, s11, $0xb8;
	[tilespmem:$0x2D80] =	vst v63  }
0xec: {  	s17 =	sadd.s32 $0xB00, s15  }
0xed: {  	[spmem:s2] =	stream.indirect.scatter.add.f32 [tilespmem:s12], [sflag:$0x1], $0x1, s17, s11, $0xb8;
	[tilespmem:$0x2D80] =	vst v63  }
0xee: {  	s17 =	sadd.s32 $0xB80, s15  }
0xef: {  	[spmem:s2] =	stream.indirect.scatter.add.f32 [tilespmem:s12], [sflag:$0x1], $0x1, s17, s11, $0xb8;
	[tilespmem:$0x2D80] =	vst v63  }
0xf0: {  	s17 =	sadd.s32 $0xC00, s15  }
0xf1: {  	[spmem:s2] =	stream.indirect.scatter.add.f32 [tilespmem:s12], [sflag:$0x1], $0x1, s17, s11, $0xb8;
	[tilespmem:$0x2D80] =	vst v63  }
0xf2: {  	s17 =	sadd.s32 $0xC80, s15  }
0xf3: {  	[spmem:s2] =	stream.indirect.scatter.add.f32 [tilespmem:s12], [sflag:$0x1], $0x1, s17, s11, $0xb8;
	[tilespmem:$0x2D80] =	vst v63  }
0xf4: {  	s17 =	sadd.s32 $0xD00, s15  }
0xf5: {  	[spmem:s2] =	stream.indirect.scatter.add.f32 [tilespmem:s12], [sflag:$0x1], $0x1, s17, s11, $0xb8;
	[tilespmem:$0x2D80] =	vst v63  }
0xf6: {  	s17 =	sadd.s32 $0xD80, s15  }
0xf7: {  	[spmem:s2] =	stream.indirect.scatter.add.f32 [tilespmem:s12], [sflag:$0x1], $0x1, s17, s11, $0xb8;
	[tilespmem:$0x2D80] =	vst v63  }
0xf8: {  	s17 =	sadd.s32 $0xE00, s15  }
0xf9: {  	[spmem:s2] =	stream.indirect.scatter.add.f32 [tilespmem:s12], [sflag:$0x1], $0x1, s17, s11, $0xb8;
	[tilespmem:$0x2D80] =	vst v63  }
0xfa: {  	s17 =	sadd.s32 $0xE80, s15  }
0xfb: {  	[spmem:s2] =	stream.indirect.scatter.add.f32 [tilespmem:s12], [sflag:$0x1], $0x1, s17, s11, $0xb8;
	[tilespmem:$0x2D80] =	vst v63  }
0xfc: {  	s17 =	sadd.s32 $0xF00, s15  }
0xfd: {  	[spmem:s2] =	stream.indirect.scatter.add.f32 [tilespmem:s12], [sflag:$0x1], $0x1, s17, s11, $0xb8;
	[tilespmem:$0x2D80] =	vst v63  }
0xfe: {  	s17 =	sadd.s32 $0xF80, s15  }
0xff: {  	[spmem:s2] =	stream.indirect.scatter.add.f32 [tilespmem:s12], [sflag:$0x1], $0x1, s17, s11, $0xb8;
	[tilespmem:$0x2D80] =	vst v63  }
0x100: {  	s17 =	sadd.s32 $0x1000, s15  }
0x101: {  	[spmem:s2] =	stream.indirect.scatter.add.f32 [tilespmem:s12], [sflag:$0x1], $0x1, s17, s11, $0xb8;
	[tilespmem:$0x2D80] =	vst v63  }
0x102: {  	s17 =	sadd.s32 $0x1080, s15  }
0x103: {  	[spmem:s2] =	stream.indirect.scatter.add.f32 [tilespmem:s12], [sflag:$0x1], $0x1, s17, s11, $0xb8;
	[tilespmem:$0x2D80] =	vst v63  }
0x104: {  	s17 =	sadd.s32 $0x1100, s15  }
0x105: {  	[spmem:s2] =	stream.indirect.scatter.add.f32 [tilespmem:s12], [sflag:$0x1], $0x1, s17, s11, $0xb8;
	[tilespmem:$0x2D80] =	vst v63  }
0x106: {  	s17 =	sadd.s32 $0x1180, s15  }
0x107: {  	[spmem:s2] =	stream.indirect.scatter.add.f32 [tilespmem:s12], [sflag:$0x1], $0x1, s17, s11, $0xb8;
	[tilespmem:$0x2D80] =	vst v63  }
0x108: {  	s17 =	sadd.s32 $0x1200, s15  }
0x109: {  	[spmem:s2] =	stream.indirect.scatter.add.f32 [tilespmem:s12], [sflag:$0x1], $0x1, s17, s11, $0xb8;
	[tilespmem:$0x2D80] =	vst v63  }
0x10a: {  	s17 =	sadd.s32 $0x1280, s15  }
0x10b: {  	[spmem:s2] =	stream.indirect.scatter.add.f32 [tilespmem:s12], [sflag:$0x1], $0x1, s17, s11, $0xb8;
	[tilespmem:$0x2D80] =	vst v63  }
0x10c: {  	s17 =	sadd.s32 $0x1300, s15  }
0x10d: {  	[spmem:s2] =	stream.indirect.scatter.add.f32 [tilespmem:s12], [sflag:$0x1], $0x1, s17, s11, $0xb8;
	[tilespmem:$0x2D80] =	vst v63  }
0x10e: {  	s15 =	sadd.s32 $0x1380, s15  }
0x10f: {  	[spmem:s2] =	stream.indirect.scatter.add.f32 [tilespmem:s12], [sflag:$0x1], $0x1, s15, s11, $0xb8;
	[tilespmem:$0x2D80] =	vst v63  }
0x110: {  	_ =	swait.ge [sflag:s0], $0x80  }
0x111: {  	[sflag:s0] =	ssyncset.done $0x0  }
0x112: {  	[sflag:s0] =	ssyncadd.s32 $0xFFFFFF80  }
0x113: {  	_ =	swait.ge [sflag:s0], $0x80  }
0x114: {  	[sflag:s0] =	ssyncset.done $0x0  }
0x115: {  	[sflag:s0] =	ssyncadd.s32 $0xFFFFFF80  }
0x116: {  	_ =	swait.ge [sflag:s0], $0x80  }
0x117: {  	[sflag:s0] =	ssyncset.done $0x0  }
0x118: {  	[sflag:s0] =	ssyncadd.s32 $0xFFFFFF80  }
0x119: {  	_ =	swait.ge [sflag:s0], $0x80  }
0x11a: {  	[sflag:s0] =	ssyncset.done $0x0  }
0x11b: {  	[sflag:s0] =	ssyncadd.s32 $0xFFFFFF80  }
0x11c: {  	_ =	swait.ge [sflag:s0], $0x80  }
0x11d: {  	[sflag:s0] =	ssyncset.done $0x0  }
0x11e: {  	[sflag:s0] =	ssyncadd.s32 $0xFFFFFF80  }
0x11f: {  	_ =	swait.ge [sflag:s0], $0x80  }
0x120: {  	[sflag:s0] =	ssyncset.done $0x0  }
0x121: {  	[sflag:s0] =	ssyncadd.s32 $0xFFFFFF80  }
0x122: {  	_ =	swait.ge [sflag:s0], $0x80  }
0x123: {  	[sflag:s0] =	ssyncset.done $0x0  }
0x124: {  	[sflag:s0] =	ssyncadd.s32 $0xFFFFFF80  }
0x125: {  	_ =	swait.ge [sflag:s0], $0x80  }
0x126: {  	[sflag:s0] =	ssyncset.done $0x0  }
0x127: {  	[sflag:s0] =	ssyncadd.s32 $0xFFFFFF80  }
0x128: {  	_ =	swait.ge [sflag:s0], $0x80  }
0x129: {  	[sflag:s0] =	ssyncset.done $0x0  }
0x12a: {  	[sflag:s0] =	ssyncadd.s32 $0xFFFFFF80  }
0x12b: {  	_ =	swait.ge [sflag:s0], $0x80  }
0x12c: {  	[sflag:s0] =	ssyncset.done $0x0  }
0x12d: {  	[sflag:s0] =	ssyncadd.s32 $0xFFFFFF80  }
0x12e: {  	_ =	swait.ge [sflag:s0], $0x80  }
0x12f: {  	[sflag:s0] =	ssyncset.done $0x0  }
0x130: {  	[sflag:s0] =	ssyncadd.s32 $0xFFFFFF80  }
0x131: {  	_ =	swait.ge [sflag:s0], $0x80  }
0x132: {  	[sflag:s0] =	ssyncset.done $0x0  }
0x133: {  	[sflag:s0] =	ssyncadd.s32 $0xFFFFFF80  }
0x134: {  	_ =	swait.ge [sflag:s0], $0x80  }
0x135: {  	[sflag:s0] =	ssyncset.done $0x0  }
0x136: {  	[sflag:s0] =	ssyncadd.s32 $0xFFFFFF80  }
0x137: {  	_ =	swait.ge [sflag:s0], $0x80  }
0x138: {  	[sflag:s0] =	ssyncset.done $0x0  }
0x139: {  	[sflag:s0] =	ssyncadd.s32 $0xFFFFFF80  }
0x13a: {  	_ =	swait.ge [sflag:s0], $0x80  }
0x13b: {  	[sflag:s0] =	ssyncset.done $0x0  }
0x13c: {  	[sflag:s0] =	ssyncadd.s32 $0xFFFFFF80  }
0x13d: {  	_ =	swait.ge [sflag:s0], $0x80  }
0x13e: {  	[sflag:s0] =	ssyncset.done $0x0  }
0x13f: {  	[sflag:s0] =	ssyncadd.s32 $0xFFFFFF80  }
0x140: {  	_ =	swait.ge [sflag:s0], $0x80  }
0x141: {  	[sflag:s0] =	ssyncset.done $0x0  }
0x142: {  	[sflag:s0] =	ssyncadd.s32 $0xFFFFFF80  }
0x143: {  	_ =	swait.ge [sflag:s0], $0x80  }
0x144: {  	[sflag:s0] =	ssyncset.done $0x0  }
0x145: {  	[sflag:s0] =	ssyncadd.s32 $0xFFFFFF80  }
0x146: {  	_ =	swait.ge [sflag:s0], $0x80  }
0x147: {  	[sflag:s0] =	ssyncset.done $0x0  }
0x148: {  	[sflag:s0] =	ssyncadd.s32 $0xFFFFFF80  }
0x149: {  	_ =	swait.ge [sflag:s0], $0x80  }
0x14a: {  	[sflag:s0] =	ssyncset.done $0x0  }
0x14b: {  	[sflag:s0] =	ssyncadd.s32 $0xFFFFFF80  }
0x14c: {  	_ =	swait.ge [sflag:s0], $0x80  }
0x14d: {  	[sflag:s0] =	ssyncset.done $0x0  }
0x14e: {  	[sflag:s0] =	ssyncadd.s32 $0xFFFFFF80  }
0x14f: {  	_ =	swait.ge [sflag:s0], $0x80  }
0x150: {  	[sflag:s0] =	ssyncset.done $0x0  }
0x151: {  	[sflag:s0] =	ssyncadd.s32 $0xFFFFFF80  }
0x152: {  	_ =	swait.ge [sflag:s0], $0x80  }
0x153: {  	[sflag:s0] =	ssyncset.done $0x0  }
0x154: {  	[sflag:s0] =	ssyncadd.s32 $0xFFFFFF80  }
0x155: {  	_ =	swait.ge [sflag:s0], $0x80  }
0x156: {  	[sflag:s0] =	ssyncset.done $0x0  }
0x157: {  	[sflag:s0] =	ssyncadd.s32 $0xFFFFFF80  }
0x158: {  	_ =	swait.ge [sflag:s0], $0x80  }
0x159: {  	[sflag:s0] =	ssyncset.done $0x0  }
0x15a: {  	[sflag:s0] =	ssyncadd.s32 $0xFFFFFF80  }
0x15b: {  	_ =	swait.ge [sflag:s0], $0x80  }
0x15c: {  	[sflag:s0] =	ssyncset.done $0x0  }
0x15d: {  	[sflag:s0] =	ssyncadd.s32 $0xFFFFFF80  }
0x15e: {  	_ =	swait.ge [sflag:s0], $0x80  }
0x15f: {  	[sflag:s0] =	ssyncset.done $0x0  }
0x160: {  	[sflag:s0] =	ssyncadd.s32 $0xFFFFFF80  }
0x161: {  	_ =	swait.ge [sflag:s0], $0x80  }
0x162: {  	[sflag:s0] =	ssyncset.done $0x0  }
0x163: {  	[sflag:s0] =	ssyncadd.s32 $0xFFFFFF80  }
0x164: {  	_ =	swait.ge [sflag:s0], $0x80  }
0x165: {  	[sflag:s0] =	ssyncset.done $0x0  }
0x166: {  	[sflag:s0] =	ssyncadd.s32 $0xFFFFFF80  }
0x167: {  	_ =	swait.ge [sflag:s0], $0x80  }
0x168: {  	[sflag:s0] =	ssyncset.done $0x0  }
0x169: {  	[sflag:s0] =	ssyncadd.s32 $0xFFFFFF80  }
0x16a: {  	_ =	swait.ge [sflag:s0], $0x80  }
0x16b: {  	[sflag:s0] =	ssyncset.done $0x0  }
0x16c: {  	[sflag:s0] =	ssyncadd.s32 $0xFFFFFF80  }
0x16d: {  	_ =	swait.ge [sflag:s0], $0x80  }
0x16e: {  	[sflag:s0] =	ssyncset.done $0x0  }
0x16f: {  	[sflag:s0] =	ssyncadd.s32 $0xFFFFFF80  }
0x170: {  	_ =	swait.ge [sflag:s0], $0x80  }
0x171: {  	[sflag:s0] =	ssyncset.done $0x0  }
0x172: {  	[sflag:s0] =	ssyncadd.s32 $0xFFFFFF80  }
0x173: {  	_ =	swait.ge [sflag:s0], $0x80  }
0x174: {  	[sflag:s0] =	ssyncset.done $0x0  }
0x175: {  	[sflag:s0] =	ssyncadd.s32 $0xFFFFFF80  }
0x176: {  	_ =	swait.ge [sflag:s0], $0x80  }
0x177: {  	[sflag:s0] =	ssyncset.done $0x0  }
0x178: {  	[sflag:s0] =	ssyncadd.s32 $0xFFFFFF80  }
0x179: {  	_ =	swait.ge [sflag:s0], $0x80  }
0x17a: {  	[sflag:s0] =	ssyncset.done $0x0  }
0x17b: {  	[sflag:s0] =	ssyncadd.s32 $0xFFFFFF80  }
0x17c: {  	_ =	swait.ge [sflag:s0], $0x80  }
0x17d: {  	[sflag:s0] =	ssyncset.done $0x0  }
0x17e: {  	[sflag:s0] =	ssyncadd.s32 $0xFFFFFF80  }
0x17f: {  	_ =	swait.ge [sflag:s0], $0x80  }
0x180: {  	[sflag:s0] =	ssyncset.done $0x0  }
0x181: {  	[sflag:s0] =	ssyncadd.s32 $0xFFFFFF80  }
0x182: {  	p2 =	por p1, p1;
	_ =	swait.ge [sflag:s0], $0x80  }
.Ltmp3:
0x183: {  	[sflag:s0] =	ssyncset.done $0x0;
	(pc) =	sbr.rel @p2 .LBB2_2-.Ltmp3, $4  }
0x184: {  	[sflag:s0] =	ssyncadd.s32 $0xFFFFFF80  }
0x185: {  	_ =	swait.ge [sflag:s0], $0x80  }
0x186: {  	[sflag:s0] =	ssyncset.done $0x0  }
0x187: {  	p1 =	por $0x0, $0x0;
	s15 =	simm.s32 $0x5000;
	[sflag:s0] =	ssyncadd.s32 $0xFFFFFF80  }
.Ltmp4:
0x188: {  	_ = 	snop;
	(pc) =	sbr.rel .LBB2_4-.Ltmp4, $1  }
0x189: {  	_ =	sdelay $0x3  }
.LBB2_5:
0x18a: {  	_ =	sfence.sel $0x180000  }
0x18b: {  	[bflag:$0x0] =	sbarrier.arrive $0xFFFF  }
0x18c: {  	_ =	strace $0x90000047  }
0x18d: {  	[bflag:$0x2] =	sbarrier.arrive $0xFFFF  }
0x18e: {  	p0 =	sne.s32 s1, $0x0;
	s0 =	rddreg [dreg:$0x3]  }
0x18f: {  	s0 =	sadd.s32 @!p0 $0x100000, s0  }
0x190: {  	[sflag:s0] =	ssyncadd.tile.s32 @!p0 $0x1;
	_ =	shalt  }
.Lfunc_end2:
_tile_overlayer_lowered:
.L_overlay_start_2:
0x191: {  	(tag) =	ssettag $0x2  }
0x192: {  	s0 =	rddreg [dreg:$0x0];
	s2 =	stileid.u32  }
0x193: {  	s1 =	rddreg [dreg:$0x1];
	p0 =	sne.s32 s2, $0x0  }
0x194: {  	s3 =	rddreg [dreg:$0x2];
	[bflag:$0x3] =	sbarrier.arrive $0xFFFF;
	s2 =	simm.s32 @!p0 $0x1C02  }
0x195: {  	[timem:s3], [sflag:s2] =	dma.local @!p0 [hbm:s0], s1  }
0x196: {  	s0 =	simm.s32 @!p0 $0x2  }
0x197: {  	_ =	swait.ge @!p0 [sflag:s0], s1  }
0x198: {  	s1 =	ssub.s32 @!p0 $0x0, s1;
	[sflag:s0] =	ssyncset.done @!p0 $0x0  }
0x199: {  	[sflag:s0] =	ssyncadd.s32 @!p0 s1  }
0x19a: {  	[bflag:$0x3] =	sbarrier.arrive $0xFFFF  }
0x19b: {  	_ =	shalt  }

// kernel: kernel.9.cloned.1.call-start
scs
__scs_entry_jumppad:
0x0: {  	(pc) =	sbr.rel $0x88, $3  }
0x1: {  	(tag) =	ssettag $0x0;
	lr =	simm.s32 $0x1  }
0x2: {  	[smem:$0x3F99] =	sst lr;
	_ =	strace $0xD0000000  }
0x3: {  	_ = 	snop  }
0x4: {  	_ = 	snop  }
0x5: {  	_ = 	snop  }
0x6: {  	_ = 	snop  }
0x7: {  	_ = 	snop  }
__scs_overlays_trampoline_lowered:
0x8: {  	[smem:$0x3FA8] =	sst s0  }
0x9: {  	[smem:$0x3FA9] =	sst s1  }
0xa: {  	[smem:$0x3FAA] =	sst s2  }
0xb: {  	[smem:$0x3FAB] =	sst s3  }
0xc: {  	[smem:$0x3FAC] =	sst s4  }
0xd: {  	[smem:$0x3FAD] =	sst s5  }
0xe: {  	[smem:$0x3FAE] =	sst s6  }
0xf: {  	[smem:$0x3FAF] =	sst s7  }
0x10: {  	[smem:$0x3FB0] =	sst s8  }
0x11: {  	[smem:$0x3FB1] =	sst s9;
	s0 =	simm.s32 @!p0 $0x0  }
0x12: {  	s1 =	sld [smem:$0x3F97];
	s0 =	simm.s32 @p0 $0x1  }
0x13: {  	[smem:$0x3FB2] =	sst s0;
	s0 =	simm.s32 @!p1 $0x0  }
0x14: {  	s2 =	sld [smem:$0x3F96];
	s0 =	simm.s32 @p1 $0x1  }
0x15: {  	[smem:$0x3FB3] =	sst s0;
	s0 =	simm.s32 @!p2 $0x0  }
0x16: {  	s3 =	sld [smem:$0x3FDB];
	s0 =	simm.s32 @p2 $0x1  }
0x17: {  	s4 =	simm.s32 $0x1BF5;
	[smem:$0x3FB5] =	sst s0  }
0x18: {  	s0 =	sld [smem:$0x3F98];
	_ =	swait.ge [sflag:s4], $0x0  }
0x19: {  	s7 =	sld [smem:$0x3F99]  }
0x1a: {  	s8 =	sadd.s32 $0xFFFFE003, lr  }
0x1b: {  	s9 =	sadd.s32 $0xFFFFFEF7, lr;
	s5 =	simm.s32 $0xFFFFFFFF;
	p2 =	slt.u32 s8, $0xFFFFF086  }
0x1c: {  	p1 =	slt.u32 s9, $0xF7A;
	s5 =	simm.s32 @!p2 $0x0  }
0x1d: {  	s5 =	simm.s32 @p1 $0x1;
	p0 =	seq.s32 s7, s2  }
0x1e: {  	s7 =	smul.u32 @!p0 $0xF7A, s2;
	p2 =	seq.s32 @!p0 s5, $0x0  }
0x1f: {  	s9 =	smul.u32 $0xF7A, s1;
	s8 =	simm.s32 @!p0 $0x1BF5;
	p2 =	por !p2, p0  }
0x20: {  	[sflag:s8] =	ssyncset.s32 @!p0 $0xFFFFF086;
	s6 =	sadd.s32 @!p0 s3, s7;
	s7 =	simm.s32 @!p0 $0x108  }
0x21: {  	s3 =	sadd.s32 s3, s9;
	s6 =	sadd.s32 @!p0 $0x88, s6;
	s7 =	simm.s32 @p2 $0x1082  }
0x22: {  	[simem:s7], [sflag:s8] =	dma.local @!p0 [hbm:s6], $0xF7A  }
0x23: {  	s9 =	sor.u32 $0xD0000000, s2;
	s6 =	simm.s32 $0x108;
	_ =	swait.ge @!p0 [sflag:s8], $0x0  }
0x24: {  	s3 =	sadd.s32 $0x88, s3;
	s6 =	simm.s32 @!p1 $0x1082;
	[sflag:s4] =	ssyncset.s32 $0xFFFFF086  }
0x25: {  	[simem:s6], [sflag:s4] =	dma.local [hbm:s3], $0xF7A  }
0x26: {  	[smem:$0x3F99] =	sst s1;
	(tag) =	ssettag s2;
	_ =	strace s9  }
0x27: {  	s1 =	sld [smem:$0x3FA9]  }
0x28: {  	s2 =	sld [smem:$0x3FAA]  }
0x29: {  	s4 =	sld [smem:$0x3FAC]  }
0x2a: {  	p0 =	seq.s32 s5, $0x0;
	s5 =	sld [smem:$0x3FAD]  }
0x2b: {  	s6 =	sld [smem:$0x3FAE]  }
0x2c: {  	s7 =	sld [smem:$0x3FAF]  }
0x2d: {  	s3 =	simm.s32 $0x108;
	s8 =	sld [smem:$0x3FB0]  }
0x2e: {  	s3 =	simm.s32 @!p0 $0x1082;
	s9 =	sld [smem:$0x3FB1]  }
0x2f: {  	lr =	sadd.s32 s0, s3;
	s0 =	sld [smem:$0x3FA8]  }
0x30: {  	s3 =	sld [smem:$0x3FAB]  }
0x31: {  	[smem:$0x3FB4] =	sst s10  }
0x32: {  	s10 =	sld [smem:$0x3FB2];
	_ =	sdelay $0x3  }
0x33: {  	p0 =	seq.s32 s10, $0x1;
	s10 =	sld [smem:$0x3FB4];
	_ =	sdelay $0x3  }
0x34: {  	[smem:$0x3FB4] =	sst s10  }
0x35: {  	s10 =	sld [smem:$0x3FB3];
	_ =	sdelay $0x3  }
0x36: {  	p1 =	seq.s32 s10, $0x1;
	s10 =	sld [smem:$0x3FB4];
	_ =	sdelay $0x3  }
0x37: {  	[smem:$0x3FB4] =	sst s10  }
0x38: {  	s10 =	sld [smem:$0x3FB5]  }
0x39: {  	_ = 	snop;
	(pc) =	sbr.ind lr, $3  }
0x3a: {  	_ = 	snop  }
0x3b: {  	_ = 	snop  }
0x3c: {  	p2 =	seq.s32 s10, $0x1;
	s10 =	sld [smem:$0x3FB4]  }
0x3d: {  	_ =	shalt  }
0x3e: {  	_ =	shalt  }
0x3f: {  	_ =	shalt  }
0x40: {  	_ =	shalt  }
0x41: {  	_ =	shalt  }
0x42: {  	_ =	shalt  }
0x43: {  	_ =	shalt  }
0x44: {  	_ =	shalt  }
0x45: {  	_ =	shalt  }
0x46: {  	_ =	shalt  }
0x47: {  	_ =	shalt  }
0x48: {  	_ =	shalt  }
0x49: {  	_ =	shalt  }
0x4a: {  	_ =	shalt  }
0x4b: {  	_ =	shalt  }
0x4c: {  	_ =	shalt  }
0x4d: {  	_ =	shalt  }
0x4e: {  	_ =	shalt  }
0x4f: {  	_ =	shalt  }
0x50: {  	_ =	shalt  }
0x51: {  	_ =	shalt  }
0x52: {  	_ =	shalt  }
0x53: {  	_ =	shalt  }
0x54: {  	_ =	shalt  }
0x55: {  	_ =	shalt  }
0x56: {  	_ =	shalt  }
0x57: {  	_ =	shalt  }
0x58: {  	_ =	shalt  }
0x59: {  	_ =	shalt  }
0x5a: {  	_ =	shalt  }
0x5b: {  	_ =	shalt  }
0x5c: {  	_ =	shalt  }
0x5d: {  	_ =	shalt  }
0x5e: {  	_ =	shalt  }
0x5f: {  	_ =	shalt  }
0x60: {  	_ =	shalt  }
0x61: {  	_ =	shalt  }
0x62: {  	_ =	shalt  }
0x63: {  	_ =	shalt  }
0x64: {  	_ =	shalt  }
0x65: {  	_ =	shalt  }
0x66: {  	_ =	shalt  }
0x67: {  	_ =	shalt  }
0x68: {  	_ =	shalt  }
0x69: {  	_ =	shalt  }
0x6a: {  	_ =	shalt  }
0x6b: {  	_ =	shalt  }
0x6c: {  	_ =	shalt  }
0x6d: {  	_ =	shalt  }
0x6e: {  	_ =	shalt  }
0x6f: {  	_ =	shalt  }
0x70: {  	_ =	shalt  }
0x71: {  	_ =	shalt  }
0x72: {  	_ =	shalt  }
0x73: {  	_ =	shalt  }
0x74: {  	_ =	shalt  }
0x75: {  	_ =	shalt  }
0x76: {  	_ =	shalt  }
0x77: {  	_ =	shalt  }
0x78: {  	_ =	shalt  }
0x79: {  	_ =	shalt  }
0x7a: {  	_ =	shalt  }
0x7b: {  	_ =	shalt  }
0x7c: {  	_ =	shalt  }
0x7d: {  	_ =	shalt  }
0x7e: {  	_ =	shalt  }
0x7f: {  	_ =	shalt  }
0x80: {  	_ =	shalt  }
0x81: {  	_ =	shalt  }
0x82: {  	_ =	shalt  }
0x83: {  	_ =	shalt  }
0x84: {  	_ =	shalt  }
0x85: {  	_ =	shalt  }
0x86: {  	_ =	shalt  }
0x87: {  	_ =	shalt  }
.Lfunc_end0:
.L_simem_size_0:
called_computation.1_lowered:
.L_overlay_start_0:
0x88: {  	s2 =	sld [smem:$0x3FD9]  }
0x89: {  	s3 =	sld [smem:$0x3FFE];
	_ =	sdelay $0x1  }
0x8a: {  	s1 =	srdreg.scid  }
0x8b: {  	s0 =	sand.u32 $0x1, s1  }
0x8c: {  	s17 =	sshll.u32 s0, $0xA;
	s2 =	sadd.s32 s3, s2  }
0x8d: {  	s2 =	sadd.s32 s2, s17  }
0x8e: {  	[smem:$0x3FC0] =	sst s2  }
0x8f: {  	_ = 	snop  }
0x90: {  	s2 =	sld [smem:$0x3FC8];
	(tm) =	ssettm $0x1  }
0x91: {  	s18 =	sld [smem:$0x3FFB];
	_ =	sdelay $0x3  }
0x92: {  	_ =	strace s18  }
0x93: {  	s3 =	sld [smem:$0x3FFC];
	_ =	sdelay $0x3  }
0x94: {  	_ =	strace s3  }
0x95: {  	s3 =	sld [smem:$0x3FFD];
	_ =	sdelay $0x3  }
0x96: {  	_ =	strace s3  }
0x97: {  	_ =	strace $0x8FFFFFFF  }
0x98: {  	s19 =	sld [smem:$0x3FDB];
	_ =	sdelay $0x1  }
0x99: {  	s4 =	simm.s32 $_scs_section_size  }
0x9a: {  	s5 =	simm.s32 $_size__tile_overlayer_lowered;
	s6 =	simm.s32 $_tile_overlayer_lowered  }
0x9b: {  	s22 =	simm.s32 $0x1BFF;
	s21 =	sshll.u32 s6, $0x1;
	s3 =	sadd.s32 s4, s19  }
0x9c: {  	s7 =	simm.s32 $0x0;
	s20 =	sshll.u32 s5, $0x1;
	s5 =	sadd.s32 s21, s3  }
0x9d: {  	[timem:s7], [sflag:s22] =	dma.local [hbm:s5], s20  }
0x9e: {  	_ =	swait.ge [sflag:s22], s20  }
0x9f: {  	s4 =	ssub.s32 $0x0, s20;
	[sflag:s22] =	ssyncset.done $0x0  }
0xa0: {  	[sflag:s22] =	ssyncadd.s32 s4;
	_ =	sdelay $0x1  }
0xa1: {  	s23 =	simm.s32 $0x1B8B  }
0xa2: {  	_ =	swait.ge [sflag:s23], $0x1  }
0xa3: {  	[sflag:s23] =	ssyncset.done $0x0  }
0xa4: {  	s25 =	simm.s32 $0x1B8E;
	s24 =	sld [smem:$0x3FFE];
	[sflag:s23] =	ssyncadd.s32 $0xFFFFFFFF  }
0xa5: {  	s26 =	simm.s32 $execute0_lowered;
	[smem:$0x3FD2] =	sst s25  }
0xa6: {  	s5 =	sshll.u32 s26, $0x1;
	_ =	strace $0x80000049;
	[dreg:$0x1] =	wrdreg $0xFFFFFFFF  }
0xa7: {  	s28 =	simm.s32 $_size_execute0_lowered;
	s3 =	sadd.s32 s3, s5;
	[dreg:$0x0] =	wrdreg $0x0  }
0xa8: {  	s5 =	sshll.u32 s28, $0x1;
	[dreg:$0x2] =	wrdreg s3  }
0xa9: {  	[dreg:$0x3] =	wrdreg s5  }
0xaa: {  	[dreg:$0x4] =	wrdreg $0xC0  }
0xab: {  	_ =	task [dreg:s7], $0x5FFFF  }
0xac: {  	[dreg:$0x1] =	wrdreg $0xFFFFFFFF  }
0xad: {  	[dreg:$0x0] =	wrdreg $0x60  }
0xae: {  	[dreg:$0x2] =	wrdreg s2  }
0xaf: {  	[dreg:$0x3] =	wrdreg s24  }
0xb0: {  	[dreg:$0x4] =	wrdreg $0xF2800  }
0xb1: {  	[dreg:$0x5] =	wrdreg $0x9  }
0xb2: {  	_ =	task.clear_ibuf [dreg:s7], $0x6FFFF;
	_ =	strace $0x90000049  }
0xb3: {  	s29 =	simm.s32 $0x9;
	_ =	strace $0x8000004B  }
0xb4: {  	_ =	swait.ge [sflag:s29], $0x1  }
0xb5: {  	[sflag:s29] =	ssyncadd.s32 $0xFFFFFFFF  }
0xb6: {  	_ =	strace $0x9000004B  }
0xb7: {  	_ =	sfence  }
0xb8: {  	s30 =	sld [smem:$0x0];
	_ =	sdelay $0x2  }
0xb9: {  	s31 =	sshll.u32 s1, $0xD;
	s1 =	sshrl.u32 s1, $0x2  }
0xba: {  	s3 =	sand.u32 $0x4000, s31;
	s1 =	sadd.s32 s1, s30  }
0xbb: {  	s0 =	sor.u32 s3, s0;
	s1 =	sshll.u32 s1, $0x11  }
0xbc: {  	s0 =	sor.u32 s1, s0  }
0xbd: {  	s0 =	sadd.s32 $0x8F2B, s0  }
0xbe: {  	[sflag:s0] =	ssyncadd.remote.s32 $0x1  }
0xbf: {  	_ =	sfence.sel $0xFFFF  }
0xc0: {  	[dreg:$0x0] =	wrdreg $0xFFFFFFFF;
	(pc) =	sbr.abs _section_cstart, $3  }
0xc1: {  	[dreg:$0x1] =	wrdreg $0xFFFFFFFF  }
0xc2: {  	_ =	task.clear_ibuf [dreg:s7], $0x2FFFF;
	_ =	strace $0x9FFFFFFF  }
0xc3: {  	(tm) =	ssettm $0x7FFFFFFF  }
tec
execute0_lowered:
.L_overlay_start_1:
0x0: {  	(tag) =	ssettag $0x1  }
0x1: {  	s0 =	rddreg [dreg:$0x0]  }
0x2: {  	s6 =	rddreg [dreg:$0x1]  }
0x3: {  	s2 =	rddreg [dreg:$0x2]  }
0x4: {  	s4 =	srdreg.scid;
	s1 =	stileid.u32  }
0x5: {  	s3 =	simm.s32 $0x0;
	s14 =	simm.s32 $0x7800;
	s15 =	simm.s32 $0xA000  }
0x6: {  	s16 =	simm.s32 $0xF000;
	s17 =	simm.s32 $0x2;
	s18 =	simm.s32 $0x1  }
0x7: {  	s19 =	simm.s32 $0x80;
	s22 =	simm.s32 $0x3180;
	s23 =	simm.s32 $0x5980  }
0x8: {  	s24 =	simm.s32 $0x20;
	s25 =	simm.s32 $0x10;
	s26 =	simm.s32 $0x0  }
0x9: {  	s30 =	simm.s32 $0x40;
	s7 =	sand.u32 $0x1, s4;
	s28 =	smul.u32 $0x500, s1  }
0xa: {  	[smem:$0x7FF] =	sst s3;
	s4 =	sadd.s32 $0x2600, s6;
	s31 =	smul.u32 $0xA00, s1  }
0xb: {  	s5 =	sshll.u32 s7, $0x7;
	s8 =	sshll.u32 s7, $0x4;
	_ =	strace $0x8000004A  }
0xc: {  	s7 =	ssub.s32 $0x2, s7;
	s5 =	sor.u32 s5, s28;
	s8 =	sor.u32 s1, s8  }
0xd: {  	s29 =	sshrl.u32 s7, $0x1;
	s11 =	sshrl.u32 s31, $0x2;
	s10 =	smul.u32 $0xA00, s8  }
.Ltmp0:
0xe: {  	s9 =	sshrl.u32 s5, $0x3;
	s5 =	sadd.s32 $0x1C00, s6;
	(pc) =	sbr.rel .LBB2_1-.Ltmp0, $4  }
0xf: {  	s13 =	ssub.s32 s7, s29;
	p0 =	seq.s32 s8, $0x1F;
	s8 =	sadd.s32 $0x13600, s0  }
0x10: {  	s11 =	sadd.s32 s11, s2;
	s12 =	sadd.s32 s9, s6;
	s9 =	simm.s32 $0xA0  }
0x11: {  	s13 =	smax.u32 s13, $0x1;
	s6 =	sadd.s32 s0, s10;
	s10 =	sadd.s32 $0x13610, s0  }
0x12: {  	v0 =	vimm.f32 $0.0e+00;
	s9 =	simm.s32 @!p0 $0x280;
	s12 =	sadd.s32 $0x2C00, s12;
	s7 =	sadd.s32 $0x10, s6  }
.LBB2_8:
0x13: {  	s0 =	simm.s32 $0x2800;
	s20 =	simm.s32 $0x5000  }
0x14: {  	[spmem:s2] =	stream.indirect.scatter.add.f32 [tilespmem:s20], [sflag:$0x1], $0x1, s0, s19, $0xb8;
	[tilespmem:$0xF500] =	vst v63  }
0x15: {  	s21 =	simm.s32 $0x2880;
	s28 =	simm.s32 $0x5080  }
0x16: {  	[spmem:s2] =	stream.indirect.scatter.add.f32 [tilespmem:s28], [sflag:$0x1], $0x1, s21, s19, $0xb8;
	[tilespmem:$0xF500] =	vst v63  }
0x17: {  	s29 =	simm.s32 $0x2900;
	s31 =	simm.s32 $0x5100  }
0x18: {  	[spmem:s2] =	stream.indirect.scatter.add.f32 [tilespmem:s31], [sflag:$0x1], $0x1, s29, s19, $0xb8;
	[tilespmem:$0xF500] =	vst v63  }
0x19: {  	s21 =	simm.s32 $0x2980;
	s28 =	simm.s32 $0x5180  }
0x1a: {  	[spmem:s2] =	stream.indirect.scatter.add.f32 [tilespmem:s28], [sflag:$0x1], $0x1, s21, s19, $0xb8;
	[tilespmem:$0xF500] =	vst v63  }
0x1b: {  	s29 =	simm.s32 $0x2A00;
	s31 =	simm.s32 $0x5200  }
0x1c: {  	[spmem:s2] =	stream.indirect.scatter.add.f32 [tilespmem:s31], [sflag:$0x1], $0x1, s29, s19, $0xb8;
	[tilespmem:$0xF500] =	vst v63  }
0x1d: {  	s21 =	simm.s32 $0x2A80;
	s28 =	simm.s32 $0x5280  }
0x1e: {  	[spmem:s2] =	stream.indirect.scatter.add.f32 [tilespmem:s28], [sflag:$0x1], $0x1, s21, s19, $0xb8;
	[tilespmem:$0xF500] =	vst v63  }
0x1f: {  	s29 =	simm.s32 $0x2B00;
	s31 =	simm.s32 $0x5300  }
0x20: {  	[spmem:s2] =	stream.indirect.scatter.add.f32 [tilespmem:s31], [sflag:$0x1], $0x1, s29, s19, $0xb8;
	[tilespmem:$0xF500] =	vst v63  }
0x21: {  	s21 =	simm.s32 $0x2B80;
	s28 =	simm.s32 $0x5380  }
0x22: {  	[spmem:s2] =	stream.indirect.scatter.add.f32 [tilespmem:s28], [sflag:$0x1], $0x1, s21, s19, $0xb8;
	[tilespmem:$0xF500] =	vst v63  }
0x23: {  	s29 =	simm.s32 $0x2C00;
	s31 =	simm.s32 $0x5400  }
0x24: {  	[spmem:s2] =	stream.indirect.scatter.add.f32 [tilespmem:s31], [sflag:$0x1], $0x1, s29, s19, $0xb8;
	[tilespmem:$0xF500] =	vst v63  }
0x25: {  	s21 =	simm.s32 $0x2C80;
	s28 =	simm.s32 $0x5480  }
0x26: {  	[spmem:s2] =	stream.indirect.scatter.add.f32 [tilespmem:s28], [sflag:$0x1], $0x1, s21, s19, $0xb8;
	[tilespmem:$0xF500] =	vst v63  }
0x27: {  	s29 =	simm.s32 $0x2D00;
	s31 =	simm.s32 $0x5500  }
0x28: {  	[spmem:s2] =	stream.indirect.scatter.add.f32 [tilespmem:s31], [sflag:$0x1], $0x1, s29, s19, $0xb8;
	[tilespmem:$0xF500] =	vst v63  }
0x29: {  	s21 =	simm.s32 $0x2D80;
	s28 =	simm.s32 $0x5580  }
0x2a: {  	[spmem:s2] =	stream.indirect.scatter.add.f32 [tilespmem:s28], [sflag:$0x1], $0x1, s21, s19, $0xb8;
	[tilespmem:$0xF500] =	vst v63  }
0x2b: {  	s29 =	simm.s32 $0x2E00;
	s31 =	simm.s32 $0x5600  }
0x2c: {  	[spmem:s2] =	stream.indirect.scatter.add.f32 [tilespmem:s31], [sflag:$0x1], $0x1, s29, s19, $0xb8;
	[tilespmem:$0xF500] =	vst v63  }
0x2d: {  	s21 =	simm.s32 $0x2E80;
	s28 =	simm.s32 $0x5680  }
0x2e: {  	[spmem:s2] =	stream.indirect.scatter.add.f32 [tilespmem:s28], [sflag:$0x1], $0x1, s21, s19, $0xb8;
	[tilespmem:$0xF500] =	vst v63  }
0x2f: {  	s29 =	simm.s32 $0x2F00;
	s31 =	simm.s32 $0x5700  }
0x30: {  	[spmem:s2] =	stream.indirect.scatter.add.f32 [tilespmem:s31], [sflag:$0x1], $0x1, s29, s19, $0xb8;
	[tilespmem:$0xF500] =	vst v63  }
0x31: {  	s21 =	simm.s32 $0x2F80;
	s28 =	simm.s32 $0x5780  }
0x32: {  	[spmem:s2] =	stream.indirect.scatter.add.f32 [tilespmem:s28], [sflag:$0x1], $0x1, s21, s19, $0xb8;
	[tilespmem:$0xF500] =	vst v63  }
0x33: {  	s29 =	simm.s32 $0x3000;
	s31 =	simm.s32 $0x5800  }
0x34: {  	[spmem:s2] =	stream.indirect.scatter.add.f32 [tilespmem:s31], [sflag:$0x1], $0x1, s29, s19, $0xb8;
	[tilespmem:$0xF500] =	vst v63  }
0x35: {  	s21 =	simm.s32 $0x3080;
	s28 =	simm.s32 $0x5880  }
0x36: {  	[spmem:s2] =	stream.indirect.scatter.add.f32 [tilespmem:s28], [sflag:$0x1], $0x1, s21, s19, $0xb8;
	[tilespmem:$0xF500] =	vst v63  }
0x37: {  	s29 =	simm.s32 $0x3100;
	s31 =	simm.s32 $0x5900  }
0x38: {  	[spmem:s2] =	stream.indirect.scatter.add.f32 [tilespmem:s31], [sflag:$0x1], $0x1, s29, s19, $0xb8;
	[tilespmem:$0xF500] =	vst v63  }
0x39: {  	_ = 	snop  }
0x3a: {  	[spmem:s2] =	stream.indirect.scatter.add.f32 [tilespmem:s23], [sflag:$0x1], $0x1, s22, s19, $0xb8;
	[tilespmem:$0xF500] =	vst v63  }
0x3b: {  	_ =	swait.ge [sflag:s18], $0x80  }
0x3c: {  	[sflag:s18] =	ssyncset.done $0x0  }
0x3d: {  	[sflag:s18] =	ssyncadd.s32 $0xFFFFFF80  }
0x3e: {  	_ =	swait.ge [sflag:s18], $0x80  }
0x3f: {  	[sflag:s18] =	ssyncset.done $0x0  }
0x40: {  	[sflag:s18] =	ssyncadd.s32 $0xFFFFFF80  }
0x41: {  	_ =	swait.ge [sflag:s18], $0x80  }
0x42: {  	[sflag:s18] =	ssyncset.done $0x0  }
0x43: {  	[sflag:s18] =	ssyncadd.s32 $0xFFFFFF80  }
0x44: {  	_ =	swait.ge [sflag:s18], $0x80  }
0x45: {  	[sflag:s18] =	ssyncset.done $0x0  }
0x46: {  	[sflag:s18] =	ssyncadd.s32 $0xFFFFFF80  }
0x47: {  	_ =	swait.ge [sflag:s18], $0x80  }
0x48: {  	[sflag:s18] =	ssyncset.done $0x0  }
0x49: {  	[sflag:s18] =	ssyncadd.s32 $0xFFFFFF80  }
0x4a: {  	_ =	swait.ge [sflag:s18], $0x80  }
0x4b: {  	[sflag:s18] =	ssyncset.done $0x0  }
0x4c: {  	[sflag:s18] =	ssyncadd.s32 $0xFFFFFF80  }
0x4d: {  	_ =	swait.ge [sflag:s18], $0x80  }
0x4e: {  	[sflag:s18] =	ssyncset.done $0x0  }
0x4f: {  	[sflag:s18] =	ssyncadd.s32 $0xFFFFFF80  }
0x50: {  	_ =	swait.ge [sflag:s18], $0x80  }
0x51: {  	[sflag:s18] =	ssyncset.done $0x0  }
0x52: {  	[sflag:s18] =	ssyncadd.s32 $0xFFFFFF80  }
0x53: {  	_ =	swait.ge [sflag:s18], $0x80  }
0x54: {  	[sflag:s18] =	ssyncset.done $0x0  }
0x55: {  	[sflag:s18] =	ssyncadd.s32 $0xFFFFFF80  }
0x56: {  	_ =	swait.ge [sflag:s18], $0x80  }
0x57: {  	[sflag:s18] =	ssyncset.done $0x0  }
0x58: {  	[sflag:s18] =	ssyncadd.s32 $0xFFFFFF80  }
0x59: {  	_ =	swait.ge [sflag:s18], $0x80  }
0x5a: {  	[sflag:s18] =	ssyncset.done $0x0  }
0x5b: {  	[sflag:s18] =	ssyncadd.s32 $0xFFFFFF80  }
0x5c: {  	_ =	swait.ge [sflag:s18], $0x80  }
0x5d: {  	[sflag:s18] =	ssyncset.done $0x0  }
0x5e: {  	[sflag:s18] =	ssyncadd.s32 $0xFFFFFF80  }
0x5f: {  	_ =	swait.ge [sflag:s18], $0x80  }
0x60: {  	[sflag:s18] =	ssyncset.done $0x0  }
0x61: {  	[sflag:s18] =	ssyncadd.s32 $0xFFFFFF80  }
0x62: {  	_ =	swait.ge [sflag:s18], $0x80  }
0x63: {  	[sflag:s18] =	ssyncset.done $0x0  }
0x64: {  	[sflag:s18] =	ssyncadd.s32 $0xFFFFFF80  }
0x65: {  	_ =	swait.ge [sflag:s18], $0x80  }
0x66: {  	[sflag:s18] =	ssyncset.done $0x0  }
0x67: {  	[sflag:s18] =	ssyncadd.s32 $0xFFFFFF80  }
0x68: {  	_ =	swait.ge [sflag:s18], $0x80  }
0x69: {  	[sflag:s18] =	ssyncset.done $0x0  }
0x6a: {  	[sflag:s18] =	ssyncadd.s32 $0xFFFFFF80  }
0x6b: {  	_ =	swait.ge [sflag:s18], $0x80  }
0x6c: {  	[sflag:s18] =	ssyncset.done $0x0  }
0x6d: {  	[sflag:s18] =	ssyncadd.s32 $0xFFFFFF80  }
0x6e: {  	_ =	swait.ge [sflag:s18], $0x80  }
0x6f: {  	[sflag:s18] =	ssyncset.done $0x0  }
0x70: {  	[sflag:s18] =	ssyncadd.s32 $0xFFFFFF80  }
0x71: {  	_ =	swait.ge [sflag:s18], $0x80  }
0x72: {  	[sflag:s18] =	ssyncset.done $0x0  }
0x73: {  	[sflag:s18] =	ssyncadd.s32 $0xFFFFFF80  }
0x74: {  	_ =	swait.ge [sflag:s18], $0x80  }
0x75: {  	[sflag:s18] =	ssyncset.done $0x0  }
0x76: {  	[sflag:s18] =	ssyncadd.s32 $0xFFFFFF80  }
.LBB2_9:
0x77: {  	s26 =	sadd.s32 $0x1, s26  }
0x78: {  	s0 =	sshll.u32 s1, $0x6;
	[bflag:$0x0] =	sbarrier.arrive $0xFFFF;
	p1 =	sne.s32 s26, s13  }
.Ltmp1:
0x79: {  	s20 =	sshrl.u32 s11, $0x3;
	s0 =	sor.u32 $0x1C02, s0;
	(pc) =	sbr.rel @!p1 .LBB2_10-.Ltmp1, $4  }
0x7a: {  	[hbm:s12@s24], [sflag:s0] =	dma.strided [spmem:s20@s25], $0x50, s18, $0x10   }
0x7b: {  	_ =	swait.ge [sflag:s17], $0x50  }
0x7c: {  	[sflag:s17] =	ssyncset.done $0x0  }
0x7d: {  	[sflag:s17] =	ssyncadd.s32 $0xFFFFFFB0  }
.LBB2_1:
0x7e: {  	[tilespmem:s14], [sflag:$0x1] =	stream.linear.gather [hbm4b:s4+s3], $0x2800, $0x38;
	[tilespmem:$0xF500] =	vst v63  }
0x7f: {  	_ = 	snop  }
0x80: {  	[tilespmem:s15], [sflag:$0x1] =	stream.linear.gather [hbm4b:s5+s3], $0x5000, $0x38;
	[tilespmem:$0xF500] =	vst v63  }
0x81: {  	s0 =	simm.s32 @p0 $0x80;
	s20 =	simm.s32 @p0 $0x100;
	s21 =	simm.s32 @p0 $0x0  }
0x82: {  	[tilespmem:s21], [sflag:$0x2] =	stream.strided.gather @p0 [hbm4b:s8+s0], $0xA00, s20, s0, $0x38;
	[tilespmem:$0xF500] =	vst v63  }
0x83: {  	s21 =	simm.s32 @p0 $0x2  }
0x84: {  	_ =	swait.ge @p0 [sflag:s21], $0xA00  }
0x85: {  	[sflag:s21] =	ssyncset.done @p0 $0x0  }
0x86: {  	s28 =	simm.s32 @p0 $0x2800;
	[sflag:s21] =	ssyncadd.s32 @p0 $0xFFFFF600  }
0x87: {  	[tilespmem:s28], [sflag:$0x2] =	stream.strided.gather @p0 [hbm4b:s10+s0], $0xA00, s20, s0, $0x38;
	[tilespmem:$0xF500] =	vst v63  }
0x88: {  	_ =	swait.ge @p0 [sflag:s21], $0xA00  }
0x89: {  	s0 =	simm.s32 @!p0 $0x80;
	[sflag:s21] =	ssyncset.done @p0 $0x0  }
0x8a: {  	s20 =	simm.s32 @!p0 $0x100;
	[sflag:s21] =	ssyncadd.s32 @p0 $0xFFFFF600;
	s21 =	simm.s32 @!p0 $0x0  }
0x8b: {  	[tilespmem:s21], [sflag:$0x2] =	stream.strided.gather @!p0 [hbm4b:s6+s0], $0x2800, s20, s0, $0x38;
	[tilespmem:$0xF500] =	vst v63  }
0x8c: {  	s21 =	simm.s32 @!p0 $0x2  }
0x8d: {  	_ =	swait.ge @!p0 [sflag:s21], $0x2800  }
0x8e: {  	[sflag:s21] =	ssyncset.done @!p0 $0x0  }
0x8f: {  	s28 =	simm.s32 @!p0 $0x2800;
	[sflag:s21] =	ssyncadd.s32 @!p0 $0xFFFFD800  }
0x90: {  	[tilespmem:s28], [sflag:$0x2] =	stream.strided.gather @!p0 [hbm4b:s7+s0], $0x2800, s20, s0, $0x38;
	[tilespmem:$0xF500] =	vst v63  }
0x91: {  	_ =	swait.ge @!p0 [sflag:s21], $0x2800  }
0x92: {  	[sflag:s21] =	ssyncset.done @!p0 $0x0  }
0x93: {  	[sflag:s21] =	ssyncadd.s32 @!p0 $0xFFFFD800  }
0x94: {  	[tilespmem:$0xF000] =	vst v0  }
0x95: {  	[tilespmem:$0xF010] =	vst v0  }
0x96: {  	[tilespmem:$0xF020] =	vst v0  }
0x97: {  	[tilespmem:$0xF030] =	vst v0  }
0x98: {  	[tilespmem:$0xF040] =	vst v0  }
0x99: {  	[tilespmem:$0xF050] =	vst v0  }
0x9a: {  	[tilespmem:$0xF060] =	vst v0  }
0x9b: {  	[tilespmem:$0xF070] =	vst v0  }
0x9c: {  	[tilespmem:$0xF080] =	vst v0  }
0x9d: {  	[tilespmem:$0xF090] =	vst v0  }
0x9e: {  	[tilespmem:$0xF0A0] =	vst v0  }
0x9f: {  	[tilespmem:$0xF0B0] =	vst v0  }
0xa0: {  	[tilespmem:$0xF0C0] =	vst v0  }
0xa1: {  	[tilespmem:$0xF0D0] =	vst v0  }
0xa2: {  	[tilespmem:$0xF0E0] =	vst v0  }
0xa3: {  	[tilespmem:$0xF0F0] =	vst v0  }
0xa4: {  	[tilespmem:$0xF100] =	vst v0  }
0xa5: {  	[tilespmem:$0xF110] =	vst v0  }
0xa6: {  	[tilespmem:$0xF120] =	vst v0  }
0xa7: {  	[tilespmem:$0xF130] =	vst v0  }
0xa8: {  	[tilespmem:$0xF140] =	vst v0  }
0xa9: {  	[tilespmem:$0xF150] =	vst v0  }
0xaa: {  	[tilespmem:$0xF160] =	vst v0  }
0xab: {  	[tilespmem:$0xF170] =	vst v0  }
0xac: {  	[tilespmem:$0xF180] =	vst v0  }
0xad: {  	[tilespmem:$0xF190] =	vst v0  }
0xae: {  	[tilespmem:$0xF1A0] =	vst v0  }
0xaf: {  	[tilespmem:$0xF1B0] =	vst v0  }
0xb0: {  	[tilespmem:$0xF1C0] =	vst v0  }
0xb1: {  	[tilespmem:$0xF1D0] =	vst v0  }
0xb2: {  	[tilespmem:$0xF1E0] =	vst v0  }
0xb3: {  	[tilespmem:$0xF1F0] =	vst v0  }
0xb4: {  	[tilespmem:$0xF200] =	vst v0  }
0xb5: {  	[tilespmem:$0xF210] =	vst v0  }
0xb6: {  	[tilespmem:$0xF220] =	vst v0  }
0xb7: {  	[tilespmem:$0xF230] =	vst v0  }
0xb8: {  	[tilespmem:$0xF240] =	vst v0  }
0xb9: {  	[tilespmem:$0xF250] =	vst v0  }
0xba: {  	[tilespmem:$0xF260] =	vst v0  }
0xbb: {  	[tilespmem:$0xF270] =	vst v0  }
0xbc: {  	[spmem:s11] =	stream.linear.scatter [tilespmem:s16], [sflag:$0x2], $0x280, $0x38;
	[tilespmem:$0xF500] =	vst v63  }
0xbd: {  	_ =	swait.ge [sflag:s17], $0x280  }
0xbe: {  	[sflag:s17] =	ssyncset.done $0x0  }
0xbf: {  	[sflag:s17] =	ssyncadd.s32 $0xFFFFFD80  }
0xc0: {  	_ =	swait.ge [sflag:s18], $0x2800  }
0xc1: {  	[sflag:s18] =	ssyncset.done $0x0  }
0xc2: {  	[sflag:s18] =	ssyncadd.s32 $0xFFFFD800  }
0xc3: {  	_ =	swait.ge [sflag:s18], $0x5000  }
0xc4: {  	[sflag:s18] =	ssyncset.done $0x0  }
0xc5: {  	s20 =	simm.s32 $0xA080;
	[sflag:s18] =	ssyncadd.s32 $0xFFFFB000  }
0xc6: {  	v1 =	vld [tilespmem:s20+$0x20]  }
0xc7: {  	v2 =	vld [tilespmem:s20+$0xFFFFFFA0];
	_ =	sdelay $0x1  }
0xc8: {  	v3 =	vld [tilespmem:s20+$0xFFFFFF90]  }
0xc9: {  	v4 =	vld [tilespmem:s20+$0xFFFFFF80]  }
0xca: {  	v5 =	vld [tilespmem:s20+$0x70]  }
0xcb: {  	v6 =	vld [tilespmem:s20+$0x10];
	v1 =	vadd.f32 v1, v2  }
0xcc: {  	v7 =	vld [tilespmem:s20+$0xFFFFFFB0]  }
0xcd: {  	v8 =	vld [tilespmem:s20+$0x60];
	v1 =	vadd.f32 $1.000000000e+00, v1  }
0xce: {  	v9 =	vld [tilespmem:s20+$0xFFFFFFD0]  }
0xcf: {  	v13 =	vld [tilespmem:s20+$0xFFFFFFE0];
	v10 =	vshra.s32 v1, $0x1;
	v11 =	vmul.f32 $5.000000000e-01, v1  }
0xd0: {  	v1 =	vadd.f32 v6, v3;
	v3 =	vld [tilespmem:s20+$0xFFFFFFF0];
	v6 =	vsub.s32 $0x5F3759DF, v10  }
0xd1: {  	v2 =	vld [tilespmem:s20+$0x30];
	v12 =	vmul.f32 v6, v11  }
0xd2: {  	v14 =	vld [tilespmem:s20+$0x50];
	v1 =	vadd.f32 $1.000000000e+00, v1  }
0xd3: {  	v10 =	vld [tilespmem:s20+$0x0];
	v12 =	vmul.f32 v6, v12  }
0xd4: {  	v8 =	vadd.f32 v8, v13;
	v15 =	vshra.s32 v1, $0x1;
	v16 =	vmul.f32 $5.000000000e-01, v1  }
0xd5: {  	v15 =	vsub.s32 $0x5F3759DF, v15;
	v1 =	vadd.f32 v5, v3;
	v3 =	vsub.f32 $1.500000000e+00, v12  }
0xd6: {  	v8 =	vadd.f32 $1.000000000e+00, v8;
	v2 =	vadd.f32 v2, v7;
	v5 =	vmul.f32 v15, v16  }
0xd7: {  	v7 =	vadd.f32 v14, v9;
	v1 =	vadd.f32 $1.000000000e+00, v1;
	v3 =	vmul.f32 v6, v3  }
0xd8: {  	v14 =	vshra.s32 v8, $0x1;
	v4 =	vadd.f32 v10, v4;
	v6 =	vmul.f32 v15, v5  }
0xd9: {  	v10 =	vld [tilespmem:s20+$0x40];
	v9 =	vshra.s32 v1, $0x1;
	v5 =	vmul.f32 $5.000000000e-01, v1;
	v1 =	vmul.f32 v3, v11  }
0xda: {  	v14 =	vsub.s32 $0x5F3759DF, v14;
	v7 =	vadd.f32 $1.000000000e+00, v7;
	v2 =	vadd.f32 $1.000000000e+00, v2;
	v12 =	vld [tilespmem:s20+$0xFFFFFFC0]  }
0xdb: {  	v4 =	vadd.f32 $1.000000000e+00, v4;
	v9 =	vsub.s32 $0x5F3759DF, v9;
	v1 =	vmul.f32 v1, v3  }
0xdc: {  	v19 =	vmul.f32 $5.000000000e-01, v2;
	v2 =	vshra.s32 v2, $0x1;
	v13 =	vmul.f32 v9, v5  }
0xdd: {  	v20 =	vmul.f32 $5.000000000e-01, v7;
	v17 =	vshra.s32 v4, $0x1;
	v18 =	vsub.f32 $1.500000000e+00, v1  }
0xde: {  	v13 =	vmul.f32 v9, v13;
	v1 =	vmul.f32 $5.000000000e-01, v8;
	v8 =	vsub.s32 $0x5F3759DF, v2  }
0xdf: {  	v2 =	vsub.f32 $1.500000000e+00, v6;
	v6 =	vadd.f32 v10, v12;
	v3 =	vmul.f32 v18, v3  }
0xe0: {  	s21 =	simm.s32 $0xA180;
	v12 =	vmul.f32 v8, v19;
	v13 =	vsub.f32 $1.500000000e+00, v13;
	v10 =	vmul.f32 v14, v1  }
0xe1: {  	v21 =	vld [tilespmem:s21+$0xFFFFFF90];
	v17 =	vsub.s32 $0x5F3759DF, v17;
	v15 =	vmul.f32 v15, v2;
	v2 =	vmul.f32 v3, v11  }
0xe2: {  	v22 =	vld [tilespmem:s21+$0xFFFFFF80];
	v6 =	vadd.f32 $1.000000000e+00, v6;
	v12 =	vmul.f32 v8, v12;
	v9 =	vmul.f32 v9, v13  }
0xe3: {  	s28 =	simm.s32 $0x7840;
	v26 =	vld [tilespmem:s21+$0x70];
	v18 =	vshra.s32 v7, $0x1;
	v11 =	vmul.f32 v15, v16;
	v2 =	vmul.f32 v2, v3  }
0xe4: {  	v18 =	vsub.s32 $0x5F3759DF, v18;
	v7 =	vmul.f32 v14, v10;
	v10 =	vld [tilespmem:s28+$0xFFFFFFE0];
	v23 =	vmul.f32 $5.000000000e-01, v6  }
0xe5: {  	v31 =	vld [tilespmem:s21+$0xFFFFFFA0];
	v6 =	vshra.s32 v6, $0x1;
	v11 =	vmul.f32 v11, v15;
	v24 =	vsub.f32 $1.500000000e+00, v2  }
0xe6: {  	v25 =	vmul.f32 v18, v20;
	v6 =	vsub.s32 $0x5F3759DF, v6;
	v2 =	vmul.f32 $5.000000000e-01, v4;
	v4 =	vld [tilespmem:s21+$0x20]  }
0xe7: {  	v30 =	vld [tilespmem:s21+$0x30];
	v27 =	vmul.f32 v6, v23;
	v11 =	vsub.f32 $1.500000000e+00, v11;
	v3 =	vmul.f32 v24, v3  }
0xe8: {  	v29 =	vmul.f32 v18, v25;
	v33 =	vsub.f32 $1.500000000e+00, v7;
	v24 =	vld [tilespmem:s21+$0x10];
	v28 =	vmul.f32 v17, v2  }
0xe9: {  	v34 =	vld [tilespmem:s21+$0x50];
	v12 =	vsub.f32 $1.500000000e+00, v12;
	v25 =	vmul.f32 v3, v10;
	v3 =	vmul.f32 v11, v15  }
0xea: {  	v33 =	vmul.f32 v14, v33;
	v10 =	vld [tilespmem:s21+$0xFFFFFFB0];
	v11 =	vmul.f32 v17, v28;
	v15 =	vsub.f32 $1.500000000e+00, v29  }
0xeb: {  	v29 =	vmul.f32 v8, v12;
	v12 =	vld [tilespmem:s21+$0xFFFFFFD0];
	v4 =	vadd.f32 v4, v31;
	v8 =	vmul.f32 v3, v16  }
0xec: {  	v32 =	vld [tilespmem:s21+$0xFFFFFFE0];
	v16 =	vmul.f32 v6, v27;
	v15 =	vmul.f32 v18, v15;
	v28 =	vsub.f32 $1.500000000e+00, v11  }
0xed: {  	v18 =	vld [tilespmem:s21+$0x0];
	v27 =	vmul.f32 v29, v19;
	v21 =	vadd.f32 v24, v21;
	v4 =	vadd.f32 $1.000000000e+00, v4  }
0xee: {  	v24 =	vld [tilespmem:s21+$0xFFFFFFF0];
	v8 =	vmul.f32 v8, v3;
	v16 =	vsub.f32 $1.500000000e+00, v16;
	v11 =	vmul.f32 v15, v20  }
0xef: {  	v13 =	vld [tilespmem:s21+$0x60];
	v27 =	vmul.f32 v27, v29;
	v21 =	vadd.f32 $1.000000000e+00, v21;
	v30 =	vadd.f32 v30, v10  }
0xf0: {  	v10 =	vmul.f32 v9, v5;
	v12 =	vadd.f32 v34, v12;
	v56 =	vmul.f32 $5.000000000e-01, v4  }
0xf1: {  	v8 =	vsub.f32 $1.500000000e+00, v8;
	v11 =	vmul.f32 v11, v15;
	v35 =	vshra.s32 v21, $0x1  }
0xf2: {  	v7 =	vmul.f32 $5.000000000e-01, v21;
	v18 =	vadd.f32 v18, v22;
	v31 =	vmul.f32 v10, v9  }
0xf3: {  	v14 =	vadd.f32 $1.000000000e+00, v12;
	v21 =	vsub.s32 $0x5F3759DF, v35;
	v22 =	vadd.f32 v26, v24  }
0xf4: {  	v26 =	vsub.f32 $1.500000000e+00, v11;
	v11 =	vadd.f32 v13, v32;
	v8 =	vmul.f32 v8, v3  }
0xf5: {  	v24 =	vmul.f32 v21, v7;
	v18 =	vadd.f32 $1.000000000e+00, v18;
	v10 =	vadd.f32 $1.000000000e+00, v22  }
0xf6: {  	v31 =	vsub.f32 $1.500000000e+00, v31;
	v32 =	vadd.f32 $1.000000000e+00, v11;
	v37 =	vmul.f32 v26, v15  }
0xf7: {  	v22 =	vld [tilespmem:s28+$0xFFFFFFD0];
	v24 =	vmul.f32 v21, v24;
	v13 =	vshra.s32 v10, $0x1;
	v3 =	vmul.f32 $5.000000000e-01, v10  }
0xf8: {  	v10 =	vshra.s32 v4, $0x1;
	v4 =	vshra.s32 v18, $0x1;
	v20 =	vmul.f32 v37, v20  }
0xf9: {  	v18 =	vmul.f32 $5.000000000e-01, v18;
	v11 =	vsub.s32 $0x5F3759DF, v13;
	v13 =	vmul.f32 v6, v16  }
0xfa: {  	v15 =	vsub.s32 $0x5F3759DF, v10;
	v10 =	vmul.f32 v17, v28;
	v16 =	vmul.f32 v33, v1  }
0xfb: {  	v6 =	vshra.s32 v32, $0x1;
	v12 =	vmul.f32 v15, v56;
	v20 =	vmul.f32 v20, v37  }
0xfc: {  	v26 =	vld [tilespmem:s21+$0xFFFFFFC0];
	v17 =	vadd.f32 $1.000000000e+00, v30;
	v36 =	vmul.f32 v8, v22;
	v8 =	vmul.f32 v11, v3  }
0xfd: {  	v28 =	vshra.s32 v14, $0x1;
	v22 =	vld [tilespmem:s21+$0x40];
	v57 =	vmul.f32 v13, v23;
	v12 =	vmul.f32 v15, v12  }
0xfe: {  	v24 =	vsub.f32 $1.500000000e+00, v24;
	v38 =	vmul.f32 v16, v33;
	v40 =	vmul.f32 v10, v2  }
0xff: {  	v30 =	vmul.f32 v11, v8;
	v8 =	vsub.s32 $0x5F3759DF, v6;
	v39 =	vsub.f32 $1.500000000e+00, v12  }
0x100: {  	v6 =	vsub.s32 $0x5F3759DF, v4;
	v4 =	vmul.f32 $5.000000000e-01, v17;
	v58 =	vmul.f32 v57, v13  }
0x101: {  	v16 =	vsub.f32 $1.500000000e+00, v30;
	v30 =	vmul.f32 v31, v9;
	v31 =	vmul.f32 v15, v39  }
0x102: {  	v40 =	vmul.f32 v40, v10;
	v12 =	vmul.f32 $5.000000000e-01, v32;
	v9 =	vadd.f32 v22, v26  }
0x103: {  	v15 =	vshra.s32 v17, $0x1;
	v17 =	vsub.s32 $0x5F3759DF, v28;
	v26 =	vmul.f32 v31, v56  }
0x104: {  	v28 =	vmul.f32 v8, v12;
	v5 =	vmul.f32 v30, v5;
	v22 =	vsub.s32 $0x5F3759DF, v15  }
0x105: {  	v38 =	vsub.f32 $1.500000000e+00, v38;
	v59 =	vmul.f32 v22, v4;
	v26 =	vmul.f32 v26, v31  }
0x106: {  	v60 =	vadd.f32 $1.000000000e+00, v9;
	v9 =	vmul.f32 $5.000000000e-01, v14;
	v5 =	vmul.f32 v5, v30  }
0x107: {  	v33 =	vmul.f32 v38, v33;
	v15 =	vmul.f32 v8, v28;
	v26 =	vsub.f32 $1.500000000e+00, v26  }
0x108: {  	v35 =	vmul.f32 v22, v59;
	v32 =	vmul.f32 v17, v9;
	v28 =	vsub.f32 $1.500000000e+00, v5  }
0x109: {  	v41 =	vsub.f32 $1.500000000e+00, v58;
	v14 =	vld [tilespmem:s28+$0x30];
	v5 =	vmul.f32 $5.000000000e-01, v60;
	v42 =	vmul.f32 v26, v31  }
0x10a: {  	v27 =	vsub.f32 $1.500000000e+00, v27;
	v26 =	vmul.f32 v28, v30;
	v28 =	vmul.f32 v21, v24  }
0x10b: {  	v21 =	vmul.f32 v41, v13;
	v30 =	vmul.f32 v42, v56  }
0x10c: {  	[tilespmem:s28+$0xFFFFFFE0] =	vst v25;
	v25 =	vld [tilespmem:s28+$0x0];
	v13 =	vshra.s32 v60, $0x1;
	v24 =	vmul.f32 v27, v29;
	v27 =	vsub.f32 $1.500000000e+00, v20  }
0x10d: {  	s0 =	simm.s32 $0x78C0;
	[tilespmem:s28+$0xFFFFFFD0] =	vst v36;
	v36 =	vld [tilespmem:s28+$0x10];
	v13 =	vsub.s32 $0x5F3759DF, v13;
	v62 =	vmul.f32 v28, v7;
	v29 =	vmul.f32 v30, v42  }
0x10e: {  	v61 =	vmul.f32 v26, v14;
	v26 =	vsub.f32 $1.500000000e+00, v35;
	v35 =	vld [tilespmem:s0+$0xFFFFFFE0];
	v31 =	vmul.f32 v24, v19  }
0x10f: {  	v20 =	vld [tilespmem:s28+$0xFFFFFFF0];
	v34 =	vmul.f32 v27, v37;
	v63 =	vmul.f32 v62, v28;
	v43 =	vsub.f32 $1.500000000e+00, v29  }
0x110: {  	s29 =	simm.s32 $0x5040;
	v14 =	vld [tilespmem:s28+$0xFFFFFFC0];
	v27 =	vsub.f32 $1.500000000e+00, v40;
	v19 =	vmul.f32 v6, v18;
	v23 =	vmul.f32 v21, v23  }
0x111: {  	s31 =	simm.s32 $0x78C0;
	s20 =	simm.s32 $0x8;
	s21 =	simm.s32 $0xA280;
	v30 =	vmul.f32 v13, v5;
	[tilespmem:s28+$0x30] =	vst v61;
	v29 =	vld [tilespmem:s28+$0x20];
	v37 =	vsub.f32 $1.500000000e+00, v63;
	v38 =	vmul.f32 v43, v42  }
.LBB2_2:
0x112: {  	v39 =	vld [tilespmem:s21+$0xFFFFFF90];
	s20 =	sadd.s32 $0x8, s20;
	v32 =	vmul.f32 v17, v32;
	s0 =	sadd.s32 $0x80, s0;
	v40 =	vmul.f32 v33, v1;
	v1 =	vmov v12  }
0x113: {  	v12 =	vld [tilespmem:s21+$0xFFFFFF80];
	p1 =	slt.u32 s20, $0x278;
	v35 =	vmul.f32 v38, v35;
	v38 =	vmul.f32 v23, v21  }
0x114: {  	v28 =	vmul.f32 v37, v28;
	v41 =	vld [tilespmem:s21+$0x70];
	v37 =	vmul.f32 v40, v33  }
0x115: {  	v42 =	vmul.f32 v6, v19;
	v23 =	vmul.f32 v11, v16;
	v32 =	vsub.f32 $1.500000000e+00, v32;
	v40 =	vld [tilespmem:s21+$0x20];
	[tilespmem:s31+$0xFFFFFFE0] =	vst v35  }
0x116: {  	v19 =	vmul.f32 v22, v26;
	v16 =	vsub.f32 $1.500000000e+00, v38;
	v11 =	vld [tilespmem:s21+$0x10];
	v22 =	vmul.f32 v34, v36  }
0x117: {  	v30 =	vmul.f32 v13, v30;
	v7 =	vmul.f32 v28, v7;
	v34 =	vsub.f32 $1.500000000e+00, v37;
	v26 =	vld [tilespmem:s21+$0x30]  }
0x118: {  	v31 =	vmul.f32 v31, v24;
	v36 =	vsub.f32 $1.500000000e+00, v42;
	v17 =	vmul.f32 v17, v32;
	v35 =	vld [tilespmem:s21+$0x40];
	[tilespmem:s28+$0x10] =	vst v22  }
0x119: {  	v30 =	vsub.f32 $1.500000000e+00, v30;
	v7 =	vmul.f32 v7, v28;
	v32 =	vmul.f32 v34, v33;
	v22 =	vld [tilespmem:s21+$0xFFFFFFB0]  }
0x11a: {  	v10 =	vmul.f32 v27, v10;
	v27 =	vsub.f32 $1.500000000e+00, v31;
	v34 =	vmul.f32 v19, v4;
	v33 =	vld [tilespmem:s21+$0x60]  }
0x11b: {  	v37 =	vmul.f32 v17, v9;
	v29 =	vmul.f32 v32, v29;
	v11 =	vadd.f32 v11, v39;
	v31 =	vld [tilespmem:s21+$0xFFFFFFD0]  }
0x11c: {  	v38 =	vsub.f32 $1.500000000e+00, v7;
	v7 =	vmul.f32 v10, v2;
	v2 =	vmovc v18;
	v34 =	vmul.f32 v34, v19;
	v32 =	vld [tilespmem:s21+$0x0]  }
0x11d: {  	v15 =	vsub.f32 $1.500000000e+00, v15;
	v16 =	vmul.f32 v16, v21;
	v11 =	vadd.f32 $1.000000000e+00, v11;
	v18 =	vld [tilespmem:s21+$0xFFFFFFF0];
	[tilespmem:s28+$0x20] =	vst v29  }
0x11e: {  	v29 =	vmul.f32 v7, v10;
	v21 =	vld [tilespmem:s21+$0xFFFFFFA0];
	v22 =	vadd.f32 v26, v22;
	v26 =	vmul.f32 v23, v3  }
0x11f: {  	v24 =	vmul.f32 v27, v24;
	v39 =	vshra.s32 v11, $0x1;
	v7 =	vmul.f32 $5.000000000e-01, v11;
	v11 =	vld [tilespmem:s21+$0xFFFFFFE0]  }
0x120: {  	v16 =	vmul.f32 v16, v25;
	v37 =	vmul.f32 v37, v17;
	v27 =	vsub.s32 $0x5F3759DF, v39;
	v39 =	vld [tilespmem:s21+$0x50]  }
0x121: {  	v20 =	vmul.f32 v24, v20;
	v12 =	vadd.f32 v32, v12;
	v25 =	vmul.f32 v27, v7  }
0x122: {  	v24 =	vmul.f32 v26, v23;
	v26 =	vsub.f32 $1.500000000e+00, v29;
	v18 =	vadd.f32 v41, v18;
	[tilespmem:s28+$0x0] =	vst v16  }
0x123: {  	v29 =	vsub.f32 $1.500000000e+00, v37;
	v25 =	vmul.f32 v27, v25;
	v16 =	vadd.f32 v40, v21;
	v21 =	vld [tilespmem:s31+$0xFFFFFFD0];
	[tilespmem:s28+$0xFFFFFFF0] =	vst v20  }
0x124: {  	v10 =	vmul.f32 v26, v10;
	v37 =	vadd.f32 $1.000000000e+00, v12;
	v20 =	vld [tilespmem:s21+$0xFFFFFFC0];
	v12 =	vadd.f32 $1.000000000e+00, v18  }
0x125: {  	v26 =	vmul.f32 v38, v28;
	v11 =	vadd.f32 v33, v11;
	v18 =	vadd.f32 v39, v31  }
0x126: {  	v10 =	vmul.f32 v10, v14;
	v16 =	vadd.f32 $1.000000000e+00, v16;
	v28 =	vshra.s32 v12, $0x1  }
0x127: {  	v33 =	vmul.f32 v8, v15;
	v14 =	vadd.f32 $1.000000000e+00, v11;
	v31 =	vmul.f32 $5.000000000e-01, v12  }
0x128: {  	v13 =	vmul.f32 v13, v30;
	v8 =	vshra.s32 v16, $0x1;
	v11 =	vsub.s32 $0x5F3759DF, v28;
	[tilespmem:s28+$0xFFFFFFC0] =	vst v10;
	s28 =	smov.u32 s31;
	s31 =	smov.u32 s0  }
0x129: {  	v15 =	vadd.f32 $1.000000000e+00, v18;
	v12 =	vshra.s32 v14, $0x1;
	v18 =	vmul.f32 v26, v21  }
0x12a: {  	v29 =	vmul.f32 v29, v17;
	v30 =	vmul.f32 $5.000000000e-01, v16;
	v21 =	vshra.s32 v37, $0x1  }
0x12b: {  	v17 =	vsub.s32 $0x5F3759DF, v8;
	v8 =	vmul.f32 v11, v31;
	v10 =	vmul.f32 v6, v36;
	[tilespmem:s28+$0xFFFFFFD0] =	vst v18  }
0x12c: {  	v6 =	vmul.f32 v17, v30;
	v18 =	vadd.f32 $1.000000000e+00, v22;
	v22 =	vmul.f32 v33, v1  }
0x12d: {  	v28 =	vmul.f32 v13, v5;
	v26 =	vshra.s32 v15, $0x1;
	v16 =	vmul.f32 v11, v8  }
0x12e: {  	v24 =	vsub.f32 $1.500000000e+00, v24;
	v8 =	vsub.s32 $0x5F3759DF, v12;
	v32 =	vmul.f32 v17, v6  }
0x12f: {  	v6 =	vsub.s32 $0x5F3759DF, v21;
	v16 =	vsub.f32 $1.500000000e+00, v16;
	v21 =	vmul.f32 v22, v33  }
0x130: {  	v9 =	vmul.f32 v29, v9;
	v12 =	vmul.f32 $5.000000000e-01, v14;
	v22 =	vsub.f32 $1.500000000e+00, v32  }
0x131: {  	v14 =	vadd.f32 v35, v20;
	v20 =	vmul.f32 v24, v23;
	v36 =	vmul.f32 $5.000000000e-01, v18  }
0x132: {  	v35 =	vmul.f32 v9, v29;
	v18 =	vshra.s32 v18, $0x1;
	v23 =	vmul.f32 v17, v22  }
0x133: {  	v24 =	vmul.f32 v8, v12;
	v9 =	vmul.f32 v20, v3;
	v3 =	vmovc v31;
	v17 =	vsub.s32 $0x5F3759DF, v26  }
0x134: {  	v22 =	vsub.s32 $0x5F3759DF, v18;
	v18 =	vmul.f32 v28, v13;
	v38 =	vsub.f32 $1.500000000e+00, v21  }
0x135: {  	v9 =	vmul.f32 v9, v20;
	v21 =	vsub.f32 $1.500000000e+00, v25;
	v25 =	vmul.f32 v23, v30  }
0x136: {  	v14 =	vadd.f32 $1.000000000e+00, v14;
	v28 =	vmul.f32 v10, v2;
	v26 =	vmul.f32 v22, v36  }
0x137: {  	v31 =	vsub.f32 $1.500000000e+00, v34;
	v34 =	vsub.f32 $1.500000000e+00, v9;
	v25 =	vmul.f32 v25, v23  }
0x138: {  	v9 =	vmul.f32 $5.000000000e-01, v15;
	v15 =	vmul.f32 v8, v24;
	v18 =	vsub.f32 $1.500000000e+00, v18;
	v24 =	vld [tilespmem:s28+$0x30]  }
0x139: {  	v39 =	vmul.f32 v28, v10;
	v26 =	vmul.f32 v22, v26;
	v25 =	vsub.f32 $1.500000000e+00, v25  }
0x13a: {  	v40 =	vmul.f32 $5.000000000e-01, v14;
	v32 =	vmul.f32 v17, v9  }
0x13b: {  	v20 =	vmul.f32 v34, v20;
	v26 =	vsub.f32 $1.500000000e+00, v26;
	v23 =	vmul.f32 v25, v23  }
0x13c: {  	v14 =	vshra.s32 v14, $0x1;
	v28 =	vmul.f32 v27, v21;
	v21 =	vmul.f32 v18, v13  }
0x13d: {  	v13 =	vsub.s32 $0x5F3759DF, v14;
	v18 =	vmul.f32 v23, v30;
	v25 =	vmul.f32 v20, v24  }
0x13e: {  	v34 =	vmul.f32 v28, v7;
	v24 =	vmul.f32 v31, v19;
	v19 =	vsub.f32 $1.500000000e+00, v35;
	v14 =	vld [tilespmem:s28+$0xFFFFFFC0]  }
.Ltmp2:
0x13f: {  	v27 =	vsub.f32 $1.500000000e+00, v39;
	v30 =	vmul.f32 v13, v40;
	v41 =	vmul.f32 v18, v23;
	v20 =	vld [tilespmem:s28+$0xFFFFFFF0];
	[tilespmem:s28+$0x30] =	vst v25;
	(pc) =	sbr.rel @p1 .LBB2_2-.Ltmp2, $4  }
0x140: {  	v18 =	vmul.f32 $5.000000000e-01, v37;
	v31 =	vmul.f32 v24, v4;
	v4 =	vmov v36;
	v35 =	vld [tilespmem:s0+$0xFFFFFFE0]  }
0x141: {  	v39 =	vsub.f32 $1.500000000e+00, v41;
	v36 =	vmul.f32 v34, v28;
	v34 =	vmul.f32 v19, v29;
	v25 =	vld [tilespmem:s28+$0x0]  }
0x142: {  	v33 =	vmul.f32 v38, v33;
	v19 =	vmul.f32 v6, v18;
	v29 =	vld [tilespmem:s28+$0x20]  }
0x143: {  	s21 =	sadd.s32 $0x100, s21;
	v38 =	vmul.f32 v39, v23;
	v23 =	vmul.f32 v21, v5;
	v5 =	vmovc v40;
	v37 =	vsub.f32 $1.500000000e+00, v36;
	v36 =	vld [tilespmem:s28+$0x10]  }
0x144: {  	v32 =	vmul.f32 v17, v32;
	v1 =	vmul.f32 v33, v1  }
0x145: {  	v19 =	vmul.f32 v6, v19;
	v11 =	vmul.f32 v11, v16  }
0x146: {  	v59 =	vmul.f32 v22, v26;
	v61 =	vmul.f32 v13, v30  }
0x147: {  	v63 =	vmul.f32 v31, v24;
	v10 =	vmul.f32 v27, v10  }
0x148: {  	v35 =	vmul.f32 v38, v35;
	v23 =	vmul.f32 v23, v21  }
0x149: {  	v15 =	vsub.f32 $1.500000000e+00, v15;
	v28 =	vmul.f32 v37, v28;
	v1 =	vmul.f32 v1, v33  }
0x14a: {  	v32 =	vsub.f32 $1.500000000e+00, v32;
	v2 =	vmul.f32 v10, v2;
	v38 =	vmul.f32 v11, v3  }
0x14b: {  	v30 =	vsub.f32 $1.500000000e+00, v63;
	v8 =	vmul.f32 v8, v15;
	v7 =	vmul.f32 v28, v7  }
0x14c: {  	v40 =	vsub.f32 $1.500000000e+00, v61;
	v60 =	vmul.f32 v34, v36;
	v62 =	vmul.f32 v17, v32  }
0x14d: {  	v42 =	vsub.f32 $1.500000000e+00, v19;
	v2 =	vmul.f32 v2, v10;
	v37 =	vmul.f32 v30, v24  }
0x14e: {  	v23 =	vsub.f32 $1.500000000e+00, v23;
	v24 =	vmul.f32 v38, v11;
	v44 =	vmul.f32 v13, v40  }
0x14f: {  	v1 =	vsub.f32 $1.500000000e+00, v1;
	v45 =	vmul.f32 v8, v12;
	v6 =	vmul.f32 v6, v42  }
0x150: {  	v7 =	vmul.f32 v7, v28;
	v36 =	vmul.f32 v23, v21  }
0x151: {  	v1 =	vmul.f32 v1, v33;
	v33 =	vmul.f32 v59, v4  }
0x152: {  	v34 =	vmul.f32 v62, v9;
	v20 =	vmul.f32 v37, v20  }
0x153: {  	v2 =	vsub.f32 $1.500000000e+00, v2;
	v47 =	vmul.f32 v44, v5;
	v48 =	vmul.f32 v6, v18  }
0x154: {  	v46 =	vsub.f32 $1.500000000e+00, v24;
	v21 =	vmul.f32 v36, v25;
	v1 =	vmul.f32 v1, v29  }
0x155: {  	v43 =	vld [tilespmem:s31+$0xFFFFFFD0];
	v7 =	vsub.f32 $1.500000000e+00, v7;
	v27 =	vmul.f32 v33, v59;
	v39 =	vmul.f32 v34, v62  }
0x156: {  	v2 =	vmul.f32 v2, v10;
	v11 =	vmul.f32 v46, v11  }
0x157: {  	v15 =	vmul.f32 v47, v44;
	v7 =	vmul.f32 v7, v28  }
0x158: {  	v2 =	vmul.f32 v2, v14;
	v14 =	vmul.f32 v45, v8  }
0x159: {  	v17 =	vmul.f32 v48, v6;
	v41 =	vsub.f32 $1.500000000e+00, v39;
	v3 =	vmul.f32 v11, v3  }
0x15a: {  	v15 =	vsub.f32 $1.500000000e+00, v15;
	v7 =	vmul.f32 v7, v43;
	v14 =	vsub.f32 $1.500000000e+00, v14  }
0x15b: {  	v50 =	vsub.f32 $1.500000000e+00, v27;
	v10 =	vmul.f32 v41, v62;
	v3 =	vmul.f32 v3, v11  }
0x15c: {  	v51 =	vsub.f32 $1.500000000e+00, v17;
	v13 =	vmul.f32 v15, v44;
	v8 =	vmul.f32 v14, v8  }
0x15d: {  	v52 =	vmul.f32 v50, v59;
	v49 =	vmul.f32 v10, v9  }
0x15e: {  	v6 =	vmul.f32 v51, v6;
	v53 =	vmul.f32 v8, v12  }
0x15f: {  	v54 =	vld [tilespmem:s31+$0x30];
	[tilespmem:s31+$0xFFFFFFE0] =	vst v35;
	v5 =	vmul.f32 v13, v5;
	v9 =	vmul.f32 v49, v10  }
0x160: {  	v55 =	vld [tilespmem:s31+$0x10];
	[tilespmem:s28+$0x10] =	vst v60;
	v3 =	vsub.f32 $1.500000000e+00, v3;
	v4 =	vmul.f32 v52, v4;
	v12 =	vmul.f32 v53, v8  }
0x161: {  	v56 =	vld [tilespmem:s31+$0x20];
	[tilespmem:s28+$0x20] =	vst v1;
	v57 =	vmul.f32 v6, v18;
	v5 =	vmul.f32 v5, v13;
	v1 =	vsub.f32 $1.500000000e+00, v9  }
0x162: {  	v58 =	vld [tilespmem:s31+$0x0];
	[tilespmem:s28+$0xFFFFFFF0] =	vst v20;
	v3 =	vmul.f32 v3, v11;
	v4 =	vmul.f32 v4, v52;
	v12 =	vsub.f32 $1.500000000e+00, v12  }
0x163: {  	[tilespmem:s28+$0x0] =	vst v21;
	v59 =	vld [tilespmem:s31+$0xFFFFFFF0];
	v60 =	vmul.f32 v57, v6;
	v5 =	vsub.f32 $1.500000000e+00, v5;
	v1 =	vmul.f32 v1, v10  }
0x164: {  	[tilespmem:s28+$0xFFFFFFC0] =	vst v2;
	v2 =	vmul.f32 v3, v54;
	v3 =	vld [tilespmem:s31+$0xFFFFFFC0];
	v4 =	vsub.f32 $1.500000000e+00, v4;
	v8 =	vmul.f32 v12, v8  }
0x165: {  	[tilespmem:s31+$0xFFFFFFD0] =	vst v7;
	v7 =	vsub.f32 $1.500000000e+00, v60;
	v5 =	vmul.f32 v5, v13;
	v1 =	vmul.f32 v1, v55  }
0x166: {  	[tilespmem:s31+$0x30] =	vst v2;
	v4 =	vmul.f32 v4, v52;
	v2 =	vmul.f32 v8, v56  }
0x167: {  	[tilespmem:s31+$0x10] =	vst v1;
	v1 =	vmul.f32 v5, v58;
	v5 =	vmul.f32 v7, v6  }
0x168: {  	[tilespmem:s31+$0x20] =	vst v2;
	v2 =	vmul.f32 v4, v59  }
0x169: {  	[tilespmem:s31+$0x0] =	vst v1;
	v1 =	vmul.f32 v5, v3  }
0x16a: {  	[tilespmem:s31+$0xFFFFFFF0] =	vst v2  }
0x16b: {  	[tilespmem:s31+$0xFFFFFFC0] =	vst v1  }
0x16c: {  	v1 =	vld [tilespmem:s30+$0x30]  }
0x16d: {  	v2 =	vld [tilespmem:s30+$0xFFFFFFD0]  }
0x16e: {  	v3 =	vld [tilespmem:s30+$0xFFFFFFE0]  }
0x16f: {  	v4 =	vld [tilespmem:s30+$0xFFFFFFF0]  }
0x170: {  	v5 =	vld [tilespmem:s30+$0x0]  }
0x171: {  	v7 =	vld [tilespmem:s30+$0x10]  }
0x172: {  	v8 =	vld [tilespmem:s30+$0x20]  }
0x173: {  	v61 =	vld [tilespmem:s30+$0xFFFFFFC0]  }
0x174: {  	v62 =	vld.idx.msk [tilespmem:v1+s14+$0x0], $0xffff  }
0x175: {  	v63 =	vld.idx.msk [tilespmem:v2+s14+$0x0], $0xffff  }
0x176: {  	p1 =	sgt.u32 s9, $0x8;
	v6 =	vld.idx.msk [tilespmem:v3+s14+$0x0], $0xffff  }
.Ltmp3:
0x177: {  	v4 =	vld.idx.msk [tilespmem:v4+s14+$0x0], $0xffff;
	(pc) =	sbr.rel @!p1 .LBB2_5-.Ltmp3, $4  }
0x178: {  	v2 =	vld.idx.msk [tilespmem:v5+s14+$0x0], $0xffff  }
0x179: {  	v1 =	vld.idx.msk [tilespmem:v7+s14+$0x0], $0xffff  }
0x17a: {  	v3 =	vld.idx.msk [tilespmem:v8+s14+$0x0], $0xffff;
	[tilespmem:s29+$0x30] =	vst v62  }
0x17b: {  	s0 =	simm.s32 $0x8;
	s20 =	simm.s32 $0xC0;
	v5 =	vld.idx.msk [tilespmem:v61+s14+$0x0], $0xffff;
	[tilespmem:s29+$0xFFFFFFD0] =	vst v63  }
.LBB2_4:
0x17c: {  	v7 =	vld [tilespmem:s20+$0x30];
	s0 =	sadd.s32 $0x8, s0;
	[tilespmem:s29+$0xFFFFFFE0] =	vst v6  }
0x17d: {  	v6 =	vld [tilespmem:s20+$0xFFFFFFD0];
	p1 =	slt.u32 s0, s9;
	[tilespmem:s29+$0xFFFFFFF0] =	vst v4  }
0x17e: {  	v4 =	vld [tilespmem:s20+$0xFFFFFFE0];
	[tilespmem:s29+$0x0] =	vst v2  }
0x17f: {  	v2 =	vld [tilespmem:s20+$0xFFFFFFF0];
	[tilespmem:s29+$0x10] =	vst v1  }
0x180: {  	v1 =	vld [tilespmem:s20+$0x0];
	[tilespmem:s29+$0x20] =	vst v3  }
0x181: {  	v3 =	vld [tilespmem:s20+$0x10];
	[tilespmem:s29+$0xFFFFFFC0] =	vst v5  }
0x182: {  	v5 =	vld [tilespmem:s20+$0x20]  }
0x183: {  	v8 =	vld [tilespmem:s20+$0xFFFFFFC0]  }
0x184: {  	v7 =	vld.idx.msk [tilespmem:v7+s14+$0x0], $0xffff  }
0x185: {  	v9 =	vld.idx.msk [tilespmem:v6+s14+$0x0], $0xffff  }
0x186: {  	v6 =	vld.idx.msk [tilespmem:v4+s14+$0x0], $0xffff  }
.Ltmp4:
0x187: {  	v4 =	vld.idx.msk [tilespmem:v2+s14+$0x0], $0xffff;
	(pc) =	sbr.rel @p1 .LBB2_4-.Ltmp4, $4  }
0x188: {  	v2 =	vld.idx.msk [tilespmem:v1+s14+$0x0], $0xffff  }
0x189: {  	s29 =	sadd.s32 $0x80, s29;
	v1 =	vld.idx.msk [tilespmem:v3+s14+$0x0], $0xffff  }
0x18a: {  	v3 =	vld.idx.msk [tilespmem:v5+s14+$0x0], $0xffff;
	[tilespmem:s29+$0x30] =	vst v7  }
0x18b: {  	s20 =	sadd.s32 $0x80, s20;
	v5 =	vld.idx.msk [tilespmem:v8+s14+$0x0], $0xffff;
	[tilespmem:s29+$0xFFFFFFD0] =	vst v9  }
.LBB2_5:
0x18c: {  	[tilespmem:s29+$0xFFFFFFE0] =	vst v6  }
0x18d: {  	[tilespmem:s29+$0xFFFFFFF0] =	vst v4  }
0x18e: {  	[tilespmem:s29+$0x0] =	vst v2  }
.Ltmp5:
0x18f: {  	[tilespmem:s29+$0x10] =	vst v1;
	(pc) =	sbr.rel @p0 .LBB2_8-.Ltmp5, $3  }
0x190: {  	[tilespmem:s29+$0x20] =	vst v3  }
0x191: {  	[tilespmem:s29+$0xFFFFFFC0] =	vst v5  }
0x192: {  	[bflag:$0x0] =	sbarrier.arrive $0xFFFF;
	_ =	sdelay $0x1  }
0x193: {  	s0 =	simm.s32 $0x0;
	p1 =	por $0x1, $0x1  }
.LBB2_7:
0x194: {  	s20 =	sadd.s32 $0x5000, s0;
	s21 =	sadd.s32 $0x2800, s0  }
0x195: {  	[spmem:s2] =	stream.indirect.scatter.add.f32 [tilespmem:s20], [sflag:$0x1], $0x1, s21, s19, $0xb8;
	[tilespmem:$0xF500] =	vst v63  }
0x196: {  	s29 =	sadd.s32 $0x5080, s0;
	s31 =	sadd.s32 $0x2880, s0  }
0x197: {  	[spmem:s2] =	stream.indirect.scatter.add.f32 [tilespmem:s29], [sflag:$0x1], $0x1, s31, s19, $0xb8;
	[tilespmem:$0xF500] =	vst v63  }
0x198: {  	s28 =	sadd.s32 $0x2900, s0;
	s21 =	sadd.s32 $0x5100, s0  }
0x199: {  	[spmem:s2] =	stream.indirect.scatter.add.f32 [tilespmem:s21], [sflag:$0x1], $0x1, s28, s19, $0xb8;
	[tilespmem:$0xF500] =	vst v63  }
0x19a: {  	s29 =	sadd.s32 $0x5180, s0;
	s31 =	sadd.s32 $0x2980, s0  }
0x19b: {  	[spmem:s2] =	stream.indirect.scatter.add.f32 [tilespmem:s29], [sflag:$0x1], $0x1, s31, s19, $0xb8;
	[tilespmem:$0xF500] =	vst v63  }
0x19c: {  	s21 =	sadd.s32 $0x5200, s0;
	s28 =	sadd.s32 $0x2A00, s0  }
0x19d: {  	[spmem:s2] =	stream.indirect.scatter.add.f32 [tilespmem:s21], [sflag:$0x1], $0x1, s28, s19, $0xb8;
	[tilespmem:$0xF500] =	vst v63  }
0x19e: {  	s29 =	sadd.s32 $0x5280, s0;
	s31 =	sadd.s32 $0x2A80, s0  }
0x19f: {  	[spmem:s2] =	stream.indirect.scatter.add.f32 [tilespmem:s29], [sflag:$0x1], $0x1, s31, s19, $0xb8;
	[tilespmem:$0xF500] =	vst v63  }
0x1a0: {  	s21 =	sadd.s32 $0x5300, s0;
	s28 =	sadd.s32 $0x2B00, s0  }
0x1a1: {  	[spmem:s2] =	stream.indirect.scatter.add.f32 [tilespmem:s21], [sflag:$0x1], $0x1, s28, s19, $0xb8;
	[tilespmem:$0xF500] =	vst v63  }
0x1a2: {  	s29 =	sadd.s32 $0x5380, s0;
	s31 =	sadd.s32 $0x2B80, s0  }
0x1a3: {  	[spmem:s2] =	stream.indirect.scatter.add.f32 [tilespmem:s29], [sflag:$0x1], $0x1, s31, s19, $0xb8;
	[tilespmem:$0xF500] =	vst v63  }
0x1a4: {  	s21 =	sadd.s32 $0x5400, s0;
	s28 =	sadd.s32 $0x2C00, s0  }
0x1a5: {  	[spmem:s2] =	stream.indirect.scatter.add.f32 [tilespmem:s21], [sflag:$0x1], $0x1, s28, s19, $0xb8;
	[tilespmem:$0xF500] =	vst v63  }
0x1a6: {  	s29 =	sadd.s32 $0x5480, s0;
	s31 =	sadd.s32 $0x2C80, s0  }
0x1a7: {  	[spmem:s2] =	stream.indirect.scatter.add.f32 [tilespmem:s29], [sflag:$0x1], $0x1, s31, s19, $0xb8;
	[tilespmem:$0xF500] =	vst v63  }
0x1a8: {  	s21 =	sadd.s32 $0x5500, s0;
	s28 =	sadd.s32 $0x2D00, s0  }
0x1a9: {  	[spmem:s2] =	stream.indirect.scatter.add.f32 [tilespmem:s21], [sflag:$0x1], $0x1, s28, s19, $0xb8;
	[tilespmem:$0xF500] =	vst v63  }
0x1aa: {  	s29 =	sadd.s32 $0x5580, s0;
	s31 =	sadd.s32 $0x2D80, s0  }
0x1ab: {  	[spmem:s2] =	stream.indirect.scatter.add.f32 [tilespmem:s29], [sflag:$0x1], $0x1, s31, s19, $0xb8;
	[tilespmem:$0xF500] =	vst v63  }
0x1ac: {  	s21 =	sadd.s32 $0x5600, s0;
	s28 =	sadd.s32 $0x2E00, s0  }
0x1ad: {  	[spmem:s2] =	stream.indirect.scatter.add.f32 [tilespmem:s21], [sflag:$0x1], $0x1, s28, s19, $0xb8;
	[tilespmem:$0xF500] =	vst v63  }
0x1ae: {  	s29 =	sadd.s32 $0x5680, s0;
	s31 =	sadd.s32 $0x2E80, s0  }
0x1af: {  	[spmem:s2] =	stream.indirect.scatter.add.f32 [tilespmem:s29], [sflag:$0x1], $0x1, s31, s19, $0xb8;
	[tilespmem:$0xF500] =	vst v63  }
0x1b0: {  	s21 =	sadd.s32 $0x5700, s0;
	s28 =	sadd.s32 $0x2F00, s0  }
0x1b1: {  	[spmem:s2] =	stream.indirect.scatter.add.f32 [tilespmem:s21], [sflag:$0x1], $0x1, s28, s19, $0xb8;
	[tilespmem:$0xF500] =	vst v63  }
0x1b2: {  	s29 =	sadd.s32 $0x5780, s0;
	s31 =	sadd.s32 $0x2F80, s0  }
0x1b3: {  	[spmem:s2] =	stream.indirect.scatter.add.f32 [tilespmem:s29], [sflag:$0x1], $0x1, s31, s19, $0xb8;
	[tilespmem:$0xF500] =	vst v63  }
0x1b4: {  	s21 =	sadd.s32 $0x5800, s0;
	s28 =	sadd.s32 $0x3000, s0  }
0x1b5: {  	[spmem:s2] =	stream.indirect.scatter.add.f32 [tilespmem:s21], [sflag:$0x1], $0x1, s28, s19, $0xb8;
	[tilespmem:$0xF500] =	vst v63  }
0x1b6: {  	s29 =	sadd.s32 $0x5880, s0;
	s31 =	sadd.s32 $0x3080, s0  }
0x1b7: {  	[spmem:s2] =	stream.indirect.scatter.add.f32 [tilespmem:s29], [sflag:$0x1], $0x1, s31, s19, $0xb8;
	[tilespmem:$0xF500] =	vst v63  }
0x1b8: {  	s21 =	sadd.s32 $0x5900, s0;
	s28 =	sadd.s32 $0x3100, s0  }
0x1b9: {  	[spmem:s2] =	stream.indirect.scatter.add.f32 [tilespmem:s21], [sflag:$0x1], $0x1, s28, s19, $0xb8;
	[tilespmem:$0xF500] =	vst v63  }
0x1ba: {  	s29 =	sadd.s32 $0x5980, s0;
	s31 =	sadd.s32 $0x3180, s0  }
0x1bb: {  	[spmem:s2] =	stream.indirect.scatter.add.f32 [tilespmem:s29], [sflag:$0x1], $0x1, s31, s19, $0xb8;
	[tilespmem:$0xF500] =	vst v63  }
0x1bc: {  	s21 =	sadd.s32 $0x5A00, s0;
	s28 =	sadd.s32 $0x3200, s0  }
0x1bd: {  	[spmem:s2] =	stream.indirect.scatter.add.f32 [tilespmem:s21], [sflag:$0x1], $0x1, s28, s19, $0xb8;
	[tilespmem:$0xF500] =	vst v63  }
0x1be: {  	s29 =	sadd.s32 $0x5A80, s0;
	s31 =	sadd.s32 $0x3280, s0  }
0x1bf: {  	[spmem:s2] =	stream.indirect.scatter.add.f32 [tilespmem:s29], [sflag:$0x1], $0x1, s31, s19, $0xb8;
	[tilespmem:$0xF500] =	vst v63  }
0x1c0: {  	s21 =	sadd.s32 $0x5B00, s0;
	s28 =	sadd.s32 $0x3300, s0  }
0x1c1: {  	[spmem:s2] =	stream.indirect.scatter.add.f32 [tilespmem:s21], [sflag:$0x1], $0x1, s28, s19, $0xb8;
	[tilespmem:$0xF500] =	vst v63  }
0x1c2: {  	s29 =	sadd.s32 $0x5B80, s0;
	s31 =	sadd.s32 $0x3380, s0  }
0x1c3: {  	[spmem:s2] =	stream.indirect.scatter.add.f32 [tilespmem:s29], [sflag:$0x1], $0x1, s31, s19, $0xb8;
	[tilespmem:$0xF500] =	vst v63  }
0x1c4: {  	s21 =	sadd.s32 $0x5C00, s0;
	s28 =	sadd.s32 $0x3400, s0  }
0x1c5: {  	[spmem:s2] =	stream.indirect.scatter.add.f32 [tilespmem:s21], [sflag:$0x1], $0x1, s28, s19, $0xb8;
	[tilespmem:$0xF500] =	vst v63  }
0x1c6: {  	s29 =	sadd.s32 $0x5C80, s0;
	s31 =	sadd.s32 $0x3480, s0  }
0x1c7: {  	[spmem:s2] =	stream.indirect.scatter.add.f32 [tilespmem:s29], [sflag:$0x1], $0x1, s31, s19, $0xb8;
	[tilespmem:$0xF500] =	vst v63  }
0x1c8: {  	s21 =	sadd.s32 $0x5D00, s0;
	s28 =	sadd.s32 $0x3500, s0  }
0x1c9: {  	[spmem:s2] =	stream.indirect.scatter.add.f32 [tilespmem:s21], [sflag:$0x1], $0x1, s28, s19, $0xb8;
	[tilespmem:$0xF500] =	vst v63  }
0x1ca: {  	s29 =	sadd.s32 $0x5D80, s0;
	s31 =	sadd.s32 $0x3580, s0  }
0x1cb: {  	[spmem:s2] =	stream.indirect.scatter.add.f32 [tilespmem:s29], [sflag:$0x1], $0x1, s31, s19, $0xb8;
	[tilespmem:$0xF500] =	vst v63  }
0x1cc: {  	s21 =	sadd.s32 $0x5E00, s0;
	s28 =	sadd.s32 $0x3600, s0  }
0x1cd: {  	[spmem:s2] =	stream.indirect.scatter.add.f32 [tilespmem:s21], [sflag:$0x1], $0x1, s28, s19, $0xb8;
	[tilespmem:$0xF500] =	vst v63  }
0x1ce: {  	s29 =	sadd.s32 $0x5E80, s0;
	s31 =	sadd.s32 $0x3680, s0  }
0x1cf: {  	[spmem:s2] =	stream.indirect.scatter.add.f32 [tilespmem:s29], [sflag:$0x1], $0x1, s31, s19, $0xb8;
	[tilespmem:$0xF500] =	vst v63  }
0x1d0: {  	s21 =	sadd.s32 $0x5F00, s0;
	s28 =	sadd.s32 $0x3700, s0  }
0x1d1: {  	[spmem:s2] =	stream.indirect.scatter.add.f32 [tilespmem:s21], [sflag:$0x1], $0x1, s28, s19, $0xb8;
	[tilespmem:$0xF500] =	vst v63  }
0x1d2: {  	s29 =	sadd.s32 $0x5F80, s0;
	s31 =	sadd.s32 $0x3780, s0  }
0x1d3: {  	[spmem:s2] =	stream.indirect.scatter.add.f32 [tilespmem:s29], [sflag:$0x1], $0x1, s31, s19, $0xb8;
	[tilespmem:$0xF500] =	vst v63  }
0x1d4: {  	s21 =	sadd.s32 $0x6000, s0;
	s28 =	sadd.s32 $0x3800, s0  }
0x1d5: {  	[spmem:s2] =	stream.indirect.scatter.add.f32 [tilespmem:s21], [sflag:$0x1], $0x1, s28, s19, $0xb8;
	[tilespmem:$0xF500] =	vst v63  }
0x1d6: {  	s29 =	sadd.s32 $0x6080, s0;
	s31 =	sadd.s32 $0x3880, s0  }
0x1d7: {  	[spmem:s2] =	stream.indirect.scatter.add.f32 [tilespmem:s29], [sflag:$0x1], $0x1, s31, s19, $0xb8;
	[tilespmem:$0xF500] =	vst v63  }
0x1d8: {  	s21 =	sadd.s32 $0x6100, s0;
	s28 =	sadd.s32 $0x3900, s0  }
0x1d9: {  	[spmem:s2] =	stream.indirect.scatter.add.f32 [tilespmem:s21], [sflag:$0x1], $0x1, s28, s19, $0xb8;
	[tilespmem:$0xF500] =	vst v63  }
0x1da: {  	s29 =	sadd.s32 $0x6180, s0;
	s31 =	sadd.s32 $0x3980, s0  }
0x1db: {  	[spmem:s2] =	stream.indirect.scatter.add.f32 [tilespmem:s29], [sflag:$0x1], $0x1, s31, s19, $0xb8;
	[tilespmem:$0xF500] =	vst v63  }
0x1dc: {  	s21 =	sadd.s32 $0x6200, s0;
	s28 =	sadd.s32 $0x3A00, s0  }
0x1dd: {  	[spmem:s2] =	stream.indirect.scatter.add.f32 [tilespmem:s21], [sflag:$0x1], $0x1, s28, s19, $0xb8;
	[tilespmem:$0xF500] =	vst v63  }
0x1de: {  	s29 =	sadd.s32 $0x6280, s0;
	s31 =	sadd.s32 $0x3A80, s0  }
0x1df: {  	[spmem:s2] =	stream.indirect.scatter.add.f32 [tilespmem:s29], [sflag:$0x1], $0x1, s31, s19, $0xb8;
	[tilespmem:$0xF500] =	vst v63  }
0x1e0: {  	s21 =	sadd.s32 $0x6300, s0;
	s28 =	sadd.s32 $0x3B00, s0  }
0x1e1: {  	[spmem:s2] =	stream.indirect.scatter.add.f32 [tilespmem:s21], [sflag:$0x1], $0x1, s28, s19, $0xb8;
	[tilespmem:$0xF500] =	vst v63  }
0x1e2: {  	s29 =	sadd.s32 $0x6380, s0;
	s31 =	sadd.s32 $0x3B80, s0  }
0x1e3: {  	[spmem:s2] =	stream.indirect.scatter.add.f32 [tilespmem:s29], [sflag:$0x1], $0x1, s31, s19, $0xb8;
	[tilespmem:$0xF500] =	vst v63  }
0x1e4: {  	_ =	swait.ge [sflag:s18], $0x80  }
0x1e5: {  	[sflag:s18] =	ssyncset.done $0x0  }
0x1e6: {  	[sflag:s18] =	ssyncadd.s32 $0xFFFFFF80  }
0x1e7: {  	_ =	swait.ge [sflag:s18], $0x80  }
0x1e8: {  	[sflag:s18] =	ssyncset.done $0x0  }
0x1e9: {  	[sflag:s18] =	ssyncadd.s32 $0xFFFFFF80  }
0x1ea: {  	_ =	swait.ge [sflag:s18], $0x80  }
0x1eb: {  	[sflag:s18] =	ssyncset.done $0x0  }
0x1ec: {  	[sflag:s18] =	ssyncadd.s32 $0xFFFFFF80  }
0x1ed: {  	_ =	swait.ge [sflag:s18], $0x80  }
0x1ee: {  	[sflag:s18] =	ssyncset.done $0x0  }
0x1ef: {  	[sflag:s18] =	ssyncadd.s32 $0xFFFFFF80  }
0x1f0: {  	_ =	swait.ge [sflag:s18], $0x80  }
0x1f1: {  	[sflag:s18] =	ssyncset.done $0x0  }
0x1f2: {  	[sflag:s18] =	ssyncadd.s32 $0xFFFFFF80  }
0x1f3: {  	_ =	swait.ge [sflag:s18], $0x80  }
0x1f4: {  	[sflag:s18] =	ssyncset.done $0x0  }
0x1f5: {  	[sflag:s18] =	ssyncadd.s32 $0xFFFFFF80  }
0x1f6: {  	_ =	swait.ge [sflag:s18], $0x80  }
0x1f7: {  	[sflag:s18] =	ssyncset.done $0x0  }
0x1f8: {  	[sflag:s18] =	ssyncadd.s32 $0xFFFFFF80  }
0x1f9: {  	_ =	swait.ge [sflag:s18], $0x80  }
0x1fa: {  	[sflag:s18] =	ssyncset.done $0x0  }
0x1fb: {  	[sflag:s18] =	ssyncadd.s32 $0xFFFFFF80  }
0x1fc: {  	_ =	swait.ge [sflag:s18], $0x80  }
0x1fd: {  	[sflag:s18] =	ssyncset.done $0x0  }
0x1fe: {  	[sflag:s18] =	ssyncadd.s32 $0xFFFFFF80  }
0x1ff: {  	_ =	swait.ge [sflag:s18], $0x80  }
0x200: {  	[sflag:s18] =	ssyncset.done $0x0  }
0x201: {  	[sflag:s18] =	ssyncadd.s32 $0xFFFFFF80  }
0x202: {  	_ =	swait.ge [sflag:s18], $0x80  }
0x203: {  	[sflag:s18] =	ssyncset.done $0x0  }
0x204: {  	[sflag:s18] =	ssyncadd.s32 $0xFFFFFF80  }
0x205: {  	_ =	swait.ge [sflag:s18], $0x80  }
0x206: {  	[sflag:s18] =	ssyncset.done $0x0  }
0x207: {  	[sflag:s18] =	ssyncadd.s32 $0xFFFFFF80  }
0x208: {  	_ =	swait.ge [sflag:s18], $0x80  }
0x209: {  	[sflag:s18] =	ssyncset.done $0x0  }
0x20a: {  	[sflag:s18] =	ssyncadd.s32 $0xFFFFFF80  }
0x20b: {  	_ =	swait.ge [sflag:s18], $0x80  }
0x20c: {  	[sflag:s18] =	ssyncset.done $0x0  }
0x20d: {  	[sflag:s18] =	ssyncadd.s32 $0xFFFFFF80  }
0x20e: {  	_ =	swait.ge [sflag:s18], $0x80  }
0x20f: {  	[sflag:s18] =	ssyncset.done $0x0  }
0x210: {  	[sflag:s18] =	ssyncadd.s32 $0xFFFFFF80  }
0x211: {  	_ =	swait.ge [sflag:s18], $0x80  }
0x212: {  	[sflag:s18] =	ssyncset.done $0x0  }
0x213: {  	[sflag:s18] =	ssyncadd.s32 $0xFFFFFF80  }
0x214: {  	_ =	swait.ge [sflag:s18], $0x80  }
0x215: {  	[sflag:s18] =	ssyncset.done $0x0  }
0x216: {  	[sflag:s18] =	ssyncadd.s32 $0xFFFFFF80  }
0x217: {  	_ =	swait.ge [sflag:s18], $0x80  }
0x218: {  	[sflag:s18] =	ssyncset.done $0x0  }
0x219: {  	[sflag:s18] =	ssyncadd.s32 $0xFFFFFF80  }
0x21a: {  	_ =	swait.ge [sflag:s18], $0x80  }
0x21b: {  	[sflag:s18] =	ssyncset.done $0x0  }
0x21c: {  	[sflag:s18] =	ssyncadd.s32 $0xFFFFFF80  }
0x21d: {  	_ =	swait.ge [sflag:s18], $0x80  }
0x21e: {  	[sflag:s18] =	ssyncset.done $0x0  }
0x21f: {  	[sflag:s18] =	ssyncadd.s32 $0xFFFFFF80  }
0x220: {  	_ =	swait.ge [sflag:s18], $0x80  }
0x221: {  	[sflag:s18] =	ssyncset.done $0x0  }
0x222: {  	[sflag:s18] =	ssyncadd.s32 $0xFFFFFF80  }
0x223: {  	_ =	swait.ge [sflag:s18], $0x80  }
0x224: {  	[sflag:s18] =	ssyncset.done $0x0  }
0x225: {  	[sflag:s18] =	ssyncadd.s32 $0xFFFFFF80  }
0x226: {  	_ =	swait.ge [sflag:s18], $0x80  }
0x227: {  	[sflag:s18] =	ssyncset.done $0x0  }
0x228: {  	[sflag:s18] =	ssyncadd.s32 $0xFFFFFF80  }
0x229: {  	_ =	swait.ge [sflag:s18], $0x80  }
0x22a: {  	[sflag:s18] =	ssyncset.done $0x0  }
0x22b: {  	[sflag:s18] =	ssyncadd.s32 $0xFFFFFF80  }
0x22c: {  	_ =	swait.ge [sflag:s18], $0x80  }
0x22d: {  	[sflag:s18] =	ssyncset.done $0x0  }
0x22e: {  	[sflag:s18] =	ssyncadd.s32 $0xFFFFFF80  }
0x22f: {  	_ =	swait.ge [sflag:s18], $0x80  }
0x230: {  	[sflag:s18] =	ssyncset.done $0x0  }
0x231: {  	[sflag:s18] =	ssyncadd.s32 $0xFFFFFF80  }
0x232: {  	_ =	swait.ge [sflag:s18], $0x80  }
0x233: {  	[sflag:s18] =	ssyncset.done $0x0  }
0x234: {  	[sflag:s18] =	ssyncadd.s32 $0xFFFFFF80  }
0x235: {  	_ =	swait.ge [sflag:s18], $0x80  }
0x236: {  	[sflag:s18] =	ssyncset.done $0x0  }
0x237: {  	[sflag:s18] =	ssyncadd.s32 $0xFFFFFF80  }
0x238: {  	_ =	swait.ge [sflag:s18], $0x80  }
0x239: {  	[sflag:s18] =	ssyncset.done $0x0  }
0x23a: {  	[sflag:s18] =	ssyncadd.s32 $0xFFFFFF80  }
0x23b: {  	_ =	swait.ge [sflag:s18], $0x80  }
0x23c: {  	[sflag:s18] =	ssyncset.done $0x0  }
0x23d: {  	[sflag:s18] =	ssyncadd.s32 $0xFFFFFF80  }
0x23e: {  	_ =	swait.ge [sflag:s18], $0x80  }
0x23f: {  	[sflag:s18] =	ssyncset.done $0x0  }
0x240: {  	[sflag:s18] =	ssyncadd.s32 $0xFFFFFF80  }
0x241: {  	_ =	swait.ge [sflag:s18], $0x80  }
0x242: {  	[sflag:s18] =	ssyncset.done $0x0  }
0x243: {  	[sflag:s18] =	ssyncadd.s32 $0xFFFFFF80  }
0x244: {  	_ =	swait.ge [sflag:s18], $0x80  }
0x245: {  	[sflag:s18] =	ssyncset.done $0x0  }
0x246: {  	[sflag:s18] =	ssyncadd.s32 $0xFFFFFF80  }
0x247: {  	_ =	swait.ge [sflag:s18], $0x80  }
0x248: {  	[sflag:s18] =	ssyncset.done $0x0  }
0x249: {  	[sflag:s18] =	ssyncadd.s32 $0xFFFFFF80  }
0x24a: {  	_ =	swait.ge [sflag:s18], $0x80  }
0x24b: {  	[sflag:s18] =	ssyncset.done $0x0  }
0x24c: {  	[sflag:s18] =	ssyncadd.s32 $0xFFFFFF80  }
0x24d: {  	_ =	swait.ge [sflag:s18], $0x80  }
0x24e: {  	[sflag:s18] =	ssyncset.done $0x0  }
0x24f: {  	[sflag:s18] =	ssyncadd.s32 $0xFFFFFF80  }
0x250: {  	_ =	swait.ge [sflag:s18], $0x80  }
0x251: {  	[sflag:s18] =	ssyncset.done $0x0  }
0x252: {  	[sflag:s18] =	ssyncadd.s32 $0xFFFFFF80  }
0x253: {  	_ =	swait.ge [sflag:s18], $0x80  }
0x254: {  	[sflag:s18] =	ssyncset.done $0x0  }
0x255: {  	[sflag:s18] =	ssyncadd.s32 $0xFFFFFF80  }
0x256: {  	p2 =	por p1, p1;
	_ =	swait.ge [sflag:s18], $0x80  }
.Ltmp6:
0x257: {  	[sflag:s18] =	ssyncset.done $0x0;
	(pc) =	sbr.rel @p2 .LBB2_7-.Ltmp6, $4  }
0x258: {  	[sflag:s18] =	ssyncadd.s32 $0xFFFFFF80  }
0x259: {  	_ =	swait.ge [sflag:s18], $0x80  }
0x25a: {  	[sflag:s18] =	ssyncset.done $0x0  }
0x25b: {  	p1 =	por $0x0, $0x0;
	s0 =	simm.s32 $0x1400;
	[sflag:s18] =	ssyncadd.s32 $0xFFFFFF80  }
.Ltmp7:
0x25c: {  	_ = 	snop;
	(pc) =	sbr.rel .LBB2_9-.Ltmp7, $1  }
0x25d: {  	_ =	sdelay $0x3  }
.LBB2_10:
0x25e: {  	_ =	sfence.sel $0x180000  }
0x25f: {  	[bflag:$0x0] =	sbarrier.arrive $0xFFFF  }
0x260: {  	_ =	strace $0x9000004A  }
0x261: {  	[bflag:$0x2] =	sbarrier.arrive $0xFFFF  }
0x262: {  	p0 =	sne.s32 s1, $0x0;
	s0 =	rddreg [dreg:$0x3]  }
0x263: {  	s0 =	sadd.s32 @!p0 $0x100000, s0  }
0x264: {  	[sflag:s0] =	ssyncadd.tile.s32 @!p0 $0x1;
	_ =	shalt  }
.Lfunc_end2:
_tile_overlayer_lowered:
.L_overlay_start_2:
0x265: {  	(tag) =	ssettag $0x2  }
0x266: {  	s0 =	rddreg [dreg:$0x0];
	s2 =	stileid.u32  }
0x267: {  	s1 =	rddreg [dreg:$0x1];
	p0 =	sne.s32 s2, $0x0  }
0x268: {  	s3 =	rddreg [dreg:$0x2];
	[bflag:$0x3] =	sbarrier.arrive $0xFFFF;
	s2 =	simm.s32 @!p0 $0x1C02  }
0x269: {  	[timem:s3], [sflag:s2] =	dma.local @!p0 [hbm:s0], s1  }
0x26a: {  	s0 =	simm.s32 @!p0 $0x2  }
0x26b: {  	_ =	swait.ge @!p0 [sflag:s0], s1  }
0x26c: {  	s1 =	ssub.s32 @!p0 $0x0, s1;
	[sflag:s0] =	ssyncset.done @!p0 $0x0  }
0x26d: {  	[sflag:s0] =	ssyncadd.s32 @!p0 s1  }
0x26e: {  	[bflag:$0x3] =	sbarrier.arrive $0xFFFF  }
0x26f: {  	_ =	shalt  }

</sc_bundles>
